<compile_context>
chip_gen: v7x
topology: tpu7x:2x2x1
jax: 0.10.2.dev20260603
libtpu: 0.0.44.dev20260713+nightly
codegen_flags: <defaults>
</compile_context>

<pallas_src>
import functools

import jax
import jax.numpy as jnp
from jax import lax
from jax.experimental import pallas as pl
from jax.experimental.pallas import tpu as pltpu
from jax.experimental.pallas import tpu_sc as plsc

NC = 2
NS = 16
NW = NC * NS
LANES = 16
SUP = 128


def _count_body(nr_pad, nfull, tail, ept, dst_hbm, typ_hbm, cnt_out,
                eb0, eb1, jdx0, jdx1, tjdx, onesb, zb, cnt_sp,
                es0, es1, ss0, ss1):
    cid = lax.axis_index("c")
    sid = lax.axis_index("s")
    wid = cid * NS + sid
    per_tile = nr_pad // NS
    r = 8

    for i in range(SUP // LANES):
        onesb[pl.ds(i * LANES, LANES)] = jnp.full((LANES,), 1.0, jnp.float32)

    def zslab(i, c):
        zb[pl.ds(i * LANES, LANES)] = jnp.zeros((LANES,), jnp.float32)
        return c
    lax.fori_loop(0, per_tile // LANES, zslab, 0)
    pltpu.sync_copy(zb, cnt_sp.at[pl.ds(sid * per_tile, per_tile)])
    plsc.subcore_barrier()

    base = wid * ept

    def issue_e(g, eb, es):
        b = base + g * SUP
        pltpu.async_copy(dst_hbm.at[pl.ds(b, SUP)], eb.at[pl.ds(0, SUP)], es)
        pltpu.async_copy(typ_hbm.at[pl.ds(b, SUP)], eb.at[pl.ds(SUP, SUP)], es)

    def wait_e(g, eb, es):
        b = base + g * SUP
        pltpu.make_async_copy(dst_hbm.at[pl.ds(b, SUP)],
                              eb.at[pl.ds(0, SUP)], es).wait()
        pltpu.make_async_copy(typ_hbm.at[pl.ds(b, SUP)],
                              eb.at[pl.ds(SUP, SUP)], es).wait()

    issue_e(0, eb0, es0)
    issue_e(1, eb1, es1)

    def half(i, g, eb, jdx, es, ss):
        wait_e(g, eb, es)

        @pl.when(i > 0)
        def _():
            pltpu.make_async_copy(onesb, cnt_sp.at[jdx.at[0]], ss).wait()

        for s in range(SUP // LANES):
            sl = pl.ds(s * LANES, LANES)
            dstv = eb[sl]
            typv = eb[pl.ds(SUP + s * LANES, LANES)]
            jdx[0, sl] = dstv * r + typv

        @pl.when(g + 2 < nfull)
        def _():
            issue_e(g + 2, eb, es)

        pltpu.async_copy(onesb, cnt_sp.at[jdx.at[0]], ss, add=True)

    def body(i, c):
        half(i, 2 * i, eb0, jdx0, es0, ss0)
        half(i, 2 * i + 1, eb1, jdx1, es1, ss1)
        return c
    lax.fori_loop(0, nfull // 2, body, 0)

    for jdx, ss in ((jdx0, ss0), (jdx1, ss1)):
        pltpu.make_async_copy(onesb, cnt_sp.at[jdx.at[0]], ss).wait()

    if tail:
        b = base + nfull * SUP
        pltpu.sync_copy(dst_hbm.at[pl.ds(b, tail)], eb0.at[pl.ds(0, tail)])
        pltpu.sync_copy(typ_hbm.at[pl.ds(b, tail)], eb0.at[pl.ds(SUP, tail)])
        for s in range(tail // LANES):
            sl = pl.ds(s * LANES, LANES)
            tjdx[0, sl] = eb0[sl] * r + eb0[pl.ds(SUP + s * LANES, LANES)]
        pltpu.sync_copy(onesb.at[pl.ds(0, tail)], cnt_sp.at[tjdx.at[0]],
                        add=True)

    plsc.subcore_barrier()
    pltpu.sync_copy(cnt_sp.at[pl.ds(sid * per_tile, per_tile)],
                    cnt_out.at[cid, pl.ds(sid * per_tile, per_tile)])


def _scatter_body(n, n_rows, nfull, tail, ept,
                  src_hbm, dst_hbm, typ_hbm, xwf_hbm, inv_hbm,
                  acc_out, eb0, eb1, gsrc0, gsrc1, ginv0, ginv1, sdst0, sdst1,
                  tgs, tgi, tsd, invb0, invb1, rows0, rows1, zb, acc_sp,
                  es0, es1, gs0, gs1, ss0, ss1):
    cid = lax.axis_index("c")
    sid = lax.axis_index("s")
    wid = cid * NS + sid
    r = 8
    per_tile = n_rows // NS
    zrows = 16

    def zrow(i, c):
        for cc in range(8):
            zb[i, pl.ds(cc * LANES, LANES)] = jnp.zeros((LANES,), jnp.float32)
        return c
    lax.fori_loop(0, zrows, zrow, 0)

    def zcp(i, c):
        pltpu.sync_copy(zb, acc_sp.at[pl.ds(sid * per_tile + i * zrows, zrows)])
        return c
    lax.fori_loop(0, per_tile // zrows, zcp, 0)
    plsc.subcore_barrier()

    base = wid * ept

    def issue_e(g, eb, es):
        b = base + g * SUP
        pltpu.async_copy(src_hbm.at[pl.ds(b, SUP)], eb.at[pl.ds(0, SUP)], es)
        pltpu.async_copy(dst_hbm.at[pl.ds(b, SUP)], eb.at[pl.ds(SUP, SUP)], es)
        pltpu.async_copy(typ_hbm.at[pl.ds(b, SUP)],
                         eb.at[pl.ds(2 * SUP, SUP)], es)

    def wait_e(g, eb, es):
        b = base + g * SUP
        pltpu.make_async_copy(src_hbm.at[pl.ds(b, SUP)],
                              eb.at[pl.ds(0, SUP)], es).wait()
        pltpu.make_async_copy(dst_hbm.at[pl.ds(b, SUP)],
                              eb.at[pl.ds(SUP, SUP)], es).wait()
        pltpu.make_async_copy(typ_hbm.at[pl.ds(b, SUP)],
                              eb.at[pl.ds(2 * SUP, SUP)], es).wait()

    def compute_idx(eb, gsrc, ginv, sdst):
        for s in range(SUP // LANES):
            sl = pl.ds(s * LANES, LANES)
            srcv = eb[sl]
            dstv = eb[pl.ds(SUP + s * LANES, LANES)]
            typv = eb[pl.ds(2 * SUP + s * LANES, LANES)]
            gsrc[0, sl] = typv * n + srcv
            ginv[0, sl] = dstv * r + typv
            sdst[0, sl] = dstv

    def issue_g(gsrc, ginv, rows, invb, gs):
        pltpu.async_copy(xwf_hbm.at[gsrc.at[0]], rows, gs)
        pltpu.async_copy(inv_hbm.at[ginv.at[0]], invb, gs)

    def wait_g(gsrc, ginv, rows, invb, gs):
        pltpu.make_async_copy(xwf_hbm.at[gsrc.at[0]], rows, gs).wait()
        pltpu.make_async_copy(inv_hbm.at[ginv.at[0]], invb, gs).wait()

    def issue_s(rows, sdst, ss):
        pltpu.async_copy(rows, acc_sp.at[sdst.at[0]], ss, add=True)

    def drain_s(rows, sdst, ss):
        pltpu.make_async_copy(rows, acc_sp.at[sdst.at[0]], ss).wait()

    def scale(rows, invb, count):
        def sc4(k, c):
            for u in range(4):
                e = k * 4 + u
                sv = plsc.load_gather(invb, [jnp.full((LANES,), e, jnp.int32)])
                for cc in range(8):
                    sl2 = pl.ds(cc * LANES, LANES)
                    rows[e, sl2] = rows[e, sl2] * sv
            return c
        lax.fori_loop(0, count // 4, sc4, 0)

    issue_e(0, eb0, es0)
    issue_e(1, eb1, es1)
    wait_e(0, eb0, es0)
    compute_idx(eb0, gsrc0, ginv0, sdst0)
    issue_g(gsrc0, ginv0, rows0, invb0, gs0)
    issue_e(2, eb0, es0)

    def body(i, c):
        g0 = 2 * i
        g1 = g0 + 1
        wait_e(g1, eb1, es1)

        @pl.when(i > 0)
        def _():
            drain_s(rows1, sdst1, ss1)
        compute_idx(eb1, gsrc1, ginv1, sdst1)
        issue_g(gsrc1, ginv1, rows1, invb1, gs1)

        @pl.when(g1 + 2 < nfull)
        def _():
            issue_e(g1 + 2, eb1, es1)

        wait_g(gsrc0, ginv0, rows0, invb0, gs0)
        scale(rows0, invb0, SUP)
        issue_s(rows0, sdst0, ss0)

        @pl.when(g0 + 2 < nfull)
        def _():
            wait_e(g0 + 2, eb0, es0)
            drain_s(rows0, sdst0, ss0)
            compute_idx(eb0, gsrc0, ginv0, sdst0)
            issue_g(gsrc0, ginv0, rows0, invb0, gs0)

            @pl.when(g0 + 4 < nfull)
            def _():
                issue_e(g0 + 4, eb0, es0)

        wait_g(gsrc1, ginv1, rows1, invb1, gs1)
        scale(rows1, invb1, SUP)
        issue_s(rows1, sdst1, ss1)
        return c
    lax.fori_loop(0, nfull // 2, body, 0)

    drain_s(rows0, sdst0, ss0)
    drain_s(rows1, sdst1, ss1)

    if tail:
        b = base + nfull * SUP
        pltpu.sync_copy(src_hbm.at[pl.ds(b, tail)], eb0.at[pl.ds(0, tail)])
        pltpu.sync_copy(dst_hbm.at[pl.ds(b, tail)], eb0.at[pl.ds(SUP, tail)])
        pltpu.sync_copy(typ_hbm.at[pl.ds(b, tail)],
                        eb0.at[pl.ds(2 * SUP, tail)])
        for s in range(tail // LANES):
            sl = pl.ds(s * LANES, LANES)
            srcv = eb0[sl]
            dstv = eb0[pl.ds(SUP + s * LANES, LANES)]
            typv = eb0[pl.ds(2 * SUP + s * LANES, LANES)]
            tgs[0, sl] = typv * n + srcv
            tgi[0, sl] = dstv * r + typv
            tsd[0, sl] = dstv
        trows = rows0.at[pl.ds(0, tail)]
        tinv = invb0.at[pl.ds(0, tail)]
        pltpu.async_copy(xwf_hbm.at[tgs.at[0]], trows, gs0).wait()
        pltpu.async_copy(inv_hbm.at[tgi.at[0]], tinv, gs0).wait()
        scale(rows0, invb0, tail)
        pltpu.sync_copy(trows, acc_sp.at[tsd.at[0]], add=True)

    plsc.subcore_barrier()
    pltpu.sync_copy(acc_sp.at[pl.ds(sid * per_tile, per_tile)],
                    acc_out.at[cid, pl.ds(sid * per_tile, per_tile)])


def _inv_body(nr, cnt_ref, inv_ref):
    c = cnt_ref[0] + cnt_ref[1]
    rows, cols = c.shape
    flat = (lax.broadcasted_iota(jnp.int32, (rows, cols), 0) * cols
            + lax.broadcasted_iota(jnp.int32, (rows, cols), 1))
    inv_ref[...] = jnp.where(flat < nr, 1.0 / jnp.maximum(c, 1.0), 0.0)


def _xw_body(x_ref, w_ref, out_ref):
    out_ref[...] = jnp.dot(x_ref[...], w_ref[0],
                           preferred_element_type=jnp.float32)


def _final_body(x_ref, root_ref, bias_ref, a0_ref, a1_ref, out_ref):
    out_ref[...] = (jnp.dot(x_ref[...], root_ref[...],
                            preferred_element_type=jnp.float32)
                    + bias_ref[...] + a0_ref[0] + a1_ref[0])


def _round_up(x: int, m: int) -> int:
    return (x + m - 1) // m * m


def kernel(node_features, node_type, edge_index, edge_type, weight, root, bias):
    del node_type
    n, d = node_features.shape
    r = weight.shape[0]
    e = edge_index.shape[1]
    assert r == 8 and d == 128
    assert e % NW == 0
    ept = e // NW
    nfull = ept // SUP // 2 * 2
    tail = ept - nfull * SUP
    assert tail % LANES == 0 and tail <= SUP

    nr = n * r
    nr_pad = _round_up(nr, 2048)
    n_rows = _round_up(n, 1024)

    i32 = jnp.int32
    src = edge_index[0].astype(i32)
    dst = edge_index[1].astype(i32)
    typ = edge_type.astype(i32)

    mesh = plsc.VectorSubcoreMesh(core_axis_name="c", subcore_axis_name="s",
                                  num_cores=NC, num_subcores=NS)
    sc_params = pltpu.CompilerParams(needs_layout_passes=False)

    cnt_parts = pl.kernel(
        functools.partial(_count_body, nr_pad, nfull, tail, ept),
        out_type=jax.ShapeDtypeStruct((NC, nr_pad), jnp.float32),
        mesh=mesh,
        scratch_types=[
            pltpu.VMEM((2 * SUP,), i32),
            pltpu.VMEM((2 * SUP,), i32),
            pltpu.VMEM((1, SUP), i32),
            pltpu.VMEM((1, SUP), i32),
            pltpu.VMEM((1, max(tail, LANES)), i32),
            pltpu.VMEM((SUP,), jnp.float32),
            pltpu.VMEM((nr_pad // NS,), jnp.float32),
            pltpu.VMEM_SHARED((nr_pad,), jnp.float32),
            pltpu.SemaphoreType.DMA,
            pltpu.SemaphoreType.DMA,
            pltpu.SemaphoreType.DMA,
            pltpu.SemaphoreType.DMA,
        ],
        compiler_params=sc_params,
    )(dst, typ)

    cnt2 = cnt_parts.reshape(NC, nr_pad // 128, 128)
    inv2 = pl.pallas_call(
        functools.partial(_inv_body, nr),
        out_shape=jax.ShapeDtypeStruct((nr_pad // 128, 128), jnp.float32),
    )(cnt2)
    inv_flat = inv2.reshape(nr_pad)

    bn = 1000
    assert n % bn == 0
    nblk = n // bn
    xw_flat = pl.pallas_call(
        _xw_body,
        grid=(nblk, r),
        in_specs=[pl.BlockSpec((bn, d), lambda i, rr: (i, 0)),
                  pl.BlockSpec((1, d, d), lambda i, rr: (rr, 0, 0))],
        out_specs=pl.BlockSpec((bn, d), lambda i, rr: (rr * nblk + i, 0)),
        out_shape=jax.ShapeDtypeStruct((r * n, d), jnp.float32),
    )(node_features, weight)

    acc_parts = pl.kernel(
        functools.partial(_scatter_body, n, n_rows, nfull, tail, ept),
        out_type=jax.ShapeDtypeStruct((NC, n_rows, d), jnp.float32),
        mesh=mesh,
        scratch_types=[
            pltpu.VMEM((3 * SUP,), i32),
            pltpu.VMEM((3 * SUP,), i32),
            pltpu.VMEM((1, SUP), i32),
            pltpu.VMEM((1, SUP), i32),
            pltpu.VMEM((1, SUP), i32),
            pltpu.VMEM((1, SUP), i32),
            pltpu.VMEM((1, SUP), i32),
            pltpu.VMEM((1, SUP), i32),
            pltpu.VMEM((1, max(tail, LANES)), i32),
            pltpu.VMEM((1, max(tail, LANES)), i32),
            pltpu.VMEM((1, max(tail, LANES)), i32),
            pltpu.VMEM((SUP,), jnp.float32),
            pltpu.VMEM((SUP,), jnp.float32),
            pltpu.VMEM((SUP, d), jnp.float32),
            pltpu.VMEM((SUP, d), jnp.float32),
            pltpu.VMEM((16, d), jnp.float32),
            pltpu.VMEM_SHARED((n_rows, d), jnp.float32),
            pltpu.SemaphoreType.DMA,
            pltpu.SemaphoreType.DMA,
            pltpu.SemaphoreType.DMA,
            pltpu.SemaphoreType.DMA,
            pltpu.SemaphoreType.DMA,
            pltpu.SemaphoreType.DMA,
        ],
        compiler_params=sc_params,
    )(src, dst, typ, xw_flat, inv_flat)

    out = pl.pallas_call(
        _final_body,
        grid=(nblk,),
        in_specs=[pl.BlockSpec((bn, d), lambda i: (i, 0)),
                  pl.BlockSpec((d, d), lambda i: (0, 0)),
                  pl.BlockSpec((1, d), lambda i: (0, 0)),
                  pl.BlockSpec((1, bn, d), lambda i: (0, i, 0)),
                  pl.BlockSpec((1, bn, d), lambda i: (1, i, 0))],
        out_specs=pl.BlockSpec((bn, d), lambda i: (i, 0)),
        out_shape=jax.ShapeDtypeStruct((n, d), jnp.float32),
    )(node_features, root, bias.reshape(1, d), acc_parts, acc_parts)
    return out

# --- scband reference (transcript-rebuilt; emitter-appended) ---
"""Pipeline reference for scband-gnn-61735859913512 (READ-ONLY COPY).

The authoritative reference and input builder live on the scoring server;
editing this copy changes nothing except your own understanding.
"""

import jax, jax.numpy as jnp
import numpy as np

N = 10000
E = 320000
D = 128
R = 8

def setup_inputs(seed: int = 0) -> dict:
    key = jax.random.key(seed)
    k1, k2, k3, k4, k5, k6 = jax.random.split(key, 6)
    node_features = jax.random.normal(k1, (N, D), dtype=jnp.float32)
    node_type = jax.random.randint(k2, (N,), 0, 3)
    edge_index = jax.random.randint(k3, (2, E), 0, N)
    edge_type = jax.random.randint(k4, (E,), 0, R)
    # RGCNConv learned parameters: per-relation weight, root weight, bias
    weight = jax.random.normal(k5, (R, D, D), dtype=jnp.float32) * 0.05
    root = jax.random.normal(k6, (D, D), dtype=jnp.float32) * 0.05
    bias = jnp.zeros((D,), dtype=jnp.float32)
    return {"node_features": node_features, "node_type": node_type,
            "edge_index": edge_index, "edge_type": edge_type,
            "weight": weight, "root": root, "bias": bias}

def reference(node_features, node_type, edge_index, edge_type, weight, root, bias):
    # RGCNConv (PyG semantics, aggr='mean'):
    # out[i] = x[i] @ root + bias + sum_r mean_{j in N_r(i)} x[j] @ W_r
    src = edge_index[0]
    dst = edge_index[1]
    x_src = node_features[src]  # gather [E, D]
    out = node_features @ root + bias
    for r in range(R):
        m = (edge_type == r).astype(node_features.dtype)
        msg = x_src * m[:, None]
        agg = jax.ops.segment_sum(msg, dst, num_segments=N)  # scatter-add
        cnt = jax.ops.segment_sum(m, dst, num_segments=N)
        agg = agg / jnp.maximum(cnt, 1.0)[:, None]
        out = out + agg @ weight[r]
    return out

if __name__ == "__main__":
    import jax
    _d = setup_inputs()
    print(jax.jit(kernel)(*tuple(_d.values())))

</pallas_src>

<mosaic_0001>
#map = affine_map<(d0, d1) -> (0)>
#map1 = affine_map<(d0, d1) -> (0, 0)>
module attributes {stable_mosaic.version = 14 : i64} {
  func.func @_count_body(%arg0: i32, %arg1: i32, %arg2: memref<320000xi32, #tpu.memory_space<hbm>>, %arg3: memref<320000xi32, #tpu.memory_space<hbm>>, %arg4: memref<2x81920xf32, #tpu.memory_space<hbm>>, %arg5: memref<256xi32, #tpu.memory_space<vmem>>, %arg6: memref<256xi32, #tpu.memory_space<vmem>>, %arg7: memref<1x128xi32, #tpu.memory_space<vmem>>, %arg8: memref<1x128xi32, #tpu.memory_space<vmem>>, %arg9: memref<1x16xi32, #tpu.memory_space<vmem>>, %arg10: memref<128xf32, #tpu.memory_space<vmem>>, %arg11: memref<5120xf32, #tpu.memory_space<vmem>>, %arg12: memref<81920xf32, #tpu.memory_space<vmem_shared>>, %arg13: memref<!tpu.dma_semaphore, #tpu.memory_space<semaphore_mem>>, %arg14: memref<!tpu.dma_semaphore, #tpu.memory_space<semaphore_mem>>, %arg15: memref<!tpu.dma_semaphore, #tpu.memory_space<semaphore_mem>>, %arg16: memref<!tpu.dma_semaphore, #tpu.memory_space<semaphore_mem>>) attributes {dimension_semantics = [#tpu.dimension_semantics<core_parallel>, #tpu.dimension_semantics<subcore_parallel>], iteration_bounds = array<i64: 2, 16>, scalar_prefetch = 0 : i64, scratch_operands = 12 : i64, tpu.core_type = #tpu.core_type<sc_vector_subcore>, window_params = [{transform_indices = #map}, {transform_indices = #map}, {transform_indices = #map1}]} {
    %mul3A = arith.constant 16 : i32
    %mul3A_0 = arith.muli %arg0, %mul3A : i32
    %add3A = arith.addi %mul3A_0, %arg1 : i32
    %broadcast_in_dim3A = arith.constant 1.000000e+00 : f32
    %broadcast_in_dim3A_1 = vector.broadcast %broadcast_in_dim3A : f32 to vector<16xf32>
    %swap3A = arith.constant 0 : index
    %swap3A_2 = tpu.vector_load %arg10[%swap3A] {strides = array<i32>} : memref<128xf32, #tpu.memory_space<vmem>>, vector<16xf32>,
    tpu.vector_store %arg10[%swap3A], %broadcast_in_dim3A_1 {strides = array<i32>} : memref<128xf32, #tpu.memory_space<vmem>>, vector<16xf32>,
    %broadcast_in_dim3A_3 = arith.constant 1.000000e+00 : f32
    %broadcast_in_dim3A_4 = vector.broadcast %broadcast_in_dim3A_3 : f32 to vector<16xf32>
    %swap3A_5 = arith.constant 16 : index
    %swap3A_6 = tpu.vector_load %arg10[%swap3A_5] {strides = array<i32>} : memref<128xf32, #tpu.memory_space<vmem>>, vector<16xf32>,
    tpu.vector_store %arg10[%swap3A_5], %broadcast_in_dim3A_4 {strides = array<i32>} : memref<128xf32, #tpu.memory_space<vmem>>, vector<16xf32>,
    %broadcast_in_dim3A_7 = arith.constant 1.000000e+00 : f32
    %broadcast_in_dim3A_8 = vector.broadcast %broadcast_in_dim3A_7 : f32 to vector<16xf32>
    %swap3A_9 = arith.constant 32 : index
    %swap3A_10 = tpu.vector_load %arg10[%swap3A_9] {strides = array<i32>} : memref<128xf32, #tpu.memory_space<vmem>>, vector<16xf32>,
    tpu.vector_store %arg10[%swap3A_9], %broadcast_in_dim3A_8 {strides = array<i32>} : memref<128xf32, #tpu.memory_space<vmem>>, vector<16xf32>,
    %broadcast_in_dim3A_11 = arith.constant 1.000000e+00 : f32
    %broadcast_in_dim3A_12 = vector.broadcast %broadcast_in_dim3A_11 : f32 to vector<16xf32>
    %swap3A_13 = arith.constant 48 : index
    %swap3A_14 = tpu.vector_load %arg10[%swap3A_13] {strides = array<i32>} : memref<128xf32, #tpu.memory_space<vmem>>, vector<16xf32>,
    tpu.vector_store %arg10[%swap3A_13], %broadcast_in_dim3A_12 {strides = array<i32>} : memref<128xf32, #tpu.memory_space<vmem>>, vector<16xf32>,
    %broadcast_in_dim3A_15 = arith.constant 1.000000e+00 : f32
    %broadcast_in_dim3A_16 = vector.broadcast %broadcast_in_dim3A_15 : f32 to vector<16xf32>
    %swap3A_17 = arith.constant 64 : index
    %swap3A_18 = tpu.vector_load %arg10[%swap3A_17] {strides = array<i32>} : memref<128xf32, #tpu.memory_space<vmem>>, vector<16xf32>,
    tpu.vector_store %arg10[%swap3A_17], %broadcast_in_dim3A_16 {strides = array<i32>} : memref<128xf32, #tpu.memory_space<vmem>>, vector<16xf32>,
    %broadcast_in_dim3A_19 = arith.constant 1.000000e+00 : f32
    %broadcast_in_dim3A_20 = vector.broadcast %broadcast_in_dim3A_19 : f32 to vector<16xf32>
    %swap3A_21 = arith.constant 80 : index
    %swap3A_22 = tpu.vector_load %arg10[%swap3A_21] {strides = array<i32>} : memref<128xf32, #tpu.memory_space<vmem>>, vector<16xf32>,
    tpu.vector_store %arg10[%swap3A_21], %broadcast_in_dim3A_20 {strides = array<i32>} : memref<128xf32, #tpu.memory_space<vmem>>, vector<16xf32>,
    %broadcast_in_dim3A_23 = arith.constant 1.000000e+00 : f32
    %broadcast_in_dim3A_24 = vector.broadcast %broadcast_in_dim3A_23 : f32 to vector<16xf32>
    %swap3A_25 = arith.constant 96 : index
    %swap3A_26 = tpu.vector_load %arg10[%swap3A_25] {strides = array<i32>} : memref<128xf32, #tpu.memory_space<vmem>>, vector<16xf32>,
    tpu.vector_store %arg10[%swap3A_25], %broadcast_in_dim3A_24 {strides = array<i32>} : memref<128xf32, #tpu.memory_space<vmem>>, vector<16xf32>,
    %broadcast_in_dim3A_27 = arith.constant 1.000000e+00 : f32
    %broadcast_in_dim3A_28 = vector.broadcast %broadcast_in_dim3A_27 : f32 to vector<16xf32>
    %swap3A_29 = arith.constant 112 : index
    %swap3A_30 = tpu.vector_load %arg10[%swap3A_29] {strides = array<i32>} : memref<128xf32, #tpu.memory_space<vmem>>, vector<16xf32>,
    tpu.vector_store %arg10[%swap3A_29], %broadcast_in_dim3A_28 {strides = array<i32>} : memref<128xf32, #tpu.memory_space<vmem>>, vector<16xf32>,
    %scan3A = arith.constant 0 : i32
    %scan3A_31 = arith.constant 0 : i32
    %scan3A_32 = arith.constant 320 : i32
    %scan3A_33 = arith.addi %scan3A_31, %scan3A_32 : i32
    %scan3A_34 = arith.constant 1 : i32
    scf.for %scan3A_102 = %scan3A_31 to %scan3A_33 step %scan3A_34  : i32 {
      %broadcast_in_dim3A_103 = arith.constant 0.000000e+00 : f32
      %broadcast_in_dim3A_104 = vector.broadcast %broadcast_in_dim3A_103 : f32 to vector<16xf32>
      %mul3A_105 = arith.constant 16 : i32
      %mul3A_106 = arith.muli %scan3A_102, %mul3A_105 : i32
      %swap3A_107 = arith.index_cast %mul3A_106 : i32 to index
      %swap3A_108 = tpu.vector_load %arg11[%swap3A_107] {strides = array<i32>} : memref<5120xf32, #tpu.memory_space<vmem>>, vector<16xf32>,
      tpu.vector_store %arg11[%swap3A_107], %broadcast_in_dim3A_104 {strides = array<i32>} : memref<5120xf32, #tpu.memory_space<vmem>>, vector<16xf32>,
    }
    %scan3A_35 = arith.constant 320 : i32
    %mul3A_36 = arith.constant 5120 : i32
    %mul3A_37 = arith.muli %arg1, %mul3A_36 : i32
    "tpu.region"() ({
      %run_scoped3A_102 = tpu.sem_alloc : memref<!tpu.dma_semaphore, #tpu.memory_space<semaphore_mem>>
      %dma_start3A_103 = tpu.memref_slice %arg12[%mul3A_37] : memref<81920xf32, #tpu.memory_space<vmem_shared>> -> memref<5120xf32, #tpu.memory_space<vmem_shared>>
      %dma_start3A_104 = tpu.memref_slice %arg12[%mul3A_37] : memref<81920xf32, #tpu.memory_space<vmem_shared>> -> memref<5120xf32, #tpu.memory_space<vmem_shared>>
      tpu.enqueue_dma source(%arg11 : memref<5120xf32, #tpu.memory_space<vmem>>) target(%dma_start3A_104 : memref<5120xf32, #tpu.memory_space<vmem_shared>>) target_semaphore(%run_scoped3A_102 : memref<!tpu.dma_semaphore, #tpu.memory_space<semaphore_mem>>)
      %dma_wait3A_105 = tpu.memref_slice %arg12[%mul3A_37] : memref<81920xf32, #tpu.memory_space<vmem_shared>> -> memref<5120xf32, #tpu.memory_space<vmem_shared>>
      %dma_wait3A_106 = tpu.memref_slice %arg12[%mul3A_37] : memref<81920xf32, #tpu.memory_space<vmem_shared>> -> memref<5120xf32, #tpu.memory_space<vmem_shared>>
      tpu.wait_dma2 semaphore(%run_scoped3A_102 : memref<!tpu.dma_semaphore, #tpu.memory_space<semaphore_mem>>) src(%arg11 : memref<5120xf32, #tpu.memory_space<vmem>>) dst(%dma_wait3A_106 : memref<5120xf32, #tpu.memory_space<vmem_shared>>)
      tpu.yield
    }) : () -> ()
    %barrier3A = arith.constant 0 : index
    tpu.barrier barrier_id(%barrier3A)
    %mul3A_38 = arith.constant 10000 : i32
    %mul3A_39 = arith.muli %add3A, %mul3A_38 : i32
    %add3A_40 = arith.constant 0 : i32
    %add3A_41 = arith.addi %mul3A_39, %add3A_40 : i32
    %dma_start3A = arith.constant 0 : i32
    %dma_start3A_42 = tpu.memref_slice %arg5[%dma_start3A] : memref<256xi32, #tpu.memory_space<vmem>> -> memref<128xi32, #tpu.memory_space<vmem>>
    %dma_start3A_43 = tpu.memref_slice %arg2[%add3A_41] : memref<320000xi32, #tpu.memory_space<hbm>> -> memref<128xi32, #tpu.memory_space<hbm>>
    %dma_start3A_44 = arith.constant 0 : i32
    %dma_start3A_45 = tpu.memref_slice %arg5[%dma_start3A_44] : memref<256xi32, #tpu.memory_space<vmem>> -> memref<128xi32, #tpu.memory_space<vmem>>
    %dma_start3A_46 = tpu.memref_slice %arg2[%add3A_41] : memref<320000xi32, #tpu.memory_space<hbm>> -> memref<128xi32, #tpu.memory_space<hbm>>
    tpu.enqueue_dma source(%dma_start3A_46 : memref<128xi32, #tpu.memory_space<hbm>>) target(%dma_start3A_45 : memref<128xi32, #tpu.memory_space<vmem>>) target_semaphore(%arg13 : memref<!tpu.dma_semaphore, #tpu.memory_space<semaphore_mem>>)
    %dma_start3A_47 = arith.constant 128 : i32
    %dma_start3A_48 = tpu.memref_slice %arg5[%dma_start3A_47] : memref<256xi32, #tpu.memory_space<vmem>> -> memref<128xi32, #tpu.memory_space<vmem>>
    %dma_start3A_49 = tpu.memref_slice %arg3[%add3A_41] : memref<320000xi32, #tpu.memory_space<hbm>> -> memref<128xi32, #tpu.memory_space<hbm>>
    %dma_start3A_50 = arith.constant 128 : i32
    %dma_start3A_51 = tpu.memref_slice %arg5[%dma_start3A_50] : memref<256xi32, #tpu.memory_space<vmem>> -> memref<128xi32, #tpu.memory_space<vmem>>
    %dma_start3A_52 = tpu.memref_slice %arg3[%add3A_41] : memref<320000xi32, #tpu.memory_space<hbm>> -> memref<128xi32, #tpu.memory_space<hbm>>
    tpu.enqueue_dma source(%dma_start3A_52 : memref<128xi32, #tpu.memory_space<hbm>>) target(%dma_start3A_51 : memref<128xi32, #tpu.memory_space<vmem>>) target_semaphore(%arg13 : memref<!tpu.dma_semaphore, #tpu.memory_space<semaphore_mem>>)
    %add3A_53 = arith.constant 128 : i32
    %add3A_54 = arith.addi %mul3A_39, %add3A_53 : i32
    %dma_start3A_55 = arith.constant 0 : i32
    %dma_start3A_56 = tpu.memref_slice %arg6[%dma_start3A_55] : memref<256xi32, #tpu.memory_space<vmem>> -> memref<128xi32, #tpu.memory_space<vmem>>
    %dma_start3A_57 = tpu.memref_slice %arg2[%add3A_54] : memref<320000xi32, #tpu.memory_space<hbm>> -> memref<128xi32, #tpu.memory_space<hbm>>
    %dma_start3A_58 = arith.constant 0 : i32
    %dma_start3A_59 = tpu.memref_slice %arg6[%dma_start3A_58] : memref<256xi32, #tpu.memory_space<vmem>> -> memref<128xi32, #tpu.memory_space<vmem>>
    %dma_start3A_60 = tpu.memref_slice %arg2[%add3A_54] : memref<320000xi32, #tpu.memory_space<hbm>> -> memref<128xi32, #tpu.memory_space<hbm>>
    tpu.enqueue_dma source(%dma_start3A_60 : memref<128xi32, #tpu.memory_space<hbm>>) target(%dma_start3A_59 : memref<128xi32, #tpu.memory_space<vmem>>) target_semaphore(%arg14 : memref<!tpu.dma_semaphore, #tpu.memory_space<semaphore_mem>>)
    %dma_start3A_61 = arith.constant 128 : i32
    %dma_start3A_62 = tpu.memref_slice %arg6[%dma_start3A_61] : memref<256xi32, #tpu.memory_space<vmem>> -> memref<128xi32, #tpu.memory_space<vmem>>
    %dma_start3A_63 = tpu.memref_slice %arg3[%add3A_54] : memref<320000xi32, #tpu.memory_space<hbm>> -> memref<128xi32, #tpu.memory_space<hbm>>
    %dma_start3A_64 = arith.constant 128 : i32
    %dma_start3A_65 = tpu.memref_slice %arg6[%dma_start3A_64] : memref<256xi32, #tpu.memory_space<vmem>> -> memref<128xi32, #tpu.memory_space<vmem>>
    %dma_start3A_66 = tpu.memref_slice %arg3[%add3A_54] : memref<320000xi32, #tpu.memory_space<hbm>> -> memref<128xi32, #tpu.memory_space<hbm>>
    tpu.enqueue_dma source(%dma_start3A_66 : memref<128xi32, #tpu.memory_space<hbm>>) target(%dma_start3A_65 : memref<128xi32, #tpu.memory_space<vmem>>) target_semaphore(%arg14 : memref<!tpu.dma_semaphore, #tpu.memory_space<semaphore_mem>>)
    %scan3A_67 = arith.constant 0 : i32
    %scan3A_68 = arith.constant 0 : i32
    %scan3A_69 = arith.constant 39 : i32
    %scan3A_70 = arith.addi %scan3A_68, %scan3A_69 : i32
    %scan3A_71 = arith.constant 1 : i32
    scf.for %scan3A_102 = %scan3A_68 to %scan3A_70 step %scan3A_71  : i32 {
      %mul3A_103 = arith.constant 2 : i32
      %mul3A_104 = arith.muli %mul3A_103, %scan3A_102 : i32
      %mul3A_105 = arith.constant 128 : i32
      %mul3A_106 = arith.muli %mul3A_104, %mul3A_105 : i32
      %add3A_107 = arith.addi %mul3A_39, %mul3A_106 : i32
      %dma_wait3A_108 = arith.constant 0 : i32
      %dma_wait3A_109 = tpu.memref_slice %arg5[%dma_wait3A_108] : memref<256xi32, #tpu.memory_space<vmem>> -> memref<128xi32, #tpu.memory_space<vmem>>
      %dma_wait3A_110 = tpu.memref_slice %arg2[%add3A_107] : memref<320000xi32, #tpu.memory_space<hbm>> -> memref<128xi32, #tpu.memory_space<hbm>>
      %dma_wait3A_111 = arith.constant 0 : i32
      %dma_wait3A_112 = tpu.memref_slice %arg5[%dma_wait3A_111] : memref<256xi32, #tpu.memory_space<vmem>> -> memref<128xi32, #tpu.memory_space<vmem>>
      %dma_wait3A_113 = tpu.memref_slice %arg2[%add3A_107] : memref<320000xi32, #tpu.memory_space<hbm>> -> memref<128xi32, #tpu.memory_space<hbm>>
      tpu.wait_dma2 semaphore(%arg13 : memref<!tpu.dma_semaphore, #tpu.memory_space<semaphore_mem>>) src(%dma_wait3A_113 : memref<128xi32, #tpu.memory_space<hbm>>) dst(%dma_wait3A_112 : memref<128xi32, #tpu.memory_space<vmem>>)
      %dma_wait3A_114 = arith.constant 128 : i32
      %dma_wait3A_115 = tpu.memref_slice %arg5[%dma_wait3A_114] : memref<256xi32, #tpu.memory_space<vmem>> -> memref<128xi32, #tpu.memory_space<vmem>>
      %dma_wait3A_116 = tpu.memref_slice %arg3[%add3A_107] : memref<320000xi32, #tpu.memory_space<hbm>> -> memref<128xi32, #tpu.memory_space<hbm>>
      %dma_wait3A_117 = arith.constant 128 : i32
      %dma_wait3A_118 = tpu.memref_slice %arg5[%dma_wait3A_117] : memref<256xi32, #tpu.memory_space<vmem>> -> memref<128xi32, #tpu.memory_space<vmem>>
      %dma_wait3A_119 = tpu.memref_slice %arg3[%add3A_107] : memref<320000xi32, #tpu.memory_space<hbm>> -> memref<128xi32, #tpu.memory_space<hbm>>
      tpu.wait_dma2 semaphore(%arg13 : memref<!tpu.dma_semaphore, #tpu.memory_space<semaphore_mem>>) src(%dma_wait3A_119 : memref<128xi32, #tpu.memory_space<hbm>>) dst(%dma_wait3A_118 : memref<128xi32, #tpu.memory_space<vmem>>)
      %gt3A = arith.constant 0 : i32
      %gt3A_120 = arith.cmpi sgt, %scan3A_102, %gt3A : i32
      %convert_element_type3A = arith.extui %gt3A_120 : i1 to i32
      %cond3A = arith.constant 0 : i32
      %cond3A_121 = arith.cmpi ne, %convert_element_type3A, %cond3A : i32
      scf.if %cond3A_121 {
        %dma_wait3A_363 = arith.constant 0 : i32
        %dma_wait3A_364 = arith.constant 0 : i32
        %dma_wait3A_365 = tpu.memref_slice %arg7[%dma_wait3A_363, %dma_wait3A_364] : memref<1x128xi32, #tpu.memory_space<vmem>> -> memref<1x128xi32, #tpu.memory_space<vmem>>
        %dma_wait3A_366 = tpu.memref_squeeze %dma_wait3A_365 : memref<1x128xi32, #tpu.memory_space<vmem>> -> memref<128xi32, #tpu.memory_space<vmem>>
        %dma_wait3A_367 = arith.constant 0 : i32
        %dma_wait3A_368 = tpu.memref_slice %arg12[%dma_wait3A_367] : memref<81920xf32, #tpu.memory_space<vmem_shared>> -> memref<81920xf32, #tpu.memory_space<vmem_shared>>
        tpu.wait_indirect_dma semaphore(%arg15 : memref<!tpu.dma_semaphore, #tpu.memory_space<semaphore_mem>>) src(%arg10 : memref<128xf32, #tpu.memory_space<vmem>>) dst(%dma_wait3A_368 : memref<81920xf32, #tpu.memory_space<vmem_shared>>)
      } else {
      }
      %get3A_122 = arith.constant 0 : index
      %get3A_123 = tpu.vector_load %arg5[%get3A_122] {strides = array<i32>} : memref<256xi32, #tpu.memory_space<vmem>>, vector<16xi32>,
      %get3A_124 = arith.constant 128 : index
      %get3A_125 = tpu.vector_load %arg5[%get3A_124] {strides = array<i32>} : memref<256xi32, #tpu.memory_space<vmem>>, vector<16xi32>,
      %mul3A_126 = arith.constant 8 : i32
      %mul3A_127 = vector.broadcast %mul3A_126 : i32 to vector<16xi32>
      %mul3A_128 = arith.muli %get3A_123, %mul3A_127 : vector<16xi32>
      %add3A_129 = arith.addi %mul3A_128, %get3A_125 : vector<16xi32>
      %swap3A_130 = arith.constant 0 : i32
      %swap3A_131 = arith.index_cast %swap3A_130 : i32 to index
      %swap3A_132 = arith.constant 0 : index
      %swap3A_133 = tpu.vector_load %arg7[%swap3A_131, %swap3A_132] {strides = array<i32>} : memref<1x128xi32, #tpu.memory_space<vmem>>, vector<16xi32>,
      tpu.vector_store %arg7[%swap3A_131, %swap3A_132], %add3A_129 {strides = array<i32>} : memref<1x128xi32, #tpu.memory_space<vmem>>, vector<16xi32>,
      %get3A_134 = arith.constant 16 : index
      %get3A_135 = tpu.vector_load %arg5[%get3A_134] {strides = array<i32>} : memref<256xi32, #tpu.memory_space<vmem>>, vector<16xi32>,
      %get3A_136 = arith.constant 144 : index
      %get3A_137 = tpu.vector_load %arg5[%get3A_136] {strides = array<i32>} : memref<256xi32, #tpu.memory_space<vmem>>, vector<16xi32>,
      %mul3A_138 = arith.constant 8 : i32
      %mul3A_139 = vector.broadcast %mul3A_138 : i32 to vector<16xi32>
      %mul3A_140 = arith.muli %get3A_135, %mul3A_139 : vector<16xi32>
      %add3A_141 = arith.addi %mul3A_140, %get3A_137 : vector<16xi32>
      %swap3A_142 = arith.constant 0 : i32
      %swap3A_143 = arith.index_cast %swap3A_142 : i32 to index
      %swap3A_144 = arith.constant 16 : index
      %swap3A_145 = tpu.vector_load %arg7[%swap3A_143, %swap3A_144] {strides = array<i32>} : memref<1x128xi32, #tpu.memory_space<vmem>>, vector<16xi32>,
      tpu.vector_store %arg7[%swap3A_143, %swap3A_144], %add3A_141 {strides = array<i32>} : memref<1x128xi32, #tpu.memory_space<vmem>>, vector<16xi32>,
      %get3A_146 = arith.constant 32 : index
      %get3A_147 = tpu.vector_load %arg5[%get3A_146] {strides = array<i32>} : memref<256xi32, #tpu.memory_space<vmem>>, vector<16xi32>,
      %get3A_148 = arith.constant 160 : index
      %get3A_149 = tpu.vector_load %arg5[%get3A_148] {strides = array<i32>} : memref<256xi32, #tpu.memory_space<vmem>>, vector<16xi32>,
      %mul3A_150 = arith.constant 8 : i32
      %mul3A_151 = vector.broadcast %mul3A_150 : i32 to vector<16xi32>
      %mul3A_152 = arith.muli %get3A_147, %mul3A_151 : vector<16xi32>
      %add3A_153 = arith.addi %mul3A_152, %get3A_149 : vector<16xi32>
      %swap3A_154 = arith.constant 0 : i32
      %swap3A_155 = arith.index_cast %swap3A_154 : i32 to index
      %swap3A_156 = arith.constant 32 : index
      %swap3A_157 = tpu.vector_load %arg7[%swap3A_155, %swap3A_156] {strides = array<i32>} : memref<1x128xi32, #tpu.memory_space<vmem>>, vector<16xi32>,
      tpu.vector_store %arg7[%swap3A_155, %swap3A_156], %add3A_153 {strides = array<i32>} : memref<1x128xi32, #tpu.memory_space<vmem>>, vector<16xi32>,
      %get3A_158 = arith.constant 48 : index
      %get3A_159 = tpu.vector_load %arg5[%get3A_158] {strides = array<i32>} : memref<256xi32, #tpu.memory_space<vmem>>, vector<16xi32>,
      %get3A_160 = arith.constant 176 : index
      %get3A_161 = tpu.vector_load %arg5[%get3A_160] {strides = array<i32>} : memref<256xi32, #tpu.memory_space<vmem>>, vector<16xi32>,
      %mul3A_162 = arith.constant 8 : i32
      %mul3A_163 = vector.broadcast %mul3A_162 : i32 to vector<16xi32>
      %mul3A_164 = arith.muli %get3A_159, %mul3A_163 : vector<16xi32>
      %add3A_165 = arith.addi %mul3A_164, %get3A_161 : vector<16xi32>
      %swap3A_166 = arith.constant 0 : i32
      %swap3A_167 = arith.index_cast %swap3A_166 : i32 to index
      %swap3A_168 = arith.constant 48 : index
      %swap3A_169 = tpu.vector_load %arg7[%swap3A_167, %swap3A_168] {strides = array<i32>} : memref<1x128xi32, #tpu.memory_space<vmem>>, vector<16xi32>,
      tpu.vector_store %arg7[%swap3A_167, %swap3A_168], %add3A_165 {strides = array<i32>} : memref<1x128xi32, #tpu.memory_space<vmem>>, vector<16xi32>,
      %get3A_170 = arith.constant 64 : index
      %get3A_171 = tpu.vector_load %arg5[%get3A_170] {strides = array<i32>} : memref<256xi32, #tpu.memory_space<vmem>>, vector<16xi32>,
      %get3A_172 = arith.constant 192 : index
      %get3A_173 = tpu.vector_load %arg5[%get3A_172] {strides = array<i32>} : memref<256xi32, #tpu.memory_space<vmem>>, vector<16xi32>,
      %mul3A_174 = arith.constant 8 : i32
      %mul3A_175 = vector.broadcast %mul3A_174 : i32 to vector<16xi32>
      %mul3A_176 = arith.muli %get3A_171, %mul3A_175 : vector<16xi32>
      %add3A_177 = arith.addi %mul3A_176, %get3A_173 : vector<16xi32>
      %swap3A_178 = arith.constant 0 : i32
      %swap3A_179 = arith.index_cast %swap3A_178 : i32 to index
      %swap3A_180 = arith.constant 64 : index
      %swap3A_181 = tpu.vector_load %arg7[%swap3A_179, %swap3A_180] {strides = array<i32>} : memref<1x128xi32, #tpu.memory_space<vmem>>, vector<16xi32>,
      tpu.vector_store %arg7[%swap3A_179, %swap3A_180], %add3A_177 {strides = array<i32>} : memref<1x128xi32, #tpu.memory_space<vmem>>, vector<16xi32>,
      %get3A_182 = arith.constant 80 : index
      %get3A_183 = tpu.vector_load %arg5[%get3A_182] {strides = array<i32>} : memref<256xi32, #tpu.memory_space<vmem>>, vector<16xi32>,
      %get3A_184 = arith.constant 208 : index
      %get3A_185 = tpu.vector_load %arg5[%get3A_184] {strides = array<i32>} : memref<256xi32, #tpu.memory_space<vmem>>, vector<16xi32>,
      %mul3A_186 = arith.constant 8 : i32
      %mul3A_187 = vector.broadcast %mul3A_186 : i32 to vector<16xi32>
      %mul3A_188 = arith.muli %get3A_183, %mul3A_187 : vector<16xi32>
      %add3A_189 = arith.addi %mul3A_188, %get3A_185 : vector<16xi32>
      %swap3A_190 = arith.constant 0 : i32
      %swap3A_191 = arith.index_cast %swap3A_190 : i32 to index
      %swap3A_192 = arith.constant 80 : index
      %swap3A_193 = tpu.vector_load %arg7[%swap3A_191, %swap3A_192] {strides = array<i32>} : memref<1x128xi32, #tpu.memory_space<vmem>>, vector<16xi32>,
      tpu.vector_store %arg7[%swap3A_191, %swap3A_192], %add3A_189 {strides = array<i32>} : memref<1x128xi32, #tpu.memory_space<vmem>>, vector<16xi32>,
      %get3A_194 = arith.constant 96 : index
      %get3A_195 = tpu.vector_load %arg5[%get3A_194] {strides = array<i32>} : memref<256xi32, #tpu.memory_space<vmem>>, vector<16xi32>,
      %get3A_196 = arith.constant 224 : index
      %get3A_197 = tpu.vector_load %arg5[%get3A_196] {strides = array<i32>} : memref<256xi32, #tpu.memory_space<vmem>>, vector<16xi32>,
      %mul3A_198 = arith.constant 8 : i32
      %mul3A_199 = vector.broadcast %mul3A_198 : i32 to vector<16xi32>
      %mul3A_200 = arith.muli %get3A_195, %mul3A_199 : vector<16xi32>
      %add3A_201 = arith.addi %mul3A_200, %get3A_197 : vector<16xi32>
      %swap3A_202 = arith.constant 0 : i32
      %swap3A_203 = arith.index_cast %swap3A_202 : i32 to index
      %swap3A_204 = arith.constant 96 : index
      %swap3A_205 = tpu.vector_load %arg7[%swap3A_203, %swap3A_204] {strides = array<i32>} : memref<1x128xi32, #tpu.memory_space<vmem>>, vector<16xi32>,
      tpu.vector_store %arg7[%swap3A_203, %swap3A_204], %add3A_201 {strides = array<i32>} : memref<1x128xi32, #tpu.memory_space<vmem>>, vector<16xi32>,
      %get3A_206 = arith.constant 112 : index
      %get3A_207 = tpu.vector_load %arg5[%get3A_206] {strides = array<i32>} : memref<256xi32, #tpu.memory_space<vmem>>, vector<16xi32>,
      %get3A_208 = arith.constant 240 : index
      %get3A_209 = tpu.vector_load %arg5[%get3A_208] {strides = array<i32>} : memref<256xi32, #tpu.memory_space<vmem>>, vector<16xi32>,
      %mul3A_210 = arith.constant 8 : i32
      %mul3A_211 = vector.broadcast %mul3A_210 : i32 to vector<16xi32>
      %mul3A_212 = arith.muli %get3A_207, %mul3A_211 : vector<16xi32>
      %add3A_213 = arith.addi %mul3A_212, %get3A_209 : vector<16xi32>
      %swap3A_214 = arith.constant 0 : i32
      %swap3A_215 = arith.index_cast %swap3A_214 : i32 to index
      %swap3A_216 = arith.constant 112 : index
      %swap3A_217 = tpu.vector_load %arg7[%swap3A_215, %swap3A_216] {strides = array<i32>} : memref<1x128xi32, #tpu.memory_space<vmem>>, vector<16xi32>,
      tpu.vector_store %arg7[%swap3A_215, %swap3A_216], %add3A_213 {strides = array<i32>} : memref<1x128xi32, #tpu.memory_space<vmem>>, vector<16xi32>,
      %add3A_218 = arith.constant 2 : i32
      %add3A_219 = arith.addi %mul3A_104, %add3A_218 : i32
      %lt3A = arith.constant 78 : i32
      %lt3A_220 = arith.cmpi slt, %add3A_219, %lt3A : i32
      %convert_element_type3A_221 = arith.extui %lt3A_220 : i1 to i32
      %cond3A_222 = arith.constant 0 : i32
      %cond3A_223 = arith.cmpi ne, %convert_element_type3A_221, %cond3A_222 : i32
      scf.if %cond3A_223 {
        %add3A_363 = arith.constant 2 : i32
        %add3A_364 = arith.addi %mul3A_104, %add3A_363 : i32
        %mul3A_365 = arith.constant 128 : i32
        %mul3A_366 = arith.muli %add3A_364, %mul3A_365 : i32
        %add3A_367 = arith.addi %mul3A_39, %mul3A_366 : i32
        %dma_start3A_368 = arith.constant 0 : i32
        %dma_start3A_369 = tpu.memref_slice %arg5[%dma_start3A_368] : memref<256xi32, #tpu.memory_space<vmem>> -> memref<128xi32, #tpu.memory_space<vmem>>
        %dma_start3A_370 = tpu.memref_slice %arg2[%add3A_367] : memref<320000xi32, #tpu.memory_space<hbm>> -> memref<128xi32, #tpu.memory_space<hbm>>
        %dma_start3A_371 = arith.constant 0 : i32
        %dma_start3A_372 = tpu.memref_slice %arg5[%dma_start3A_371] : memref<256xi32, #tpu.memory_space<vmem>> -> memref<128xi32, #tpu.memory_space<vmem>>
        %dma_start3A_373 = tpu.memref_slice %arg2[%add3A_367] : memref<320000xi32, #tpu.memory_space<hbm>> -> memref<128xi32, #tpu.memory_space<hbm>>
        tpu.enqueue_dma source(%dma_start3A_373 : memref<128xi32, #tpu.memory_space<hbm>>) target(%dma_start3A_372 : memref<128xi32, #tpu.memory_space<vmem>>) target_semaphore(%arg13 : memref<!tpu.dma_semaphore, #tpu.memory_space<semaphore_mem>>)
        %dma_start3A_374 = arith.constant 128 : i32
        %dma_start3A_375 = tpu.memref_slice %arg5[%dma_start3A_374] : memref<256xi32, #tpu.memory_space<vmem>> -> memref<128xi32, #tpu.memory_space<vmem>>
        %dma_start3A_376 = tpu.memref_slice %arg3[%add3A_367] : memref<320000xi32, #tpu.memory_space<hbm>> -> memref<128xi32, #tpu.memory_space<hbm>>
        %dma_start3A_377 = arith.constant 128 : i32
        %dma_start3A_378 = tpu.memref_slice %arg5[%dma_start3A_377] : memref<256xi32, #tpu.memory_space<vmem>> -> memref<128xi32, #tpu.memory_space<vmem>>
        %dma_start3A_379 = tpu.memref_slice %arg3[%add3A_367] : memref<320000xi32, #tpu.memory_space<hbm>> -> memref<128xi32, #tpu.memory_space<hbm>>
        tpu.enqueue_dma source(%dma_start3A_379 : memref<128xi32, #tpu.memory_space<hbm>>) target(%dma_start3A_378 : memref<128xi32, #tpu.memory_space<vmem>>) target_semaphore(%arg13 : memref<!tpu.dma_semaphore, #tpu.memory_space<semaphore_mem>>)
      } else {
      }
      %dma_start3A_224 = arith.constant 0 : i32
      %dma_start3A_225 = arith.constant 0 : i32
      %dma_start3A_226 = tpu.memref_slice %arg7[%dma_start3A_224, %dma_start3A_225] : memref<1x128xi32, #tpu.memory_space<vmem>> -> memref<1x128xi32, #tpu.memory_space<vmem>>
      %dma_start3A_227 = tpu.memref_squeeze %dma_start3A_226 : memref<1x128xi32, #tpu.memory_space<vmem>> -> memref<128xi32, #tpu.memory_space<vmem>>
      %dma_start3A_228 = arith.constant 0 : i32
      %dma_start3A_229 = tpu.memref_slice %arg12[%dma_start3A_228] : memref<81920xf32, #tpu.memory_space<vmem_shared>> -> memref<81920xf32, #tpu.memory_space<vmem_shared>>
      tpu.enqueue_indirect_dma source(%arg10 : memref<128xf32, #tpu.memory_space<vmem>>) target(%dma_start3A_229 : memref<81920xf32, #tpu.memory_space<vmem_shared>>) offsets(%dma_start3A_227 : memref<128xi32, #tpu.memory_space<vmem>>) semaphore(%arg15 : memref<!tpu.dma_semaphore, #tpu.memory_space<semaphore_mem>>) {add = true}
      %mul3A_230 = arith.constant 2 : i32
      %mul3A_231 = arith.muli %mul3A_230, %scan3A_102 : i32
      %add3A_232 = arith.constant 1 : i32
      %add3A_233 = arith.addi %mul3A_231, %add3A_232 : i32
      %mul3A_234 = arith.constant 128 : i32
      %mul3A_235 = arith.muli %add3A_233, %mul3A_234 : i32
      %add3A_236 = arith.addi %mul3A_39, %mul3A_235 : i32
      %dma_wait3A_237 = arith.constant 0 : i32
      %dma_wait3A_238 = tpu.memref_slice %arg6[%dma_wait3A_237] : memref<256xi32, #tpu.memory_space<vmem>> -> memref<128xi32, #tpu.memory_space<vmem>>
      %dma_wait3A_239 = tpu.memref_slice %arg2[%add3A_236] : memref<320000xi32, #tpu.memory_space<hbm>> -> memref<128xi32, #tpu.memory_space<hbm>>
      %dma_wait3A_240 = arith.constant 0 : i32
      %dma_wait3A_241 = tpu.memref_slice %arg6[%dma_wait3A_240] : memref<256xi32, #tpu.memory_space<vmem>> -> memref<128xi32, #tpu.memory_space<vmem>>
      %dma_wait3A_242 = tpu.memref_slice %arg2[%add3A_236] : memref<320000xi32, #tpu.memory_space<hbm>> -> memref<128xi32, #tpu.memory_space<hbm>>
      tpu.wait_dma2 semaphore(%arg14 : memref<!tpu.dma_semaphore, #tpu.memory_space<semaphore_mem>>) src(%dma_wait3A_242 : memref<128xi32, #tpu.memory_space<hbm>>) dst(%dma_wait3A_241 : memref<128xi32, #tpu.memory_space<vmem>>)
      %dma_wait3A_243 = arith.constant 128 : i32
      %dma_wait3A_244 = tpu.memref_slice %arg6[%dma_wait3A_243] : memref<256xi32, #tpu.memory_space<vmem>> -> memref<128xi32, #tpu.memory_space<vmem>>
      %dma_wait3A_245 = tpu.memref_slice %arg3[%add3A_236] : memref<320000xi32, #tpu.memory_space<hbm>> -> memref<128xi32, #tpu.memory_space<hbm>>
      %dma_wait3A_246 = arith.constant 128 : i32
      %dma_wait3A_247 = tpu.memref_slice %arg6[%dma_wait3A_246] : memref<256xi32, #tpu.memory_space<vmem>> -> memref<128xi32, #tpu.memory_space<vmem>>
      %dma_wait3A_248 = tpu.memref_slice %arg3[%add3A_236] : memref<320000xi32, #tpu.memory_space<hbm>> -> memref<128xi32, #tpu.memory_space<hbm>>
      tpu.wait_dma2 semaphore(%arg14 : memref<!tpu.dma_semaphore, #tpu.memory_space<semaphore_mem>>) src(%dma_wait3A_248 : memref<128xi32, #tpu.memory_space<hbm>>) dst(%dma_wait3A_247 : memref<128xi32, #tpu.memory_space<vmem>>)
      %gt3A_249 = arith.constant 0 : i32
      %gt3A_250 = arith.cmpi sgt, %scan3A_102, %gt3A_249 : i32
      %convert_element_type3A_251 = arith.extui %gt3A_250 : i1 to i32
      %cond3A_252 = arith.constant 0 : i32
      %cond3A_253 = arith.cmpi ne, %convert_element_type3A_251, %cond3A_252 : i32
      scf.if %cond3A_253 {
        %dma_wait3A_363 = arith.constant 0 : i32
        %dma_wait3A_364 = arith.constant 0 : i32
        %dma_wait3A_365 = tpu.memref_slice %arg8[%dma_wait3A_363, %dma_wait3A_364] : memref<1x128xi32, #tpu.memory_space<vmem>> -> memref<1x128xi32, #tpu.memory_space<vmem>>
        %dma_wait3A_366 = tpu.memref_squeeze %dma_wait3A_365 : memref<1x128xi32, #tpu.memory_space<vmem>> -> memref<128xi32, #tpu.memory_space<vmem>>
        %dma_wait3A_367 = arith.constant 0 : i32
        %dma_wait3A_368 = tpu.memref_slice %arg12[%dma_wait3A_367] : memref<81920xf32, #tpu.memory_space<vmem_shared>> -> memref<81920xf32, #tpu.memory_space<vmem_shared>>
        tpu.wait_indirect_dma semaphore(%arg16 : memref<!tpu.dma_semaphore, #tpu.memory_space<semaphore_mem>>) src(%arg10 : memref<128xf32, #tpu.memory_space<vmem>>) dst(%dma_wait3A_368 : memref<81920xf32, #tpu.memory_space<vmem_shared>>)
      } else {
      }
      %get3A_254 = arith.constant 0 : index
      %get3A_255 = tpu.vector_load %arg6[%get3A_254] {strides = array<i32>} : memref<256xi32, #tpu.memory_space<vmem>>, vector<16xi32>,
      %get3A_256 = arith.constant 128 : index
      %get3A_257 = tpu.vector_load %arg6[%get3A_256] {strides = array<i32>} : memref<256xi32, #tpu.memory_space<vmem>>, vector<16xi32>,
      %mul3A_258 = arith.constant 8 : i32
      %mul3A_259 = vector.broadcast %mul3A_258 : i32 to vector<16xi32>
      %mul3A_260 = arith.muli %get3A_255, %mul3A_259 : vector<16xi32>
      %add3A_261 = arith.addi %mul3A_260, %get3A_257 : vector<16xi32>
      %swap3A_262 = arith.constant 0 : i32
      %swap3A_263 = arith.index_cast %swap3A_262 : i32 to index
      %swap3A_264 = arith.constant 0 : index
      %swap3A_265 = tpu.vector_load %arg8[%swap3A_263, %swap3A_264] {strides = array<i32>} : memref<1x128xi32, #tpu.memory_space<vmem>>, vector<16xi32>,
      tpu.vector_store %arg8[%swap3A_263, %swap3A_264], %add3A_261 {strides = array<i32>} : memref<1x128xi32, #tpu.memory_space<vmem>>, vector<16xi32>,
      %get3A_266 = arith.constant 16 : index
      %get3A_267 = tpu.vector_load %arg6[%get3A_266] {strides = array<i32>} : memref<256xi32, #tpu.memory_space<vmem>>, vector<16xi32>,
      %get3A_268 = arith.constant 144 : index
      %get3A_269 = tpu.vector_load %arg6[%get3A_268] {strides = array<i32>} : memref<256xi32, #tpu.memory_space<vmem>>, vector<16xi32>,
      %mul3A_270 = arith.constant 8 : i32
      %mul3A_271 = vector.broadcast %mul3A_270 : i32 to vector<16xi32>
      %mul3A_272 = arith.muli %get3A_267, %mul3A_271 : vector<16xi32>
      %add3A_273 = arith.addi %mul3A_272, %get3A_269 : vector<16xi32>
      %swap3A_274 = arith.constant 0 : i32
      %swap3A_275 = arith.index_cast %swap3A_274 : i32 to index
      %swap3A_276 = arith.constant 16 : index
      %swap3A_277 = tpu.vector_load %arg8[%swap3A_275, %swap3A_276] {strides = array<i32>} : memref<1x128xi32, #tpu.memory_space<vmem>>, vector<16xi32>,
      tpu.vector_store %arg8[%swap3A_275, %swap3A_276], %add3A_273 {strides = array<i32>} : memref<1x128xi32, #tpu.memory_space<vmem>>, vector<16xi32>,
      %get3A_278 = arith.constant 32 : index
      %get3A_279 = tpu.vector_load %arg6[%get3A_278] {strides = array<i32>} : memref<256xi32, #tpu.memory_space<vmem>>, vector<16xi32>,
      %get3A_280 = arith.constant 160 : index
      %get3A_281 = tpu.vector_load %arg6[%get3A_280] {strides = array<i32>} : memref<256xi32, #tpu.memory_space<vmem>>, vector<16xi32>,
      %mul3A_282 = arith.constant 8 : i32
      %mul3A_283 = vector.broadcast %mul3A_282 : i32 to vector<16xi32>
      %mul3A_284 = arith.muli %get3A_279, %mul3A_283 : vector<16xi32>
      %add3A_285 = arith.addi %mul3A_284, %get3A_281 : vector<16xi32>
      %swap3A_286 = arith.constant 0 : i32
      %swap3A_287 = arith.index_cast %swap3A_286 : i32 to index
      %swap3A_288 = arith.constant 32 : index
      %swap3A_289 = tpu.vector_load %arg8[%swap3A_287, %swap3A_288] {strides = array<i32>} : memref<1x128xi32, #tpu.memory_space<vmem>>, vector<16xi32>,
      tpu.vector_store %arg8[%swap3A_287, %swap3A_288], %add3A_285 {strides = array<i32>} : memref<1x128xi32, #tpu.memory_space<vmem>>, vector<16xi32>,
      %get3A_290 = arith.constant 48 : index
      %get3A_291 = tpu.vector_load %arg6[%get3A_290] {strides = array<i32>} : memref<256xi32, #tpu.memory_space<vmem>>, vector<16xi32>,
      %get3A_292 = arith.constant 176 : index
      %get3A_293 = tpu.vector_load %arg6[%get3A_292] {strides = array<i32>} : memref<256xi32, #tpu.memory_space<vmem>>, vector<16xi32>,
      %mul3A_294 = arith.constant 8 : i32
      %mul3A_295 = vector.broadcast %mul3A_294 : i32 to vector<16xi32>
      %mul3A_296 = arith.muli %get3A_291, %mul3A_295 : vector<16xi32>
      %add3A_297 = arith.addi %mul3A_296, %get3A_293 : vector<16xi32>
      %swap3A_298 = arith.constant 0 : i32
      %swap3A_299 = arith.index_cast %swap3A_298 : i32 to index
      %swap3A_300 = arith.constant 48 : index
      %swap3A_301 = tpu.vector_load %arg8[%swap3A_299, %swap3A_300] {strides = array<i32>} : memref<1x128xi32, #tpu.memory_space<vmem>>, vector<16xi32>,
      tpu.vector_store %arg8[%swap3A_299, %swap3A_300], %add3A_297 {strides = array<i32>} : memref<1x128xi32, #tpu.memory_space<vmem>>, vector<16xi32>,
      %get3A_302 = arith.constant 64 : index
      %get3A_303 = tpu.vector_load %arg6[%get3A_302] {strides = array<i32>} : memref<256xi32, #tpu.memory_space<vmem>>, vector<16xi32>,
      %get3A_304 = arith.constant 192 : index
      %get3A_305 = tpu.vector_load %arg6[%get3A_304] {strides = array<i32>} : memref<256xi32, #tpu.memory_space<vmem>>, vector<16xi32>,
      %mul3A_306 = arith.constant 8 : i32
      %mul3A_307 = vector.broadcast %mul3A_306 : i32 to vector<16xi32>
      %mul3A_308 = arith.muli %get3A_303, %mul3A_307 : vector<16xi32>
      %add3A_309 = arith.addi %mul3A_308, %get3A_305 : vector<16xi32>
      %swap3A_310 = arith.constant 0 : i32
      %swap3A_311 = arith.index_cast %swap3A_310 : i32 to index
      %swap3A_312 = arith.constant 64 : index
      %swap3A_313 = tpu.vector_load %arg8[%swap3A_311, %swap3A_312] {strides = array<i32>} : memref<1x128xi32, #tpu.memory_space<vmem>>, vector<16xi32>,
      tpu.vector_store %arg8[%swap3A_311, %swap3A_312], %add3A_309 {strides = array<i32>} : memref<1x128xi32, #tpu.memory_space<vmem>>, vector<16xi32>,
      %get3A_314 = arith.constant 80 : index
      %get3A_315 = tpu.vector_load %arg6[%get3A_314] {strides = array<i32>} : memref<256xi32, #tpu.memory_space<vmem>>, vector<16xi32>,
      %get3A_316 = arith.constant 208 : index
      %get3A_317 = tpu.vector_load %arg6[%get3A_316] {strides = array<i32>} : memref<256xi32, #tpu.memory_space<vmem>>, vector<16xi32>,
      %mul3A_318 = arith.constant 8 : i32
      %mul3A_319 = vector.broadcast %mul3A_318 : i32 to vector<16xi32>
      %mul3A_320 = arith.muli %get3A_315, %mul3A_319 : vector<16xi32>
      %add3A_321 = arith.addi %mul3A_320, %get3A_317 : vector<16xi32>
      %swap3A_322 = arith.constant 0 : i32
      %swap3A_323 = arith.index_cast %swap3A_322 : i32 to index
      %swap3A_324 = arith.constant 80 : index
      %swap3A_325 = tpu.vector_load %arg8[%swap3A_323, %swap3A_324] {strides = array<i32>} : memref<1x128xi32, #tpu.memory_space<vmem>>, vector<16xi32>,
      tpu.vector_store %arg8[%swap3A_323, %swap3A_324], %add3A_321 {strides = array<i32>} : memref<1x128xi32, #tpu.memory_space<vmem>>, vector<16xi32>,
      %get3A_326 = arith.constant 96 : index
      %get3A_327 = tpu.vector_load %arg6[%get3A_326] {strides = array<i32>} : memref<256xi32, #tpu.memory_space<vmem>>, vector<16xi32>,
      %get3A_328 = arith.constant 224 : index
      %get3A_329 = tpu.vector_load %arg6[%get3A_328] {strides = array<i32>} : memref<256xi32, #tpu.memory_space<vmem>>, vector<16xi32>,
      %mul3A_330 = arith.constant 8 : i32
      %mul3A_331 = vector.broadcast %mul3A_330 : i32 to vector<16xi32>
      %mul3A_332 = arith.muli %get3A_327, %mul3A_331 : vector<16xi32>
      %add3A_333 = arith.addi %mul3A_332, %get3A_329 : vector<16xi32>
      %swap3A_334 = arith.constant 0 : i32
      %swap3A_335 = arith.index_cast %swap3A_334 : i32 to index
      %swap3A_336 = arith.constant 96 : index
      %swap3A_337 = tpu.vector_load %arg8[%swap3A_335, %swap3A_336] {strides = array<i32>} : memref<1x128xi32, #tpu.memory_space<vmem>>, vector<16xi32>,
      tpu.vector_store %arg8[%swap3A_335, %swap3A_336], %add3A_333 {strides = array<i32>} : memref<1x128xi32, #tpu.memory_space<vmem>>, vector<16xi32>,
      %get3A_338 = arith.constant 112 : index
      %get3A_339 = tpu.vector_load %arg6[%get3A_338] {strides = array<i32>} : memref<256xi32, #tpu.memory_space<vmem>>, vector<16xi32>,
      %get3A_340 = arith.constant 240 : index
      %get3A_341 = tpu.vector_load %arg6[%get3A_340] {strides = array<i32>} : memref<256xi32, #tpu.memory_space<vmem>>, vector<16xi32>,
      %mul3A_342 = arith.constant 8 : i32
      %mul3A_343 = vector.broadcast %mul3A_342 : i32 to vector<16xi32>
      %mul3A_344 = arith.muli %get3A_339, %mul3A_343 : vector<16xi32>
      %add3A_345 = arith.addi %mul3A_344, %get3A_341 : vector<16xi32>
      %swap3A_346 = arith.constant 0 : i32
      %swap3A_347 = arith.index_cast %swap3A_346 : i32 to index
      %swap3A_348 = arith.constant 112 : index
      %swap3A_349 = tpu.vector_load %arg8[%swap3A_347, %swap3A_348] {strides = array<i32>} : memref<1x128xi32, #tpu.memory_space<vmem>>, vector<16xi32>,
      tpu.vector_store %arg8[%swap3A_347, %swap3A_348], %add3A_345 {strides = array<i32>} : memref<1x128xi32, #tpu.memory_space<vmem>>, vector<16xi32>,
      %add3A_350 = arith.constant 2 : i32
      %add3A_351 = arith.addi %add3A_233, %add3A_350 : i32
      %lt3A_352 = arith.constant 78 : i32
      %lt3A_353 = arith.cmpi slt, %add3A_351, %lt3A_352 : i32
      %convert_element_type3A_354 = arith.extui %lt3A_353 : i1 to i32
      %cond3A_355 = arith.constant 0 : i32
      %cond3A_356 = arith.cmpi ne, %convert_element_type3A_354, %cond3A_355 : i32
      scf.if %cond3A_356 {
        %add3A_363 = arith.constant 2 : i32
        %add3A_364 = arith.addi %add3A_233, %add3A_363 : i32
        %mul3A_365 = arith.constant 128 : i32
        %mul3A_366 = arith.muli %add3A_364, %mul3A_365 : i32
        %add3A_367 = arith.addi %mul3A_39, %mul3A_366 : i32
        %dma_start3A_368 = arith.constant 0 : i32
        %dma_start3A_369 = tpu.memref_slice %arg6[%dma_start3A_368] : memref<256xi32, #tpu.memory_space<vmem>> -> memref<128xi32, #tpu.memory_space<vmem>>
        %dma_start3A_370 = tpu.memref_slice %arg2[%add3A_367] : memref<320000xi32, #tpu.memory_space<hbm>> -> memref<128xi32, #tpu.memory_space<hbm>>
        %dma_start3A_371 = arith.constant 0 : i32
        %dma_start3A_372 = tpu.memref_slice %arg6[%dma_start3A_371] : memref<256xi32, #tpu.memory_space<vmem>> -> memref<128xi32, #tpu.memory_space<vmem>>
        %dma_start3A_373 = tpu.memref_slice %arg2[%add3A_367] : memref<320000xi32, #tpu.memory_space<hbm>> -> memref<128xi32, #tpu.memory_space<hbm>>
        tpu.enqueue_dma source(%dma_start3A_373 : memref<128xi32, #tpu.memory_space<hbm>>) target(%dma_start3A_372 : memref<128xi32, #tpu.memory_space<vmem>>) target_semaphore(%arg14 : memref<!tpu.dma_semaphore, #tpu.memory_space<semaphore_mem>>)
        %dma_start3A_374 = arith.constant 128 : i32
        %dma_start3A_375 = tpu.memref_slice %arg6[%dma_start3A_374] : memref<256xi32, #tpu.memory_space<vmem>> -> memref<128xi32, #tpu.memory_space<vmem>>
        %dma_start3A_376 = tpu.memref_slice %arg3[%add3A_367] : memref<320000xi32, #tpu.memory_space<hbm>> -> memref<128xi32, #tpu.memory_space<hbm>>
        %dma_start3A_377 = arith.constant 128 : i32
        %dma_start3A_378 = tpu.memref_slice %arg6[%dma_start3A_377] : memref<256xi32, #tpu.memory_space<vmem>> -> memref<128xi32, #tpu.memory_space<vmem>>
        %dma_start3A_379 = tpu.memref_slice %arg3[%add3A_367] : memref<320000xi32, #tpu.memory_space<hbm>> -> memref<128xi32, #tpu.memory_space<hbm>>
        tpu.enqueue_dma source(%dma_start3A_379 : memref<128xi32, #tpu.memory_space<hbm>>) target(%dma_start3A_378 : memref<128xi32, #tpu.memory_space<vmem>>) target_semaphore(%arg14 : memref<!tpu.dma_semaphore, #tpu.memory_space<semaphore_mem>>)
      } else {
      }
      %dma_start3A_357 = arith.constant 0 : i32
      %dma_start3A_358 = arith.constant 0 : i32
      %dma_start3A_359 = tpu.memref_slice %arg8[%dma_start3A_357, %dma_start3A_358] : memref<1x128xi32, #tpu.memory_space<vmem>> -> memref<1x128xi32, #tpu.memory_space<vmem>>
      %dma_start3A_360 = tpu.memref_squeeze %dma_start3A_359 : memref<1x128xi32, #tpu.memory_space<vmem>> -> memref<128xi32, #tpu.memory_space<vmem>>
      %dma_start3A_361 = arith.constant 0 : i32
      %dma_start3A_362 = tpu.memref_slice %arg12[%dma_start3A_361] : memref<81920xf32, #tpu.memory_space<vmem_shared>> -> memref<81920xf32, #tpu.memory_space<vmem_shared>>
      tpu.enqueue_indirect_dma source(%arg10 : memref<128xf32, #tpu.memory_space<vmem>>) target(%dma_start3A_362 : memref<81920xf32, #tpu.memory_space<vmem_shared>>) offsets(%dma_start3A_360 : memref<128xi32, #tpu.memory_space<vmem>>) semaphore(%arg16 : memref<!tpu.dma_semaphore, #tpu.memory_space<semaphore_mem>>) {add = true}
    }
    %scan3A_72 = arith.constant 39 : i32
    %dma_wait3A = arith.constant 0 : i32
    %dma_wait3A_73 = arith.constant 0 : i32
    %dma_wait3A_74 = tpu.memref_slice %arg7[%dma_wait3A, %dma_wait3A_73] : memref<1x128xi32, #tpu.memory_space<vmem>> -> memref<1x128xi32, #tpu.memory_space<vmem>>
    %dma_wait3A_75 = tpu.memref_squeeze %dma_wait3A_74 : memref<1x128xi32, #tpu.memory_space<vmem>> -> memref<128xi32, #tpu.memory_space<vmem>>
    %dma_wait3A_76 = arith.constant 0 : i32
    %dma_wait3A_77 = tpu.memref_slice %arg12[%dma_wait3A_76] : memref<81920xf32, #tpu.memory_space<vmem_shared>> -> memref<81920xf32, #tpu.memory_space<vmem_shared>>
    tpu.wait_indirect_dma semaphore(%arg15 : memref<!tpu.dma_semaphore, #tpu.memory_space<semaphore_mem>>) src(%arg10 : memref<128xf32, #tpu.memory_space<vmem>>) dst(%dma_wait3A_77 : memref<81920xf32, #tpu.memory_space<vmem_shared>>)
    %dma_wait3A_78 = arith.constant 0 : i32
    %dma_wait3A_79 = arith.constant 0 : i32
    %dma_wait3A_80 = tpu.memref_slice %arg8[%dma_wait3A_78, %dma_wait3A_79] : memref<1x128xi32, #tpu.memory_space<vmem>> -> memref<1x128xi32, #tpu.memory_space<vmem>>
    %dma_wait3A_81 = tpu.memref_squeeze %dma_wait3A_80 : memref<1x128xi32, #tpu.memory_space<vmem>> -> memref<128xi32, #tpu.memory_space<vmem>>
    %dma_wait3A_82 = arith.constant 0 : i32
    %dma_wait3A_83 = tpu.memref_slice %arg12[%dma_wait3A_82] : memref<81920xf32, #tpu.memory_space<vmem_shared>> -> memref<81920xf32, #tpu.memory_space<vmem_shared>>
    tpu.wait_indirect_dma semaphore(%arg16 : memref<!tpu.dma_semaphore, #tpu.memory_space<semaphore_mem>>) src(%arg10 : memref<128xf32, #tpu.memory_space<vmem>>) dst(%dma_wait3A_83 : memref<81920xf32, #tpu.memory_space<vmem_shared>>)
    %add3A_84 = arith.constant 9984 : i32
    %add3A_85 = arith.addi %mul3A_39, %add3A_84 : i32
    "tpu.region"() ({
      %run_scoped3A_102 = tpu.sem_alloc : memref<!tpu.dma_semaphore, #tpu.memory_space<semaphore_mem>>
      %dma_start3A_103 = arith.constant 0 : i32
      %dma_start3A_104 = tpu.memref_slice %arg5[%dma_start3A_103] : memref<256xi32, #tpu.memory_space<vmem>> -> memref<16xi32, #tpu.memory_space<vmem>>
      %dma_start3A_105 = tpu.memref_slice %arg2[%add3A_85] : memref<320000xi32, #tpu.memory_space<hbm>> -> memref<16xi32, #tpu.memory_space<hbm>>
      %dma_start3A_106 = arith.constant 0 : i32
      %dma_start3A_107 = tpu.memref_slice %arg5[%dma_start3A_106] : memref<256xi32, #tpu.memory_space<vmem>> -> memref<16xi32, #tpu.memory_space<vmem>>
      %dma_start3A_108 = tpu.memref_slice %arg2[%add3A_85] : memref<320000xi32, #tpu.memory_space<hbm>> -> memref<16xi32, #tpu.memory_space<hbm>>
      tpu.enqueue_dma source(%dma_start3A_108 : memref<16xi32, #tpu.memory_space<hbm>>) target(%dma_start3A_107 : memref<16xi32, #tpu.memory_space<vmem>>) target_semaphore(%run_scoped3A_102 : memref<!tpu.dma_semaphore, #tpu.memory_space<semaphore_mem>>)
      %dma_wait3A_109 = arith.constant 0 : i32
      %dma_wait3A_110 = tpu.memref_slice %arg5[%dma_wait3A_109] : memref<256xi32, #tpu.memory_space<vmem>> -> memref<16xi32, #tpu.memory_space<vmem>>
      %dma_wait3A_111 = tpu.memref_slice %arg2[%add3A_85] : memref<320000xi32, #tpu.memory_space<hbm>> -> memref<16xi32, #tpu.memory_space<hbm>>
      %dma_wait3A_112 = arith.constant 0 : i32
      %dma_wait3A_113 = tpu.memref_slice %arg5[%dma_wait3A_112] : memref<256xi32, #tpu.memory_space<vmem>> -> memref<16xi32, #tpu.memory_space<vmem>>
      %dma_wait3A_114 = tpu.memref_slice %arg2[%add3A_85] : memref<320000xi32, #tpu.memory_space<hbm>> -> memref<16xi32, #tpu.memory_space<hbm>>
      tpu.wait_dma2 semaphore(%run_scoped3A_102 : memref<!tpu.dma_semaphore, #tpu.memory_space<semaphore_mem>>) src(%dma_wait3A_114 : memref<16xi32, #tpu.memory_space<hbm>>) dst(%dma_wait3A_113 : memref<16xi32, #tpu.memory_space<vmem>>)
      tpu.yield
    }) : () -> ()
    "tpu.region"() ({
      %run_scoped3A_102 = tpu.sem_alloc : memref<!tpu.dma_semaphore, #tpu.memory_space<semaphore_mem>>
      %dma_start3A_103 = arith.constant 128 : i32
      %dma_start3A_104 = tpu.memref_slice %arg5[%dma_start3A_103] : memref<256xi32, #tpu.memory_space<vmem>> -> memref<16xi32, #tpu.memory_space<vmem>>
      %dma_start3A_105 = tpu.memref_slice %arg3[%add3A_85] : memref<320000xi32, #tpu.memory_space<hbm>> -> memref<16xi32, #tpu.memory_space<hbm>>
      %dma_start3A_106 = arith.constant 128 : i32
      %dma_start3A_107 = tpu.memref_slice %arg5[%dma_start3A_106] : memref<256xi32, #tpu.memory_space<vmem>> -> memref<16xi32, #tpu.memory_space<vmem>>
      %dma_start3A_108 = tpu.memref_slice %arg3[%add3A_85] : memref<320000xi32, #tpu.memory_space<hbm>> -> memref<16xi32, #tpu.memory_space<hbm>>
      tpu.enqueue_dma source(%dma_start3A_108 : memref<16xi32, #tpu.memory_space<hbm>>) target(%dma_start3A_107 : memref<16xi32, #tpu.memory_space<vmem>>) target_semaphore(%run_scoped3A_102 : memref<!tpu.dma_semaphore, #tpu.memory_space<semaphore_mem>>)
      %dma_wait3A_109 = arith.constant 128 : i32
      %dma_wait3A_110 = tpu.memref_slice %arg5[%dma_wait3A_109] : memref<256xi32, #tpu.memory_space<vmem>> -> memref<16xi32, #tpu.memory_space<vmem>>
      %dma_wait3A_111 = tpu.memref_slice %arg3[%add3A_85] : memref<320000xi32, #tpu.memory_space<hbm>> -> memref<16xi32, #tpu.memory_space<hbm>>
      %dma_wait3A_112 = arith.constant 128 : i32
      %dma_wait3A_113 = tpu.memref_slice %arg5[%dma_wait3A_112] : memref<256xi32, #tpu.memory_space<vmem>> -> memref<16xi32, #tpu.memory_space<vmem>>
      %dma_wait3A_114 = tpu.memref_slice %arg3[%add3A_85] : memref<320000xi32, #tpu.memory_space<hbm>> -> memref<16xi32, #tpu.memory_space<hbm>>
      tpu.wait_dma2 semaphore(%run_scoped3A_102 : memref<!tpu.dma_semaphore, #tpu.memory_space<semaphore_mem>>) src(%dma_wait3A_114 : memref<16xi32, #tpu.memory_space<hbm>>) dst(%dma_wait3A_113 : memref<16xi32, #tpu.memory_space<vmem>>)
      tpu.yield
    }) : () -> ()
    %get3A = arith.constant 0 : index
    %get3A_86 = tpu.vector_load %arg5[%get3A] {strides = array<i32>} : memref<256xi32, #tpu.memory_space<vmem>>, vector<16xi32>,
    %mul3A_87 = arith.constant 8 : i32
    %mul3A_88 = vector.broadcast %mul3A_87 : i32 to vector<16xi32>
    %mul3A_89 = arith.muli %get3A_86, %mul3A_88 : vector<16xi32>
    %get3A_90 = arith.constant 128 : index
    %get3A_91 = tpu.vector_load %arg5[%get3A_90] {strides = array<i32>} : memref<256xi32, #tpu.memory_space<vmem>>, vector<16xi32>,
    %add3A_92 = arith.addi %mul3A_89, %get3A_91 : vector<16xi32>
    %swap3A_93 = arith.constant 0 : i32
    %swap3A_94 = arith.index_cast %swap3A_93 : i32 to index
    %swap3A_95 = arith.constant 0 : index
    %swap3A_96 = tpu.vector_load %arg9[%swap3A_94, %swap3A_95] {strides = array<i32>} : memref<1x16xi32, #tpu.memory_space<vmem>>, vector<16xi32>,
    tpu.vector_store %arg9[%swap3A_94, %swap3A_95], %add3A_92 {strides = array<i32>} : memref<1x16xi32, #tpu.memory_space<vmem>>, vector<16xi32>,
    %run_scoped3A = arith.constant 0 : i32
    "tpu.region"() ({
      %run_scoped3A_102 = tpu.sem_alloc : memref<!tpu.dma_semaphore, #tpu.memory_space<semaphore_mem>>
      %dma_start3A_103 = arith.constant 0 : i32
      %dma_start3A_104 = tpu.memref_slice %arg10[%dma_start3A_103] : memref<128xf32, #tpu.memory_space<vmem>> -> memref<16xf32, #tpu.memory_space<vmem>>
      %dma_start3A_105 = arith.constant 0 : i32
      %dma_start3A_106 = tpu.memref_slice %arg9[%run_scoped3A, %dma_start3A_105] : memref<1x16xi32, #tpu.memory_space<vmem>> -> memref<1x16xi32, #tpu.memory_space<vmem>>
      %dma_start3A_107 = tpu.memref_squeeze %dma_start3A_106 : memref<1x16xi32, #tpu.memory_space<vmem>> -> memref<16xi32, #tpu.memory_space<vmem>>
      %dma_start3A_108 = arith.constant 0 : i32
      %dma_start3A_109 = tpu.memref_slice %arg12[%dma_start3A_108] : memref<81920xf32, #tpu.memory_space<vmem_shared>> -> memref<81920xf32, #tpu.memory_space<vmem_shared>>
      tpu.enqueue_indirect_dma source(%dma_start3A_104 : memref<16xf32, #tpu.memory_space<vmem>>) target(%dma_start3A_109 : memref<81920xf32, #tpu.memory_space<vmem_shared>>) offsets(%dma_start3A_107 : memref<16xi32, #tpu.memory_space<vmem>>) semaphore(%run_scoped3A_102 : memref<!tpu.dma_semaphore, #tpu.memory_space<semaphore_mem>>) {add = true}
      %dma_wait3A_110 = arith.constant 0 : i32
      %dma_wait3A_111 = tpu.memref_slice %arg10[%dma_wait3A_110] : memref<128xf32, #tpu.memory_space<vmem>> -> memref<16xf32, #tpu.memory_space<vmem>>
      %dma_wait3A_112 = arith.constant 0 : i32
      %dma_wait3A_113 = tpu.memref_slice %arg9[%run_scoped3A, %dma_wait3A_112] : memref<1x16xi32, #tpu.memory_space<vmem>> -> memref<1x16xi32, #tpu.memory_space<vmem>>
      %dma_wait3A_114 = tpu.memref_squeeze %dma_wait3A_113 : memref<1x16xi32, #tpu.memory_space<vmem>> -> memref<16xi32, #tpu.memory_space<vmem>>
      %dma_wait3A_115 = arith.constant 0 : i32
      %dma_wait3A_116 = tpu.memref_slice %arg12[%dma_wait3A_115] : memref<81920xf32, #tpu.memory_space<vmem_shared>> -> memref<81920xf32, #tpu.memory_space<vmem_shared>>
      tpu.wait_indirect_dma semaphore(%run_scoped3A_102 : memref<!tpu.dma_semaphore, #tpu.memory_space<semaphore_mem>>) src(%dma_wait3A_111 : memref<16xf32, #tpu.memory_space<vmem>>) dst(%dma_wait3A_116 : memref<81920xf32, #tpu.memory_space<vmem_shared>>)
      tpu.yield
    }) : () -> ()
    %barrier3A_97 = arith.constant 0 : index
    tpu.barrier barrier_id(%barrier3A_97)
    %mul3A_98 = arith.constant 5120 : i32
    %mul3A_99 = arith.muli %arg1, %mul3A_98 : i32
    %mul3A_100 = arith.constant 5120 : i32
    %mul3A_101 = arith.muli %arg1, %mul3A_100 : i32
    "tpu.region"() ({
      %run_scoped3A_102 = tpu.sem_alloc : memref<!tpu.dma_semaphore, #tpu.memory_space<semaphore_mem>>
      %dma_start3A_103 = tpu.memref_slice %arg4[%arg0, %mul3A_101] : memref<2x81920xf32, #tpu.memory_space<hbm>> -> memref<1x5120xf32, #tpu.memory_space<hbm>>
      %dma_start3A_104 = tpu.memref_squeeze %dma_start3A_103 : memref<1x5120xf32, #tpu.memory_space<hbm>> -> memref<5120xf32, #tpu.memory_space<hbm>>
      %dma_start3A_105 = tpu.memref_slice %arg12[%mul3A_99] : memref<81920xf32, #tpu.memory_space<vmem_shared>> -> memref<5120xf32, #tpu.memory_space<vmem_shared>>
      tpu.enqueue_dma source(%dma_start3A_105 : memref<5120xf32, #tpu.memory_space<vmem_shared>>) target(%dma_start3A_104 : memref<5120xf32, #tpu.memory_space<hbm>>) target_semaphore(%run_scoped3A_102 : memref<!tpu.dma_semaphore, #tpu.memory_space<semaphore_mem>>)
      %dma_wait3A_106 = tpu.memref_slice %arg4[%arg0, %mul3A_101] : memref<2x81920xf32, #tpu.memory_space<hbm>> -> memref<1x5120xf32, #tpu.memory_space<hbm>>
      %dma_wait3A_107 = tpu.memref_squeeze %dma_wait3A_106 : memref<1x5120xf32, #tpu.memory_space<hbm>> -> memref<5120xf32, #tpu.memory_space<hbm>>
      %dma_wait3A_108 = tpu.memref_slice %arg12[%mul3A_99] : memref<81920xf32, #tpu.memory_space<vmem_shared>> -> memref<5120xf32, #tpu.memory_space<vmem_shared>>
      tpu.wait_dma2 semaphore(%run_scoped3A_102 : memref<!tpu.dma_semaphore, #tpu.memory_space<semaphore_mem>>) src(%dma_wait3A_108 : memref<5120xf32, #tpu.memory_space<vmem_shared>>) dst(%dma_wait3A_107 : memref<5120xf32, #tpu.memory_space<hbm>>)
      tpu.yield
    }) : () -> ()
    return
  }
}

#map = affine_map<(d0, d1) -> (0)>
#map1 = affine_map<(d0, d1) -> (0, 0)>
#map2 = affine_map<(d0, d1) -> (0, 0, 0)>
module attributes {stable_mosaic.version = 14 : i64} {
  func.func @_scatter_body(%arg0: i32, %arg1: i32, %arg2: memref<320000xi32, #tpu.memory_space<hbm>>, %arg3: memref<320000xi32, #tpu.memory_space<hbm>>, %arg4: memref<320000xi32, #tpu.memory_space<hbm>>, %arg5: memref<80000x128xf32, #tpu.memory_space<hbm>>, %arg6: memref<81920xf32, #tpu.memory_space<hbm>>, %arg7: memref<2x10240x128xf32, #tpu.memory_space<hbm>>, %arg8: memref<384xi32, #tpu.memory_space<vmem>>, %arg9: memref<384xi32, #tpu.memory_space<vmem>>, %arg10: memref<1x128xi32, #tpu.memory_space<vmem>>, %arg11: memref<1x128xi32, #tpu.memory_space<vmem>>, %arg12: memref<1x128xi32, #tpu.memory_space<vmem>>, %arg13: memref<1x128xi32, #tpu.memory_space<vmem>>, %arg14: memref<1x128xi32, #tpu.memory_space<vmem>>, %arg15: memref<1x128xi32, #tpu.memory_space<vmem>>, %arg16: memref<1x16xi32, #tpu.memory_space<vmem>>, %arg17: memref<1x16xi32, #tpu.memory_space<vmem>>, %arg18: memref<1x16xi32, #tpu.memory_space<vmem>>, %arg19: memref<128xf32, #tpu.memory_space<vmem>>, %arg20: memref<128xf32, #tpu.memory_space<vmem>>, %arg21: memref<128x128xf32, #tpu.memory_space<vmem>>, %arg22: memref<128x128xf32, #tpu.memory_space<vmem>>, %arg23: memref<16x128xf32, #tpu.memory_space<vmem>>, %arg24: memref<10240x128xf32, #tpu.memory_space<vmem_shared>>, %arg25: memref<!tpu.dma_semaphore, #tpu.memory_space<semaphore_mem>>, %arg26: memref<!tpu.dma_semaphore, #tpu.memory_space<semaphore_mem>>, %arg27: memref<!tpu.dma_semaphore, #tpu.memory_space<semaphore_mem>>, %arg28: memref<!tpu.dma_semaphore, #tpu.memory_space<semaphore_mem>>, %arg29: memref<!tpu.dma_semaphore, #tpu.memory_space<semaphore_mem>>, %arg30: memref<!tpu.dma_semaphore, #tpu.memory_space<semaphore_mem>>) attributes {dimension_semantics = [#tpu.dimension_semantics<core_parallel>, #tpu.dimension_semantics<subcore_parallel>], iteration_bounds = array<i64: 2, 16>, scalar_prefetch = 0 : i64, scratch_operands = 23 : i64, tpu.core_type = #tpu.core_type<sc_vector_subcore>, window_params = [{transform_indices = #map}, {transform_indices = #map}, {transform_indices = #map}, {transform_indices = #map1}, {transform_indices = #map}, {transform_indices = #map2}]} {
    %mul3A = arith.constant 16 : i32
    %mul3A_0 = arith.muli %arg0, %mul3A : i32
    %add3A = arith.addi %mul3A_0, %arg1 : i32
    %scan3A = arith.constant 0 : i32
    %scan3A_1 = arith.constant 0 : i32
    %scan3A_2 = arith.constant 16 : i32
    %scan3A_3 = arith.addi %scan3A_1, %scan3A_2 : i32
    %scan3A_4 = arith.constant 1 : i32
    scf.for %scan3A_406 = %scan3A_1 to %scan3A_3 step %scan3A_4  : i32 {
      %broadcast_in_dim3A = arith.constant 0.000000e+00 : f32
      %broadcast_in_dim3A_407 = vector.broadcast %broadcast_in_dim3A : f32 to vector<16xf32>
      %swap3A_408 = arith.index_cast %scan3A_406 : i32 to index
      %swap3A_409 = arith.constant 0 : index
      %swap3A_410 = tpu.vector_load %arg23[%swap3A_408, %swap3A_409] {strides = array<i32>} : memref<16x128xf32, #tpu.memory_space<vmem>>, vector<16xf32>,
      tpu.vector_store %arg23[%swap3A_408, %swap3A_409], %broadcast_in_dim3A_407 {strides = array<i32>} : memref<16x128xf32, #tpu.memory_space<vmem>>, vector<16xf32>,
      %broadcast_in_dim3A_411 = arith.constant 0.000000e+00 : f32
      %broadcast_in_dim3A_412 = vector.broadcast %broadcast_in_dim3A_411 : f32 to vector<16xf32>
      %swap3A_413 = arith.index_cast %scan3A_406 : i32 to index
      %swap3A_414 = arith.constant 16 : index
      %swap3A_415 = tpu.vector_load %arg23[%swap3A_413, %swap3A_414] {strides = array<i32>} : memref<16x128xf32, #tpu.memory_space<vmem>>, vector<16xf32>,
      tpu.vector_store %arg23[%swap3A_413, %swap3A_414], %broadcast_in_dim3A_412 {strides = array<i32>} : memref<16x128xf32, #tpu.memory_space<vmem>>, vector<16xf32>,
      %broadcast_in_dim3A_416 = arith.constant 0.000000e+00 : f32
      %broadcast_in_dim3A_417 = vector.broadcast %broadcast_in_dim3A_416 : f32 to vector<16xf32>
      %swap3A_418 = arith.index_cast %scan3A_406 : i32 to index
      %swap3A_419 = arith.constant 32 : index
      %swap3A_420 = tpu.vector_load %arg23[%swap3A_418, %swap3A_419] {strides = array<i32>} : memref<16x128xf32, #tpu.memory_space<vmem>>, vector<16xf32>,
      tpu.vector_store %arg23[%swap3A_418, %swap3A_419], %broadcast_in_dim3A_417 {strides = array<i32>} : memref<16x128xf32, #tpu.memory_space<vmem>>, vector<16xf32>,
      %broadcast_in_dim3A_421 = arith.constant 0.000000e+00 : f32
      %broadcast_in_dim3A_422 = vector.broadcast %broadcast_in_dim3A_421 : f32 to vector<16xf32>
      %swap3A_423 = arith.index_cast %scan3A_406 : i32 to index
      %swap3A_424 = arith.constant 48 : index
      %swap3A_425 = tpu.vector_load %arg23[%swap3A_423, %swap3A_424] {strides = array<i32>} : memref<16x128xf32, #tpu.memory_space<vmem>>, vector<16xf32>,
      tpu.vector_store %arg23[%swap3A_423, %swap3A_424], %broadcast_in_dim3A_422 {strides = array<i32>} : memref<16x128xf32, #tpu.memory_space<vmem>>, vector<16xf32>,
      %broadcast_in_dim3A_426 = arith.constant 0.000000e+00 : f32
      %broadcast_in_dim3A_427 = vector.broadcast %broadcast_in_dim3A_426 : f32 to vector<16xf32>
      %swap3A_428 = arith.index_cast %scan3A_406 : i32 to index
      %swap3A_429 = arith.constant 64 : index
      %swap3A_430 = tpu.vector_load %arg23[%swap3A_428, %swap3A_429] {strides = array<i32>} : memref<16x128xf32, #tpu.memory_space<vmem>>, vector<16xf32>,
      tpu.vector_store %arg23[%swap3A_428, %swap3A_429], %broadcast_in_dim3A_427 {strides = array<i32>} : memref<16x128xf32, #tpu.memory_space<vmem>>, vector<16xf32>,
      %broadcast_in_dim3A_431 = arith.constant 0.000000e+00 : f32
      %broadcast_in_dim3A_432 = vector.broadcast %broadcast_in_dim3A_431 : f32 to vector<16xf32>
      %swap3A_433 = arith.index_cast %scan3A_406 : i32 to index
      %swap3A_434 = arith.constant 80 : index
      %swap3A_435 = tpu.vector_load %arg23[%swap3A_433, %swap3A_434] {strides = array<i32>} : memref<16x128xf32, #tpu.memory_space<vmem>>, vector<16xf32>,
      tpu.vector_store %arg23[%swap3A_433, %swap3A_434], %broadcast_in_dim3A_432 {strides = array<i32>} : memref<16x128xf32, #tpu.memory_space<vmem>>, vector<16xf32>,
      %broadcast_in_dim3A_436 = arith.constant 0.000000e+00 : f32
      %broadcast_in_dim3A_437 = vector.broadcast %broadcast_in_dim3A_436 : f32 to vector<16xf32>
      %swap3A_438 = arith.index_cast %scan3A_406 : i32 to index
      %swap3A_439 = arith.constant 96 : index
      %swap3A_440 = tpu.vector_load %arg23[%swap3A_438, %swap3A_439] {strides = array<i32>} : memref<16x128xf32, #tpu.memory_space<vmem>>, vector<16xf32>,
      tpu.vector_store %arg23[%swap3A_438, %swap3A_439], %broadcast_in_dim3A_437 {strides = array<i32>} : memref<16x128xf32, #tpu.memory_space<vmem>>, vector<16xf32>,
      %broadcast_in_dim3A_441 = arith.constant 0.000000e+00 : f32
      %broadcast_in_dim3A_442 = vector.broadcast %broadcast_in_dim3A_441 : f32 to vector<16xf32>
      %swap3A_443 = arith.index_cast %scan3A_406 : i32 to index
      %swap3A_444 = arith.constant 112 : index
      %swap3A_445 = tpu.vector_load %arg23[%swap3A_443, %swap3A_444] {strides = array<i32>} : memref<16x128xf32, #tpu.memory_space<vmem>>, vector<16xf32>,
      tpu.vector_store %arg23[%swap3A_443, %swap3A_444], %broadcast_in_dim3A_442 {strides = array<i32>} : memref<16x128xf32, #tpu.memory_space<vmem>>, vector<16xf32>,
    }
    %scan3A_5 = arith.constant 16 : i32
    %scan3A_6 = arith.constant 0 : i32
    %scan3A_7 = arith.constant 0 : i32
    %scan3A_8 = arith.constant 40 : i32
    %scan3A_9 = arith.addi %scan3A_7, %scan3A_8 : i32
    %scan3A_10 = arith.constant 1 : i32
    scf.for %scan3A_406 = %scan3A_7 to %scan3A_9 step %scan3A_10  : i32 {
      %mul3A_407 = arith.constant 640 : i32
      %mul3A_408 = arith.muli %arg1, %mul3A_407 : i32
      %mul3A_409 = arith.constant 16 : i32
      %mul3A_410 = arith.muli %scan3A_406, %mul3A_409 : i32
      %add3A_411 = arith.addi %mul3A_408, %mul3A_410 : i32
      "tpu.region"() ({
        %run_scoped3A_412 = tpu.sem_alloc : memref<!tpu.dma_semaphore, #tpu.memory_space<semaphore_mem>>
        %dma_start3A_413 = arith.constant 0 : i32
        %dma_start3A_414 = tpu.memref_slice %arg24[%add3A_411, %dma_start3A_413] : memref<10240x128xf32, #tpu.memory_space<vmem_shared>> -> memref<16x128xf32, #tpu.memory_space<vmem_shared>>
        %dma_start3A_415 = arith.constant 0 : i32
        %dma_start3A_416 = tpu.memref_slice %arg24[%add3A_411, %dma_start3A_415] : memref<10240x128xf32, #tpu.memory_space<vmem_shared>> -> memref<16x128xf32, #tpu.memory_space<vmem_shared>>
        tpu.enqueue_dma source(%arg23 : memref<16x128xf32, #tpu.memory_space<vmem>>) target(%dma_start3A_416 : memref<16x128xf32, #tpu.memory_space<vmem_shared>>) target_semaphore(%run_scoped3A_412 : memref<!tpu.dma_semaphore, #tpu.memory_space<semaphore_mem>>)
        %dma_wait3A_417 = arith.constant 0 : i32
        %dma_wait3A_418 = tpu.memref_slice %arg24[%add3A_411, %dma_wait3A_417] : memref<10240x128xf32, #tpu.memory_space<vmem_shared>> -> memref<16x128xf32, #tpu.memory_space<vmem_shared>>
        %dma_wait3A_419 = arith.constant 0 : i32
        %dma_wait3A_420 = tpu.memref_slice %arg24[%add3A_411, %dma_wait3A_419] : memref<10240x128xf32, #tpu.memory_space<vmem_shared>> -> memref<16x128xf32, #tpu.memory_space<vmem_shared>>
        tpu.wait_dma2 semaphore(%run_scoped3A_412 : memref<!tpu.dma_semaphore, #tpu.memory_space<semaphore_mem>>) src(%arg23 : memref<16x128xf32, #tpu.memory_space<vmem>>) dst(%dma_wait3A_420 : memref<16x128xf32, #tpu.memory_space<vmem_shared>>)
        tpu.yield
      }) : () -> ()
    }
    %scan3A_11 = arith.constant 40 : i32
    %barrier3A = arith.constant 0 : index
    tpu.barrier barrier_id(%barrier3A)
    %mul3A_12 = arith.constant 10000 : i32
    %mul3A_13 = arith.muli %add3A, %mul3A_12 : i32
    %add3A_14 = arith.constant 0 : i32
    %add3A_15 = arith.addi %mul3A_13, %add3A_14 : i32
    %dma_start3A = arith.constant 0 : i32
    %dma_start3A_16 = tpu.memref_slice %arg8[%dma_start3A] : memref<384xi32, #tpu.memory_space<vmem>> -> memref<128xi32, #tpu.memory_space<vmem>>
    %dma_start3A_17 = tpu.memref_slice %arg2[%add3A_15] : memref<320000xi32, #tpu.memory_space<hbm>> -> memref<128xi32, #tpu.memory_space<hbm>>
    %dma_start3A_18 = arith.constant 0 : i32
    %dma_start3A_19 = tpu.memref_slice %arg8[%dma_start3A_18] : memref<384xi32, #tpu.memory_space<vmem>> -> memref<128xi32, #tpu.memory_space<vmem>>
    %dma_start3A_20 = tpu.memref_slice %arg2[%add3A_15] : memref<320000xi32, #tpu.memory_space<hbm>> -> memref<128xi32, #tpu.memory_space<hbm>>
    tpu.enqueue_dma source(%dma_start3A_20 : memref<128xi32, #tpu.memory_space<hbm>>) target(%dma_start3A_19 : memref<128xi32, #tpu.memory_space<vmem>>) target_semaphore(%arg25 : memref<!tpu.dma_semaphore, #tpu.memory_space<semaphore_mem>>)
    %dma_start3A_21 = arith.constant 128 : i32
    %dma_start3A_22 = tpu.memref_slice %arg8[%dma_start3A_21] : memref<384xi32, #tpu.memory_space<vmem>> -> memref<128xi32, #tpu.memory_space<vmem>>
    %dma_start3A_23 = tpu.memref_slice %arg3[%add3A_15] : memref<320000xi32, #tpu.memory_space<hbm>> -> memref<128xi32, #tpu.memory_space<hbm>>
    %dma_start3A_24 = arith.constant 128 : i32
    %dma_start3A_25 = tpu.memref_slice %arg8[%dma_start3A_24] : memref<384xi32, #tpu.memory_space<vmem>> -> memref<128xi32, #tpu.memory_space<vmem>>
    %dma_start3A_26 = tpu.memref_slice %arg3[%add3A_15] : memref<320000xi32, #tpu.memory_space<hbm>> -> memref<128xi32, #tpu.memory_space<hbm>>
    tpu.enqueue_dma source(%dma_start3A_26 : memref<128xi32, #tpu.memory_space<hbm>>) target(%dma_start3A_25 : memref<128xi32, #tpu.memory_space<vmem>>) target_semaphore(%arg25 : memref<!tpu.dma_semaphore, #tpu.memory_space<semaphore_mem>>)
    %dma_start3A_27 = arith.constant 256 : i32
    %dma_start3A_28 = tpu.memref_slice %arg8[%dma_start3A_27] : memref<384xi32, #tpu.memory_space<vmem>> -> memref<128xi32, #tpu.memory_space<vmem>>
    %dma_start3A_29 = tpu.memref_slice %arg4[%add3A_15] : memref<320000xi32, #tpu.memory_space<hbm>> -> memref<128xi32, #tpu.memory_space<hbm>>
    %dma_start3A_30 = arith.constant 256 : i32
    %dma_start3A_31 = tpu.memref_slice %arg8[%dma_start3A_30] : memref<384xi32, #tpu.memory_space<vmem>> -> memref<128xi32, #tpu.memory_space<vmem>>
    %dma_start3A_32 = tpu.memref_slice %arg4[%add3A_15] : memref<320000xi32, #tpu.memory_space<hbm>> -> memref<128xi32, #tpu.memory_space<hbm>>
    tpu.enqueue_dma source(%dma_start3A_32 : memref<128xi32, #tpu.memory_space<hbm>>) target(%dma_start3A_31 : memref<128xi32, #tpu.memory_space<vmem>>) target_semaphore(%arg25 : memref<!tpu.dma_semaphore, #tpu.memory_space<semaphore_mem>>)
    %add3A_33 = arith.constant 128 : i32
    %add3A_34 = arith.addi %mul3A_13, %add3A_33 : i32
    %dma_start3A_35 = arith.constant 0 : i32
    %dma_start3A_36 = tpu.memref_slice %arg9[%dma_start3A_35] : memref<384xi32, #tpu.memory_space<vmem>> -> memref<128xi32, #tpu.memory_space<vmem>>
    %dma_start3A_37 = tpu.memref_slice %arg2[%add3A_34] : memref<320000xi32, #tpu.memory_space<hbm>> -> memref<128xi32, #tpu.memory_space<hbm>>
    %dma_start3A_38 = arith.constant 0 : i32
    %dma_start3A_39 = tpu.memref_slice %arg9[%dma_start3A_38] : memref<384xi32, #tpu.memory_space<vmem>> -> memref<128xi32, #tpu.memory_space<vmem>>
    %dma_start3A_40 = tpu.memref_slice %arg2[%add3A_34] : memref<320000xi32, #tpu.memory_space<hbm>> -> memref<128xi32, #tpu.memory_space<hbm>>
    tpu.enqueue_dma source(%dma_start3A_40 : memref<128xi32, #tpu.memory_space<hbm>>) target(%dma_start3A_39 : memref<128xi32, #tpu.memory_space<vmem>>) target_semaphore(%arg26 : memref<!tpu.dma_semaphore, #tpu.memory_space<semaphore_mem>>)
    %dma_start3A_41 = arith.constant 128 : i32
    %dma_start3A_42 = tpu.memref_slice %arg9[%dma_start3A_41] : memref<384xi32, #tpu.memory_space<vmem>> -> memref<128xi32, #tpu.memory_space<vmem>>
    %dma_start3A_43 = tpu.memref_slice %arg3[%add3A_34] : memref<320000xi32, #tpu.memory_space<hbm>> -> memref<128xi32, #tpu.memory_space<hbm>>
    %dma_start3A_44 = arith.constant 128 : i32
    %dma_start3A_45 = tpu.memref_slice %arg9[%dma_start3A_44] : memref<384xi32, #tpu.memory_space<vmem>> -> memref<128xi32, #tpu.memory_space<vmem>>
    %dma_start3A_46 = tpu.memref_slice %arg3[%add3A_34] : memref<320000xi32, #tpu.memory_space<hbm>> -> memref<128xi32, #tpu.memory_space<hbm>>
    tpu.enqueue_dma source(%dma_start3A_46 : memref<128xi32, #tpu.memory_space<hbm>>) target(%dma_start3A_45 : memref<128xi32, #tpu.memory_space<vmem>>) target_semaphore(%arg26 : memref<!tpu.dma_semaphore, #tpu.memory_space<semaphore_mem>>)
    %dma_start3A_47 = arith.constant 256 : i32
    %dma_start3A_48 = tpu.memref_slice %arg9[%dma_start3A_47] : memref<384xi32, #tpu.memory_space<vmem>> -> memref<128xi32, #tpu.memory_space<vmem>>
    %dma_start3A_49 = tpu.memref_slice %arg4[%add3A_34] : memref<320000xi32, #tpu.memory_space<hbm>> -> memref<128xi32, #tpu.memory_space<hbm>>
    %dma_start3A_50 = arith.constant 256 : i32
    %dma_start3A_51 = tpu.memref_slice %arg9[%dma_start3A_50] : memref<384xi32, #tpu.memory_space<vmem>> -> memref<128xi32, #tpu.memory_space<vmem>>
    %dma_start3A_52 = tpu.memref_slice %arg4[%add3A_34] : memref<320000xi32, #tpu.memory_space<hbm>> -> memref<128xi32, #tpu.memory_space<hbm>>
    tpu.enqueue_dma source(%dma_start3A_52 : memref<128xi32, #tpu.memory_space<hbm>>) target(%dma_start3A_51 : memref<128xi32, #tpu.memory_space<vmem>>) target_semaphore(%arg26 : memref<!tpu.dma_semaphore, #tpu.memory_space<semaphore_mem>>)
    %add3A_53 = arith.constant 0 : i32
    %add3A_54 = arith.addi %mul3A_13, %add3A_53 : i32
    %dma_wait3A = arith.constant 0 : i32
    %dma_wait3A_55 = tpu.memref_slice %arg8[%dma_wait3A] : memref<384xi32, #tpu.memory_space<vmem>> -> memref<128xi32, #tpu.memory_space<vmem>>
    %dma_wait3A_56 = tpu.memref_slice %arg2[%add3A_54] : memref<320000xi32, #tpu.memory_space<hbm>> -> memref<128xi32, #tpu.memory_space<hbm>>
    %dma_wait3A_57 = arith.constant 0 : i32
    %dma_wait3A_58 = tpu.memref_slice %arg8[%dma_wait3A_57] : memref<384xi32, #tpu.memory_space<vmem>> -> memref<128xi32, #tpu.memory_space<vmem>>
    %dma_wait3A_59 = tpu.memref_slice %arg2[%add3A_54] : memref<320000xi32, #tpu.memory_space<hbm>> -> memref<128xi32, #tpu.memory_space<hbm>>
    tpu.wait_dma2 semaphore(%arg25 : memref<!tpu.dma_semaphore, #tpu.memory_space<semaphore_mem>>) src(%dma_wait3A_59 : memref<128xi32, #tpu.memory_space<hbm>>) dst(%dma_wait3A_58 : memref<128xi32, #tpu.memory_space<vmem>>)
    %dma_wait3A_60 = arith.constant 128 : i32
    %dma_wait3A_61 = tpu.memref_slice %arg8[%dma_wait3A_60] : memref<384xi32, #tpu.memory_space<vmem>> -> memref<128xi32, #tpu.memory_space<vmem>>
    %dma_wait3A_62 = tpu.memref_slice %arg3[%add3A_54] : memref<320000xi32, #tpu.memory_space<hbm>> -> memref<128xi32, #tpu.memory_space<hbm>>
    %dma_wait3A_63 = arith.constant 128 : i32
    %dma_wait3A_64 = tpu.memref_slice %arg8[%dma_wait3A_63] : memref<384xi32, #tpu.memory_space<vmem>> -> memref<128xi32, #tpu.memory_space<vmem>>
    %dma_wait3A_65 = tpu.memref_slice %arg3[%add3A_54] : memref<320000xi32, #tpu.memory_space<hbm>> -> memref<128xi32, #tpu.memory_space<hbm>>
    tpu.wait_dma2 semaphore(%arg25 : memref<!tpu.dma_semaphore, #tpu.memory_space<semaphore_mem>>) src(%dma_wait3A_65 : memref<128xi32, #tpu.memory_space<hbm>>) dst(%dma_wait3A_64 : memref<128xi32, #tpu.memory_space<vmem>>)
    %dma_wait3A_66 = arith.constant 256 : i32
    %dma_wait3A_67 = tpu.memref_slice %arg8[%dma_wait3A_66] : memref<384xi32, #tpu.memory_space<vmem>> -> memref<128xi32, #tpu.memory_space<vmem>>
    %dma_wait3A_68 = tpu.memref_slice %arg4[%add3A_54] : memref<320000xi32, #tpu.memory_space<hbm>> -> memref<128xi32, #tpu.memory_space<hbm>>
    %dma_wait3A_69 = arith.constant 256 : i32
    %dma_wait3A_70 = tpu.memref_slice %arg8[%dma_wait3A_69] : memref<384xi32, #tpu.memory_space<vmem>> -> memref<128xi32, #tpu.memory_space<vmem>>
    %dma_wait3A_71 = tpu.memref_slice %arg4[%add3A_54] : memref<320000xi32, #tpu.memory_space<hbm>> -> memref<128xi32, #tpu.memory_space<hbm>>
    tpu.wait_dma2 semaphore(%arg25 : memref<!tpu.dma_semaphore, #tpu.memory_space<semaphore_mem>>) src(%dma_wait3A_71 : memref<128xi32, #tpu.memory_space<hbm>>) dst(%dma_wait3A_70 : memref<128xi32, #tpu.memory_space<vmem>>)
    %get3A = arith.constant 0 : index
    %get3A_72 = tpu.vector_load %arg8[%get3A] {strides = array<i32>} : memref<384xi32, #tpu.memory_space<vmem>>, vector<16xi32>,
    %get3A_73 = arith.constant 128 : index
    %get3A_74 = tpu.vector_load %arg8[%get3A_73] {strides = array<i32>} : memref<384xi32, #tpu.memory_space<vmem>>, vector<16xi32>,
    %get3A_75 = arith.constant 256 : index
    %get3A_76 = tpu.vector_load %arg8[%get3A_75] {strides = array<i32>} : memref<384xi32, #tpu.memory_space<vmem>>, vector<16xi32>,
    %mul3A_77 = arith.constant 10000 : i32
    %mul3A_78 = vector.broadcast %mul3A_77 : i32 to vector<16xi32>
    %mul3A_79 = arith.muli %get3A_76, %mul3A_78 : vector<16xi32>
    %add3A_80 = arith.addi %mul3A_79, %get3A_72 : vector<16xi32>
    %swap3A = arith.constant 0 : i32
    %swap3A_81 = arith.index_cast %swap3A : i32 to index
    %swap3A_82 = arith.constant 0 : index
    %swap3A_83 = tpu.vector_load %arg10[%swap3A_81, %swap3A_82] {strides = array<i32>} : memref<1x128xi32, #tpu.memory_space<vmem>>, vector<16xi32>,
    tpu.vector_store %arg10[%swap3A_81, %swap3A_82], %add3A_80 {strides = array<i32>} : memref<1x128xi32, #tpu.memory_space<vmem>>, vector<16xi32>,
    %mul3A_84 = arith.constant 8 : i32
    %mul3A_85 = vector.broadcast %mul3A_84 : i32 to vector<16xi32>
    %mul3A_86 = arith.muli %get3A_74, %mul3A_85 : vector<16xi32>
    %add3A_87 = arith.addi %mul3A_86, %get3A_76 : vector<16xi32>
    %swap3A_88 = arith.constant 0 : i32
    %swap3A_89 = arith.index_cast %swap3A_88 : i32 to index
    %swap3A_90 = arith.constant 0 : index
    %swap3A_91 = tpu.vector_load %arg12[%swap3A_89, %swap3A_90] {strides = array<i32>} : memref<1x128xi32, #tpu.memory_space<vmem>>, vector<16xi32>,
    tpu.vector_store %arg12[%swap3A_89, %swap3A_90], %add3A_87 {strides = array<i32>} : memref<1x128xi32, #tpu.memory_space<vmem>>, vector<16xi32>,
    %swap3A_92 = arith.constant 0 : i32
    %swap3A_93 = arith.index_cast %swap3A_92 : i32 to index
    %swap3A_94 = arith.constant 0 : index
    %swap3A_95 = tpu.vector_load %arg14[%swap3A_93, %swap3A_94] {strides = array<i32>} : memref<1x128xi32, #tpu.memory_space<vmem>>, vector<16xi32>,
    tpu.vector_store %arg14[%swap3A_93, %swap3A_94], %get3A_74 {strides = array<i32>} : memref<1x128xi32, #tpu.memory_space<vmem>>, vector<16xi32>,
    %get3A_96 = arith.constant 16 : index
    %get3A_97 = tpu.vector_load %arg8[%get3A_96] {strides = array<i32>} : memref<384xi32, #tpu.memory_space<vmem>>, vector<16xi32>,
    %get3A_98 = arith.constant 144 : index
    %get3A_99 = tpu.vector_load %arg8[%get3A_98] {strides = array<i32>} : memref<384xi32, #tpu.memory_space<vmem>>, vector<16xi32>,
    %get3A_100 = arith.constant 272 : index
    %get3A_101 = tpu.vector_load %arg8[%get3A_100] {strides = array<i32>} : memref<384xi32, #tpu.memory_space<vmem>>, vector<16xi32>,
    %mul3A_102 = arith.constant 10000 : i32
    %mul3A_103 = vector.broadcast %mul3A_102 : i32 to vector<16xi32>
    %mul3A_104 = arith.muli %get3A_101, %mul3A_103 : vector<16xi32>
    %add3A_105 = arith.addi %mul3A_104, %get3A_97 : vector<16xi32>
    %swap3A_106 = arith.constant 0 : i32
    %swap3A_107 = arith.index_cast %swap3A_106 : i32 to index
    %swap3A_108 = arith.constant 16 : index
    %swap3A_109 = tpu.vector_load %arg10[%swap3A_107, %swap3A_108] {strides = array<i32>} : memref<1x128xi32, #tpu.memory_space<vmem>>, vector<16xi32>,
    tpu.vector_store %arg10[%swap3A_107, %swap3A_108], %add3A_105 {strides = array<i32>} : memref<1x128xi32, #tpu.memory_space<vmem>>, vector<16xi32>,
    %mul3A_110 = arith.constant 8 : i32
    %mul3A_111 = vector.broadcast %mul3A_110 : i32 to vector<16xi32>
    %mul3A_112 = arith.muli %get3A_99, %mul3A_111 : vector<16xi32>
    %add3A_113 = arith.addi %mul3A_112, %get3A_101 : vector<16xi32>
    %swap3A_114 = arith.constant 0 : i32
    %swap3A_115 = arith.index_cast %swap3A_114 : i32 to index
    %swap3A_116 = arith.constant 16 : index
    %swap3A_117 = tpu.vector_load %arg12[%swap3A_115, %swap3A_116] {strides = array<i32>} : memref<1x128xi32, #tpu.memory_space<vmem>>, vector<16xi32>,
    tpu.vector_store %arg12[%swap3A_115, %swap3A_116], %add3A_113 {strides = array<i32>} : memref<1x128xi32, #tpu.memory_space<vmem>>, vector<16xi32>,
    %swap3A_118 = arith.constant 0 : i32
    %swap3A_119 = arith.index_cast %swap3A_118 : i32 to index
    %swap3A_120 = arith.constant 16 : index
    %swap3A_121 = tpu.vector_load %arg14[%swap3A_119, %swap3A_120] {strides = array<i32>} : memref<1x128xi32, #tpu.memory_space<vmem>>, vector<16xi32>,
    tpu.vector_store %arg14[%swap3A_119, %swap3A_120], %get3A_99 {strides = array<i32>} : memref<1x128xi32, #tpu.memory_space<vmem>>, vector<16xi32>,
    %get3A_122 = arith.constant 32 : index
    %get3A_123 = tpu.vector_load %arg8[%get3A_122] {strides = array<i32>} : memref<384xi32, #tpu.memory_space<vmem>>, vector<16xi32>,
    %get3A_124 = arith.constant 160 : index
    %get3A_125 = tpu.vector_load %arg8[%get3A_124] {strides = array<i32>} : memref<384xi32, #tpu.memory_space<vmem>>, vector<16xi32>,
    %get3A_126 = arith.constant 288 : index
    %get3A_127 = tpu.vector_load %arg8[%get3A_126] {strides = array<i32>} : memref<384xi32, #tpu.memory_space<vmem>>, vector<16xi32>,
    %mul3A_128 = arith.constant 10000 : i32
    %mul3A_129 = vector.broadcast %mul3A_128 : i32 to vector<16xi32>
    %mul3A_130 = arith.muli %get3A_127, %mul3A_129 : vector<16xi32>
    %add3A_131 = arith.addi %mul3A_130, %get3A_123 : vector<16xi32>
    %swap3A_132 = arith.constant 0 : i32
    %swap3A_133 = arith.index_cast %swap3A_132 : i32 to index
    %swap3A_134 = arith.constant 32 : index
    %swap3A_135 = tpu.vector_load %arg10[%swap3A_133, %swap3A_134] {strides = array<i32>} : memref<1x128xi32, #tpu.memory_space<vmem>>, vector<16xi32>,
    tpu.vector_store %arg10[%swap3A_133, %swap3A_134], %add3A_131 {strides = array<i32>} : memref<1x128xi32, #tpu.memory_space<vmem>>, vector<16xi32>,
    %mul3A_136 = arith.constant 8 : i32
    %mul3A_137 = vector.broadcast %mul3A_136 : i32 to vector<16xi32>
    %mul3A_138 = arith.muli %get3A_125, %mul3A_137 : vector<16xi32>
    %add3A_139 = arith.addi %mul3A_138, %get3A_127 : vector<16xi32>
    %swap3A_140 = arith.constant 0 : i32
    %swap3A_141 = arith.index_cast %swap3A_140 : i32 to index
    %swap3A_142 = arith.constant 32 : index
    %swap3A_143 = tpu.vector_load %arg12[%swap3A_141, %swap3A_142] {strides = array<i32>} : memref<1x128xi32, #tpu.memory_space<vmem>>, vector<16xi32>,
    tpu.vector_store %arg12[%swap3A_141, %swap3A_142], %add3A_139 {strides = array<i32>} : memref<1x128xi32, #tpu.memory_space<vmem>>, vector<16xi32>,
    %swap3A_144 = arith.constant 0 : i32
    %swap3A_145 = arith.index_cast %swap3A_144 : i32 to index
    %swap3A_146 = arith.constant 32 : index
    %swap3A_147 = tpu.vector_load %arg14[%swap3A_145, %swap3A_146] {strides = array<i32>} : memref<1x128xi32, #tpu.memory_space<vmem>>, vector<16xi32>,
    tpu.vector_store %arg14[%swap3A_145, %swap3A_146], %get3A_125 {strides = array<i32>} : memref<1x128xi32, #tpu.memory_space<vmem>>, vector<16xi32>,
    %get3A_148 = arith.constant 48 : index
    %get3A_149 = tpu.vector_load %arg8[%get3A_148] {strides = array<i32>} : memref<384xi32, #tpu.memory_space<vmem>>, vector<16xi32>,
    %get3A_150 = arith.constant 176 : index
    %get3A_151 = tpu.vector_load %arg8[%get3A_150] {strides = array<i32>} : memref<384xi32, #tpu.memory_space<vmem>>, vector<16xi32>,
    %get3A_152 = arith.constant 304 : index
    %get3A_153 = tpu.vector_load %arg8[%get3A_152] {strides = array<i32>} : memref<384xi32, #tpu.memory_space<vmem>>, vector<16xi32>,
    %mul3A_154 = arith.constant 10000 : i32
    %mul3A_155 = vector.broadcast %mul3A_154 : i32 to vector<16xi32>
    %mul3A_156 = arith.muli %get3A_153, %mul3A_155 : vector<16xi32>
    %add3A_157 = arith.addi %mul3A_156, %get3A_149 : vector<16xi32>
    %swap3A_158 = arith.constant 0 : i32
    %swap3A_159 = arith.index_cast %swap3A_158 : i32 to index
    %swap3A_160 = arith.constant 48 : index
    %swap3A_161 = tpu.vector_load %arg10[%swap3A_159, %swap3A_160] {strides = array<i32>} : memref<1x128xi32, #tpu.memory_space<vmem>>, vector<16xi32>,
    tpu.vector_store %arg10[%swap3A_159, %swap3A_160], %add3A_157 {strides = array<i32>} : memref<1x128xi32, #tpu.memory_space<vmem>>, vector<16xi32>,
    %mul3A_162 = arith.constant 8 : i32
    %mul3A_163 = vector.broadcast %mul3A_162 : i32 to vector<16xi32>
    %mul3A_164 = arith.muli %get3A_151, %mul3A_163 : vector<16xi32>
    %add3A_165 = arith.addi %mul3A_164, %get3A_153 : vector<16xi32>
    %swap3A_166 = arith.constant 0 : i32
    %swap3A_167 = arith.index_cast %swap3A_166 : i32 to index
    %swap3A_168 = arith.constant 48 : index
    %swap3A_169 = tpu.vector_load %arg12[%swap3A_167, %swap3A_168] {strides = array<i32>} : memref<1x128xi32, #tpu.memory_space<vmem>>, vector<16xi32>,
    tpu.vector_store %arg12[%swap3A_167, %swap3A_168], %add3A_165 {strides = array<i32>} : memref<1x128xi32, #tpu.memory_space<vmem>>, vector<16xi32>,
    %swap3A_170 = arith.constant 0 : i32
    %swap3A_171 = arith.index_cast %swap3A_170 : i32 to index
    %swap3A_172 = arith.constant 48 : index
    %swap3A_173 = tpu.vector_load %arg14[%swap3A_171, %swap3A_172] {strides = array<i32>} : memref<1x128xi32, #tpu.memory_space<vmem>>, vector<16xi32>,
    tpu.vector_store %arg14[%swap3A_171, %swap3A_172], %get3A_151 {strides = array<i32>} : memref<1x128xi32, #tpu.memory_space<vmem>>, vector<16xi32>,
    %get3A_174 = arith.constant 64 : index
    %get3A_175 = tpu.vector_load %arg8[%get3A_174] {strides = array<i32>} : memref<384xi32, #tpu.memory_space<vmem>>, vector<16xi32>,
    %get3A_176 = arith.constant 192 : index
    %get3A_177 = tpu.vector_load %arg8[%get3A_176] {strides = array<i32>} : memref<384xi32, #tpu.memory_space<vmem>>, vector<16xi32>,
    %get3A_178 = arith.constant 320 : index
    %get3A_179 = tpu.vector_load %arg8[%get3A_178] {strides = array<i32>} : memref<384xi32, #tpu.memory_space<vmem>>, vector<16xi32>,
    %mul3A_180 = arith.constant 10000 : i32
    %mul3A_181 = vector.broadcast %mul3A_180 : i32 to vector<16xi32>
    %mul3A_182 = arith.muli %get3A_179, %mul3A_181 : vector<16xi32>
    %add3A_183 = arith.addi %mul3A_182, %get3A_175 : vector<16xi32>
    %swap3A_184 = arith.constant 0 : i32
    %swap3A_185 = arith.index_cast %swap3A_184 : i32 to index
    %swap3A_186 = arith.constant 64 : index
    %swap3A_187 = tpu.vector_load %arg10[%swap3A_185, %swap3A_186] {strides = array<i32>} : memref<1x128xi32, #tpu.memory_space<vmem>>, vector<16xi32>,
    tpu.vector_store %arg10[%swap3A_185, %swap3A_186], %add3A_183 {strides = array<i32>} : memref<1x128xi32, #tpu.memory_space<vmem>>, vector<16xi32>,
    %mul3A_188 = arith.constant 8 : i32
    %mul3A_189 = vector.broadcast %mul3A_188 : i32 to vector<16xi32>
    %mul3A_190 = arith.muli %get3A_177, %mul3A_189 : vector<16xi32>
    %add3A_191 = arith.addi %mul3A_190, %get3A_179 : vector<16xi32>
    %swap3A_192 = arith.constant 0 : i32
    %swap3A_193 = arith.index_cast %swap3A_192 : i32 to index
    %swap3A_194 = arith.constant 64 : index
    %swap3A_195 = tpu.vector_load %arg12[%swap3A_193, %swap3A_194] {strides = array<i32>} : memref<1x128xi32, #tpu.memory_space<vmem>>, vector<16xi32>,
    tpu.vector_store %arg12[%swap3A_193, %swap3A_194], %add3A_191 {strides = array<i32>} : memref<1x128xi32, #tpu.memory_space<vmem>>, vector<16xi32>,
    %swap3A_196 = arith.constant 0 : i32
    %swap3A_197 = arith.index_cast %swap3A_196 : i32 to index
    %swap3A_198 = arith.constant 64 : index
    %swap3A_199 = tpu.vector_load %arg14[%swap3A_197, %swap3A_198] {strides = array<i32>} : memref<1x128xi32, #tpu.memory_space<vmem>>, vector<16xi32>,
    tpu.vector_store %arg14[%swap3A_197, %swap3A_198], %get3A_177 {strides = array<i32>} : memref<1x128xi32, #tpu.memory_space<vmem>>, vector<16xi32>,
    %get3A_200 = arith.constant 80 : index
    %get3A_201 = tpu.vector_load %arg8[%get3A_200] {strides = array<i32>} : memref<384xi32, #tpu.memory_space<vmem>>, vector<16xi32>,
    %get3A_202 = arith.constant 208 : index
    %get3A_203 = tpu.vector_load %arg8[%get3A_202] {strides = array<i32>} : memref<384xi32, #tpu.memory_space<vmem>>, vector<16xi32>,
    %get3A_204 = arith.constant 336 : index
    %get3A_205 = tpu.vector_load %arg8[%get3A_204] {strides = array<i32>} : memref<384xi32, #tpu.memory_space<vmem>>, vector<16xi32>,
    %mul3A_206 = arith.constant 10000 : i32
    %mul3A_207 = vector.broadcast %mul3A_206 : i32 to vector<16xi32>
    %mul3A_208 = arith.muli %get3A_205, %mul3A_207 : vector<16xi32>
    %add3A_209 = arith.addi %mul3A_208, %get3A_201 : vector<16xi32>
    %swap3A_210 = arith.constant 0 : i32
    %swap3A_211 = arith.index_cast %swap3A_210 : i32 to index
    %swap3A_212 = arith.constant 80 : index
    %swap3A_213 = tpu.vector_load %arg10[%swap3A_211, %swap3A_212] {strides = array<i32>} : memref<1x128xi32, #tpu.memory_space<vmem>>, vector<16xi32>,
    tpu.vector_store %arg10[%swap3A_211, %swap3A_212], %add3A_209 {strides = array<i32>} : memref<1x128xi32, #tpu.memory_space<vmem>>, vector<16xi32>,
    %mul3A_214 = arith.constant 8 : i32
    %mul3A_215 = vector.broadcast %mul3A_214 : i32 to vector<16xi32>
    %mul3A_216 = arith.muli %get3A_203, %mul3A_215 : vector<16xi32>
    %add3A_217 = arith.addi %mul3A_216, %get3A_205 : vector<16xi32>
    %swap3A_218 = arith.constant 0 : i32
    %swap3A_219 = arith.index_cast %swap3A_218 : i32 to index
    %swap3A_220 = arith.constant 80 : index
    %swap3A_221 = tpu.vector_load %arg12[%swap3A_219, %swap3A_220] {strides = array<i32>} : memref<1x128xi32, #tpu.memory_space<vmem>>, vector<16xi32>,
    tpu.vector_store %arg12[%swap3A_219, %swap3A_220], %add3A_217 {strides = array<i32>} : memref<1x128xi32, #tpu.memory_space<vmem>>, vector<16xi32>,
    %swap3A_222 = arith.constant 0 : i32
    %swap3A_223 = arith.index_cast %swap3A_222 : i32 to index
    %swap3A_224 = arith.constant 80 : index
    %swap3A_225 = tpu.vector_load %arg14[%swap3A_223, %swap3A_224] {strides = array<i32>} : memref<1x128xi32, #tpu.memory_space<vmem>>, vector<16xi32>,
    tpu.vector_store %arg14[%swap3A_223, %swap3A_224], %get3A_203 {strides = array<i32>} : memref<1x128xi32, #tpu.memory_space<vmem>>, vector<16xi32>,
    %get3A_226 = arith.constant 96 : index
    %get3A_227 = tpu.vector_load %arg8[%get3A_226] {strides = array<i32>} : memref<384xi32, #tpu.memory_space<vmem>>, vector<16xi32>,
    %get3A_228 = arith.constant 224 : index
    %get3A_229 = tpu.vector_load %arg8[%get3A_228] {strides = array<i32>} : memref<384xi32, #tpu.memory_space<vmem>>, vector<16xi32>,
    %get3A_230 = arith.constant 352 : index
    %get3A_231 = tpu.vector_load %arg8[%get3A_230] {strides = array<i32>} : memref<384xi32, #tpu.memory_space<vmem>>, vector<16xi32>,
    %mul3A_232 = arith.constant 10000 : i32
    %mul3A_233 = vector.broadcast %mul3A_232 : i32 to vector<16xi32>
    %mul3A_234 = arith.muli %get3A_231, %mul3A_233 : vector<16xi32>
    %add3A_235 = arith.addi %mul3A_234, %get3A_227 : vector<16xi32>
    %swap3A_236 = arith.constant 0 : i32
    %swap3A_237 = arith.index_cast %swap3A_236 : i32 to index
    %swap3A_238 = arith.constant 96 : index
    %swap3A_239 = tpu.vector_load %arg10[%swap3A_237, %swap3A_238] {strides = array<i32>} : memref<1x128xi32, #tpu.memory_space<vmem>>, vector<16xi32>,
    tpu.vector_store %arg10[%swap3A_237, %swap3A_238], %add3A_235 {strides = array<i32>} : memref<1x128xi32, #tpu.memory_space<vmem>>, vector<16xi32>,
    %mul3A_240 = arith.constant 8 : i32
    %mul3A_241 = vector.broadcast %mul3A_240 : i32 to vector<16xi32>
    %mul3A_242 = arith.muli %get3A_229, %mul3A_241 : vector<16xi32>
    %add3A_243 = arith.addi %mul3A_242, %get3A_231 : vector<16xi32>
    %swap3A_244 = arith.constant 0 : i32
    %swap3A_245 = arith.index_cast %swap3A_244 : i32 to index
    %swap3A_246 = arith.constant 96 : index
    %swap3A_247 = tpu.vector_load %arg12[%swap3A_245, %swap3A_246] {strides = array<i32>} : memref<1x128xi32, #tpu.memory_space<vmem>>, vector<16xi32>,
    tpu.vector_store %arg12[%swap3A_245, %swap3A_246], %add3A_243 {strides = array<i32>} : memref<1x128xi32, #tpu.memory_space<vmem>>, vector<16xi32>,
    %swap3A_248 = arith.constant 0 : i32
    %swap3A_249 = arith.index_cast %swap3A_248 : i32 to index
    %swap3A_250 = arith.constant 96 : index
    %swap3A_251 = tpu.vector_load %arg14[%swap3A_249, %swap3A_250] {strides = array<i32>} : memref<1x128xi32, #tpu.memory_space<vmem>>, vector<16xi32>,
    tpu.vector_store %arg14[%swap3A_249, %swap3A_250], %get3A_229 {strides = array<i32>} : memref<1x128xi32, #tpu.memory_space<vmem>>, vector<16xi32>,
    %get3A_252 = arith.constant 112 : index
    %get3A_253 = tpu.vector_load %arg8[%get3A_252] {strides = array<i32>} : memref<384xi32, #tpu.memory_space<vmem>>, vector<16xi32>,
    %get3A_254 = arith.constant 240 : index
    %get3A_255 = tpu.vector_load %arg8[%get3A_254] {strides = array<i32>} : memref<384xi32, #tpu.memory_space<vmem>>, vector<16xi32>,
    %get3A_256 = arith.constant 368 : index
    %get3A_257 = tpu.vector_load %arg8[%get3A_256] {strides = array<i32>} : memref<384xi32, #tpu.memory_space<vmem>>, vector<16xi32>,
    %mul3A_258 = arith.constant 10000 : i32
    %mul3A_259 = vector.broadcast %mul3A_258 : i32 to vector<16xi32>
    %mul3A_260 = arith.muli %get3A_257, %mul3A_259 : vector<16xi32>
    %add3A_261 = arith.addi %mul3A_260, %get3A_253 : vector<16xi32>
    %swap3A_262 = arith.constant 0 : i32
    %swap3A_263 = arith.index_cast %swap3A_262 : i32 to index
    %swap3A_264 = arith.constant 112 : index
    %swap3A_265 = tpu.vector_load %arg10[%swap3A_263, %swap3A_264] {strides = array<i32>} : memref<1x128xi32, #tpu.memory_space<vmem>>, vector<16xi32>,
    tpu.vector_store %arg10[%swap3A_263, %swap3A_264], %add3A_261 {strides = array<i32>} : memref<1x128xi32, #tpu.memory_space<vmem>>, vector<16xi32>,
    %mul3A_266 = arith.constant 8 : i32
    %mul3A_267 = vector.broadcast %mul3A_266 : i32 to vector<16xi32>
    %mul3A_268 = arith.muli %get3A_255, %mul3A_267 : vector<16xi32>
    %add3A_269 = arith.addi %mul3A_268, %get3A_257 : vector<16xi32>
    %swap3A_270 = arith.constant 0 : i32
    %swap3A_271 = arith.index_cast %swap3A_270 : i32 to index
    %swap3A_272 = arith.constant 112 : index
    %swap3A_273 = tpu.vector_load %arg12[%swap3A_271, %swap3A_272] {strides = array<i32>} : memref<1x128xi32, #tpu.memory_space<vmem>>, vector<16xi32>,
    tpu.vector_store %arg12[%swap3A_271, %swap3A_272], %add3A_269 {strides = array<i32>} : memref<1x128xi32, #tpu.memory_space<vmem>>, vector<16xi32>,
    %swap3A_274 = arith.constant 0 : i32
    %swap3A_275 = arith.index_cast %swap3A_274 : i32 to index
    %swap3A_276 = arith.constant 112 : index
    %swap3A_277 = tpu.vector_load %arg14[%swap3A_275, %swap3A_276] {strides = array<i32>} : memref<1x128xi32, #tpu.memory_space<vmem>>, vector<16xi32>,
    tpu.vector_store %arg14[%swap3A_275, %swap3A_276], %get3A_255 {strides = array<i32>} : memref<1x128xi32, #tpu.memory_space<vmem>>, vector<16xi32>,
    %dma_start3A_278 = arith.constant 0 : i32
    %dma_start3A_279 = arith.constant 0 : i32
    %dma_start3A_280 = tpu.memref_slice %arg10[%dma_start3A_278, %dma_start3A_279] : memref<1x128xi32, #tpu.memory_space<vmem>> -> memref<1x128xi32, #tpu.memory_space<vmem>>
    %dma_start3A_281 = tpu.memref_squeeze %dma_start3A_280 : memref<1x128xi32, #tpu.memory_space<vmem>> -> memref<128xi32, #tpu.memory_space<vmem>>
    %dma_start3A_282 = arith.constant 0 : i32
    %dma_start3A_283 = arith.constant 0 : i32
    %dma_start3A_284 = tpu.memref_slice %arg5[%dma_start3A_282, %dma_start3A_283] : memref<80000x128xf32, #tpu.memory_space<hbm>> -> memref<80000x128xf32, #tpu.memory_space<hbm>>
    tpu.enqueue_indirect_dma source(%dma_start3A_284 : memref<80000x128xf32, #tpu.memory_space<hbm>>) target(%arg21 : memref<128x128xf32, #tpu.memory_space<vmem>>) offsets(%dma_start3A_281 : memref<128xi32, #tpu.memory_space<vmem>>) semaphore(%arg27 : memref<!tpu.dma_semaphore, #tpu.memory_space<semaphore_mem>>)
    %dma_start3A_285 = arith.constant 0 : i32
    %dma_start3A_286 = arith.constant 0 : i32
    %dma_start3A_287 = tpu.memref_slice %arg12[%dma_start3A_285, %dma_start3A_286] : memref<1x128xi32, #tpu.memory_space<vmem>> -> memref<1x128xi32, #tpu.memory_space<vmem>>
    %dma_start3A_288 = tpu.memref_squeeze %dma_start3A_287 : memref<1x128xi32, #tpu.memory_space<vmem>> -> memref<128xi32, #tpu.memory_space<vmem>>
    %dma_start3A_289 = arith.constant 0 : i32
    %dma_start3A_290 = tpu.memref_slice %arg6[%dma_start3A_289] : memref<81920xf32, #tpu.memory_space<hbm>> -> memref<81920xf32, #tpu.memory_space<hbm>>
    tpu.enqueue_indirect_dma source(%dma_start3A_290 : memref<81920xf32, #tpu.memory_space<hbm>>) target(%arg19 : memref<128xf32, #tpu.memory_space<vmem>>) offsets(%dma_start3A_288 : memref<128xi32, #tpu.memory_space<vmem>>) semaphore(%arg27 : memref<!tpu.dma_semaphore, #tpu.memory_space<semaphore_mem>>)
    %add3A_291 = arith.constant 256 : i32
    %add3A_292 = arith.addi %mul3A_13, %add3A_291 : i32
    %dma_start3A_293 = arith.constant 0 : i32
    %dma_start3A_294 = tpu.memref_slice %arg8[%dma_start3A_293] : memref<384xi32, #tpu.memory_space<vmem>> -> memref<128xi32, #tpu.memory_space<vmem>>
    %dma_start3A_295 = tpu.memref_slice %arg2[%add3A_292] : memref<320000xi32, #tpu.memory_space<hbm>> -> memref<128xi32, #tpu.memory_space<hbm>>
    %dma_start3A_296 = arith.constant 0 : i32
    %dma_start3A_297 = tpu.memref_slice %arg8[%dma_start3A_296] : memref<384xi32, #tpu.memory_space<vmem>> -> memref<128xi32, #tpu.memory_space<vmem>>
    %dma_start3A_298 = tpu.memref_slice %arg2[%add3A_292] : memref<320000xi32, #tpu.memory_space<hbm>> -> memref<128xi32, #tpu.memory_space<hbm>>
    tpu.enqueue_dma source(%dma_start3A_298 : memref<128xi32, #tpu.memory_space<hbm>>) target(%dma_start3A_297 : memref<128xi32, #tpu.memory_space<vmem>>) target_semaphore(%arg25 : memref<!tpu.dma_semaphore, #tpu.memory_space<semaphore_mem>>)
    %dma_start3A_299 = arith.constant 128 : i32
    %dma_start3A_300 = tpu.memref_slice %arg8[%dma_start3A_299] : memref<384xi32, #tpu.memory_space<vmem>> -> memref<128xi32, #tpu.memory_space<vmem>>
    %dma_start3A_301 = tpu.memref_slice %arg3[%add3A_292] : memref<320000xi32, #tpu.memory_space<hbm>> -> memref<128xi32, #tpu.memory_space<hbm>>
    %dma_start3A_302 = arith.constant 128 : i32
    %dma_start3A_303 = tpu.memref_slice %arg8[%dma_start3A_302] : memref<384xi32, #tpu.memory_space<vmem>> -> memref<128xi32, #tpu.memory_space<vmem>>
    %dma_start3A_304 = tpu.memref_slice %arg3[%add3A_292] : memref<320000xi32, #tpu.memory_space<hbm>> -> memref<128xi32, #tpu.memory_space<hbm>>
    tpu.enqueue_dma source(%dma_start3A_304 : memref<128xi32, #tpu.memory_space<hbm>>) target(%dma_start3A_303 : memref<128xi32, #tpu.memory_space<vmem>>) target_semaphore(%arg25 : memref<!tpu.dma_semaphore, #tpu.memory_space<semaphore_mem>>)
    %dma_start3A_305 = arith.constant 256 : i32
    %dma_start3A_306 = tpu.memref_slice %arg8[%dma_start3A_305] : memref<384xi32, #tpu.memory_space<vmem>> -> memref<128xi32, #tpu.memory_space<vmem>>
    %dma_start3A_307 = tpu.memref_slice %arg4[%add3A_292] : memref<320000xi32, #tpu.memory_space<hbm>> -> memref<128xi32, #tpu.memory_space<hbm>>
    %dma_start3A_308 = arith.constant 256 : i32
    %dma_start3A_309 = tpu.memref_slice %arg8[%dma_start3A_308] : memref<384xi32, #tpu.memory_space<vmem>> -> memref<128xi32, #tpu.memory_space<vmem>>
    %dma_start3A_310 = tpu.memref_slice %arg4[%add3A_292] : memref<320000xi32, #tpu.memory_space<hbm>> -> memref<128xi32, #tpu.memory_space<hbm>>
    tpu.enqueue_dma source(%dma_start3A_310 : memref<128xi32, #tpu.memory_space<hbm>>) target(%dma_start3A_309 : memref<128xi32, #tpu.memory_space<vmem>>) target_semaphore(%arg25 : memref<!tpu.dma_semaphore, #tpu.memory_space<semaphore_mem>>)
    %scan3A_311 = arith.constant 0 : i32
    %scan3A_312 = arith.constant 0 : i32
    %scan3A_313 = arith.constant 39 : i32
    %scan3A_314 = arith.addi %scan3A_312, %scan3A_313 : i32
    %scan3A_315 = arith.constant 1 : i32
    scf.for %scan3A_406 = %scan3A_312 to %scan3A_314 step %scan3A_315  : i32 {
      %mul3A_407 = arith.constant 2 : i32
      %mul3A_408 = arith.muli %mul3A_407, %scan3A_406 : i32
      %add3A_409 = arith.constant 1 : i32
      %add3A_410 = arith.addi %mul3A_408, %add3A_409 : i32
      %mul3A_411 = arith.constant 128 : i32
      %mul3A_412 = arith.muli %add3A_410, %mul3A_411 : i32
      %add3A_413 = arith.addi %mul3A_13, %mul3A_412 : i32
      %dma_wait3A_414 = arith.constant 0 : i32
      %dma_wait3A_415 = tpu.memref_slice %arg9[%dma_wait3A_414] : memref<384xi32, #tpu.memory_space<vmem>> -> memref<128xi32, #tpu.memory_space<vmem>>
      %dma_wait3A_416 = tpu.memref_slice %arg2[%add3A_413] : memref<320000xi32, #tpu.memory_space<hbm>> -> memref<128xi32, #tpu.memory_space<hbm>>
      %dma_wait3A_417 = arith.constant 0 : i32
      %dma_wait3A_418 = tpu.memref_slice %arg9[%dma_wait3A_417] : memref<384xi32, #tpu.memory_space<vmem>> -> memref<128xi32, #tpu.memory_space<vmem>>
      %dma_wait3A_419 = tpu.memref_slice %arg2[%add3A_413] : memref<320000xi32, #tpu.memory_space<hbm>> -> memref<128xi32, #tpu.memory_space<hbm>>
      tpu.wait_dma2 semaphore(%arg26 : memref<!tpu.dma_semaphore, #tpu.memory_space<semaphore_mem>>) src(%dma_wait3A_419 : memref<128xi32, #tpu.memory_space<hbm>>) dst(%dma_wait3A_418 : memref<128xi32, #tpu.memory_space<vmem>>)
      %dma_wait3A_420 = arith.constant 128 : i32
      %dma_wait3A_421 = tpu.memref_slice %arg9[%dma_wait3A_420] : memref<384xi32, #tpu.memory_space<vmem>> -> memref<128xi32, #tpu.memory_space<vmem>>
      %dma_wait3A_422 = tpu.memref_slice %arg3[%add3A_413] : memref<320000xi32, #tpu.memory_space<hbm>> -> memref<128xi32, #tpu.memory_space<hbm>>
      %dma_wait3A_423 = arith.constant 128 : i32
      %dma_wait3A_424 = tpu.memref_slice %arg9[%dma_wait3A_423] : memref<384xi32, #tpu.memory_space<vmem>> -> memref<128xi32, #tpu.memory_space<vmem>>
      %dma_wait3A_425 = tpu.memref_slice %arg3[%add3A_413] : memref<320000xi32, #tpu.memory_space<hbm>> -> memref<128xi32, #tpu.memory_space<hbm>>
      tpu.wait_dma2 semaphore(%arg26 : memref<!tpu.dma_semaphore, #tpu.memory_space<semaphore_mem>>) src(%dma_wait3A_425 : memref<128xi32, #tpu.memory_space<hbm>>) dst(%dma_wait3A_424 : memref<128xi32, #tpu.memory_space<vmem>>)
      %dma_wait3A_426 = arith.constant 256 : i32
      %dma_wait3A_427 = tpu.memref_slice %arg9[%dma_wait3A_426] : memref<384xi32, #tpu.memory_space<vmem>> -> memref<128xi32, #tpu.memory_space<vmem>>
      %dma_wait3A_428 = tpu.memref_slice %arg4[%add3A_413] : memref<320000xi32, #tpu.memory_space<hbm>> -> memref<128xi32, #tpu.memory_space<hbm>>
      %dma_wait3A_429 = arith.constant 256 : i32
      %dma_wait3A_430 = tpu.memref_slice %arg9[%dma_wait3A_429] : memref<384xi32, #tpu.memory_space<vmem>> -> memref<128xi32, #tpu.memory_space<vmem>>
      %dma_wait3A_431 = tpu.memref_slice %arg4[%add3A_413] : memref<320000xi32, #tpu.memory_space<hbm>> -> memref<128xi32, #tpu.memory_space<hbm>>
      tpu.wait_dma2 semaphore(%arg26 : memref<!tpu.dma_semaphore, #tpu.memory_space<semaphore_mem>>) src(%dma_wait3A_431 : memref<128xi32, #tpu.memory_space<hbm>>) dst(%dma_wait3A_430 : memref<128xi32, #tpu.memory_space<vmem>>)
      %gt3A = arith.constant 0 : i32
      %gt3A_432 = arith.cmpi sgt, %scan3A_406, %gt3A : i32
      %convert_element_type3A = arith.extui %gt3A_432 : i1 to i32
      %cond3A = arith.constant 0 : i32
      %cond3A_433 = arith.cmpi ne, %convert_element_type3A, %cond3A : i32
      scf.if %cond3A_433 {
        %dma_wait3A_720 = arith.constant 0 : i32
        %dma_wait3A_721 = arith.constant 0 : i32
        %dma_wait3A_722 = tpu.memref_slice %arg15[%dma_wait3A_720, %dma_wait3A_721] : memref<1x128xi32, #tpu.memory_space<vmem>> -> memref<1x128xi32, #tpu.memory_space<vmem>>
        %dma_wait3A_723 = tpu.memref_squeeze %dma_wait3A_722 : memref<1x128xi32, #tpu.memory_space<vmem>> -> memref<128xi32, #tpu.memory_space<vmem>>
        %dma_wait3A_724 = arith.constant 0 : i32
        %dma_wait3A_725 = arith.constant 0 : i32
        %dma_wait3A_726 = tpu.memref_slice %arg24[%dma_wait3A_724, %dma_wait3A_725] : memref<10240x128xf32, #tpu.memory_space<vmem_shared>> -> memref<10240x128xf32, #tpu.memory_space<vmem_shared>>
        tpu.wait_indirect_dma semaphore(%arg30 : memref<!tpu.dma_semaphore, #tpu.memory_space<semaphore_mem>>) src(%arg22 : memref<128x128xf32, #tpu.memory_space<vmem>>) dst(%dma_wait3A_726 : memref<10240x128xf32, #tpu.memory_space<vmem_shared>>)
      } else {
      }
      %get3A_434 = arith.constant 0 : index
      %get3A_435 = tpu.vector_load %arg9[%get3A_434] {strides = array<i32>} : memref<384xi32, #tpu.memory_space<vmem>>, vector<16xi32>,
      %get3A_436 = arith.constant 128 : index
      %get3A_437 = tpu.vector_load %arg9[%get3A_436] {strides = array<i32>} : memref<384xi32, #tpu.memory_space<vmem>>, vector<16xi32>,
      %get3A_438 = arith.constant 256 : index
      %get3A_439 = tpu.vector_load %arg9[%get3A_438] {strides = array<i32>} : memref<384xi32, #tpu.memory_space<vmem>>, vector<16xi32>,
      %mul3A_440 = arith.constant 10000 : i32
      %mul3A_441 = vector.broadcast %mul3A_440 : i32 to vector<16xi32>
      %mul3A_442 = arith.muli %get3A_439, %mul3A_441 : vector<16xi32>
      %add3A_443 = arith.addi %mul3A_442, %get3A_435 : vector<16xi32>
      %swap3A_444 = arith.constant 0 : i32
      %swap3A_445 = arith.index_cast %swap3A_444 : i32 to index
      %swap3A_446 = arith.constant 0 : index
      %swap3A_447 = tpu.vector_load %arg11[%swap3A_445, %swap3A_446] {strides = array<i32>} : memref<1x128xi32, #tpu.memory_space<vmem>>, vector<16xi32>,
      tpu.vector_store %arg11[%swap3A_445, %swap3A_446], %add3A_443 {strides = array<i32>} : memref<1x128xi32, #tpu.memory_space<vmem>>, vector<16xi32>,
      %mul3A_448 = arith.constant 8 : i32
      %mul3A_449 = vector.broadcast %mul3A_448 : i32 to vector<16xi32>
      %mul3A_450 = arith.muli %get3A_437, %mul3A_449 : vector<16xi32>
      %add3A_451 = arith.addi %mul3A_450, %get3A_439 : vector<16xi32>
      %swap3A_452 = arith.constant 0 : i32
      %swap3A_453 = arith.index_cast %swap3A_452 : i32 to index
      %swap3A_454 = arith.constant 0 : index
      %swap3A_455 = tpu.vector_load %arg13[%swap3A_453, %swap3A_454] {strides = array<i32>} : memref<1x128xi32, #tpu.memory_space<vmem>>, vector<16xi32>,
      tpu.vector_store %arg13[%swap3A_453, %swap3A_454], %add3A_451 {strides = array<i32>} : memref<1x128xi32, #tpu.memory_space<vmem>>, vector<16xi32>,
      %swap3A_456 = arith.constant 0 : i32
      %swap3A_457 = arith.index_cast %swap3A_456 : i32 to index
      %swap3A_458 = arith.constant 0 : index
      %swap3A_459 = tpu.vector_load %arg15[%swap3A_457, %swap3A_458] {strides = array<i32>} : memref<1x128xi32, #tpu.memory_space<vmem>>, vector<16xi32>,
      tpu.vector_store %arg15[%swap3A_457, %swap3A_458], %get3A_437 {strides = array<i32>} : memref<1x128xi32, #tpu.memory_space<vmem>>, vector<16xi32>,
      %get3A_460 = arith.constant 16 : index
      %get3A_461 = tpu.vector_load %arg9[%get3A_460] {strides = array<i32>} : memref<384xi32, #tpu.memory_space<vmem>>, vector<16xi32>,
      %get3A_462 = arith.constant 144 : index
      %get3A_463 = tpu.vector_load %arg9[%get3A_462] {strides = array<i32>} : memref<384xi32, #tpu.memory_space<vmem>>, vector<16xi32>,
      %get3A_464 = arith.constant 272 : index
      %get3A_465 = tpu.vector_load %arg9[%get3A_464] {strides = array<i32>} : memref<384xi32, #tpu.memory_space<vmem>>, vector<16xi32>,
      %mul3A_466 = arith.constant 10000 : i32
      %mul3A_467 = vector.broadcast %mul3A_466 : i32 to vector<16xi32>
      %mul3A_468 = arith.muli %get3A_465, %mul3A_467 : vector<16xi32>
      %add3A_469 = arith.addi %mul3A_468, %get3A_461 : vector<16xi32>
      %swap3A_470 = arith.constant 0 : i32
      %swap3A_471 = arith.index_cast %swap3A_470 : i32 to index
      %swap3A_472 = arith.constant 16 : index
      %swap3A_473 = tpu.vector_load %arg11[%swap3A_471, %swap3A_472] {strides = array<i32>} : memref<1x128xi32, #tpu.memory_space<vmem>>, vector<16xi32>,
      tpu.vector_store %arg11[%swap3A_471, %swap3A_472], %add3A_469 {strides = array<i32>} : memref<1x128xi32, #tpu.memory_space<vmem>>, vector<16xi32>,
      %mul3A_474 = arith.constant 8 : i32
      %mul3A_475 = vector.broadcast %mul3A_474 : i32 to vector<16xi32>
      %mul3A_476 = arith.muli %get3A_463, %mul3A_475 : vector<16xi32>
      %add3A_477 = arith.addi %mul3A_476, %get3A_465 : vector<16xi32>
      %swap3A_478 = arith.constant 0 : i32
      %swap3A_479 = arith.index_cast %swap3A_478 : i32 to index
      %swap3A_480 = arith.constant 16 : index
      %swap3A_481 = tpu.vector_load %arg13[%swap3A_479, %swap3A_480] {strides = array<i32>} : memref<1x128xi32, #tpu.memory_space<vmem>>, vector<16xi32>,
      tpu.vector_store %arg13[%swap3A_479, %swap3A_480], %add3A_477 {strides = array<i32>} : memref<1x128xi32, #tpu.memory_space<vmem>>, vector<16xi32>,
      %swap3A_482 = arith.constant 0 : i32
      %swap3A_483 = arith.index_cast %swap3A_482 : i32 to index
      %swap3A_484 = arith.constant 16 : index
      %swap3A_485 = tpu.vector_load %arg15[%swap3A_483, %swap3A_484] {strides = array<i32>} : memref<1x128xi32, #tpu.memory_space<vmem>>, vector<16xi32>,
      tpu.vector_store %arg15[%swap3A_483, %swap3A_484], %get3A_463 {strides = array<i32>} : memref<1x128xi32, #tpu.memory_space<vmem>>, vector<16xi32>,
      %get3A_486 = arith.constant 32 : index
      %get3A_487 = tpu.vector_load %arg9[%get3A_486] {strides = array<i32>} : memref<384xi32, #tpu.memory_space<vmem>>, vector<16xi32>,
      %get3A_488 = arith.constant 160 : index
      %get3A_489 = tpu.vector_load %arg9[%get3A_488] {strides = array<i32>} : memref<384xi32, #tpu.memory_space<vmem>>, vector<16xi32>,
      %get3A_490 = arith.constant 288 : index
      %get3A_491 = tpu.vector_load %arg9[%get3A_490] {strides = array<i32>} : memref<384xi32, #tpu.memory_space<vmem>>, vector<16xi32>,
      %mul3A_492 = arith.constant 10000 : i32
      %mul3A_493 = vector.broadcast %mul3A_492 : i32 to vector<16xi32>
      %mul3A_494 = arith.muli %get3A_491, %mul3A_493 : vector<16xi32>
      %add3A_495 = arith.addi %mul3A_494, %get3A_487 : vector<16xi32>
      %swap3A_496 = arith.constant 0 : i32
      %swap3A_497 = arith.index_cast %swap3A_496 : i32 to index
      %swap3A_498 = arith.constant 32 : index
      %swap3A_499 = tpu.vector_load %arg11[%swap3A_497, %swap3A_498] {strides = array<i32>} : memref<1x128xi32, #tpu.memory_space<vmem>>, vector<16xi32>,
      tpu.vector_store %arg11[%swap3A_497, %swap3A_498], %add3A_495 {strides = array<i32>} : memref<1x128xi32, #tpu.memory_space<vmem>>, vector<16xi32>,
      %mul3A_500 = arith.constant 8 : i32
      %mul3A_501 = vector.broadcast %mul3A_500 : i32 to vector<16xi32>
      %mul3A_502 = arith.muli %get3A_489, %mul3A_501 : vector<16xi32>
      %add3A_503 = arith.addi %mul3A_502, %get3A_491 : vector<16xi32>
      %swap3A_504 = arith.constant 0 : i32
      %swap3A_505 = arith.index_cast %swap3A_504 : i32 to index
      %swap3A_506 = arith.constant 32 : index
      %swap3A_507 = tpu.vector_load %arg13[%swap3A_505, %swap3A_506] {strides = array<i32>} : memref<1x128xi32, #tpu.memory_space<vmem>>, vector<16xi32>,
      tpu.vector_store %arg13[%swap3A_505, %swap3A_506], %add3A_503 {strides = array<i32>} : memref<1x128xi32, #tpu.memory_space<vmem>>, vector<16xi32>,
      %swap3A_508 = arith.constant 0 : i32
      %swap3A_509 = arith.index_cast %swap3A_508 : i32 to index
      %swap3A_510 = arith.constant 32 : index
      %swap3A_511 = tpu.vector_load %arg15[%swap3A_509, %swap3A_510] {strides = array<i32>} : memref<1x128xi32, #tpu.memory_space<vmem>>, vector<16xi32>,
      tpu.vector_store %arg15[%swap3A_509, %swap3A_510], %get3A_489 {strides = array<i32>} : memref<1x128xi32, #tpu.memory_space<vmem>>, vector<16xi32>,
      %get3A_512 = arith.constant 48 : index
      %get3A_513 = tpu.vector_load %arg9[%get3A_512] {strides = array<i32>} : memref<384xi32, #tpu.memory_space<vmem>>, vector<16xi32>,
      %get3A_514 = arith.constant 176 : index
      %get3A_515 = tpu.vector_load %arg9[%get3A_514] {strides = array<i32>} : memref<384xi32, #tpu.memory_space<vmem>>, vector<16xi32>,
      %get3A_516 = arith.constant 304 : index
      %get3A_517 = tpu.vector_load %arg9[%get3A_516] {strides = array<i32>} : memref<384xi32, #tpu.memory_space<vmem>>, vector<16xi32>,
      %mul3A_518 = arith.constant 10000 : i32
      %mul3A_519 = vector.broadcast %mul3A_518 : i32 to vector<16xi32>
      %mul3A_520 = arith.muli %get3A_517, %mul3A_519 : vector<16xi32>
      %add3A_521 = arith.addi %mul3A_520, %get3A_513 : vector<16xi32>
      %swap3A_522 = arith.constant 0 : i32
      %swap3A_523 = arith.index_cast %swap3A_522 : i32 to index
      %swap3A_524 = arith.constant 48 : index
      %swap3A_525 = tpu.vector_load %arg11[%swap3A_523, %swap3A_524] {strides = array<i32>} : memref<1x128xi32, #tpu.memory_space<vmem>>, vector<16xi32>,
      tpu.vector_store %arg11[%swap3A_523, %swap3A_524], %add3A_521 {strides = array<i32>} : memref<1x128xi32, #tpu.memory_space<vmem>>, vector<16xi32>,
      %mul3A_526 = arith.constant 8 : i32
      %mul3A_527 = vector.broadcast %mul3A_526 : i32 to vector<16xi32>
      %mul3A_528 = arith.muli %get3A_515, %mul3A_527 : vector<16xi32>
      %add3A_529 = arith.addi %mul3A_528, %get3A_517 : vector<16xi32>
      %swap3A_530 = arith.constant 0 : i32
      %swap3A_531 = arith.index_cast %swap3A_530 : i32 to index
      %swap3A_532 = arith.constant 48 : index
      %swap3A_533 = tpu.vector_load %arg13[%swap3A_531, %swap3A_532] {strides = array<i32>} : memref<1x128xi32, #tpu.memory_space<vmem>>, vector<16xi32>,
      tpu.vector_store %arg13[%swap3A_531, %swap3A_532], %add3A_529 {strides = array<i32>} : memref<1x128xi32, #tpu.memory_space<vmem>>, vector<16xi32>,
      %swap3A_534 = arith.constant 0 : i32
      %swap3A_535 = arith.index_cast %swap3A_534 : i32 to index
      %swap3A_536 = arith.constant 48 : index
      %swap3A_537 = tpu.vector_load %arg15[%swap3A_535, %swap3A_536] {strides = array<i32>} : memref<1x128xi32, #tpu.memory_space<vmem>>, vector<16xi32>,
      tpu.vector_store %arg15[%swap3A_535, %swap3A_536], %get3A_515 {strides = array<i32>} : memref<1x128xi32, #tpu.memory_space<vmem>>, vector<16xi32>,
      %get3A_538 = arith.constant 64 : index
      %get3A_539 = tpu.vector_load %arg9[%get3A_538] {strides = array<i32>} : memref<384xi32, #tpu.memory_space<vmem>>, vector<16xi32>,
      %get3A_540 = arith.constant 192 : index
      %get3A_541 = tpu.vector_load %arg9[%get3A_540] {strides = array<i32>} : memref<384xi32, #tpu.memory_space<vmem>>, vector<16xi32>,
      %get3A_542 = arith.constant 320 : index
      %get3A_543 = tpu.vector_load %arg9[%get3A_542] {strides = array<i32>} : memref<384xi32, #tpu.memory_space<vmem>>, vector<16xi32>,
      %mul3A_544 = arith.constant 10000 : i32
      %mul3A_545 = vector.broadcast %mul3A_544 : i32 to vector<16xi32>
      %mul3A_546 = arith.muli %get3A_543, %mul3A_545 : vector<16xi32>
      %add3A_547 = arith.addi %mul3A_546, %get3A_539 : vector<16xi32>
      %swap3A_548 = arith.constant 0 : i32
      %swap3A_549 = arith.index_cast %swap3A_548 : i32 to index
      %swap3A_550 = arith.constant 64 : index
      %swap3A_551 = tpu.vector_load %arg11[%swap3A_549, %swap3A_550] {strides = array<i32>} : memref<1x128xi32, #tpu.memory_space<vmem>>, vector<16xi32>,
      tpu.vector_store %arg11[%swap3A_549, %swap3A_550], %add3A_547 {strides = array<i32>} : memref<1x128xi32, #tpu.memory_space<vmem>>, vector<16xi32>,
      %mul3A_552 = arith.constant 8 : i32
      %mul3A_553 = vector.broadcast %mul3A_552 : i32 to vector<16xi32>
      %mul3A_554 = arith.muli %get3A_541, %mul3A_553 : vector<16xi32>
      %add3A_555 = arith.addi %mul3A_554, %get3A_543 : vector<16xi32>
      %swap3A_556 = arith.constant 0 : i32
      %swap3A_557 = arith.index_cast %swap3A_556 : i32 to index
      %swap3A_558 = arith.constant 64 : index
      %swap3A_559 = tpu.vector_load %arg13[%swap3A_557, %swap3A_558] {strides = array<i32>} : memref<1x128xi32, #tpu.memory_space<vmem>>, vector<16xi32>,
      tpu.vector_store %arg13[%swap3A_557, %swap3A_558], %add3A_555 {strides = array<i32>} : memref<1x128xi32, #tpu.memory_space<vmem>>, vector<16xi32>,
      %swap3A_560 = arith.constant 0 : i32
      %swap3A_561 = arith.index_cast %swap3A_560 : i32 to index
      %swap3A_562 = arith.constant 64 : index
      %swap3A_563 = tpu.vector_load %arg15[%swap3A_561, %swap3A_562] {strides = array<i32>} : memref<1x128xi32, #tpu.memory_space<vmem>>, vector<16xi32>,
      tpu.vector_store %arg15[%swap3A_561, %swap3A_562], %get3A_541 {strides = array<i32>} : memref<1x128xi32, #tpu.memory_space<vmem>>, vector<16xi32>,
      %get3A_564 = arith.constant 80 : index
      %get3A_565 = tpu.vector_load %arg9[%get3A_564] {strides = array<i32>} : memref<384xi32, #tpu.memory_space<vmem>>, vector<16xi32>,
      %get3A_566 = arith.constant 208 : index
      %get3A_567 = tpu.vector_load %arg9[%get3A_566] {strides = array<i32>} : memref<384xi32, #tpu.memory_space<vmem>>, vector<16xi32>,
      %get3A_568 = arith.constant 336 : index
      %get3A_569 = tpu.vector_load %arg9[%get3A_568] {strides = array<i32>} : memref<384xi32, #tpu.memory_space<vmem>>, vector<16xi32>,
      %mul3A_570 = arith.constant 10000 : i32
      %mul3A_571 = vector.broadcast %mul3A_570 : i32 to vector<16xi32>
      %mul3A_572 = arith.muli %get3A_569, %mul3A_571 : vector<16xi32>
      %add3A_573 = arith.addi %mul3A_572, %get3A_565 : vector<16xi32>
      %swap3A_574 = arith.constant 0 : i32
      %swap3A_575 = arith.index_cast %swap3A_574 : i32 to index
      %swap3A_576 = arith.constant 80 : index
      %swap3A_577 = tpu.vector_load %arg11[%swap3A_575, %swap3A_576] {strides = array<i32>} : memref<1x128xi32, #tpu.memory_space<vmem>>, vector<16xi32>,
      tpu.vector_store %arg11[%swap3A_575, %swap3A_576], %add3A_573 {strides = array<i32>} : memref<1x128xi32, #tpu.memory_space<vmem>>, vector<16xi32>,
      %mul3A_578 = arith.constant 8 : i32
      %mul3A_579 = vector.broadcast %mul3A_578 : i32 to vector<16xi32>
      %mul3A_580 = arith.muli %get3A_567, %mul3A_579 : vector<16xi32>
      %add3A_581 = arith.addi %mul3A_580, %get3A_569 : vector<16xi32>
      %swap3A_582 = arith.constant 0 : i32
      %swap3A_583 = arith.index_cast %swap3A_582 : i32 to index
      %swap3A_584 = arith.constant 80 : index
      %swap3A_585 = tpu.vector_load %arg13[%swap3A_583, %swap3A_584] {strides = array<i32>} : memref<1x128xi32, #tpu.memory_space<vmem>>, vector<16xi32>,
      tpu.vector_store %arg13[%swap3A_583, %swap3A_584], %add3A_581 {strides = array<i32>} : memref<1x128xi32, #tpu.memory_space<vmem>>, vector<16xi32>,
      %swap3A_586 = arith.constant 0 : i32
      %swap3A_587 = arith.index_cast %swap3A_586 : i32 to index
      %swap3A_588 = arith.constant 80 : index
      %swap3A_589 = tpu.vector_load %arg15[%swap3A_587, %swap3A_588] {strides = array<i32>} : memref<1x128xi32, #tpu.memory_space<vmem>>, vector<16xi32>,
      tpu.vector_store %arg15[%swap3A_587, %swap3A_588], %get3A_567 {strides = array<i32>} : memref<1x128xi32, #tpu.memory_space<vmem>>, vector<16xi32>,
      %get3A_590 = arith.constant 96 : index
      %get3A_591 = tpu.vector_load %arg9[%get3A_590] {strides = array<i32>} : memref<384xi32, #tpu.memory_space<vmem>>, vector<16xi32>,
      %get3A_592 = arith.constant 224 : index
      %get3A_593 = tpu.vector_load %arg9[%get3A_592] {strides = array<i32>} : memref<384xi32, #tpu.memory_space<vmem>>, vector<16xi32>,
      %get3A_594 = arith.constant 352 : index
      %get3A_595 = tpu.vector_load %arg9[%get3A_594] {strides = array<i32>} : memref<384xi32, #tpu.memory_space<vmem>>, vector<16xi32>,
      %mul3A_596 = arith.constant 10000 : i32
      %mul3A_597 = vector.broadcast %mul3A_596 : i32 to vector<16xi32>
      %mul3A_598 = arith.muli %get3A_595, %mul3A_597 : vector<16xi32>
      %add3A_599 = arith.addi %mul3A_598, %get3A_591 : vector<16xi32>
      %swap3A_600 = arith.constant 0 : i32
      %swap3A_601 = arith.index_cast %swap3A_600 : i32 to index
      %swap3A_602 = arith.constant 96 : index
      %swap3A_603 = tpu.vector_load %arg11[%swap3A_601, %swap3A_602] {strides = array<i32>} : memref<1x128xi32, #tpu.memory_space<vmem>>, vector<16xi32>,
      tpu.vector_store %arg11[%swap3A_601, %swap3A_602], %add3A_599 {strides = array<i32>} : memref<1x128xi32, #tpu.memory_space<vmem>>, vector<16xi32>,
      %mul3A_604 = arith.constant 8 : i32
      %mul3A_605 = vector.broadcast %mul3A_604 : i32 to vector<16xi32>
      %mul3A_606 = arith.muli %get3A_593, %mul3A_605 : vector<16xi32>
      %add3A_607 = arith.addi %mul3A_606, %get3A_595 : vector<16xi32>
      %swap3A_608 = arith.constant 0 : i32
      %swap3A_609 = arith.index_cast %swap3A_608 : i32 to index
      %swap3A_610 = arith.constant 96 : index
      %swap3A_611 = tpu.vector_load %arg13[%swap3A_609, %swap3A_610] {strides = array<i32>} : memref<1x128xi32, #tpu.memory_space<vmem>>, vector<16xi32>,
      tpu.vector_store %arg13[%swap3A_609, %swap3A_610], %add3A_607 {strides = array<i32>} : memref<1x128xi32, #tpu.memory_space<vmem>>, vector<16xi32>,
      %swap3A_612 = arith.constant 0 : i32
      %swap3A_613 = arith.index_cast %swap3A_612 : i32 to index
      %swap3A_614 = arith.constant 96 : index
      %swap3A_615 = tpu.vector_load %arg15[%swap3A_613, %swap3A_614] {strides = array<i32>} : memref<1x128xi32, #tpu.memory_space<vmem>>, vector<16xi32>,
      tpu.vector_store %arg15[%swap3A_613, %swap3A_614], %get3A_593 {strides = array<i32>} : memref<1x128xi32, #tpu.memory_space<vmem>>, vector<16xi32>,
      %get3A_616 = arith.constant 112 : index
      %get3A_617 = tpu.vector_load %arg9[%get3A_616] {strides = array<i32>} : memref<384xi32, #tpu.memory_space<vmem>>, vector<16xi32>,
      %get3A_618 = arith.constant 240 : index
      %get3A_619 = tpu.vector_load %arg9[%get3A_618] {strides = array<i32>} : memref<384xi32, #tpu.memory_space<vmem>>, vector<16xi32>,
      %get3A_620 = arith.constant 368 : index
      %get3A_621 = tpu.vector_load %arg9[%get3A_620] {strides = array<i32>} : memref<384xi32, #tpu.memory_space<vmem>>, vector<16xi32>,
      %mul3A_622 = arith.constant 10000 : i32
      %mul3A_623 = vector.broadcast %mul3A_622 : i32 to vector<16xi32>
      %mul3A_624 = arith.muli %get3A_621, %mul3A_623 : vector<16xi32>
      %add3A_625 = arith.addi %mul3A_624, %get3A_617 : vector<16xi32>
      %swap3A_626 = arith.constant 0 : i32
      %swap3A_627 = arith.index_cast %swap3A_626 : i32 to index
      %swap3A_628 = arith.constant 112 : index
      %swap3A_629 = tpu.vector_load %arg11[%swap3A_627, %swap3A_628] {strides = array<i32>} : memref<1x128xi32, #tpu.memory_space<vmem>>, vector<16xi32>,
      tpu.vector_store %arg11[%swap3A_627, %swap3A_628], %add3A_625 {strides = array<i32>} : memref<1x128xi32, #tpu.memory_space<vmem>>, vector<16xi32>,
      %mul3A_630 = arith.constant 8 : i32
      %mul3A_631 = vector.broadcast %mul3A_630 : i32 to vector<16xi32>
      %mul3A_632 = arith.muli %get3A_619, %mul3A_631 : vector<16xi32>
      %add3A_633 = arith.addi %mul3A_632, %get3A_621 : vector<16xi32>
      %swap3A_634 = arith.constant 0 : i32
      %swap3A_635 = arith.index_cast %swap3A_634 : i32 to index
      %swap3A_636 = arith.constant 112 : index
      %swap3A_637 = tpu.vector_load %arg13[%swap3A_635, %swap3A_636] {strides = array<i32>} : memref<1x128xi32, #tpu.memory_space<vmem>>, vector<16xi32>,
      tpu.vector_store %arg13[%swap3A_635, %swap3A_636], %add3A_633 {strides = array<i32>} : memref<1x128xi32, #tpu.memory_space<vmem>>, vector<16xi32>,
      %swap3A_638 = arith.constant 0 : i32
      %swap3A_639 = arith.index_cast %swap3A_638 : i32 to index
      %swap3A_640 = arith.constant 112 : index
      %swap3A_641 = tpu.vector_load %arg15[%swap3A_639, %swap3A_640] {strides = array<i32>} : memref<1x128xi32, #tpu.memory_space<vmem>>, vector<16xi32>,
      tpu.vector_store %arg15[%swap3A_639, %swap3A_640], %get3A_619 {strides = array<i32>} : memref<1x128xi32, #tpu.memory_space<vmem>>, vector<16xi32>,
      %dma_start3A_642 = arith.constant 0 : i32
      %dma_start3A_643 = arith.constant 0 : i32
      %dma_start3A_644 = tpu.memref_slice %arg11[%dma_start3A_642, %dma_start3A_643] : memref<1x128xi32, #tpu.memory_space<vmem>> -> memref<1x128xi32, #tpu.memory_space<vmem>>
      %dma_start3A_645 = tpu.memref_squeeze %dma_start3A_644 : memref<1x128xi32, #tpu.memory_space<vmem>> -> memref<128xi32, #tpu.memory_space<vmem>>
      %dma_start3A_646 = arith.constant 0 : i32
      %dma_start3A_647 = arith.constant 0 : i32
      %dma_start3A_648 = tpu.memref_slice %arg5[%dma_start3A_646, %dma_start3A_647] : memref<80000x128xf32, #tpu.memory_space<hbm>> -> memref<80000x128xf32, #tpu.memory_space<hbm>>
      tpu.enqueue_indirect_dma source(%dma_start3A_648 : memref<80000x128xf32, #tpu.memory_space<hbm>>) target(%arg22 : memref<128x128xf32, #tpu.memory_space<vmem>>) offsets(%dma_start3A_645 : memref<128xi32, #tpu.memory_space<vmem>>) semaphore(%arg28 : memref<!tpu.dma_semaphore, #tpu.memory_space<semaphore_mem>>)
      %dma_start3A_649 = arith.constant 0 : i32
      %dma_start3A_650 = arith.constant 0 : i32
      %dma_start3A_651 = tpu.memref_slice %arg13[%dma_start3A_649, %dma_start3A_650] : memref<1x128xi32, #tpu.memory_space<vmem>> -> memref<1x128xi32, #tpu.memory_space<vmem>>
      %dma_start3A_652 = tpu.memref_squeeze %dma_start3A_651 : memref<1x128xi32, #tpu.memory_space<vmem>> -> memref<128xi32, #tpu.memory_space<vmem>>
      %dma_start3A_653 = arith.constant 0 : i32
      %dma_start3A_654 = tpu.memref_slice %arg6[%dma_start3A_653] : memref<81920xf32, #tpu.memory_space<hbm>> -> memref<81920xf32, #tpu.memory_space<hbm>>
      tpu.enqueue_indirect_dma source(%dma_start3A_654 : memref<81920xf32, #tpu.memory_space<hbm>>) target(%arg20 : memref<128xf32, #tpu.memory_space<vmem>>) offsets(%dma_start3A_652 : memref<128xi32, #tpu.memory_space<vmem>>) semaphore(%arg28 : memref<!tpu.dma_semaphore, #tpu.memory_space<semaphore_mem>>)
      %add3A_655 = arith.constant 2 : i32
      %add3A_656 = arith.addi %add3A_410, %add3A_655 : i32
      %lt3A = arith.constant 78 : i32
      %lt3A_657 = arith.cmpi slt, %add3A_656, %lt3A : i32
      %convert_element_type3A_658 = arith.extui %lt3A_657 : i1 to i32
      %cond3A_659 = arith.constant 0 : i32
      %cond3A_660 = arith.cmpi ne, %convert_element_type3A_658, %cond3A_659 : i32
      scf.if %cond3A_660 {
        %add3A_720 = arith.constant 2 : i32
        %add3A_721 = arith.addi %add3A_410, %add3A_720 : i32
        %mul3A_722 = arith.constant 128 : i32
        %mul3A_723 = arith.muli %add3A_721, %mul3A_722 : i32
        %add3A_724 = arith.addi %mul3A_13, %mul3A_723 : i32
        %dma_start3A_725 = arith.constant 0 : i32
        %dma_start3A_726 = tpu.memref_slice %arg9[%dma_start3A_725] : memref<384xi32, #tpu.memory_space<vmem>> -> memref<128xi32, #tpu.memory_space<vmem>>
        %dma_start3A_727 = tpu.memref_slice %arg2[%add3A_724] : memref<320000xi32, #tpu.memory_space<hbm>> -> memref<128xi32, #tpu.memory_space<hbm>>
        %dma_start3A_728 = arith.constant 0 : i32
        %dma_start3A_729 = tpu.memref_slice %arg9[%dma_start3A_728] : memref<384xi32, #tpu.memory_space<vmem>> -> memref<128xi32, #tpu.memory_space<vmem>>
        %dma_start3A_730 = tpu.memref_slice %arg2[%add3A_724] : memref<320000xi32, #tpu.memory_space<hbm>> -> memref<128xi32, #tpu.memory_space<hbm>>
        tpu.enqueue_dma source(%dma_start3A_730 : memref<128xi32, #tpu.memory_space<hbm>>) target(%dma_start3A_729 : memref<128xi32, #tpu.memory_space<vmem>>) target_semaphore(%arg26 : memref<!tpu.dma_semaphore, #tpu.memory_space<semaphore_mem>>)
        %dma_start3A_731 = arith.constant 128 : i32
        %dma_start3A_732 = tpu.memref_slice %arg9[%dma_start3A_731] : memref<384xi32, #tpu.memory_space<vmem>> -> memref<128xi32, #tpu.memory_space<vmem>>
        %dma_start3A_733 = tpu.memref_slice %arg3[%add3A_724] : memref<320000xi32, #tpu.memory_space<hbm>> -> memref<128xi32, #tpu.memory_space<hbm>>
        %dma_start3A_734 = arith.constant 128 : i32
        %dma_start3A_735 = tpu.memref_slice %arg9[%dma_start3A_734] : memref<384xi32, #tpu.memory_space<vmem>> -> memref<128xi32, #tpu.memory_space<vmem>>
        %dma_start3A_736 = tpu.memref_slice %arg3[%add3A_724] : memref<320000xi32, #tpu.memory_space<hbm>> -> memref<128xi32, #tpu.memory_space<hbm>>
        tpu.enqueue_dma source(%dma_start3A_736 : memref<128xi32, #tpu.memory_space<hbm>>) target(%dma_start3A_735 : memref<128xi32, #tpu.memory_space<vmem>>) target_semaphore(%arg26 : memref<!tpu.dma_semaphore, #tpu.memory_space<semaphore_mem>>)
        %dma_start3A_737 = arith.constant 256 : i32
        %dma_start3A_738 = tpu.memref_slice %arg9[%dma_start3A_737] : memref<384xi32, #tpu.memory_space<vmem>> -> memref<128xi32, #tpu.memory_space<vmem>>
        %dma_start3A_739 = tpu.memref_slice %arg4[%add3A_724] : memref<320000xi32, #tpu.memory_space<hbm>> -> memref<128xi32, #tpu.memory_space<hbm>>
        %dma_start3A_740 = arith.constant 256 : i32
        %dma_start3A_741 = tpu.memref_slice %arg9[%dma_start3A_740] : memref<384xi32, #tpu.memory_space<vmem>> -> memref<128xi32, #tpu.memory_space<vmem>>
        %dma_start3A_742 = tpu.memref_slice %arg4[%add3A_724] : memref<320000xi32, #tpu.memory_space<hbm>> -> memref<128xi32, #tpu.memory_space<hbm>>
        tpu.enqueue_dma source(%dma_start3A_742 : memref<128xi32, #tpu.memory_space<hbm>>) target(%dma_start3A_741 : memref<128xi32, #tpu.memory_space<vmem>>) target_semaphore(%arg26 : memref<!tpu.dma_semaphore, #tpu.memory_space<semaphore_mem>>)
      } else {
      }
      %dma_wait3A_661 = arith.constant 0 : i32
      %dma_wait3A_662 = arith.constant 0 : i32
      %dma_wait3A_663 = tpu.memref_slice %arg10[%dma_wait3A_661, %dma_wait3A_662] : memref<1x128xi32, #tpu.memory_space<vmem>> -> memref<1x128xi32, #tpu.memory_space<vmem>>
      %dma_wait3A_664 = tpu.memref_squeeze %dma_wait3A_663 : memref<1x128xi32, #tpu.memory_space<vmem>> -> memref<128xi32, #tpu.memory_space<vmem>>
      %dma_wait3A_665 = arith.constant 0 : i32
      %dma_wait3A_666 = arith.constant 0 : i32
      %dma_wait3A_667 = tpu.memref_slice %arg5[%dma_wait3A_665, %dma_wait3A_666] : memref<80000x128xf32, #tpu.memory_space<hbm>> -> memref<80000x128xf32, #tpu.memory_space<hbm>>
      tpu.wait_indirect_dma semaphore(%arg27 : memref<!tpu.dma_semaphore, #tpu.memory_space<semaphore_mem>>) src(%dma_wait3A_667 : memref<80000x128xf32, #tpu.memory_space<hbm>>) dst(%arg21 : memref<128x128xf32, #tpu.memory_space<vmem>>)
      %dma_wait3A_668 = arith.constant 0 : i32
      %dma_wait3A_669 = arith.constant 0 : i32
      %dma_wait3A_670 = tpu.memref_slice %arg12[%dma_wait3A_668, %dma_wait3A_669] : memref<1x128xi32, #tpu.memory_space<vmem>> -> memref<1x128xi32, #tpu.memory_space<vmem>>
      %dma_wait3A_671 = tpu.memref_squeeze %dma_wait3A_670 : memref<1x128xi32, #tpu.memory_space<vmem>> -> memref<128xi32, #tpu.memory_space<vmem>>
      %dma_wait3A_672 = arith.constant 0 : i32
      %dma_wait3A_673 = tpu.memref_slice %arg6[%dma_wait3A_672] : memref<81920xf32, #tpu.memory_space<hbm>> -> memref<81920xf32, #tpu.memory_space<hbm>>
      tpu.wait_indirect_dma semaphore(%arg27 : memref<!tpu.dma_semaphore, #tpu.memory_space<semaphore_mem>>) src(%dma_wait3A_673 : memref<81920xf32, #tpu.memory_space<hbm>>) dst(%arg19 : memref<128xf32, #tpu.memory_space<vmem>>)
      %scan3A_674 = arith.constant 0 : i32
      %scan3A_675 = arith.constant 0 : i32
      %scan3A_676 = arith.constant 32 : i32
      %scan3A_677 = arith.addi %scan3A_675, %scan3A_676 : i32
      %scan3A_678 = arith.constant 1 : i32
      scf.for %scan3A_720 = %scan3A_675 to %scan3A_677 step %scan3A_678  : i32 {
        %mul3A_721 = arith.constant 4 : i32
        %mul3A_722 = arith.muli %scan3A_720, %mul3A_721 : i32
        %add3A_723 = arith.constant 0 : i32
        %add3A_724 = arith.addi %mul3A_722, %add3A_723 : i32
        %broadcast_in_dim3A = vector.broadcast %add3A_724 : i32 to vector<16xi32>
        %gather3A = tpu.vector_load_idx %arg19[%broadcast_in_dim3A] : memref<128xf32, #tpu.memory_space<vmem>>[vector<16xi32>], vector<16xf32>,
        %get3A_725 = arith.index_cast %add3A_724 : i32 to index
        %get3A_726 = arith.constant 0 : index
        %get3A_727 = tpu.vector_load %arg21[%get3A_725, %get3A_726] {strides = array<i32>} : memref<128x128xf32, #tpu.memory_space<vmem>>, vector<16xf32>,
        %mul3A_728 = arith.mulf %get3A_727, %gather3A : vector<16xf32>
        %swap3A_729 = arith.index_cast %add3A_724 : i32 to index
        %swap3A_730 = arith.constant 0 : index
        %swap3A_731 = tpu.vector_load %arg21[%swap3A_729, %swap3A_730] {strides = array<i32>} : memref<128x128xf32, #tpu.memory_space<vmem>>, vector<16xf32>,
        tpu.vector_store %arg21[%swap3A_729, %swap3A_730], %mul3A_728 {strides = array<i32>} : memref<128x128xf32, #tpu.memory_space<vmem>>, vector<16xf32>,
        %get3A_732 = arith.index_cast %add3A_724 : i32 to index
        %get3A_733 = arith.constant 16 : index
        %get3A_734 = tpu.vector_load %arg21[%get3A_732, %get3A_733] {strides = array<i32>} : memref<128x128xf32, #tpu.memory_space<vmem>>, vector<16xf32>,
        %mul3A_735 = arith.mulf %get3A_734, %gather3A : vector<16xf32>
        %swap3A_736 = arith.index_cast %add3A_724 : i32 to index
        %swap3A_737 = arith.constant 16 : index
        %swap3A_738 = tpu.vector_load %arg21[%swap3A_736, %swap3A_737] {strides = array<i32>} : memref<128x128xf32, #tpu.memory_space<vmem>>, vector<16xf32>,
        tpu.vector_store %arg21[%swap3A_736, %swap3A_737], %mul3A_735 {strides = array<i32>} : memref<128x128xf32, #tpu.memory_space<vmem>>, vector<16xf32>,
        %get3A_739 = arith.index_cast %add3A_724 : i32 to index
        %get3A_740 = arith.constant 32 : index
        %get3A_741 = tpu.vector_load %arg21[%get3A_739, %get3A_740] {strides = array<i32>} : memref<128x128xf32, #tpu.memory_space<vmem>>, vector<16xf32>,
        %mul3A_742 = arith.mulf %get3A_741, %gather3A : vector<16xf32>
        %swap3A_743 = arith.index_cast %add3A_724 : i32 to index
        %swap3A_744 = arith.constant 32 : index
        %swap3A_745 = tpu.vector_load %arg21[%swap3A_743, %swap3A_744] {strides = array<i32>} : memref<128x128xf32, #tpu.memory_space<vmem>>, vector<16xf32>,
        tpu.vector_store %arg21[%swap3A_743, %swap3A_744], %mul3A_742 {strides = array<i32>} : memref<128x128xf32, #tpu.memory_space<vmem>>, vector<16xf32>,
        %get3A_746 = arith.index_cast %add3A_724 : i32 to index
        %get3A_747 = arith.constant 48 : index
        %get3A_748 = tpu.vector_load %arg21[%get3A_746, %get3A_747] {strides = array<i32>} : memref<128x128xf32, #tpu.memory_space<vmem>>, vector<16xf32>,
        %mul3A_749 = arith.mulf %get3A_748, %gather3A : vector<16xf32>
        %swap3A_750 = arith.index_cast %add3A_724 : i32 to index
        %swap3A_751 = arith.constant 48 : index
        %swap3A_752 = tpu.vector_load %arg21[%swap3A_750, %swap3A_751] {strides = array<i32>} : memref<128x128xf32, #tpu.memory_space<vmem>>, vector<16xf32>,
        tpu.vector_store %arg21[%swap3A_750, %swap3A_751], %mul3A_749 {strides = array<i32>} : memref<128x128xf32, #tpu.memory_space<vmem>>, vector<16xf32>,
        %get3A_753 = arith.index_cast %add3A_724 : i32 to index
        %get3A_754 = arith.constant 64 : index
        %get3A_755 = tpu.vector_load %arg21[%get3A_753, %get3A_754] {strides = array<i32>} : memref<128x128xf32, #tpu.memory_space<vmem>>, vector<16xf32>,
        %mul3A_756 = arith.mulf %get3A_755, %gather3A : vector<16xf32>
        %swap3A_757 = arith.index_cast %add3A_724 : i32 to index
        %swap3A_758 = arith.constant 64 : index
        %swap3A_759 = tpu.vector_load %arg21[%swap3A_757, %swap3A_758] {strides = array<i32>} : memref<128x128xf32, #tpu.memory_space<vmem>>, vector<16xf32>,
        tpu.vector_store %arg21[%swap3A_757, %swap3A_758], %mul3A_756 {strides = array<i32>} : memref<128x128xf32, #tpu.memory_space<vmem>>, vector<16xf32>,
        %get3A_760 = arith.index_cast %add3A_724 : i32 to index
        %get3A_761 = arith.constant 80 : index
        %get3A_762 = tpu.vector_load %arg21[%get3A_760, %get3A_761] {strides = array<i32>} : memref<128x128xf32, #tpu.memory_space<vmem>>, vector<16xf32>,
        %mul3A_763 = arith.mulf %get3A_762, %gather3A : vector<16xf32>
        %swap3A_764 = arith.index_cast %add3A_724 : i32 to index
        %swap3A_765 = arith.constant 80 : index
        %swap3A_766 = tpu.vector_load %arg21[%swap3A_764, %swap3A_765] {strides = array<i32>} : memref<128x128xf32, #tpu.memory_space<vmem>>, vector<16xf32>,
        tpu.vector_store %arg21[%swap3A_764, %swap3A_765], %mul3A_763 {strides = array<i32>} : memref<128x128xf32, #tpu.memory_space<vmem>>, vector<16xf32>,
        %get3A_767 = arith.index_cast %add3A_724 : i32 to index
        %get3A_768 = arith.constant 96 : index
        %get3A_769 = tpu.vector_load %arg21[%get3A_767, %get3A_768] {strides = array<i32>} : memref<128x128xf32, #tpu.memory_space<vmem>>, vector<16xf32>,
        %mul3A_770 = arith.mulf %get3A_769, %gather3A : vector<16xf32>
        %swap3A_771 = arith.index_cast %add3A_724 : i32 to index
        %swap3A_772 = arith.constant 96 : index
        %swap3A_773 = tpu.vector_load %arg21[%swap3A_771, %swap3A_772] {strides = array<i32>} : memref<128x128xf32, #tpu.memory_space<vmem>>, vector<16xf32>,
        tpu.vector_store %arg21[%swap3A_771, %swap3A_772], %mul3A_770 {strides = array<i32>} : memref<128x128xf32, #tpu.memory_space<vmem>>, vector<16xf32>,
        %get3A_774 = arith.index_cast %add3A_724 : i32 to index
        %get3A_775 = arith.constant 112 : index
        %get3A_776 = tpu.vector_load %arg21[%get3A_774, %get3A_775] {strides = array<i32>} : memref<128x128xf32, #tpu.memory_space<vmem>>, vector<16xf32>,
        %mul3A_777 = arith.mulf %get3A_776, %gather3A : vector<16xf32>
        %swap3A_778 = arith.index_cast %add3A_724 : i32 to index
        %swap3A_779 = arith.constant 112 : index
        %swap3A_780 = tpu.vector_load %arg21[%swap3A_778, %swap3A_779] {strides = array<i32>} : memref<128x128xf32, #tpu.memory_space<vmem>>, vector<16xf32>,
        tpu.vector_store %arg21[%swap3A_778, %swap3A_779], %mul3A_777 {strides = array<i32>} : memref<128x128xf32, #tpu.memory_space<vmem>>, vector<16xf32>,
        %mul3A_781 = arith.constant 4 : i32
        %mul3A_782 = arith.muli %scan3A_720, %mul3A_781 : i32
        %add3A_783 = arith.constant 1 : i32
        %add3A_784 = arith.addi %mul3A_782, %add3A_783 : i32
        %broadcast_in_dim3A_785 = vector.broadcast %add3A_784 : i32 to vector<16xi32>
        %gather3A_786 = tpu.vector_load_idx %arg19[%broadcast_in_dim3A_785] : memref<128xf32, #tpu.memory_space<vmem>>[vector<16xi32>], vector<16xf32>,
        %get3A_787 = arith.index_cast %add3A_784 : i32 to index
        %get3A_788 = arith.constant 0 : index
        %get3A_789 = tpu.vector_load %arg21[%get3A_787, %get3A_788] {strides = array<i32>} : memref<128x128xf32, #tpu.memory_space<vmem>>, vector<16xf32>,
        %mul3A_790 = arith.mulf %get3A_789, %gather3A_786 : vector<16xf32>
        %swap3A_791 = arith.index_cast %add3A_784 : i32 to index
        %swap3A_792 = arith.constant 0 : index
        %swap3A_793 = tpu.vector_load %arg21[%swap3A_791, %swap3A_792] {strides = array<i32>} : memref<128x128xf32, #tpu.memory_space<vmem>>, vector<16xf32>,
        tpu.vector_store %arg21[%swap3A_791, %swap3A_792], %mul3A_790 {strides = array<i32>} : memref<128x128xf32, #tpu.memory_space<vmem>>, vector<16xf32>,
        %get3A_794 = arith.index_cast %add3A_784 : i32 to index
        %get3A_795 = arith.constant 16 : index
        %get3A_796 = tpu.vector_load %arg21[%get3A_794, %get3A_795] {strides = array<i32>} : memref<128x128xf32, #tpu.memory_space<vmem>>, vector<16xf32>,
        %mul3A_797 = arith.mulf %get3A_796, %gather3A_786 : vector<16xf32>
        %swap3A_798 = arith.index_cast %add3A_784 : i32 to index
        %swap3A_799 = arith.constant 16 : index
        %swap3A_800 = tpu.vector_load %arg21[%swap3A_798, %swap3A_799] {strides = array<i32>} : memref<128x128xf32, #tpu.memory_space<vmem>>, vector<16xf32>,
        tpu.vector_store %arg21[%swap3A_798, %swap3A_799], %mul3A_797 {strides = array<i32>} : memref<128x128xf32, #tpu.memory_space<vmem>>, vector<16xf32>,
        %get3A_801 = arith.index_cast %add3A_784 : i32 to index
        %get3A_802 = arith.constant 32 : index
        %get3A_803 = tpu.vector_load %arg21[%get3A_801, %get3A_802] {strides = array<i32>} : memref<128x128xf32, #tpu.memory_space<vmem>>, vector<16xf32>,
        %mul3A_804 = arith.mulf %get3A_803, %gather3A_786 : vector<16xf32>
        %swap3A_805 = arith.index_cast %add3A_784 : i32 to index
        %swap3A_806 = arith.constant 32 : index
        %swap3A_807 = tpu.vector_load %arg21[%swap3A_805, %swap3A_806] {strides = array<i32>} : memref<128x128xf32, #tpu.memory_space<vmem>>, vector<16xf32>,
        tpu.vector_store %arg21[%swap3A_805, %swap3A_806], %mul3A_804 {strides = array<i32>} : memref<128x128xf32, #tpu.memory_space<vmem>>, vector<16xf32>,
        %get3A_808 = arith.index_cast %add3A_784 : i32 to index
        %get3A_809 = arith.constant 48 : index
        %get3A_810 = tpu.vector_load %arg21[%get3A_808, %get3A_809] {strides = array<i32>} : memref<128x128xf32, #tpu.memory_space<vmem>>, vector<16xf32>,
        %mul3A_811 = arith.mulf %get3A_810, %gather3A_786 : vector<16xf32>
        %swap3A_812 = arith.index_cast %add3A_784 : i32 to index
        %swap3A_813 = arith.constant 48 : index
        %swap3A_814 = tpu.vector_load %arg21[%swap3A_812, %swap3A_813] {strides = array<i32>} : memref<128x128xf32, #tpu.memory_space<vmem>>, vector<16xf32>,
        tpu.vector_store %arg21[%swap3A_812, %swap3A_813], %mul3A_811 {strides = array<i32>} : memref<128x128xf32, #tpu.memory_space<vmem>>, vector<16xf32>,
        %get3A_815 = arith.index_cast %add3A_784 : i32 to index
        %get3A_816 = arith.constant 64 : index
        %get3A_817 = tpu.vector_load %arg21[%get3A_815, %get3A_816] {strides = array<i32>} : memref<128x128xf32, #tpu.memory_space<vmem>>, vector<16xf32>,
        %mul3A_818 = arith.mulf %get3A_817, %gather3A_786 : vector<16xf32>
        %swap3A_819 = arith.index_cast %add3A_784 : i32 to index
        %swap3A_820 = arith.constant 64 : index
        %swap3A_821 = tpu.vector_load %arg21[%swap3A_819, %swap3A_820] {strides = array<i32>} : memref<128x128xf32, #tpu.memory_space<vmem>>, vector<16xf32>,
        tpu.vector_store %arg21[%swap3A_819, %swap3A_820], %mul3A_818 {strides = array<i32>} : memref<128x128xf32, #tpu.memory_space<vmem>>, vector<16xf32>,
        %get3A_822 = arith.index_cast %add3A_784 : i32 to index
        %get3A_823 = arith.constant 80 : index
        %get3A_824 = tpu.vector_load %arg21[%get3A_822, %get3A_823] {strides = array<i32>} : memref<128x128xf32, #tpu.memory_space<vmem>>, vector<16xf32>,
        %mul3A_825 = arith.mulf %get3A_824, %gather3A_786 : vector<16xf32>
        %swap3A_826 = arith.index_cast %add3A_784 : i32 to index
        %swap3A_827 = arith.constant 80 : index
        %swap3A_828 = tpu.vector_load %arg21[%swap3A_826, %swap3A_827] {strides = array<i32>} : memref<128x128xf32, #tpu.memory_space<vmem>>, vector<16xf32>,
        tpu.vector_store %arg21[%swap3A_826, %swap3A_827], %mul3A_825 {strides = array<i32>} : memref<128x128xf32, #tpu.memory_space<vmem>>, vector<16xf32>,
        %get3A_829 = arith.index_cast %add3A_784 : i32 to index
        %get3A_830 = arith.constant 96 : index
        %get3A_831 = tpu.vector_load %arg21[%get3A_829, %get3A_830] {strides = array<i32>} : memref<128x128xf32, #tpu.memory_space<vmem>>, vector<16xf32>,
        %mul3A_832 = arith.mulf %get3A_831, %gather3A_786 : vector<16xf32>
        %swap3A_833 = arith.index_cast %add3A_784 : i32 to index
        %swap3A_834 = arith.constant 96 : index
        %swap3A_835 = tpu.vector_load %arg21[%swap3A_833, %swap3A_834] {strides = array<i32>} : memref<128x128xf32, #tpu.memory_space<vmem>>, vector<16xf32>,
        tpu.vector_store %arg21[%swap3A_833, %swap3A_834], %mul3A_832 {strides = array<i32>} : memref<128x128xf32, #tpu.memory_space<vmem>>, vector<16xf32>,
        %get3A_836 = arith.index_cast %add3A_784 : i32 to index
        %get3A_837 = arith.constant 112 : index
        %get3A_838 = tpu.vector_load %arg21[%get3A_836, %get3A_837] {strides = array<i32>} : memref<128x128xf32, #tpu.memory_space<vmem>>, vector<16xf32>,
        %mul3A_839 = arith.mulf %get3A_838, %gather3A_786 : vector<16xf32>
        %swap3A_840 = arith.index_cast %add3A_784 : i32 to index
        %swap3A_841 = arith.constant 112 : index
        %swap3A_842 = tpu.vector_load %arg21[%swap3A_840, %swap3A_841] {strides = array<i32>} : memref<128x128xf32, #tpu.memory_space<vmem>>, vector<16xf32>,
        tpu.vector_store %arg21[%swap3A_840, %swap3A_841], %mul3A_839 {strides = array<i32>} : memref<128x128xf32, #tpu.memory_space<vmem>>, vector<16xf32>,
        %mul3A_843 = arith.constant 4 : i32
        %mul3A_844 = arith.muli %scan3A_720, %mul3A_843 : i32
        %add3A_845 = arith.constant 2 : i32
        %add3A_846 = arith.addi %mul3A_844, %add3A_845 : i32
        %broadcast_in_dim3A_847 = vector.broadcast %add3A_846 : i32 to vector<16xi32>
        %gather3A_848 = tpu.vector_load_idx %arg19[%broadcast_in_dim3A_847] : memref<128xf32, #tpu.memory_space<vmem>>[vector<16xi32>], vector<16xf32>,
        %get3A_849 = arith.index_cast %add3A_846 : i32 to index
        %get3A_850 = arith.constant 0 : index
        %get3A_851 = tpu.vector_load %arg21[%get3A_849, %get3A_850] {strides = array<i32>} : memref<128x128xf32, #tpu.memory_space<vmem>>, vector<16xf32>,
        %mul3A_852 = arith.mulf %get3A_851, %gather3A_848 : vector<16xf32>
        %swap3A_853 = arith.index_cast %add3A_846 : i32 to index
        %swap3A_854 = arith.constant 0 : index
        %swap3A_855 = tpu.vector_load %arg21[%swap3A_853, %swap3A_854] {strides = array<i32>} : memref<128x128xf32, #tpu.memory_space<vmem>>, vector<16xf32>,
        tpu.vector_store %arg21[%swap3A_853, %swap3A_854], %mul3A_852 {strides = array<i32>} : memref<128x128xf32, #tpu.memory_space<vmem>>, vector<16xf32>,
        %get3A_856 = arith.index_cast %add3A_846 : i32 to index
        %get3A_857 = arith.constant 16 : index
        %get3A_858 = tpu.vector_load %arg21[%get3A_856, %get3A_857] {strides = array<i32>} : memref<128x128xf32, #tpu.memory_space<vmem>>, vector<16xf32>,
        %mul3A_859 = arith.mulf %get3A_858, %gather3A_848 : vector<16xf32>
        %swap3A_860 = arith.index_cast %add3A_846 : i32 to index
        %swap3A_861 = arith.constant 16 : index
        %swap3A_862 = tpu.vector_load %arg21[%swap3A_860, %swap3A_861] {strides = array<i32>} : memref<128x128xf32, #tpu.memory_space<vmem>>, vector<16xf32>,
        tpu.vector_store %arg21[%swap3A_860, %swap3A_861], %mul3A_859 {strides = array<i32>} : memref<128x128xf32, #tpu.memory_space<vmem>>, vector<16xf32>,
        %get3A_863 = arith.index_cast %add3A_846 : i32 to index
        %get3A_864 = arith.constant 32 : index
        %get3A_865 = tpu.vector_load %arg21[%get3A_863, %get3A_864] {strides = array<i32>} : memref<128x128xf32, #tpu.memory_space<vmem>>, vector<16xf32>,
        %mul3A_866 = arith.mulf %get3A_865, %gather3A_848 : vector<16xf32>
        %swap3A_867 = arith.index_cast %add3A_846 : i32 to index
        %swap3A_868 = arith.constant 32 : index
        %swap3A_869 = tpu.vector_load %arg21[%swap3A_867, %swap3A_868] {strides = array<i32>} : memref<128x128xf32, #tpu.memory_space<vmem>>, vector<16xf32>,
        tpu.vector_store %arg21[%swap3A_867, %swap3A_868], %mul3A_866 {strides = array<i32>} : memref<128x128xf32, #tpu.memory_space<vmem>>, vector<16xf32>,
        %get3A_870 = arith.index_cast %add3A_846 : i32 to index
        %get3A_871 = arith.constant 48 : index
        %get3A_872 = tpu.vector_load %arg21[%get3A_870, %get3A_871] {strides = array<i32>} : memref<128x128xf32, #tpu.memory_space<vmem>>, vector<16xf32>,
        %mul3A_873 = arith.mulf %get3A_872, %gather3A_848 : vector<16xf32>
        %swap3A_874 = arith.index_cast %add3A_846 : i32 to index
        %swap3A_875 = arith.constant 48 : index
        %swap3A_876 = tpu.vector_load %arg21[%swap3A_874, %swap3A_875] {strides = array<i32>} : memref<128x128xf32, #tpu.memory_space<vmem>>, vector<16xf32>,
        tpu.vector_store %arg21[%swap3A_874, %swap3A_875], %mul3A_873 {strides = array<i32>} : memref<128x128xf32, #tpu.memory_space<vmem>>, vector<16xf32>,
        %get3A_877 = arith.index_cast %add3A_846 : i32 to index
        %get3A_878 = arith.constant 64 : index
        %get3A_879 = tpu.vector_load %arg21[%get3A_877, %get3A_878] {strides = array<i32>} : memref<128x128xf32, #tpu.memory_space<vmem>>, vector<16xf32>,
        %mul3A_880 = arith.mulf %get3A_879, %gather3A_848 : vector<16xf32>
        %swap3A_881 = arith.index_cast %add3A_846 : i32 to index
        %swap3A_882 = arith.constant 64 : index
        %swap3A_883 = tpu.vector_load %arg21[%swap3A_881, %swap3A_882] {strides = array<i32>} : memref<128x128xf32, #tpu.memory_space<vmem>>, vector<16xf32>,
        tpu.vector_store %arg21[%swap3A_881, %swap3A_882], %mul3A_880 {strides = array<i32>} : memref<128x128xf32, #tpu.memory_space<vmem>>, vector<16xf32>,
        %get3A_884 = arith.index_cast %add3A_846 : i32 to index
        %get3A_885 = arith.constant 80 : index
        %get3A_886 = tpu.vector_load %arg21[%get3A_884, %get3A_885] {strides = array<i32>} : memref<128x128xf32, #tpu.memory_space<vmem>>, vector<16xf32>,
        %mul3A_887 = arith.mulf %get3A_886, %gather3A_848 : vector<16xf32>
        %swap3A_888 = arith.index_cast %add3A_846 : i32 to index
        %swap3A_889 = arith.constant 80 : index
        %swap3A_890 = tpu.vector_load %arg21[%swap3A_888, %swap3A_889] {strides = array<i32>} : memref<128x128xf32, #tpu.memory_space<vmem>>, vector<16xf32>,
        tpu.vector_store %arg21[%swap3A_888, %swap3A_889], %mul3A_887 {strides = array<i32>} : memref<128x128xf32, #tpu.memory_space<vmem>>, vector<16xf32>,
        %get3A_891 = arith.index_cast %add3A_846 : i32 to index
        %get3A_892 = arith.constant 96 : index
        %get3A_893 = tpu.vector_load %arg21[%get3A_891, %get3A_892] {strides = array<i32>} : memref<128x128xf32, #tpu.memory_space<vmem>>, vector<16xf32>,
        %mul3A_894 = arith.mulf %get3A_893, %gather3A_848 : vector<16xf32>
        %swap3A_895 = arith.index_cast %add3A_846 : i32 to index
        %swap3A_896 = arith.constant 96 : index
        %swap3A_897 = tpu.vector_load %arg21[%swap3A_895, %swap3A_896] {strides = array<i32>} : memref<128x128xf32, #tpu.memory_space<vmem>>, vector<16xf32>,
        tpu.vector_store %arg21[%swap3A_895, %swap3A_896], %mul3A_894 {strides = array<i32>} : memref<128x128xf32, #tpu.memory_space<vmem>>, vector<16xf32>,
        %get3A_898 = arith.index_cast %add3A_846 : i32 to index
        %get3A_899 = arith.constant 112 : index
        %get3A_900 = tpu.vector_load %arg21[%get3A_898, %get3A_899] {strides = array<i32>} : memref<128x128xf32, #tpu.memory_space<vmem>>, vector<16xf32>,
        %mul3A_901 = arith.mulf %get3A_900, %gather3A_848 : vector<16xf32>
        %swap3A_902 = arith.index_cast %add3A_846 : i32 to index
        %swap3A_903 = arith.constant 112 : index
        %swap3A_904 = tpu.vector_load %arg21[%swap3A_902, %swap3A_903] {strides = array<i32>} : memref<128x128xf32, #tpu.memory_space<vmem>>, vector<16xf32>,
        tpu.vector_store %arg21[%swap3A_902, %swap3A_903], %mul3A_901 {strides = array<i32>} : memref<128x128xf32, #tpu.memory_space<vmem>>, vector<16xf32>,
        %mul3A_905 = arith.constant 4 : i32
        %mul3A_906 = arith.muli %scan3A_720, %mul3A_905 : i32
        %add3A_907 = arith.constant 3 : i32
        %add3A_908 = arith.addi %mul3A_906, %add3A_907 : i32
        %broadcast_in_dim3A_909 = vector.broadcast %add3A_908 : i32 to vector<16xi32>
        %gather3A_910 = tpu.vector_load_idx %arg19[%broadcast_in_dim3A_909] : memref<128xf32, #tpu.memory_space<vmem>>[vector<16xi32>], vector<16xf32>,
        %get3A_911 = arith.index_cast %add3A_908 : i32 to index
        %get3A_912 = arith.constant 0 : index
        %get3A_913 = tpu.vector_load %arg21[%get3A_911, %get3A_912] {strides = array<i32>} : memref<128x128xf32, #tpu.memory_space<vmem>>, vector<16xf32>,
        %mul3A_914 = arith.mulf %get3A_913, %gather3A_910 : vector<16xf32>
        %swap3A_915 = arith.index_cast %add3A_908 : i32 to index
        %swap3A_916 = arith.constant 0 : index
        %swap3A_917 = tpu.vector_load %arg21[%swap3A_915, %swap3A_916] {strides = array<i32>} : memref<128x128xf32, #tpu.memory_space<vmem>>, vector<16xf32>,
        tpu.vector_store %arg21[%swap3A_915, %swap3A_916], %mul3A_914 {strides = array<i32>} : memref<128x128xf32, #tpu.memory_space<vmem>>, vector<16xf32>,
        %get3A_918 = arith.index_cast %add3A_908 : i32 to index
        %get3A_919 = arith.constant 16 : index
        %get3A_920 = tpu.vector_load %arg21[%get3A_918, %get3A_919] {strides = array<i32>} : memref<128x128xf32, #tpu.memory_space<vmem>>, vector<16xf32>,
        %mul3A_921 = arith.mulf %get3A_920, %gather3A_910 : vector<16xf32>
        %swap3A_922 = arith.index_cast %add3A_908 : i32 to index
        %swap3A_923 = arith.constant 16 : index
        %swap3A_924 = tpu.vector_load %arg21[%swap3A_922, %swap3A_923] {strides = array<i32>} : memref<128x128xf32, #tpu.memory_space<vmem>>, vector<16xf32>,
        tpu.vector_store %arg21[%swap3A_922, %swap3A_923], %mul3A_921 {strides = array<i32>} : memref<128x128xf32, #tpu.memory_space<vmem>>, vector<16xf32>,
        %get3A_925 = arith.index_cast %add3A_908 : i32 to index
        %get3A_926 = arith.constant 32 : index
        %get3A_927 = tpu.vector_load %arg21[%get3A_925, %get3A_926] {strides = array<i32>} : memref<128x128xf32, #tpu.memory_space<vmem>>, vector<16xf32>,
        %mul3A_928 = arith.mulf %get3A_927, %gather3A_910 : vector<16xf32>
        %swap3A_929 = arith.index_cast %add3A_908 : i32 to index
        %swap3A_930 = arith.constant 32 : index
        %swap3A_931 = tpu.vector_load %arg21[%swap3A_929, %swap3A_930] {strides = array<i32>} : memref<128x128xf32, #tpu.memory_space<vmem>>, vector<16xf32>,
        tpu.vector_store %arg21[%swap3A_929, %swap3A_930], %mul3A_928 {strides = array<i32>} : memref<128x128xf32, #tpu.memory_space<vmem>>, vector<16xf32>,
        %get3A_932 = arith.index_cast %add3A_908 : i32 to index
        %get3A_933 = arith.constant 48 : index
        %get3A_934 = tpu.vector_load %arg21[%get3A_932, %get3A_933] {strides = array<i32>} : memref<128x128xf32, #tpu.memory_space<vmem>>, vector<16xf32>,
        %mul3A_935 = arith.mulf %get3A_934, %gather3A_910 : vector<16xf32>
        %swap3A_936 = arith.index_cast %add3A_908 : i32 to index
        %swap3A_937 = arith.constant 48 : index
        %swap3A_938 = tpu.vector_load %arg21[%swap3A_936, %swap3A_937] {strides = array<i32>} : memref<128x128xf32, #tpu.memory_space<vmem>>, vector<16xf32>,
        tpu.vector_store %arg21[%swap3A_936, %swap3A_937], %mul3A_935 {strides = array<i32>} : memref<128x128xf32, #tpu.memory_space<vmem>>, vector<16xf32>,
        %get3A_939 = arith.index_cast %add3A_908 : i32 to index
        %get3A_940 = arith.constant 64 : index
        %get3A_941 = tpu.vector_load %arg21[%get3A_939, %get3A_940] {strides = array<i32>} : memref<128x128xf32, #tpu.memory_space<vmem>>, vector<16xf32>,
        %mul3A_942 = arith.mulf %get3A_941, %gather3A_910 : vector<16xf32>
        %swap3A_943 = arith.index_cast %add3A_908 : i32 to index
        %swap3A_944 = arith.constant 64 : index
        %swap3A_945 = tpu.vector_load %arg21[%swap3A_943, %swap3A_944] {strides = array<i32>} : memref<128x128xf32, #tpu.memory_space<vmem>>, vector<16xf32>,
        tpu.vector_store %arg21[%swap3A_943, %swap3A_944], %mul3A_942 {strides = array<i32>} : memref<128x128xf32, #tpu.memory_space<vmem>>, vector<16xf32>,
        %get3A_946 = arith.index_cast %add3A_908 : i32 to index
        %get3A_947 = arith.constant 80 : index
        %get3A_948 = tpu.vector_load %arg21[%get3A_946, %get3A_947] {strides = array<i32>} : memref<128x128xf32, #tpu.memory_space<vmem>>, vector<16xf32>,
        %mul3A_949 = arith.mulf %get3A_948, %gather3A_910 : vector<16xf32>
        %swap3A_950 = arith.index_cast %add3A_908 : i32 to index
        %swap3A_951 = arith.constant 80 : index
        %swap3A_952 = tpu.vector_load %arg21[%swap3A_950, %swap3A_951] {strides = array<i32>} : memref<128x128xf32, #tpu.memory_space<vmem>>, vector<16xf32>,
        tpu.vector_store %arg21[%swap3A_950, %swap3A_951], %mul3A_949 {strides = array<i32>} : memref<128x128xf32, #tpu.memory_space<vmem>>, vector<16xf32>,
        %get3A_953 = arith.index_cast %add3A_908 : i32 to index
        %get3A_954 = arith.constant 96 : index
        %get3A_955 = tpu.vector_load %arg21[%get3A_953, %get3A_954] {strides = array<i32>} : memref<128x128xf32, #tpu.memory_space<vmem>>, vector<16xf32>,
        %mul3A_956 = arith.mulf %get3A_955, %gather3A_910 : vector<16xf32>
        %swap3A_957 = arith.index_cast %add3A_908 : i32 to index
        %swap3A_958 = arith.constant 96 : index
        %swap3A_959 = tpu.vector_load %arg21[%swap3A_957, %swap3A_958] {strides = array<i32>} : memref<128x128xf32, #tpu.memory_space<vmem>>, vector<16xf32>,
        tpu.vector_store %arg21[%swap3A_957, %swap3A_958], %mul3A_956 {strides = array<i32>} : memref<128x128xf32, #tpu.memory_space<vmem>>, vector<16xf32>,
        %get3A_960 = arith.index_cast %add3A_908 : i32 to index
        %get3A_961 = arith.constant 112 : index
        %get3A_962 = tpu.vector_load %arg21[%get3A_960, %get3A_961] {strides = array<i32>} : memref<128x128xf32, #tpu.memory_space<vmem>>, vector<16xf32>,
        %mul3A_963 = arith.mulf %get3A_962, %gather3A_910 : vector<16xf32>
        %swap3A_964 = arith.index_cast %add3A_908 : i32 to index
        %swap3A_965 = arith.constant 112 : index
        %swap3A_966 = tpu.vector_load %arg21[%swap3A_964, %swap3A_965] {strides = array<i32>} : memref<128x128xf32, #tpu.memory_space<vmem>>, vector<16xf32>,
        tpu.vector_store %arg21[%swap3A_964, %swap3A_965], %mul3A_963 {strides = array<i32>} : memref<128x128xf32, #tpu.memory_space<vmem>>, vector<16xf32>,
      }
      %scan3A_679 = arith.constant 32 : i32
      %dma_start3A_680 = arith.constant 0 : i32
      %dma_start3A_681 = arith.constant 0 : i32
      %dma_start3A_682 = tpu.memref_slice %arg14[%dma_start3A_680, %dma_start3A_681] : memref<1x128xi32, #tpu.memory_space<vmem>> -> memref<1x128xi32, #tpu.memory_space<vmem>>
      %dma_start3A_683 = tpu.memref_squeeze %dma_start3A_682 : memref<1x128xi32, #tpu.memory_space<vmem>> -> memref<128xi32, #tpu.memory_space<vmem>>
      %dma_start3A_684 = arith.constant 0 : i32
      %dma_start3A_685 = arith.constant 0 : i32
      %dma_start3A_686 = tpu.memref_slice %arg24[%dma_start3A_684, %dma_start3A_685] : memref<10240x128xf32, #tpu.memory_space<vmem_shared>> -> memref<10240x128xf32, #tpu.memory_space<vmem_shared>>
      tpu.enqueue_indirect_dma source(%arg21 : memref<128x128xf32, #tpu.memory_space<vmem>>) target(%dma_start3A_686 : memref<10240x128xf32, #tpu.memory_space<vmem_shared>>) offsets(%dma_start3A_683 : memref<128xi32, #tpu.memory_space<vmem>>) semaphore(%arg29 : memref<!tpu.dma_semaphore, #tpu.memory_space<semaphore_mem>>) {add = true}
      %add3A_687 = arith.constant 2 : i32
      %add3A_688 = arith.addi %mul3A_408, %add3A_687 : i32
      %lt3A_689 = arith.constant 78 : i32
      %lt3A_690 = arith.cmpi slt, %add3A_688, %lt3A_689 : i32
      %convert_element_type3A_691 = arith.extui %lt3A_690 : i1 to i32
      %cond3A_692 = arith.constant 0 : i32
      %cond3A_693 = arith.cmpi ne, %convert_element_type3A_691, %cond3A_692 : i32
      scf.if %cond3A_693 {
        %add3A_720 = arith.constant 2 : i32
        %add3A_721 = arith.addi %mul3A_408, %add3A_720 : i32
        %mul3A_722 = arith.constant 128 : i32
        %mul3A_723 = arith.muli %add3A_721, %mul3A_722 : i32
        %add3A_724 = arith.addi %mul3A_13, %mul3A_723 : i32
        %dma_wait3A_725 = arith.constant 0 : i32
        %dma_wait3A_726 = tpu.memref_slice %arg8[%dma_wait3A_725] : memref<384xi32, #tpu.memory_space<vmem>> -> memref<128xi32, #tpu.memory_space<vmem>>
        %dma_wait3A_727 = tpu.memref_slice %arg2[%add3A_724] : memref<320000xi32, #tpu.memory_space<hbm>> -> memref<128xi32, #tpu.memory_space<hbm>>
        %dma_wait3A_728 = arith.constant 0 : i32
        %dma_wait3A_729 = tpu.memref_slice %arg8[%dma_wait3A_728] : memref<384xi32, #tpu.memory_space<vmem>> -> memref<128xi32, #tpu.memory_space<vmem>>
        %dma_wait3A_730 = tpu.memref_slice %arg2[%add3A_724] : memref<320000xi32, #tpu.memory_space<hbm>> -> memref<128xi32, #tpu.memory_space<hbm>>
        tpu.wait_dma2 semaphore(%arg25 : memref<!tpu.dma_semaphore, #tpu.memory_space<semaphore_mem>>) src(%dma_wait3A_730 : memref<128xi32, #tpu.memory_space<hbm>>) dst(%dma_wait3A_729 : memref<128xi32, #tpu.memory_space<vmem>>)
        %dma_wait3A_731 = arith.constant 128 : i32
        %dma_wait3A_732 = tpu.memref_slice %arg8[%dma_wait3A_731] : memref<384xi32, #tpu.memory_space<vmem>> -> memref<128xi32, #tpu.memory_space<vmem>>
        %dma_wait3A_733 = tpu.memref_slice %arg3[%add3A_724] : memref<320000xi32, #tpu.memory_space<hbm>> -> memref<128xi32, #tpu.memory_space<hbm>>
        %dma_wait3A_734 = arith.constant 128 : i32
        %dma_wait3A_735 = tpu.memref_slice %arg8[%dma_wait3A_734] : memref<384xi32, #tpu.memory_space<vmem>> -> memref<128xi32, #tpu.memory_space<vmem>>
        %dma_wait3A_736 = tpu.memref_slice %arg3[%add3A_724] : memref<320000xi32, #tpu.memory_space<hbm>> -> memref<128xi32, #tpu.memory_space<hbm>>
        tpu.wait_dma2 semaphore(%arg25 : memref<!tpu.dma_semaphore, #tpu.memory_space<semaphore_mem>>) src(%dma_wait3A_736 : memref<128xi32, #tpu.memory_space<hbm>>) dst(%dma_wait3A_735 : memref<128xi32, #tpu.memory_space<vmem>>)
        %dma_wait3A_737 = arith.constant 256 : i32
        %dma_wait3A_738 = tpu.memref_slice %arg8[%dma_wait3A_737] : memref<384xi32, #tpu.memory_space<vmem>> -> memref<128xi32, #tpu.memory_space<vmem>>
        %dma_wait3A_739 = tpu.memref_slice %arg4[%add3A_724] : memref<320000xi32, #tpu.memory_space<hbm>> -> memref<128xi32, #tpu.memory_space<hbm>>
        %dma_wait3A_740 = arith.constant 256 : i32
        %dma_wait3A_741 = tpu.memref_slice %arg8[%dma_wait3A_740] : memref<384xi32, #tpu.memory_space<vmem>> -> memref<128xi32, #tpu.memory_space<vmem>>
        %dma_wait3A_742 = tpu.memref_slice %arg4[%add3A_724] : memref<320000xi32, #tpu.memory_space<hbm>> -> memref<128xi32, #tpu.memory_space<hbm>>
        tpu.wait_dma2 semaphore(%arg25 : memref<!tpu.dma_semaphore, #tpu.memory_space<semaphore_mem>>) src(%dma_wait3A_742 : memref<128xi32, #tpu.memory_space<hbm>>) dst(%dma_wait3A_741 : memref<128xi32, #tpu.memory_space<vmem>>)
        %dma_wait3A_743 = arith.constant 0 : i32
        %dma_wait3A_744 = arith.constant 0 : i32
        %dma_wait3A_745 = tpu.memref_slice %arg14[%dma_wait3A_743, %dma_wait3A_744] : memref<1x128xi32, #tpu.memory_space<vmem>> -> memref<1x128xi32, #tpu.memory_space<vmem>>
        %dma_wait3A_746 = tpu.memref_squeeze %dma_wait3A_745 : memref<1x128xi32, #tpu.memory_space<vmem>> -> memref<128xi32, #tpu.memory_space<vmem>>
        %dma_wait3A_747 = arith.constant 0 : i32
        %dma_wait3A_748 = arith.constant 0 : i32
        %dma_wait3A_749 = tpu.memref_slice %arg24[%dma_wait3A_747, %dma_wait3A_748] : memref<10240x128xf32, #tpu.memory_space<vmem_shared>> -> memref<10240x128xf32, #tpu.memory_space<vmem_shared>>
        tpu.wait_indirect_dma semaphore(%arg29 : memref<!tpu.dma_semaphore, #tpu.memory_space<semaphore_mem>>) src(%arg21 : memref<128x128xf32, #tpu.memory_space<vmem>>) dst(%dma_wait3A_749 : memref<10240x128xf32, #tpu.memory_space<vmem_shared>>)
        %get3A_750 = arith.constant 0 : index
        %get3A_751 = tpu.vector_load %arg8[%get3A_750] {strides = array<i32>} : memref<384xi32, #tpu.memory_space<vmem>>, vector<16xi32>,
        %get3A_752 = arith.constant 128 : index
        %get3A_753 = tpu.vector_load %arg8[%get3A_752] {strides = array<i32>} : memref<384xi32, #tpu.memory_space<vmem>>, vector<16xi32>,
        %get3A_754 = arith.constant 256 : index
        %get3A_755 = tpu.vector_load %arg8[%get3A_754] {strides = array<i32>} : memref<384xi32, #tpu.memory_space<vmem>>, vector<16xi32>,
        %mul3A_756 = arith.constant 10000 : i32
        %mul3A_757 = vector.broadcast %mul3A_756 : i32 to vector<16xi32>
        %mul3A_758 = arith.muli %get3A_755, %mul3A_757 : vector<16xi32>
        %add3A_759 = arith.addi %mul3A_758, %get3A_751 : vector<16xi32>
        %swap3A_760 = arith.constant 0 : i32
        %swap3A_761 = arith.index_cast %swap3A_760 : i32 to index
        %swap3A_762 = arith.constant 0 : index
        %swap3A_763 = tpu.vector_load %arg10[%swap3A_761, %swap3A_762] {strides = array<i32>} : memref<1x128xi32, #tpu.memory_space<vmem>>, vector<16xi32>,
        tpu.vector_store %arg10[%swap3A_761, %swap3A_762], %add3A_759 {strides = array<i32>} : memref<1x128xi32, #tpu.memory_space<vmem>>, vector<16xi32>,
        %mul3A_764 = arith.constant 8 : i32
        %mul3A_765 = vector.broadcast %mul3A_764 : i32 to vector<16xi32>
        %mul3A_766 = arith.muli %get3A_753, %mul3A_765 : vector<16xi32>
        %add3A_767 = arith.addi %mul3A_766, %get3A_755 : vector<16xi32>
        %swap3A_768 = arith.constant 0 : i32
        %swap3A_769 = arith.index_cast %swap3A_768 : i32 to index
        %swap3A_770 = arith.constant 0 : index
        %swap3A_771 = tpu.vector_load %arg12[%swap3A_769, %swap3A_770] {strides = array<i32>} : memref<1x128xi32, #tpu.memory_space<vmem>>, vector<16xi32>,
        tpu.vector_store %arg12[%swap3A_769, %swap3A_770], %add3A_767 {strides = array<i32>} : memref<1x128xi32, #tpu.memory_space<vmem>>, vector<16xi32>,
        %swap3A_772 = arith.constant 0 : i32
        %swap3A_773 = arith.index_cast %swap3A_772 : i32 to index
        %swap3A_774 = arith.constant 0 : index
        %swap3A_775 = tpu.vector_load %arg14[%swap3A_773, %swap3A_774] {strides = array<i32>} : memref<1x128xi32, #tpu.memory_space<vmem>>, vector<16xi32>,
        tpu.vector_store %arg14[%swap3A_773, %swap3A_774], %get3A_753 {strides = array<i32>} : memref<1x128xi32, #tpu.memory_space<vmem>>, vector<16xi32>,
        %get3A_776 = arith.constant 16 : index
        %get3A_777 = tpu.vector_load %arg8[%get3A_776] {strides = array<i32>} : memref<384xi32, #tpu.memory_space<vmem>>, vector<16xi32>,
        %get3A_778 = arith.constant 144 : index
        %get3A_779 = tpu.vector_load %arg8[%get3A_778] {strides = array<i32>} : memref<384xi32, #tpu.memory_space<vmem>>, vector<16xi32>,
        %get3A_780 = arith.constant 272 : index
        %get3A_781 = tpu.vector_load %arg8[%get3A_780] {strides = array<i32>} : memref<384xi32, #tpu.memory_space<vmem>>, vector<16xi32>,
        %mul3A_782 = arith.constant 10000 : i32
        %mul3A_783 = vector.broadcast %mul3A_782 : i32 to vector<16xi32>
        %mul3A_784 = arith.muli %get3A_781, %mul3A_783 : vector<16xi32>
        %add3A_785 = arith.addi %mul3A_784, %get3A_777 : vector<16xi32>
        %swap3A_786 = arith.constant 0 : i32
        %swap3A_787 = arith.index_cast %swap3A_786 : i32 to index
        %swap3A_788 = arith.constant 16 : index
        %swap3A_789 = tpu.vector_load %arg10[%swap3A_787, %swap3A_788] {strides = array<i32>} : memref<1x128xi32, #tpu.memory_space<vmem>>, vector<16xi32>,
        tpu.vector_store %arg10[%swap3A_787, %swap3A_788], %add3A_785 {strides = array<i32>} : memref<1x128xi32, #tpu.memory_space<vmem>>, vector<16xi32>,
        %mul3A_790 = arith.constant 8 : i32
        %mul3A_791 = vector.broadcast %mul3A_790 : i32 to vector<16xi32>
        %mul3A_792 = arith.muli %get3A_779, %mul3A_791 : vector<16xi32>
        %add3A_793 = arith.addi %mul3A_792, %get3A_781 : vector<16xi32>
        %swap3A_794 = arith.constant 0 : i32
        %swap3A_795 = arith.index_cast %swap3A_794 : i32 to index
        %swap3A_796 = arith.constant 16 : index
        %swap3A_797 = tpu.vector_load %arg12[%swap3A_795, %swap3A_796] {strides = array<i32>} : memref<1x128xi32, #tpu.memory_space<vmem>>, vector<16xi32>,
        tpu.vector_store %arg12[%swap3A_795, %swap3A_796], %add3A_793 {strides = array<i32>} : memref<1x128xi32, #tpu.memory_space<vmem>>, vector<16xi32>,
        %swap3A_798 = arith.constant 0 : i32
        %swap3A_799 = arith.index_cast %swap3A_798 : i32 to index
        %swap3A_800 = arith.constant 16 : index
        %swap3A_801 = tpu.vector_load %arg14[%swap3A_799, %swap3A_800] {strides = array<i32>} : memref<1x128xi32, #tpu.memory_space<vmem>>, vector<16xi32>,
        tpu.vector_store %arg14[%swap3A_799, %swap3A_800], %get3A_779 {strides = array<i32>} : memref<1x128xi32, #tpu.memory_space<vmem>>, vector<16xi32>,
        %get3A_802 = arith.constant 32 : index
        %get3A_803 = tpu.vector_load %arg8[%get3A_802] {strides = array<i32>} : memref<384xi32, #tpu.memory_space<vmem>>, vector<16xi32>,
        %get3A_804 = arith.constant 160 : index
        %get3A_805 = tpu.vector_load %arg8[%get3A_804] {strides = array<i32>} : memref<384xi32, #tpu.memory_space<vmem>>, vector<16xi32>,
        %get3A_806 = arith.constant 288 : index
        %get3A_807 = tpu.vector_load %arg8[%get3A_806] {strides = array<i32>} : memref<384xi32, #tpu.memory_space<vmem>>, vector<16xi32>,
        %mul3A_808 = arith.constant 10000 : i32
        %mul3A_809 = vector.broadcast %mul3A_808 : i32 to vector<16xi32>
        %mul3A_810 = arith.muli %get3A_807, %mul3A_809 : vector<16xi32>
        %add3A_811 = arith.addi %mul3A_810, %get3A_803 : vector<16xi32>
        %swap3A_812 = arith.constant 0 : i32
        %swap3A_813 = arith.index_cast %swap3A_812 : i32 to index
        %swap3A_814 = arith.constant 32 : index
        %swap3A_815 = tpu.vector_load %arg10[%swap3A_813, %swap3A_814] {strides = array<i32>} : memref<1x128xi32, #tpu.memory_space<vmem>>, vector<16xi32>,
        tpu.vector_store %arg10[%swap3A_813, %swap3A_814], %add3A_811 {strides = array<i32>} : memref<1x128xi32, #tpu.memory_space<vmem>>, vector<16xi32>,
        %mul3A_816 = arith.constant 8 : i32
        %mul3A_817 = vector.broadcast %mul3A_816 : i32 to vector<16xi32>
        %mul3A_818 = arith.muli %get3A_805, %mul3A_817 : vector<16xi32>
        %add3A_819 = arith.addi %mul3A_818, %get3A_807 : vector<16xi32>
        %swap3A_820 = arith.constant 0 : i32
        %swap3A_821 = arith.index_cast %swap3A_820 : i32 to index
        %swap3A_822 = arith.constant 32 : index
        %swap3A_823 = tpu.vector_load %arg12[%swap3A_821, %swap3A_822] {strides = array<i32>} : memref<1x128xi32, #tpu.memory_space<vmem>>, vector<16xi32>,
        tpu.vector_store %arg12[%swap3A_821, %swap3A_822], %add3A_819 {strides = array<i32>} : memref<1x128xi32, #tpu.memory_space<vmem>>, vector<16xi32>,
        %swap3A_824 = arith.constant 0 : i32
        %swap3A_825 = arith.index_cast %swap3A_824 : i32 to index
        %swap3A_826 = arith.constant 32 : index
        %swap3A_827 = tpu.vector_load %arg14[%swap3A_825, %swap3A_826] {strides = array<i32>} : memref<1x128xi32, #tpu.memory_space<vmem>>, vector<16xi32>,
        tpu.vector_store %arg14[%swap3A_825, %swap3A_826], %get3A_805 {strides = array<i32>} : memref<1x128xi32, #tpu.memory_space<vmem>>, vector<16xi32>,
        %get3A_828 = arith.constant 48 : index
        %get3A_829 = tpu.vector_load %arg8[%get3A_828] {strides = array<i32>} : memref<384xi32, #tpu.memory_space<vmem>>, vector<16xi32>,
        %get3A_830 = arith.constant 176 : index
        %get3A_831 = tpu.vector_load %arg8[%get3A_830] {strides = array<i32>} : memref<384xi32, #tpu.memory_space<vmem>>, vector<16xi32>,
        %get3A_832 = arith.constant 304 : index
        %get3A_833 = tpu.vector_load %arg8[%get3A_832] {strides = array<i32>} : memref<384xi32, #tpu.memory_space<vmem>>, vector<16xi32>,
        %mul3A_834 = arith.constant 10000 : i32
        %mul3A_835 = vector.broadcast %mul3A_834 : i32 to vector<16xi32>
        %mul3A_836 = arith.muli %get3A_833, %mul3A_835 : vector<16xi32>
        %add3A_837 = arith.addi %mul3A_836, %get3A_829 : vector<16xi32>
        %swap3A_838 = arith.constant 0 : i32
        %swap3A_839 = arith.index_cast %swap3A_838 : i32 to index
        %swap3A_840 = arith.constant 48 : index
        %swap3A_841 = tpu.vector_load %arg10[%swap3A_839, %swap3A_840] {strides = array<i32>} : memref<1x128xi32, #tpu.memory_space<vmem>>, vector<16xi32>,
        tpu.vector_store %arg10[%swap3A_839, %swap3A_840], %add3A_837 {strides = array<i32>} : memref<1x128xi32, #tpu.memory_space<vmem>>, vector<16xi32>,
        %mul3A_842 = arith.constant 8 : i32
        %mul3A_843 = vector.broadcast %mul3A_842 : i32 to vector<16xi32>
        %mul3A_844 = arith.muli %get3A_831, %mul3A_843 : vector<16xi32>
        %add3A_845 = arith.addi %mul3A_844, %get3A_833 : vector<16xi32>
        %swap3A_846 = arith.constant 0 : i32
        %swap3A_847 = arith.index_cast %swap3A_846 : i32 to index
        %swap3A_848 = arith.constant 48 : index
        %swap3A_849 = tpu.vector_load %arg12[%swap3A_847, %swap3A_848] {strides = array<i32>} : memref<1x128xi32, #tpu.memory_space<vmem>>, vector<16xi32>,
        tpu.vector_store %arg12[%swap3A_847, %swap3A_848], %add3A_845 {strides = array<i32>} : memref<1x128xi32, #tpu.memory_space<vmem>>, vector<16xi32>,
        %swap3A_850 = arith.constant 0 : i32
        %swap3A_851 = arith.index_cast %swap3A_850 : i32 to index
        %swap3A_852 = arith.constant 48 : index
        %swap3A_853 = tpu.vector_load %arg14[%swap3A_851, %swap3A_852] {strides = array<i32>} : memref<1x128xi32, #tpu.memory_space<vmem>>, vector<16xi32>,
        tpu.vector_store %arg14[%swap3A_851, %swap3A_852], %get3A_831 {strides = array<i32>} : memref<1x128xi32, #tpu.memory_space<vmem>>, vector<16xi32>,
        %get3A_854 = arith.constant 64 : index
        %get3A_855 = tpu.vector_load %arg8[%get3A_854] {strides = array<i32>} : memref<384xi32, #tpu.memory_space<vmem>>, vector<16xi32>,
        %get3A_856 = arith.constant 192 : index
        %get3A_857 = tpu.vector_load %arg8[%get3A_856] {strides = array<i32>} : memref<384xi32, #tpu.memory_space<vmem>>, vector<16xi32>,
        %get3A_858 = arith.constant 320 : index
        %get3A_859 = tpu.vector_load %arg8[%get3A_858] {strides = array<i32>} : memref<384xi32, #tpu.memory_space<vmem>>, vector<16xi32>,
        %mul3A_860 = arith.constant 10000 : i32
        %mul3A_861 = vector.broadcast %mul3A_860 : i32 to vector<16xi32>
        %mul3A_862 = arith.muli %get3A_859, %mul3A_861 : vector<16xi32>
        %add3A_863 = arith.addi %mul3A_862, %get3A_855 : vector<16xi32>
        %swap3A_864 = arith.constant 0 : i32
        %swap3A_865 = arith.index_cast %swap3A_864 : i32 to index
        %swap3A_866 = arith.constant 64 : index
        %swap3A_867 = tpu.vector_load %arg10[%swap3A_865, %swap3A_866] {strides = array<i32>} : memref<1x128xi32, #tpu.memory_space<vmem>>, vector<16xi32>,
        tpu.vector_store %arg10[%swap3A_865, %swap3A_866], %add3A_863 {strides = array<i32>} : memref<1x128xi32, #tpu.memory_space<vmem>>, vector<16xi32>,
        %mul3A_868 = arith.constant 8 : i32
        %mul3A_869 = vector.broadcast %mul3A_868 : i32 to vector<16xi32>
        %mul3A_870 = arith.muli %get3A_857, %mul3A_869 : vector<16xi32>
        %add3A_871 = arith.addi %mul3A_870, %get3A_859 : vector<16xi32>
        %swap3A_872 = arith.constant 0 : i32
        %swap3A_873 = arith.index_cast %swap3A_872 : i32 to index
        %swap3A_874 = arith.constant 64 : index
        %swap3A_875 = tpu.vector_load %arg12[%swap3A_873, %swap3A_874] {strides = array<i32>} : memref<1x128xi32, #tpu.memory_space<vmem>>, vector<16xi32>,
        tpu.vector_store %arg12[%swap3A_873, %swap3A_874], %add3A_871 {strides = array<i32>} : memref<1x128xi32, #tpu.memory_space<vmem>>, vector<16xi32>,
        %swap3A_876 = arith.constant 0 : i32
        %swap3A_877 = arith.index_cast %swap3A_876 : i32 to index
        %swap3A_878 = arith.constant 64 : index
        %swap3A_879 = tpu.vector_load %arg14[%swap3A_877, %swap3A_878] {strides = array<i32>} : memref<1x128xi32, #tpu.memory_space<vmem>>, vector<16xi32>,
        tpu.vector_store %arg14[%swap3A_877, %swap3A_878], %get3A_857 {strides = array<i32>} : memref<1x128xi32, #tpu.memory_space<vmem>>, vector<16xi32>,
        %get3A_880 = arith.constant 80 : index
        %get3A_881 = tpu.vector_load %arg8[%get3A_880] {strides = array<i32>} : memref<384xi32, #tpu.memory_space<vmem>>, vector<16xi32>,
        %get3A_882 = arith.constant 208 : index
        %get3A_883 = tpu.vector_load %arg8[%get3A_882] {strides = array<i32>} : memref<384xi32, #tpu.memory_space<vmem>>, vector<16xi32>,
        %get3A_884 = arith.constant 336 : index
        %get3A_885 = tpu.vector_load %arg8[%get3A_884] {strides = array<i32>} : memref<384xi32, #tpu.memory_space<vmem>>, vector<16xi32>,
        %mul3A_886 = arith.constant 10000 : i32
        %mul3A_887 = vector.broadcast %mul3A_886 : i32 to vector<16xi32>
        %mul3A_888 = arith.muli %get3A_885, %mul3A_887 : vector<16xi32>
        %add3A_889 = arith.addi %mul3A_888, %get3A_881 : vector<16xi32>
        %swap3A_890 = arith.constant 0 : i32
        %swap3A_891 = arith.index_cast %swap3A_890 : i32 to index
        %swap3A_892 = arith.constant 80 : index
        %swap3A_893 = tpu.vector_load %arg10[%swap3A_891, %swap3A_892] {strides = array<i32>} : memref<1x128xi32, #tpu.memory_space<vmem>>, vector<16xi32>,
        tpu.vector_store %arg10[%swap3A_891, %swap3A_892], %add3A_889 {strides = array<i32>} : memref<1x128xi32, #tpu.memory_space<vmem>>, vector<16xi32>,
        %mul3A_894 = arith.constant 8 : i32
        %mul3A_895 = vector.broadcast %mul3A_894 : i32 to vector<16xi32>
        %mul3A_896 = arith.muli %get3A_883, %mul3A_895 : vector<16xi32>
        %add3A_897 = arith.addi %mul3A_896, %get3A_885 : vector<16xi32>
        %swap3A_898 = arith.constant 0 : i32
        %swap3A_899 = arith.index_cast %swap3A_898 : i32 to index
        %swap3A_900 = arith.constant 80 : index
        %swap3A_901 = tpu.vector_load %arg12[%swap3A_899, %swap3A_900] {strides = array<i32>} : memref<1x128xi32, #tpu.memory_space<vmem>>, vector<16xi32>,
        tpu.vector_store %arg12[%swap3A_899, %swap3A_900], %add3A_897 {strides = array<i32>} : memref<1x128xi32, #tpu.memory_space<vmem>>, vector<16xi32>,
        %swap3A_902 = arith.constant 0 : i32
        %swap3A_903 = arith.index_cast %swap3A_902 : i32 to index
        %swap3A_904 = arith.constant 80 : index
        %swap3A_905 = tpu.vector_load %arg14[%swap3A_903, %swap3A_904] {strides = array<i32>} : memref<1x128xi32, #tpu.memory_space<vmem>>, vector<16xi32>,
        tpu.vector_store %arg14[%swap3A_903, %swap3A_904], %get3A_883 {strides = array<i32>} : memref<1x128xi32, #tpu.memory_space<vmem>>, vector<16xi32>,
        %get3A_906 = arith.constant 96 : index
        %get3A_907 = tpu.vector_load %arg8[%get3A_906] {strides = array<i32>} : memref<384xi32, #tpu.memory_space<vmem>>, vector<16xi32>,
        %get3A_908 = arith.constant 224 : index
        %get3A_909 = tpu.vector_load %arg8[%get3A_908] {strides = array<i32>} : memref<384xi32, #tpu.memory_space<vmem>>, vector<16xi32>,
        %get3A_910 = arith.constant 352 : index
        %get3A_911 = tpu.vector_load %arg8[%get3A_910] {strides = array<i32>} : memref<384xi32, #tpu.memory_space<vmem>>, vector<16xi32>,
        %mul3A_912 = arith.constant 10000 : i32
        %mul3A_913 = vector.broadcast %mul3A_912 : i32 to vector<16xi32>
        %mul3A_914 = arith.muli %get3A_911, %mul3A_913 : vector<16xi32>
        %add3A_915 = arith.addi %mul3A_914, %get3A_907 : vector<16xi32>
        %swap3A_916 = arith.constant 0 : i32
        %swap3A_917 = arith.index_cast %swap3A_916 : i32 to index
        %swap3A_918 = arith.constant 96 : index
        %swap3A_919 = tpu.vector_load %arg10[%swap3A_917, %swap3A_918] {strides = array<i32>} : memref<1x128xi32, #tpu.memory_space<vmem>>, vector<16xi32>,
        tpu.vector_store %arg10[%swap3A_917, %swap3A_918], %add3A_915 {strides = array<i32>} : memref<1x128xi32, #tpu.memory_space<vmem>>, vector<16xi32>,
        %mul3A_920 = arith.constant 8 : i32
        %mul3A_921 = vector.broadcast %mul3A_920 : i32 to vector<16xi32>
        %mul3A_922 = arith.muli %get3A_909, %mul3A_921 : vector<16xi32>
        %add3A_923 = arith.addi %mul3A_922, %get3A_911 : vector<16xi32>
        %swap3A_924 = arith.constant 0 : i32
        %swap3A_925 = arith.index_cast %swap3A_924 : i32 to index
        %swap3A_926 = arith.constant 96 : index
        %swap3A_927 = tpu.vector_load %arg12[%swap3A_925, %swap3A_926] {strides = array<i32>} : memref<1x128xi32, #tpu.memory_space<vmem>>, vector<16xi32>,
        tpu.vector_store %arg12[%swap3A_925, %swap3A_926], %add3A_923 {strides = array<i32>} : memref<1x128xi32, #tpu.memory_space<vmem>>, vector<16xi32>,
        %swap3A_928 = arith.constant 0 : i32
        %swap3A_929 = arith.index_cast %swap3A_928 : i32 to index
        %swap3A_930 = arith.constant 96 : index
        %swap3A_931 = tpu.vector_load %arg14[%swap3A_929, %swap3A_930] {strides = array<i32>} : memref<1x128xi32, #tpu.memory_space<vmem>>, vector<16xi32>,
        tpu.vector_store %arg14[%swap3A_929, %swap3A_930], %get3A_909 {strides = array<i32>} : memref<1x128xi32, #tpu.memory_space<vmem>>, vector<16xi32>,
        %get3A_932 = arith.constant 112 : index
        %get3A_933 = tpu.vector_load %arg8[%get3A_932] {strides = array<i32>} : memref<384xi32, #tpu.memory_space<vmem>>, vector<16xi32>,
        %get3A_934 = arith.constant 240 : index
        %get3A_935 = tpu.vector_load %arg8[%get3A_934] {strides = array<i32>} : memref<384xi32, #tpu.memory_space<vmem>>, vector<16xi32>,
        %get3A_936 = arith.constant 368 : index
        %get3A_937 = tpu.vector_load %arg8[%get3A_936] {strides = array<i32>} : memref<384xi32, #tpu.memory_space<vmem>>, vector<16xi32>,
        %mul3A_938 = arith.constant 10000 : i32
        %mul3A_939 = vector.broadcast %mul3A_938 : i32 to vector<16xi32>
        %mul3A_940 = arith.muli %get3A_937, %mul3A_939 : vector<16xi32>
        %add3A_941 = arith.addi %mul3A_940, %get3A_933 : vector<16xi32>
        %swap3A_942 = arith.constant 0 : i32
        %swap3A_943 = arith.index_cast %swap3A_942 : i32 to index
        %swap3A_944 = arith.constant 112 : index
        %swap3A_945 = tpu.vector_load %arg10[%swap3A_943, %swap3A_944] {strides = array<i32>} : memref<1x128xi32, #tpu.memory_space<vmem>>, vector<16xi32>,
        tpu.vector_store %arg10[%swap3A_943, %swap3A_944], %add3A_941 {strides = array<i32>} : memref<1x128xi32, #tpu.memory_space<vmem>>, vector<16xi32>,
        %mul3A_946 = arith.constant 8 : i32
        %mul3A_947 = vector.broadcast %mul3A_946 : i32 to vector<16xi32>
        %mul3A_948 = arith.muli %get3A_935, %mul3A_947 : vector<16xi32>
        %add3A_949 = arith.addi %mul3A_948, %get3A_937 : vector<16xi32>
        %swap3A_950 = arith.constant 0 : i32
        %swap3A_951 = arith.index_cast %swap3A_950 : i32 to index
        %swap3A_952 = arith.constant 112 : index
        %swap3A_953 = tpu.vector_load %arg12[%swap3A_951, %swap3A_952] {strides = array<i32>} : memref<1x128xi32, #tpu.memory_space<vmem>>, vector<16xi32>,
        tpu.vector_store %arg12[%swap3A_951, %swap3A_952], %add3A_949 {strides = array<i32>} : memref<1x128xi32, #tpu.memory_space<vmem>>, vector<16xi32>,
        %swap3A_954 = arith.constant 0 : i32
        %swap3A_955 = arith.index_cast %swap3A_954 : i32 to index
        %swap3A_956 = arith.constant 112 : index
        %swap3A_957 = tpu.vector_load %arg14[%swap3A_955, %swap3A_956] {strides = array<i32>} : memref<1x128xi32, #tpu.memory_space<vmem>>, vector<16xi32>,
        tpu.vector_store %arg14[%swap3A_955, %swap3A_956], %get3A_935 {strides = array<i32>} : memref<1x128xi32, #tpu.memory_space<vmem>>, vector<16xi32>,
        %dma_start3A_958 = arith.constant 0 : i32
        %dma_start3A_959 = arith.constant 0 : i32
        %dma_start3A_960 = tpu.memref_slice %arg10[%dma_start3A_958, %dma_start3A_959] : memref<1x128xi32, #tpu.memory_space<vmem>> -> memref<1x128xi32, #tpu.memory_space<vmem>>
        %dma_start3A_961 = tpu.memref_squeeze %dma_start3A_960 : memref<1x128xi32, #tpu.memory_space<vmem>> -> memref<128xi32, #tpu.memory_space<vmem>>
        %dma_start3A_962 = arith.constant 0 : i32
        %dma_start3A_963 = arith.constant 0 : i32
        %dma_start3A_964 = tpu.memref_slice %arg5[%dma_start3A_962, %dma_start3A_963] : memref<80000x128xf32, #tpu.memory_space<hbm>> -> memref<80000x128xf32, #tpu.memory_space<hbm>>
        tpu.enqueue_indirect_dma source(%dma_start3A_964 : memref<80000x128xf32, #tpu.memory_space<hbm>>) target(%arg21 : memref<128x128xf32, #tpu.memory_space<vmem>>) offsets(%dma_start3A_961 : memref<128xi32, #tpu.memory_space<vmem>>) semaphore(%arg27 : memref<!tpu.dma_semaphore, #tpu.memory_space<semaphore_mem>>)
        %dma_start3A_965 = arith.constant 0 : i32
        %dma_start3A_966 = arith.constant 0 : i32
        %dma_start3A_967 = tpu.memref_slice %arg12[%dma_start3A_965, %dma_start3A_966] : memref<1x128xi32, #tpu.memory_space<vmem>> -> memref<1x128xi32, #tpu.memory_space<vmem>>
        %dma_start3A_968 = tpu.memref_squeeze %dma_start3A_967 : memref<1x128xi32, #tpu.memory_space<vmem>> -> memref<128xi32, #tpu.memory_space<vmem>>
        %dma_start3A_969 = arith.constant 0 : i32
        %dma_start3A_970 = tpu.memref_slice %arg6[%dma_start3A_969] : memref<81920xf32, #tpu.memory_space<hbm>> -> memref<81920xf32, #tpu.memory_space<hbm>>
        tpu.enqueue_indirect_dma source(%dma_start3A_970 : memref<81920xf32, #tpu.memory_space<hbm>>) target(%arg19 : memref<128xf32, #tpu.memory_space<vmem>>) offsets(%dma_start3A_968 : memref<128xi32, #tpu.memory_space<vmem>>) semaphore(%arg27 : memref<!tpu.dma_semaphore, #tpu.memory_space<semaphore_mem>>)
        %add3A_971 = arith.constant 4 : i32
        %add3A_972 = arith.addi %mul3A_408, %add3A_971 : i32
        %lt3A_973 = arith.constant 78 : i32
        %lt3A_974 = arith.cmpi slt, %add3A_972, %lt3A_973 : i32
        %convert_element_type3A_975 = arith.extui %lt3A_974 : i1 to i32
        %cond3A_976 = arith.constant 0 : i32
        %cond3A_977 = arith.cmpi ne, %convert_element_type3A_975, %cond3A_976 : i32
        scf.if %cond3A_977 {
          %add3A_978 = arith.constant 4 : i32
          %add3A_979 = arith.addi %mul3A_408, %add3A_978 : i32
          %mul3A_980 = arith.constant 128 : i32
          %mul3A_981 = arith.muli %add3A_979, %mul3A_980 : i32
          %add3A_982 = arith.addi %mul3A_13, %mul3A_981 : i32
          %dma_start3A_983 = arith.constant 0 : i32
          %dma_start3A_984 = tpu.memref_slice %arg8[%dma_start3A_983] : memref<384xi32, #tpu.memory_space<vmem>> -> memref<128xi32, #tpu.memory_space<vmem>>
          %dma_start3A_985 = tpu.memref_slice %arg2[%add3A_982] : memref<320000xi32, #tpu.memory_space<hbm>> -> memref<128xi32, #tpu.memory_space<hbm>>
          %dma_start3A_986 = arith.constant 0 : i32
          %dma_start3A_987 = tpu.memref_slice %arg8[%dma_start3A_986] : memref<384xi32, #tpu.memory_space<vmem>> -> memref<128xi32, #tpu.memory_space<vmem>>
          %dma_start3A_988 = tpu.memref_slice %arg2[%add3A_982] : memref<320000xi32, #tpu.memory_space<hbm>> -> memref<128xi32, #tpu.memory_space<hbm>>
          tpu.enqueue_dma source(%dma_start3A_988 : memref<128xi32, #tpu.memory_space<hbm>>) target(%dma_start3A_987 : memref<128xi32, #tpu.memory_space<vmem>>) target_semaphore(%arg25 : memref<!tpu.dma_semaphore, #tpu.memory_space<semaphore_mem>>)
          %dma_start3A_989 = arith.constant 128 : i32
          %dma_start3A_990 = tpu.memref_slice %arg8[%dma_start3A_989] : memref<384xi32, #tpu.memory_space<vmem>> -> memref<128xi32, #tpu.memory_space<vmem>>
          %dma_start3A_991 = tpu.memref_slice %arg3[%add3A_982] : memref<320000xi32, #tpu.memory_space<hbm>> -> memref<128xi32, #tpu.memory_space<hbm>>
          %dma_start3A_992 = arith.constant 128 : i32
          %dma_start3A_993 = tpu.memref_slice %arg8[%dma_start3A_992] : memref<384xi32, #tpu.memory_space<vmem>> -> memref<128xi32, #tpu.memory_space<vmem>>
          %dma_start3A_994 = tpu.memref_slice %arg3[%add3A_982] : memref<320000xi32, #tpu.memory_space<hbm>> -> memref<128xi32, #tpu.memory_space<hbm>>
          tpu.enqueue_dma source(%dma_start3A_994 : memref<128xi32, #tpu.memory_space<hbm>>) target(%dma_start3A_993 : memref<128xi32, #tpu.memory_space<vmem>>) target_semaphore(%arg25 : memref<!tpu.dma_semaphore, #tpu.memory_space<semaphore_mem>>)
          %dma_start3A_995 = arith.constant 256 : i32
          %dma_start3A_996 = tpu.memref_slice %arg8[%dma_start3A_995] : memref<384xi32, #tpu.memory_space<vmem>> -> memref<128xi32, #tpu.memory_space<vmem>>
          %dma_start3A_997 = tpu.memref_slice %arg4[%add3A_982] : memref<320000xi32, #tpu.memory_space<hbm>> -> memref<128xi32, #tpu.memory_space<hbm>>
          %dma_start3A_998 = arith.constant 256 : i32
          %dma_start3A_999 = tpu.memref_slice %arg8[%dma_start3A_998] : memref<384xi32, #tpu.memory_space<vmem>> -> memref<128xi32, #tpu.memory_space<vmem>>
          %dma_start3A_1000 = tpu.memref_slice %arg4[%add3A_982] : memref<320000xi32, #tpu.memory_space<hbm>> -> memref<128xi32, #tpu.memory_space<hbm>>
          tpu.enqueue_dma source(%dma_start3A_1000 : memref<128xi32, #tpu.memory_space<hbm>>) target(%dma_start3A_999 : memref<128xi32, #tpu.memory_space<vmem>>) target_semaphore(%arg25 : memref<!tpu.dma_semaphore, #tpu.memory_space<semaphore_mem>>)
        } else {
        }
      } else {
      }
      %dma_wait3A_694 = arith.constant 0 : i32
      %dma_wait3A_695 = arith.constant 0 : i32
      %dma_wait3A_696 = tpu.memref_slice %arg11[%dma_wait3A_694, %dma_wait3A_695] : memref<1x128xi32, #tpu.memory_space<vmem>> -> memref<1x128xi32, #tpu.memory_space<vmem>>
      %dma_wait3A_697 = tpu.memref_squeeze %dma_wait3A_696 : memref<1x128xi32, #tpu.memory_space<vmem>> -> memref<128xi32, #tpu.memory_space<vmem>>
      %dma_wait3A_698 = arith.constant 0 : i32
      %dma_wait3A_699 = arith.constant 0 : i32
      %dma_wait3A_700 = tpu.memref_slice %arg5[%dma_wait3A_698, %dma_wait3A_699] : memref<80000x128xf32, #tpu.memory_space<hbm>> -> memref<80000x128xf32, #tpu.memory_space<hbm>>
      tpu.wait_indirect_dma semaphore(%arg28 : memref<!tpu.dma_semaphore, #tpu.memory_space<semaphore_mem>>) src(%dma_wait3A_700 : memref<80000x128xf32, #tpu.memory_space<hbm>>) dst(%arg22 : memref<128x128xf32, #tpu.memory_space<vmem>>)
      %dma_wait3A_701 = arith.constant 0 : i32
      %dma_wait3A_702 = arith.constant 0 : i32
      %dma_wait3A_703 = tpu.memref_slice %arg13[%dma_wait3A_701, %dma_wait3A_702] : memref<1x128xi32, #tpu.memory_space<vmem>> -> memref<1x128xi32, #tpu.memory_space<vmem>>
      %dma_wait3A_704 = tpu.memref_squeeze %dma_wait3A_703 : memref<1x128xi32, #tpu.memory_space<vmem>> -> memref<128xi32, #tpu.memory_space<vmem>>
      %dma_wait3A_705 = arith.constant 0 : i32
      %dma_wait3A_706 = tpu.memref_slice %arg6[%dma_wait3A_705] : memref<81920xf32, #tpu.memory_space<hbm>> -> memref<81920xf32, #tpu.memory_space<hbm>>
      tpu.wait_indirect_dma semaphore(%arg28 : memref<!tpu.dma_semaphore, #tpu.memory_space<semaphore_mem>>) src(%dma_wait3A_706 : memref<81920xf32, #tpu.memory_space<hbm>>) dst(%arg20 : memref<128xf32, #tpu.memory_space<vmem>>)
      %scan3A_707 = arith.constant 0 : i32
      %scan3A_708 = arith.constant 0 : i32
      %scan3A_709 = arith.constant 32 : i32
      %scan3A_710 = arith.addi %scan3A_708, %scan3A_709 : i32
      %scan3A_711 = arith.constant 1 : i32
      scf.for %scan3A_720 = %scan3A_708 to %scan3A_710 step %scan3A_711  : i32 {
        %mul3A_721 = arith.constant 4 : i32
        %mul3A_722 = arith.muli %scan3A_720, %mul3A_721 : i32
        %add3A_723 = arith.constant 0 : i32
        %add3A_724 = arith.addi %mul3A_722, %add3A_723 : i32
        %broadcast_in_dim3A = vector.broadcast %add3A_724 : i32 to vector<16xi32>
        %gather3A = tpu.vector_load_idx %arg20[%broadcast_in_dim3A] : memref<128xf32, #tpu.memory_space<vmem>>[vector<16xi32>], vector<16xf32>,
        %get3A_725 = arith.index_cast %add3A_724 : i32 to index
        %get3A_726 = arith.constant 0 : index
        %get3A_727 = tpu.vector_load %arg22[%get3A_725, %get3A_726] {strides = array<i32>} : memref<128x128xf32, #tpu.memory_space<vmem>>, vector<16xf32>,
        %mul3A_728 = arith.mulf %get3A_727, %gather3A : vector<16xf32>
        %swap3A_729 = arith.index_cast %add3A_724 : i32 to index
        %swap3A_730 = arith.constant 0 : index
        %swap3A_731 = tpu.vector_load %arg22[%swap3A_729, %swap3A_730] {strides = array<i32>} : memref<128x128xf32, #tpu.memory_space<vmem>>, vector<16xf32>,
        tpu.vector_store %arg22[%swap3A_729, %swap3A_730], %mul3A_728 {strides = array<i32>} : memref<128x128xf32, #tpu.memory_space<vmem>>, vector<16xf32>,
        %get3A_732 = arith.index_cast %add3A_724 : i32 to index
        %get3A_733 = arith.constant 16 : index
        %get3A_734 = tpu.vector_load %arg22[%get3A_732, %get3A_733] {strides = array<i32>} : memref<128x128xf32, #tpu.memory_space<vmem>>, vector<16xf32>,
        %mul3A_735 = arith.mulf %get3A_734, %gather3A : vector<16xf32>
        %swap3A_736 = arith.index_cast %add3A_724 : i32 to index
        %swap3A_737 = arith.constant 16 : index
        %swap3A_738 = tpu.vector_load %arg22[%swap3A_736, %swap3A_737] {strides = array<i32>} : memref<128x128xf32, #tpu.memory_space<vmem>>, vector<16xf32>,
        tpu.vector_store %arg22[%swap3A_736, %swap3A_737], %mul3A_735 {strides = array<i32>} : memref<128x128xf32, #tpu.memory_space<vmem>>, vector<16xf32>,
        %get3A_739 = arith.index_cast %add3A_724 : i32 to index
        %get3A_740 = arith.constant 32 : index
        %get3A_741 = tpu.vector_load %arg22[%get3A_739, %get3A_740] {strides = array<i32>} : memref<128x128xf32, #tpu.memory_space<vmem>>, vector<16xf32>,
        %mul3A_742 = arith.mulf %get3A_741, %gather3A : vector<16xf32>
        %swap3A_743 = arith.index_cast %add3A_724 : i32 to index
        %swap3A_744 = arith.constant 32 : index
        %swap3A_745 = tpu.vector_load %arg22[%swap3A_743, %swap3A_744] {strides = array<i32>} : memref<128x128xf32, #tpu.memory_space<vmem>>, vector<16xf32>,
        tpu.vector_store %arg22[%swap3A_743, %swap3A_744], %mul3A_742 {strides = array<i32>} : memref<128x128xf32, #tpu.memory_space<vmem>>, vector<16xf32>,
        %get3A_746 = arith.index_cast %add3A_724 : i32 to index
        %get3A_747 = arith.constant 48 : index
        %get3A_748 = tpu.vector_load %arg22[%get3A_746, %get3A_747] {strides = array<i32>} : memref<128x128xf32, #tpu.memory_space<vmem>>, vector<16xf32>,
        %mul3A_749 = arith.mulf %get3A_748, %gather3A : vector<16xf32>
        %swap3A_750 = arith.index_cast %add3A_724 : i32 to index
        %swap3A_751 = arith.constant 48 : index
        %swap3A_752 = tpu.vector_load %arg22[%swap3A_750, %swap3A_751] {strides = array<i32>} : memref<128x128xf32, #tpu.memory_space<vmem>>, vector<16xf32>,
        tpu.vector_store %arg22[%swap3A_750, %swap3A_751], %mul3A_749 {strides = array<i32>} : memref<128x128xf32, #tpu.memory_space<vmem>>, vector<16xf32>,
        %get3A_753 = arith.index_cast %add3A_724 : i32 to index
        %get3A_754 = arith.constant 64 : index
        %get3A_755 = tpu.vector_load %arg22[%get3A_753, %get3A_754] {strides = array<i32>} : memref<128x128xf32, #tpu.memory_space<vmem>>, vector<16xf32>,
        %mul3A_756 = arith.mulf %get3A_755, %gather3A : vector<16xf32>
        %swap3A_757 = arith.index_cast %add3A_724 : i32 to index
        %swap3A_758 = arith.constant 64 : index
        %swap3A_759 = tpu.vector_load %arg22[%swap3A_757, %swap3A_758] {strides = array<i32>} : memref<128x128xf32, #tpu.memory_space<vmem>>, vector<16xf32>,
        tpu.vector_store %arg22[%swap3A_757, %swap3A_758], %mul3A_756 {strides = array<i32>} : memref<128x128xf32, #tpu.memory_space<vmem>>, vector<16xf32>,
        %get3A_760 = arith.index_cast %add3A_724 : i32 to index
        %get3A_761 = arith.constant 80 : index
        %get3A_762 = tpu.vector_load %arg22[%get3A_760, %get3A_761] {strides = array<i32>} : memref<128x128xf32, #tpu.memory_space<vmem>>, vector<16xf32>,
        %mul3A_763 = arith.mulf %get3A_762, %gather3A : vector<16xf32>
        %swap3A_764 = arith.index_cast %add3A_724 : i32 to index
        %swap3A_765 = arith.constant 80 : index
        %swap3A_766 = tpu.vector_load %arg22[%swap3A_764, %swap3A_765] {strides = array<i32>} : memref<128x128xf32, #tpu.memory_space<vmem>>, vector<16xf32>,
        tpu.vector_store %arg22[%swap3A_764, %swap3A_765], %mul3A_763 {strides = array<i32>} : memref<128x128xf32, #tpu.memory_space<vmem>>, vector<16xf32>,
        %get3A_767 = arith.index_cast %add3A_724 : i32 to index
        %get3A_768 = arith.constant 96 : index
        %get3A_769 = tpu.vector_load %arg22[%get3A_767, %get3A_768] {strides = array<i32>} : memref<128x128xf32, #tpu.memory_space<vmem>>, vector<16xf32>,
        %mul3A_770 = arith.mulf %get3A_769, %gather3A : vector<16xf32>
        %swap3A_771 = arith.index_cast %add3A_724 : i32 to index
        %swap3A_772 = arith.constant 96 : index
        %swap3A_773 = tpu.vector_load %arg22[%swap3A_771, %swap3A_772] {strides = array<i32>} : memref<128x128xf32, #tpu.memory_space<vmem>>, vector<16xf32>,
        tpu.vector_store %arg22[%swap3A_771, %swap3A_772], %mul3A_770 {strides = array<i32>} : memref<128x128xf32, #tpu.memory_space<vmem>>, vector<16xf32>,
        %get3A_774 = arith.index_cast %add3A_724 : i32 to index
        %get3A_775 = arith.constant 112 : index
        %get3A_776 = tpu.vector_load %arg22[%get3A_774, %get3A_775] {strides = array<i32>} : memref<128x128xf32, #tpu.memory_space<vmem>>, vector<16xf32>,
        %mul3A_777 = arith.mulf %get3A_776, %gather3A : vector<16xf32>
        %swap3A_778 = arith.index_cast %add3A_724 : i32 to index
        %swap3A_779 = arith.constant 112 : index
        %swap3A_780 = tpu.vector_load %arg22[%swap3A_778, %swap3A_779] {strides = array<i32>} : memref<128x128xf32, #tpu.memory_space<vmem>>, vector<16xf32>,
        tpu.vector_store %arg22[%swap3A_778, %swap3A_779], %mul3A_777 {strides = array<i32>} : memref<128x128xf32, #tpu.memory_space<vmem>>, vector<16xf32>,
        %mul3A_781 = arith.constant 4 : i32
        %mul3A_782 = arith.muli %scan3A_720, %mul3A_781 : i32
        %add3A_783 = arith.constant 1 : i32
        %add3A_784 = arith.addi %mul3A_782, %add3A_783 : i32
        %broadcast_in_dim3A_785 = vector.broadcast %add3A_784 : i32 to vector<16xi32>
        %gather3A_786 = tpu.vector_load_idx %arg20[%broadcast_in_dim3A_785] : memref<128xf32, #tpu.memory_space<vmem>>[vector<16xi32>], vector<16xf32>,
        %get3A_787 = arith.index_cast %add3A_784 : i32 to index
        %get3A_788 = arith.constant 0 : index
        %get3A_789 = tpu.vector_load %arg22[%get3A_787, %get3A_788] {strides = array<i32>} : memref<128x128xf32, #tpu.memory_space<vmem>>, vector<16xf32>,
        %mul3A_790 = arith.mulf %get3A_789, %gather3A_786 : vector<16xf32>
        %swap3A_791 = arith.index_cast %add3A_784 : i32 to index
        %swap3A_792 = arith.constant 0 : index
        %swap3A_793 = tpu.vector_load %arg22[%swap3A_791, %swap3A_792] {strides = array<i32>} : memref<128x128xf32, #tpu.memory_space<vmem>>, vector<16xf32>,
        tpu.vector_store %arg22[%swap3A_791, %swap3A_792], %mul3A_790 {strides = array<i32>} : memref<128x128xf32, #tpu.memory_space<vmem>>, vector<16xf32>,
        %get3A_794 = arith.index_cast %add3A_784 : i32 to index
        %get3A_795 = arith.constant 16 : index
        %get3A_796 = tpu.vector_load %arg22[%get3A_794, %get3A_795] {strides = array<i32>} : memref<128x128xf32, #tpu.memory_space<vmem>>, vector<16xf32>,
        %mul3A_797 = arith.mulf %get3A_796, %gather3A_786 : vector<16xf32>
        %swap3A_798 = arith.index_cast %add3A_784 : i32 to index
        %swap3A_799 = arith.constant 16 : index
        %swap3A_800 = tpu.vector_load %arg22[%swap3A_798, %swap3A_799] {strides = array<i32>} : memref<128x128xf32, #tpu.memory_space<vmem>>, vector<16xf32>,
        tpu.vector_store %arg22[%swap3A_798, %swap3A_799], %mul3A_797 {strides = array<i32>} : memref<128x128xf32, #tpu.memory_space<vmem>>, vector<16xf32>,
        %get3A_801 = arith.index_cast %add3A_784 : i32 to index
        %get3A_802 = arith.constant 32 : index
        %get3A_803 = tpu.vector_load %arg22[%get3A_801, %get3A_802] {strides = array<i32>} : memref<128x128xf32, #tpu.memory_space<vmem>>, vector<16xf32>,
        %mul3A_804 = arith.mulf %get3A_803, %gather3A_786 : vector<16xf32>
        %swap3A_805 = arith.index_cast %add3A_784 : i32 to index
        %swap3A_806 = arith.constant 32 : index
        %swap3A_807 = tpu.vector_load %arg22[%swap3A_805, %swap3A_806] {strides = array<i32>} : memref<128x128xf32, #tpu.memory_space<vmem>>, vector<16xf32>,
        tpu.vector_store %arg22[%swap3A_805, %swap3A_806], %mul3A_804 {strides = array<i32>} : memref<128x128xf32, #tpu.memory_space<vmem>>, vector<16xf32>,
        %get3A_808 = arith.index_cast %add3A_784 : i32 to index
        %get3A_809 = arith.constant 48 : index
        %get3A_810 = tpu.vector_load %arg22[%get3A_808, %get3A_809] {strides = array<i32>} : memref<128x128xf32, #tpu.memory_space<vmem>>, vector<16xf32>,
        %mul3A_811 = arith.mulf %get3A_810, %gather3A_786 : vector<16xf32>
        %swap3A_812 = arith.index_cast %add3A_784 : i32 to index
        %swap3A_813 = arith.constant 48 : index
        %swap3A_814 = tpu.vector_load %arg22[%swap3A_812, %swap3A_813] {strides = array<i32>} : memref<128x128xf32, #tpu.memory_space<vmem>>, vector<16xf32>,
        tpu.vector_store %arg22[%swap3A_812, %swap3A_813], %mul3A_811 {strides = array<i32>} : memref<128x128xf32, #tpu.memory_space<vmem>>, vector<16xf32>,
        %get3A_815 = arith.index_cast %add3A_784 : i32 to index
        %get3A_816 = arith.constant 64 : index
        %get3A_817 = tpu.vector_load %arg22[%get3A_815, %get3A_816] {strides = array<i32>} : memref<128x128xf32, #tpu.memory_space<vmem>>, vector<16xf32>,
        %mul3A_818 = arith.mulf %get3A_817, %gather3A_786 : vector<16xf32>
        %swap3A_819 = arith.index_cast %add3A_784 : i32 to index
        %swap3A_820 = arith.constant 64 : index
        %swap3A_821 = tpu.vector_load %arg22[%swap3A_819, %swap3A_820] {strides = array<i32>} : memref<128x128xf32, #tpu.memory_space<vmem>>, vector<16xf32>,
        tpu.vector_store %arg22[%swap3A_819, %swap3A_820], %mul3A_818 {strides = array<i32>} : memref<128x128xf32, #tpu.memory_space<vmem>>, vector<16xf32>,
        %get3A_822 = arith.index_cast %add3A_784 : i32 to index
        %get3A_823 = arith.constant 80 : index
        %get3A_824 = tpu.vector_load %arg22[%get3A_822, %get3A_823] {strides = array<i32>} : memref<128x128xf32, #tpu.memory_space<vmem>>, vector<16xf32>,
        %mul3A_825 = arith.mulf %get3A_824, %gather3A_786 : vector<16xf32>
        %swap3A_826 = arith.index_cast %add3A_784 : i32 to index
        %swap3A_827 = arith.constant 80 : index
        %swap3A_828 = tpu.vector_load %arg22[%swap3A_826, %swap3A_827] {strides = array<i32>} : memref<128x128xf32, #tpu.memory_space<vmem>>, vector<16xf32>,
        tpu.vector_store %arg22[%swap3A_826, %swap3A_827], %mul3A_825 {strides = array<i32>} : memref<128x128xf32, #tpu.memory_space<vmem>>, vector<16xf32>,
        %get3A_829 = arith.index_cast %add3A_784 : i32 to index
        %get3A_830 = arith.constant 96 : index
        %get3A_831 = tpu.vector_load %arg22[%get3A_829, %get3A_830] {strides = array<i32>} : memref<128x128xf32, #tpu.memory_space<vmem>>, vector<16xf32>,
        %mul3A_832 = arith.mulf %get3A_831, %gather3A_786 : vector<16xf32>
        %swap3A_833 = arith.index_cast %add3A_784 : i32 to index
        %swap3A_834 = arith.constant 96 : index
        %swap3A_835 = tpu.vector_load %arg22[%swap3A_833, %swap3A_834] {strides = array<i32>} : memref<128x128xf32, #tpu.memory_space<vmem>>, vector<16xf32>,
        tpu.vector_store %arg22[%swap3A_833, %swap3A_834], %mul3A_832 {strides = array<i32>} : memref<128x128xf32, #tpu.memory_space<vmem>>, vector<16xf32>,
        %get3A_836 = arith.index_cast %add3A_784 : i32 to index
        %get3A_837 = arith.constant 112 : index
        %get3A_838 = tpu.vector_load %arg22[%get3A_836, %get3A_837] {strides = array<i32>} : memref<128x128xf32, #tpu.memory_space<vmem>>, vector<16xf32>,
        %mul3A_839 = arith.mulf %get3A_838, %gather3A_786 : vector<16xf32>
        %swap3A_840 = arith.index_cast %add3A_784 : i32 to index
        %swap3A_841 = arith.constant 112 : index
        %swap3A_842 = tpu.vector_load %arg22[%swap3A_840, %swap3A_841] {strides = array<i32>} : memref<128x128xf32, #tpu.memory_space<vmem>>, vector<16xf32>,
        tpu.vector_store %arg22[%swap3A_840, %swap3A_841], %mul3A_839 {strides = array<i32>} : memref<128x128xf32, #tpu.memory_space<vmem>>, vector<16xf32>,
        %mul3A_843 = arith.constant 4 : i32
        %mul3A_844 = arith.muli %scan3A_720, %mul3A_843 : i32
        %add3A_845 = arith.constant 2 : i32
        %add3A_846 = arith.addi %mul3A_844, %add3A_845 : i32
        %broadcast_in_dim3A_847 = vector.broadcast %add3A_846 : i32 to vector<16xi32>
        %gather3A_848 = tpu.vector_load_idx %arg20[%broadcast_in_dim3A_847] : memref<128xf32, #tpu.memory_space<vmem>>[vector<16xi32>], vector<16xf32>,
        %get3A_849 = arith.index_cast %add3A_846 : i32 to index
        %get3A_850 = arith.constant 0 : index
        %get3A_851 = tpu.vector_load %arg22[%get3A_849, %get3A_850] {strides = array<i32>} : memref<128x128xf32, #tpu.memory_space<vmem>>, vector<16xf32>,
        %mul3A_852 = arith.mulf %get3A_851, %gather3A_848 : vector<16xf32>
        %swap3A_853 = arith.index_cast %add3A_846 : i32 to index
        %swap3A_854 = arith.constant 0 : index
        %swap3A_855 = tpu.vector_load %arg22[%swap3A_853, %swap3A_854] {strides = array<i32>} : memref<128x128xf32, #tpu.memory_space<vmem>>, vector<16xf32>,
        tpu.vector_store %arg22[%swap3A_853, %swap3A_854], %mul3A_852 {strides = array<i32>} : memref<128x128xf32, #tpu.memory_space<vmem>>, vector<16xf32>,
        %get3A_856 = arith.index_cast %add3A_846 : i32 to index
        %get3A_857 = arith.constant 16 : index
        %get3A_858 = tpu.vector_load %arg22[%get3A_856, %get3A_857] {strides = array<i32>} : memref<128x128xf32, #tpu.memory_space<vmem>>, vector<16xf32>,
        %mul3A_859 = arith.mulf %get3A_858, %gather3A_848 : vector<16xf32>
        %swap3A_860 = arith.index_cast %add3A_846 : i32 to index
        %swap3A_861 = arith.constant 16 : index
        %swap3A_862 = tpu.vector_load %arg22[%swap3A_860, %swap3A_861] {strides = array<i32>} : memref<128x128xf32, #tpu.memory_space<vmem>>, vector<16xf32>,
        tpu.vector_store %arg22[%swap3A_860, %swap3A_861], %mul3A_859 {strides = array<i32>} : memref<128x128xf32, #tpu.memory_space<vmem>>, vector<16xf32>,
        %get3A_863 = arith.index_cast %add3A_846 : i32 to index
        %get3A_864 = arith.constant 32 : index
        %get3A_865 = tpu.vector_load %arg22[%get3A_863, %get3A_864] {strides = array<i32>} : memref<128x128xf32, #tpu.memory_space<vmem>>, vector<16xf32>,
        %mul3A_866 = arith.mulf %get3A_865, %gather3A_848 : vector<16xf32>
        %swap3A_867 = arith.index_cast %add3A_846 : i32 to index
        %swap3A_868 = arith.constant 32 : index
        %swap3A_869 = tpu.vector_load %arg22[%swap3A_867, %swap3A_868] {strides = array<i32>} : memref<128x128xf32, #tpu.memory_space<vmem>>, vector<16xf32>,
        tpu.vector_store %arg22[%swap3A_867, %swap3A_868], %mul3A_866 {strides = array<i32>} : memref<128x128xf32, #tpu.memory_space<vmem>>, vector<16xf32>,
        %get3A_870 = arith.index_cast %add3A_846 : i32 to index
        %get3A_871 = arith.constant 48 : index
        %get3A_872 = tpu.vector_load %arg22[%get3A_870, %get3A_871] {strides = array<i32>} : memref<128x128xf32, #tpu.memory_space<vmem>>, vector<16xf32>,
        %mul3A_873 = arith.mulf %get3A_872, %gather3A_848 : vector<16xf32>
        %swap3A_874 = arith.index_cast %add3A_846 : i32 to index
        %swap3A_875 = arith.constant 48 : index
        %swap3A_876 = tpu.vector_load %arg22[%swap3A_874, %swap3A_875] {strides = array<i32>} : memref<128x128xf32, #tpu.memory_space<vmem>>, vector<16xf32>,
        tpu.vector_store %arg22[%swap3A_874, %swap3A_875], %mul3A_873 {strides = array<i32>} : memref<128x128xf32, #tpu.memory_space<vmem>>, vector<16xf32>,
        %get3A_877 = arith.index_cast %add3A_846 : i32 to index
        %get3A_878 = arith.constant 64 : index
        %get3A_879 = tpu.vector_load %arg22[%get3A_877, %get3A_878] {strides = array<i32>} : memref<128x128xf32, #tpu.memory_space<vmem>>, vector<16xf32>,
        %mul3A_880 = arith.mulf %get3A_879, %gather3A_848 : vector<16xf32>
        %swap3A_881 = arith.index_cast %add3A_846 : i32 to index
        %swap3A_882 = arith.constant 64 : index
        %swap3A_883 = tpu.vector_load %arg22[%swap3A_881, %swap3A_882] {strides = array<i32>} : memref<128x128xf32, #tpu.memory_space<vmem>>, vector<16xf32>,
        tpu.vector_store %arg22[%swap3A_881, %swap3A_882], %mul3A_880 {strides = array<i32>} : memref<128x128xf32, #tpu.memory_space<vmem>>, vector<16xf32>,
        %get3A_884 = arith.index_cast %add3A_846 : i32 to index
        %get3A_885 = arith.constant 80 : index
        %get3A_886 = tpu.vector_load %arg22[%get3A_884, %get3A_885] {strides = array<i32>} : memref<128x128xf32, #tpu.memory_space<vmem>>, vector<16xf32>,
        %mul3A_887 = arith.mulf %get3A_886, %gather3A_848 : vector<16xf32>
        %swap3A_888 = arith.index_cast %add3A_846 : i32 to index
        %swap3A_889 = arith.constant 80 : index
        %swap3A_890 = tpu.vector_load %arg22[%swap3A_888, %swap3A_889] {strides = array<i32>} : memref<128x128xf32, #tpu.memory_space<vmem>>, vector<16xf32>,
        tpu.vector_store %arg22[%swap3A_888, %swap3A_889], %mul3A_887 {strides = array<i32>} : memref<128x128xf32, #tpu.memory_space<vmem>>, vector<16xf32>,
        %get3A_891 = arith.index_cast %add3A_846 : i32 to index
        %get3A_892 = arith.constant 96 : index
        %get3A_893 = tpu.vector_load %arg22[%get3A_891, %get3A_892] {strides = array<i32>} : memref<128x128xf32, #tpu.memory_space<vmem>>, vector<16xf32>,
        %mul3A_894 = arith.mulf %get3A_893, %gather3A_848 : vector<16xf32>
        %swap3A_895 = arith.index_cast %add3A_846 : i32 to index
        %swap3A_896 = arith.constant 96 : index
        %swap3A_897 = tpu.vector_load %arg22[%swap3A_895, %swap3A_896] {strides = array<i32>} : memref<128x128xf32, #tpu.memory_space<vmem>>, vector<16xf32>,
        tpu.vector_store %arg22[%swap3A_895, %swap3A_896], %mul3A_894 {strides = array<i32>} : memref<128x128xf32, #tpu.memory_space<vmem>>, vector<16xf32>,
        %get3A_898 = arith.index_cast %add3A_846 : i32 to index
        %get3A_899 = arith.constant 112 : index
        %get3A_900 = tpu.vector_load %arg22[%get3A_898, %get3A_899] {strides = array<i32>} : memref<128x128xf32, #tpu.memory_space<vmem>>, vector<16xf32>,
        %mul3A_901 = arith.mulf %get3A_900, %gather3A_848 : vector<16xf32>
        %swap3A_902 = arith.index_cast %add3A_846 : i32 to index
        %swap3A_903 = arith.constant 112 : index
        %swap3A_904 = tpu.vector_load %arg22[%swap3A_902, %swap3A_903] {strides = array<i32>} : memref<128x128xf32, #tpu.memory_space<vmem>>, vector<16xf32>,
        tpu.vector_store %arg22[%swap3A_902, %swap3A_903], %mul3A_901 {strides = array<i32>} : memref<128x128xf32, #tpu.memory_space<vmem>>, vector<16xf32>,
        %mul3A_905 = arith.constant 4 : i32
        %mul3A_906 = arith.muli %scan3A_720, %mul3A_905 : i32
        %add3A_907 = arith.constant 3 : i32
        %add3A_908 = arith.addi %mul3A_906, %add3A_907 : i32
        %broadcast_in_dim3A_909 = vector.broadcast %add3A_908 : i32 to vector<16xi32>
        %gather3A_910 = tpu.vector_load_idx %arg20[%broadcast_in_dim3A_909] : memref<128xf32, #tpu.memory_space<vmem>>[vector<16xi32>], vector<16xf32>,
        %get3A_911 = arith.index_cast %add3A_908 : i32 to index
        %get3A_912 = arith.constant 0 : index
        %get3A_913 = tpu.vector_load %arg22[%get3A_911, %get3A_912] {strides = array<i32>} : memref<128x128xf32, #tpu.memory_space<vmem>>, vector<16xf32>,
        %mul3A_914 = arith.mulf %get3A_913, %gather3A_910 : vector<16xf32>
        %swap3A_915 = arith.index_cast %add3A_908 : i32 to index
        %swap3A_916 = arith.constant 0 : index
        %swap3A_917 = tpu.vector_load %arg22[%swap3A_915, %swap3A_916] {strides = array<i32>} : memref<128x128xf32, #tpu.memory_space<vmem>>, vector<16xf32>,
        tpu.vector_store %arg22[%swap3A_915, %swap3A_916], %mul3A_914 {strides = array<i32>} : memref<128x128xf32, #tpu.memory_space<vmem>>, vector<16xf32>,
        %get3A_918 = arith.index_cast %add3A_908 : i32 to index
        %get3A_919 = arith.constant 16 : index
        %get3A_920 = tpu.vector_load %arg22[%get3A_918, %get3A_919] {strides = array<i32>} : memref<128x128xf32, #tpu.memory_space<vmem>>, vector<16xf32>,
        %mul3A_921 = arith.mulf %get3A_920, %gather3A_910 : vector<16xf32>
        %swap3A_922 = arith.index_cast %add3A_908 : i32 to index
        %swap3A_923 = arith.constant 16 : index
        %swap3A_924 = tpu.vector_load %arg22[%swap3A_922, %swap3A_923] {strides = array<i32>} : memref<128x128xf32, #tpu.memory_space<vmem>>, vector<16xf32>,
        tpu.vector_store %arg22[%swap3A_922, %swap3A_923], %mul3A_921 {strides = array<i32>} : memref<128x128xf32, #tpu.memory_space<vmem>>, vector<16xf32>,
        %get3A_925 = arith.index_cast %add3A_908 : i32 to index
        %get3A_926 = arith.constant 32 : index
        %get3A_927 = tpu.vector_load %arg22[%get3A_925, %get3A_926] {strides = array<i32>} : memref<128x128xf32, #tpu.memory_space<vmem>>, vector<16xf32>,
        %mul3A_928 = arith.mulf %get3A_927, %gather3A_910 : vector<16xf32>
        %swap3A_929 = arith.index_cast %add3A_908 : i32 to index
        %swap3A_930 = arith.constant 32 : index
        %swap3A_931 = tpu.vector_load %arg22[%swap3A_929, %swap3A_930] {strides = array<i32>} : memref<128x128xf32, #tpu.memory_space<vmem>>, vector<16xf32>,
        tpu.vector_store %arg22[%swap3A_929, %swap3A_930], %mul3A_928 {strides = array<i32>} : memref<128x128xf32, #tpu.memory_space<vmem>>, vector<16xf32>,
        %get3A_932 = arith.index_cast %add3A_908 : i32 to index
        %get3A_933 = arith.constant 48 : index
        %get3A_934 = tpu.vector_load %arg22[%get3A_932, %get3A_933] {strides = array<i32>} : memref<128x128xf32, #tpu.memory_space<vmem>>, vector<16xf32>,
        %mul3A_935 = arith.mulf %get3A_934, %gather3A_910 : vector<16xf32>
        %swap3A_936 = arith.index_cast %add3A_908 : i32 to index
        %swap3A_937 = arith.constant 48 : index
        %swap3A_938 = tpu.vector_load %arg22[%swap3A_936, %swap3A_937] {strides = array<i32>} : memref<128x128xf32, #tpu.memory_space<vmem>>, vector<16xf32>,
        tpu.vector_store %arg22[%swap3A_936, %swap3A_937], %mul3A_935 {strides = array<i32>} : memref<128x128xf32, #tpu.memory_space<vmem>>, vector<16xf32>,
        %get3A_939 = arith.index_cast %add3A_908 : i32 to index
        %get3A_940 = arith.constant 64 : index
        %get3A_941 = tpu.vector_load %arg22[%get3A_939, %get3A_940] {strides = array<i32>} : memref<128x128xf32, #tpu.memory_space<vmem>>, vector<16xf32>,
        %mul3A_942 = arith.mulf %get3A_941, %gather3A_910 : vector<16xf32>
        %swap3A_943 = arith.index_cast %add3A_908 : i32 to index
        %swap3A_944 = arith.constant 64 : index
        %swap3A_945 = tpu.vector_load %arg22[%swap3A_943, %swap3A_944] {strides = array<i32>} : memref<128x128xf32, #tpu.memory_space<vmem>>, vector<16xf32>,
        tpu.vector_store %arg22[%swap3A_943, %swap3A_944], %mul3A_942 {strides = array<i32>} : memref<128x128xf32, #tpu.memory_space<vmem>>, vector<16xf32>,
        %get3A_946 = arith.index_cast %add3A_908 : i32 to index
        %get3A_947 = arith.constant 80 : index
        %get3A_948 = tpu.vector_load %arg22[%get3A_946, %get3A_947] {strides = array<i32>} : memref<128x128xf32, #tpu.memory_space<vmem>>, vector<16xf32>,
        %mul3A_949 = arith.mulf %get3A_948, %gather3A_910 : vector<16xf32>
        %swap3A_950 = arith.index_cast %add3A_908 : i32 to index
        %swap3A_951 = arith.constant 80 : index
        %swap3A_952 = tpu.vector_load %arg22[%swap3A_950, %swap3A_951] {strides = array<i32>} : memref<128x128xf32, #tpu.memory_space<vmem>>, vector<16xf32>,
        tpu.vector_store %arg22[%swap3A_950, %swap3A_951], %mul3A_949 {strides = array<i32>} : memref<128x128xf32, #tpu.memory_space<vmem>>, vector<16xf32>,
        %get3A_953 = arith.index_cast %add3A_908 : i32 to index
        %get3A_954 = arith.constant 96 : index
        %get3A_955 = tpu.vector_load %arg22[%get3A_953, %get3A_954] {strides = array<i32>} : memref<128x128xf32, #tpu.memory_space<vmem>>, vector<16xf32>,
        %mul3A_956 = arith.mulf %get3A_955, %gather3A_910 : vector<16xf32>
        %swap3A_957 = arith.index_cast %add3A_908 : i32 to index
        %swap3A_958 = arith.constant 96 : index
        %swap3A_959 = tpu.vector_load %arg22[%swap3A_957, %swap3A_958] {strides = array<i32>} : memref<128x128xf32, #tpu.memory_space<vmem>>, vector<16xf32>,
        tpu.vector_store %arg22[%swap3A_957, %swap3A_958], %mul3A_956 {strides = array<i32>} : memref<128x128xf32, #tpu.memory_space<vmem>>, vector<16xf32>,
        %get3A_960 = arith.index_cast %add3A_908 : i32 to index
        %get3A_961 = arith.constant 112 : index
        %get3A_962 = tpu.vector_load %arg22[%get3A_960, %get3A_961] {strides = array<i32>} : memref<128x128xf32, #tpu.memory_space<vmem>>, vector<16xf32>,
        %mul3A_963 = arith.mulf %get3A_962, %gather3A_910 : vector<16xf32>
        %swap3A_964 = arith.index_cast %add3A_908 : i32 to index
        %swap3A_965 = arith.constant 112 : index
        %swap3A_966 = tpu.vector_load %arg22[%swap3A_964, %swap3A_965] {strides = array<i32>} : memref<128x128xf32, #tpu.memory_space<vmem>>, vector<16xf32>,
        tpu.vector_store %arg22[%swap3A_964, %swap3A_965], %mul3A_963 {strides = array<i32>} : memref<128x128xf32, #tpu.memory_space<vmem>>, vector<16xf32>,
      }
      %scan3A_712 = arith.constant 32 : i32
      %dma_start3A_713 = arith.constant 0 : i32
      %dma_start3A_714 = arith.constant 0 : i32
      %dma_start3A_715 = tpu.memref_slice %arg15[%dma_start3A_713, %dma_start3A_714] : memref<1x128xi32, #tpu.memory_space<vmem>> -> memref<1x128xi32, #tpu.memory_space<vmem>>
      %dma_start3A_716 = tpu.memref_squeeze %dma_start3A_715 : memref<1x128xi32, #tpu.memory_space<vmem>> -> memref<128xi32, #tpu.memory_space<vmem>>
      %dma_start3A_717 = arith.constant 0 : i32
      %dma_start3A_718 = arith.constant 0 : i32
      %dma_start3A_719 = tpu.memref_slice %arg24[%dma_start3A_717, %dma_start3A_718] : memref<10240x128xf32, #tpu.memory_space<vmem_shared>> -> memref<10240x128xf32, #tpu.memory_space<vmem_shared>>
      tpu.enqueue_indirect_dma source(%arg22 : memref<128x128xf32, #tpu.memory_space<vmem>>) target(%dma_start3A_719 : memref<10240x128xf32, #tpu.memory_space<vmem_shared>>) offsets(%dma_start3A_716 : memref<128xi32, #tpu.memory_space<vmem>>) semaphore(%arg30 : memref<!tpu.dma_semaphore, #tpu.memory_space<semaphore_mem>>) {add = true}
    }
    %scan3A_316 = arith.constant 39 : i32
    %dma_wait3A_317 = arith.constant 0 : i32
    %dma_wait3A_318 = arith.constant 0 : i32
    %dma_wait3A_319 = tpu.memref_slice %arg14[%dma_wait3A_317, %dma_wait3A_318] : memref<1x128xi32, #tpu.memory_space<vmem>> -> memref<1x128xi32, #tpu.memory_space<vmem>>
    %dma_wait3A_320 = tpu.memref_squeeze %dma_wait3A_319 : memref<1x128xi32, #tpu.memory_space<vmem>> -> memref<128xi32, #tpu.memory_space<vmem>>
    %dma_wait3A_321 = arith.constant 0 : i32
    %dma_wait3A_322 = arith.constant 0 : i32
    %dma_wait3A_323 = tpu.memref_slice %arg24[%dma_wait3A_321, %dma_wait3A_322] : memref<10240x128xf32, #tpu.memory_space<vmem_shared>> -> memref<10240x128xf32, #tpu.memory_space<vmem_shared>>
    tpu.wait_indirect_dma semaphore(%arg29 : memref<!tpu.dma_semaphore, #tpu.memory_space<semaphore_mem>>) src(%arg21 : memref<128x128xf32, #tpu.memory_space<vmem>>) dst(%dma_wait3A_323 : memref<10240x128xf32, #tpu.memory_space<vmem_shared>>)
    %dma_wait3A_324 = arith.constant 0 : i32
    %dma_wait3A_325 = arith.constant 0 : i32
    %dma_wait3A_326 = tpu.memref_slice %arg15[%dma_wait3A_324, %dma_wait3A_325] : memref<1x128xi32, #tpu.memory_space<vmem>> -> memref<1x128xi32, #tpu.memory_space<vmem>>
    %dma_wait3A_327 = tpu.memref_squeeze %dma_wait3A_326 : memref<1x128xi32, #tpu.memory_space<vmem>> -> memref<128xi32, #tpu.memory_space<vmem>>
    %dma_wait3A_328 = arith.constant 0 : i32
    %dma_wait3A_329 = arith.constant 0 : i32
    %dma_wait3A_330 = tpu.memref_slice %arg24[%dma_wait3A_328, %dma_wait3A_329] : memref<10240x128xf32, #tpu.memory_space<vmem_shared>> -> memref<10240x128xf32, #tpu.memory_space<vmem_shared>>
    tpu.wait_indirect_dma semaphore(%arg30 : memref<!tpu.dma_semaphore, #tpu.memory_space<semaphore_mem>>) src(%arg22 : memref<128x128xf32, #tpu.memory_space<vmem>>) dst(%dma_wait3A_330 : memref<10240x128xf32, #tpu.memory_space<vmem_shared>>)
    %add3A_331 = arith.constant 9984 : i32
    %add3A_332 = arith.addi %mul3A_13, %add3A_331 : i32
    "tpu.region"() ({
      %run_scoped3A_406 = tpu.sem_alloc : memref<!tpu.dma_semaphore, #tpu.memory_space<semaphore_mem>>
      %dma_start3A_407 = arith.constant 0 : i32
      %dma_start3A_408 = tpu.memref_slice %arg8[%dma_start3A_407] : memref<384xi32, #tpu.memory_space<vmem>> -> memref<16xi32, #tpu.memory_space<vmem>>
      %dma_start3A_409 = tpu.memref_slice %arg2[%add3A_332] : memref<320000xi32, #tpu.memory_space<hbm>> -> memref<16xi32, #tpu.memory_space<hbm>>
      %dma_start3A_410 = arith.constant 0 : i32
      %dma_start3A_411 = tpu.memref_slice %arg8[%dma_start3A_410] : memref<384xi32, #tpu.memory_space<vmem>> -> memref<16xi32, #tpu.memory_space<vmem>>
      %dma_start3A_412 = tpu.memref_slice %arg2[%add3A_332] : memref<320000xi32, #tpu.memory_space<hbm>> -> memref<16xi32, #tpu.memory_space<hbm>>
      tpu.enqueue_dma source(%dma_start3A_412 : memref<16xi32, #tpu.memory_space<hbm>>) target(%dma_start3A_411 : memref<16xi32, #tpu.memory_space<vmem>>) target_semaphore(%run_scoped3A_406 : memref<!tpu.dma_semaphore, #tpu.memory_space<semaphore_mem>>)
      %dma_wait3A_413 = arith.constant 0 : i32
      %dma_wait3A_414 = tpu.memref_slice %arg8[%dma_wait3A_413] : memref<384xi32, #tpu.memory_space<vmem>> -> memref<16xi32, #tpu.memory_space<vmem>>
      %dma_wait3A_415 = tpu.memref_slice %arg2[%add3A_332] : memref<320000xi32, #tpu.memory_space<hbm>> -> memref<16xi32, #tpu.memory_space<hbm>>
      %dma_wait3A_416 = arith.constant 0 : i32
      %dma_wait3A_417 = tpu.memref_slice %arg8[%dma_wait3A_416] : memref<384xi32, #tpu.memory_space<vmem>> -> memref<16xi32, #tpu.memory_space<vmem>>
      %dma_wait3A_418 = tpu.memref_slice %arg2[%add3A_332] : memref<320000xi32, #tpu.memory_space<hbm>> -> memref<16xi32, #tpu.memory_space<hbm>>
      tpu.wait_dma2 semaphore(%run_scoped3A_406 : memref<!tpu.dma_semaphore, #tpu.memory_space<semaphore_mem>>) src(%dma_wait3A_418 : memref<16xi32, #tpu.memory_space<hbm>>) dst(%dma_wait3A_417 : memref<16xi32, #tpu.memory_space<vmem>>)
      tpu.yield
    }) : () -> ()
    "tpu.region"() ({
      %run_scoped3A_406 = tpu.sem_alloc : memref<!tpu.dma_semaphore, #tpu.memory_space<semaphore_mem>>
      %dma_start3A_407 = arith.constant 128 : i32
      %dma_start3A_408 = tpu.memref_slice %arg8[%dma_start3A_407] : memref<384xi32, #tpu.memory_space<vmem>> -> memref<16xi32, #tpu.memory_space<vmem>>
      %dma_start3A_409 = tpu.memref_slice %arg3[%add3A_332] : memref<320000xi32, #tpu.memory_space<hbm>> -> memref<16xi32, #tpu.memory_space<hbm>>
      %dma_start3A_410 = arith.constant 128 : i32
      %dma_start3A_411 = tpu.memref_slice %arg8[%dma_start3A_410] : memref<384xi32, #tpu.memory_space<vmem>> -> memref<16xi32, #tpu.memory_space<vmem>>
      %dma_start3A_412 = tpu.memref_slice %arg3[%add3A_332] : memref<320000xi32, #tpu.memory_space<hbm>> -> memref<16xi32, #tpu.memory_space<hbm>>
      tpu.enqueue_dma source(%dma_start3A_412 : memref<16xi32, #tpu.memory_space<hbm>>) target(%dma_start3A_411 : memref<16xi32, #tpu.memory_space<vmem>>) target_semaphore(%run_scoped3A_406 : memref<!tpu.dma_semaphore, #tpu.memory_space<semaphore_mem>>)
      %dma_wait3A_413 = arith.constant 128 : i32
      %dma_wait3A_414 = tpu.memref_slice %arg8[%dma_wait3A_413] : memref<384xi32, #tpu.memory_space<vmem>> -> memref<16xi32, #tpu.memory_space<vmem>>
      %dma_wait3A_415 = tpu.memref_slice %arg3[%add3A_332] : memref<320000xi32, #tpu.memory_space<hbm>> -> memref<16xi32, #tpu.memory_space<hbm>>
      %dma_wait3A_416 = arith.constant 128 : i32
      %dma_wait3A_417 = tpu.memref_slice %arg8[%dma_wait3A_416] : memref<384xi32, #tpu.memory_space<vmem>> -> memref<16xi32, #tpu.memory_space<vmem>>
      %dma_wait3A_418 = tpu.memref_slice %arg3[%add3A_332] : memref<320000xi32, #tpu.memory_space<hbm>> -> memref<16xi32, #tpu.memory_space<hbm>>
      tpu.wait_dma2 semaphore(%run_scoped3A_406 : memref<!tpu.dma_semaphore, #tpu.memory_space<semaphore_mem>>) src(%dma_wait3A_418 : memref<16xi32, #tpu.memory_space<hbm>>) dst(%dma_wait3A_417 : memref<16xi32, #tpu.memory_space<vmem>>)
      tpu.yield
    }) : () -> ()
    "tpu.region"() ({
      %run_scoped3A_406 = tpu.sem_alloc : memref<!tpu.dma_semaphore, #tpu.memory_space<semaphore_mem>>
      %dma_start3A_407 = arith.constant 256 : i32
      %dma_start3A_408 = tpu.memref_slice %arg8[%dma_start3A_407] : memref<384xi32, #tpu.memory_space<vmem>> -> memref<16xi32, #tpu.memory_space<vmem>>
      %dma_start3A_409 = tpu.memref_slice %arg4[%add3A_332] : memref<320000xi32, #tpu.memory_space<hbm>> -> memref<16xi32, #tpu.memory_space<hbm>>
      %dma_start3A_410 = arith.constant 256 : i32
      %dma_start3A_411 = tpu.memref_slice %arg8[%dma_start3A_410] : memref<384xi32, #tpu.memory_space<vmem>> -> memref<16xi32, #tpu.memory_space<vmem>>
      %dma_start3A_412 = tpu.memref_slice %arg4[%add3A_332] : memref<320000xi32, #tpu.memory_space<hbm>> -> memref<16xi32, #tpu.memory_space<hbm>>
      tpu.enqueue_dma source(%dma_start3A_412 : memref<16xi32, #tpu.memory_space<hbm>>) target(%dma_start3A_411 : memref<16xi32, #tpu.memory_space<vmem>>) target_semaphore(%run_scoped3A_406 : memref<!tpu.dma_semaphore, #tpu.memory_space<semaphore_mem>>)
      %dma_wait3A_413 = arith.constant 256 : i32
      %dma_wait3A_414 = tpu.memref_slice %arg8[%dma_wait3A_413] : memref<384xi32, #tpu.memory_space<vmem>> -> memref<16xi32, #tpu.memory_space<vmem>>
      %dma_wait3A_415 = tpu.memref_slice %arg4[%add3A_332] : memref<320000xi32, #tpu.memory_space<hbm>> -> memref<16xi32, #tpu.memory_space<hbm>>
      %dma_wait3A_416 = arith.constant 256 : i32
      %dma_wait3A_417 = tpu.memref_slice %arg8[%dma_wait3A_416] : memref<384xi32, #tpu.memory_space<vmem>> -> memref<16xi32, #tpu.memory_space<vmem>>
      %dma_wait3A_418 = tpu.memref_slice %arg4[%add3A_332] : memref<320000xi32, #tpu.memory_space<hbm>> -> memref<16xi32, #tpu.memory_space<hbm>>
      tpu.wait_dma2 semaphore(%run_scoped3A_406 : memref<!tpu.dma_semaphore, #tpu.memory_space<semaphore_mem>>) src(%dma_wait3A_418 : memref<16xi32, #tpu.memory_space<hbm>>) dst(%dma_wait3A_417 : memref<16xi32, #tpu.memory_space<vmem>>)
      tpu.yield
    }) : () -> ()
    %get3A_333 = arith.constant 0 : index
    %get3A_334 = tpu.vector_load %arg8[%get3A_333] {strides = array<i32>} : memref<384xi32, #tpu.memory_space<vmem>>, vector<16xi32>,
    %get3A_335 = arith.constant 128 : index
    %get3A_336 = tpu.vector_load %arg8[%get3A_335] {strides = array<i32>} : memref<384xi32, #tpu.memory_space<vmem>>, vector<16xi32>,
    %get3A_337 = arith.constant 256 : index
    %get3A_338 = tpu.vector_load %arg8[%get3A_337] {strides = array<i32>} : memref<384xi32, #tpu.memory_space<vmem>>, vector<16xi32>,
    %mul3A_339 = arith.constant 10000 : i32
    %mul3A_340 = vector.broadcast %mul3A_339 : i32 to vector<16xi32>
    %mul3A_341 = arith.muli %get3A_338, %mul3A_340 : vector<16xi32>
    %add3A_342 = arith.addi %mul3A_341, %get3A_334 : vector<16xi32>
    %swap3A_343 = arith.constant 0 : i32
    %swap3A_344 = arith.index_cast %swap3A_343 : i32 to index
    %swap3A_345 = arith.constant 0 : index
    %swap3A_346 = tpu.vector_load %arg16[%swap3A_344, %swap3A_345] {strides = array<i32>} : memref<1x16xi32, #tpu.memory_space<vmem>>, vector<16xi32>,
    tpu.vector_store %arg16[%swap3A_344, %swap3A_345], %add3A_342 {strides = array<i32>} : memref<1x16xi32, #tpu.memory_space<vmem>>, vector<16xi32>,
    %mul3A_347 = arith.constant 8 : i32
    %mul3A_348 = vector.broadcast %mul3A_347 : i32 to vector<16xi32>
    %mul3A_349 = arith.muli %get3A_336, %mul3A_348 : vector<16xi32>
    %add3A_350 = arith.addi %mul3A_349, %get3A_338 : vector<16xi32>
    %swap3A_351 = arith.constant 0 : i32
    %swap3A_352 = arith.index_cast %swap3A_351 : i32 to index
    %swap3A_353 = arith.constant 0 : index
    %swap3A_354 = tpu.vector_load %arg17[%swap3A_352, %swap3A_353] {strides = array<i32>} : memref<1x16xi32, #tpu.memory_space<vmem>>, vector<16xi32>,
    tpu.vector_store %arg17[%swap3A_352, %swap3A_353], %add3A_350 {strides = array<i32>} : memref<1x16xi32, #tpu.memory_space<vmem>>, vector<16xi32>,
    %swap3A_355 = arith.constant 0 : i32
    %swap3A_356 = arith.index_cast %swap3A_355 : i32 to index
    %swap3A_357 = arith.constant 0 : index
    %swap3A_358 = tpu.vector_load %arg18[%swap3A_356, %swap3A_357] {strides = array<i32>} : memref<1x16xi32, #tpu.memory_space<vmem>>, vector<16xi32>,
    tpu.vector_store %arg18[%swap3A_356, %swap3A_357], %get3A_336 {strides = array<i32>} : memref<1x16xi32, #tpu.memory_space<vmem>>, vector<16xi32>,
    %dma_start3A_359 = arith.constant 0 : i32
    %dma_start3A_360 = arith.constant 0 : i32
    %dma_start3A_361 = arith.constant 0 : i32
    %dma_start3A_362 = tpu.memref_slice %arg21[%dma_start3A_360, %dma_start3A_361] : memref<128x128xf32, #tpu.memory_space<vmem>> -> memref<16x128xf32, #tpu.memory_space<vmem>>
    %dma_start3A_363 = arith.constant 0 : i32
    %dma_start3A_364 = tpu.memref_slice %arg16[%dma_start3A_359, %dma_start3A_363] : memref<1x16xi32, #tpu.memory_space<vmem>> -> memref<1x16xi32, #tpu.memory_space<vmem>>
    %dma_start3A_365 = tpu.memref_squeeze %dma_start3A_364 : memref<1x16xi32, #tpu.memory_space<vmem>> -> memref<16xi32, #tpu.memory_space<vmem>>
    %dma_start3A_366 = arith.constant 0 : i32
    %dma_start3A_367 = arith.constant 0 : i32
    %dma_start3A_368 = tpu.memref_slice %arg5[%dma_start3A_366, %dma_start3A_367] : memref<80000x128xf32, #tpu.memory_space<hbm>> -> memref<80000x128xf32, #tpu.memory_space<hbm>>
    tpu.enqueue_indirect_dma source(%dma_start3A_368 : memref<80000x128xf32, #tpu.memory_space<hbm>>) target(%dma_start3A_362 : memref<16x128xf32, #tpu.memory_space<vmem>>) offsets(%dma_start3A_365 : memref<16xi32, #tpu.memory_space<vmem>>) semaphore(%arg27 : memref<!tpu.dma_semaphore, #tpu.memory_space<semaphore_mem>>)
    %dma_wait3A_369 = arith.constant 0 : i32
    %dma_wait3A_370 = arith.constant 0 : i32
    %dma_wait3A_371 = arith.constant 0 : i32
    %dma_wait3A_372 = tpu.memref_slice %arg21[%dma_wait3A_370, %dma_wait3A_371] : memref<128x128xf32, #tpu.memory_space<vmem>> -> memref<16x128xf32, #tpu.memory_space<vmem>>
    %dma_wait3A_373 = arith.constant 0 : i32
    %dma_wait3A_374 = tpu.memref_slice %arg16[%dma_wait3A_369, %dma_wait3A_373] : memref<1x16xi32, #tpu.memory_space<vmem>> -> memref<1x16xi32, #tpu.memory_space<vmem>>
    %dma_wait3A_375 = tpu.memref_squeeze %dma_wait3A_374 : memref<1x16xi32, #tpu.memory_space<vmem>> -> memref<16xi32, #tpu.memory_space<vmem>>
    %dma_wait3A_376 = arith.constant 0 : i32
    %dma_wait3A_377 = arith.constant 0 : i32
    %dma_wait3A_378 = tpu.memref_slice %arg5[%dma_wait3A_376, %dma_wait3A_377] : memref<80000x128xf32, #tpu.memory_space<hbm>> -> memref<80000x128xf32, #tpu.memory_space<hbm>>
    tpu.wait_indirect_dma semaphore(%arg27 : memref<!tpu.dma_semaphore, #tpu.memory_space<semaphore_mem>>) src(%dma_wait3A_378 : memref<80000x128xf32, #tpu.memory_space<hbm>>) dst(%dma_wait3A_372 : memref<16x128xf32, #tpu.memory_space<vmem>>)
    %dma_start3A_379 = arith.constant 0 : i32
    %dma_start3A_380 = arith.constant 0 : i32
    %dma_start3A_381 = tpu.memref_slice %arg19[%dma_start3A_380] : memref<128xf32, #tpu.memory_space<vmem>> -> memref<16xf32, #tpu.memory_space<vmem>>
    %dma_start3A_382 = arith.constant 0 : i32
    %dma_start3A_383 = tpu.memref_slice %arg17[%dma_start3A_379, %dma_start3A_382] : memref<1x16xi32, #tpu.memory_space<vmem>> -> memref<1x16xi32, #tpu.memory_space<vmem>>
    %dma_start3A_384 = tpu.memref_squeeze %dma_start3A_383 : memref<1x16xi32, #tpu.memory_space<vmem>> -> memref<16xi32, #tpu.memory_space<vmem>>
    %dma_start3A_385 = arith.constant 0 : i32
    %dma_start3A_386 = tpu.memref_slice %arg6[%dma_start3A_385] : memref<81920xf32, #tpu.memory_space<hbm>> -> memref<81920xf32, #tpu.memory_space<hbm>>
    tpu.enqueue_indirect_dma source(%dma_start3A_386 : memref<81920xf32, #tpu.memory_space<hbm>>) target(%dma_start3A_381 : memref<16xf32, #tpu.memory_space<vmem>>) offsets(%dma_start3A_384 : memref<16xi32, #tpu.memory_space<vmem>>) semaphore(%arg27 : memref<!tpu.dma_semaphore, #tpu.memory_space<semaphore_mem>>)
    %dma_wait3A_387 = arith.constant 0 : i32
    %dma_wait3A_388 = arith.constant 0 : i32
    %dma_wait3A_389 = tpu.memref_slice %arg19[%dma_wait3A_388] : memref<128xf32, #tpu.memory_space<vmem>> -> memref<16xf32, #tpu.memory_space<vmem>>
    %dma_wait3A_390 = arith.constant 0 : i32
    %dma_wait3A_391 = tpu.memref_slice %arg17[%dma_wait3A_387, %dma_wait3A_390] : memref<1x16xi32, #tpu.memory_space<vmem>> -> memref<1x16xi32, #tpu.memory_space<vmem>>
    %dma_wait3A_392 = tpu.memref_squeeze %dma_wait3A_391 : memref<1x16xi32, #tpu.memory_space<vmem>> -> memref<16xi32, #tpu.memory_space<vmem>>
    %dma_wait3A_393 = arith.constant 0 : i32
    %dma_wait3A_394 = tpu.memref_slice %arg6[%dma_wait3A_393] : memref<81920xf32, #tpu.memory_space<hbm>> -> memref<81920xf32, #tpu.memory_space<hbm>>
    tpu.wait_indirect_dma semaphore(%arg27 : memref<!tpu.dma_semaphore, #tpu.memory_space<semaphore_mem>>) src(%dma_wait3A_394 : memref<81920xf32, #tpu.memory_space<hbm>>) dst(%dma_wait3A_389 : memref<16xf32, #tpu.memory_space<vmem>>)
    %scan3A_395 = arith.constant 0 : i32
    %scan3A_396 = arith.constant 0 : i32
    %scan3A_397 = arith.constant 4 : i32
    %scan3A_398 = arith.addi %scan3A_396, %scan3A_397 : i32
    %scan3A_399 = arith.constant 1 : i32
    scf.for %scan3A_406 = %scan3A_396 to %scan3A_398 step %scan3A_399  : i32 {
      %mul3A_407 = arith.constant 4 : i32
      %mul3A_408 = arith.muli %scan3A_406, %mul3A_407 : i32
      %add3A_409 = arith.constant 0 : i32
      %add3A_410 = arith.addi %mul3A_408, %add3A_409 : i32
      %broadcast_in_dim3A = vector.broadcast %add3A_410 : i32 to vector<16xi32>
      %gather3A = tpu.vector_load_idx %arg19[%broadcast_in_dim3A] : memref<128xf32, #tpu.memory_space<vmem>>[vector<16xi32>], vector<16xf32>,
      %get3A_411 = arith.index_cast %add3A_410 : i32 to index
      %get3A_412 = arith.constant 0 : index
      %get3A_413 = tpu.vector_load %arg21[%get3A_411, %get3A_412] {strides = array<i32>} : memref<128x128xf32, #tpu.memory_space<vmem>>, vector<16xf32>,
      %mul3A_414 = arith.mulf %get3A_413, %gather3A : vector<16xf32>
      %swap3A_415 = arith.index_cast %add3A_410 : i32 to index
      %swap3A_416 = arith.constant 0 : index
      %swap3A_417 = tpu.vector_load %arg21[%swap3A_415, %swap3A_416] {strides = array<i32>} : memref<128x128xf32, #tpu.memory_space<vmem>>, vector<16xf32>,
      tpu.vector_store %arg21[%swap3A_415, %swap3A_416], %mul3A_414 {strides = array<i32>} : memref<128x128xf32, #tpu.memory_space<vmem>>, vector<16xf32>,
      %get3A_418 = arith.index_cast %add3A_410 : i32 to index
      %get3A_419 = arith.constant 16 : index
      %get3A_420 = tpu.vector_load %arg21[%get3A_418, %get3A_419] {strides = array<i32>} : memref<128x128xf32, #tpu.memory_space<vmem>>, vector<16xf32>,
      %mul3A_421 = arith.mulf %get3A_420, %gather3A : vector<16xf32>
      %swap3A_422 = arith.index_cast %add3A_410 : i32 to index
      %swap3A_423 = arith.constant 16 : index
      %swap3A_424 = tpu.vector_load %arg21[%swap3A_422, %swap3A_423] {strides = array<i32>} : memref<128x128xf32, #tpu.memory_space<vmem>>, vector<16xf32>,
      tpu.vector_store %arg21[%swap3A_422, %swap3A_423], %mul3A_421 {strides = array<i32>} : memref<128x128xf32, #tpu.memory_space<vmem>>, vector<16xf32>,
      %get3A_425 = arith.index_cast %add3A_410 : i32 to index
      %get3A_426 = arith.constant 32 : index
      %get3A_427 = tpu.vector_load %arg21[%get3A_425, %get3A_426] {strides = array<i32>} : memref<128x128xf32, #tpu.memory_space<vmem>>, vector<16xf32>,
      %mul3A_428 = arith.mulf %get3A_427, %gather3A : vector<16xf32>
      %swap3A_429 = arith.index_cast %add3A_410 : i32 to index
      %swap3A_430 = arith.constant 32 : index
      %swap3A_431 = tpu.vector_load %arg21[%swap3A_429, %swap3A_430] {strides = array<i32>} : memref<128x128xf32, #tpu.memory_space<vmem>>, vector<16xf32>,
      tpu.vector_store %arg21[%swap3A_429, %swap3A_430], %mul3A_428 {strides = array<i32>} : memref<128x128xf32, #tpu.memory_space<vmem>>, vector<16xf32>,
      %get3A_432 = arith.index_cast %add3A_410 : i32 to index
      %get3A_433 = arith.constant 48 : index
      %get3A_434 = tpu.vector_load %arg21[%get3A_432, %get3A_433] {strides = array<i32>} : memref<128x128xf32, #tpu.memory_space<vmem>>, vector<16xf32>,
      %mul3A_435 = arith.mulf %get3A_434, %gather3A : vector<16xf32>
      %swap3A_436 = arith.index_cast %add3A_410 : i32 to index
      %swap3A_437 = arith.constant 48 : index
      %swap3A_438 = tpu.vector_load %arg21[%swap3A_436, %swap3A_437] {strides = array<i32>} : memref<128x128xf32, #tpu.memory_space<vmem>>, vector<16xf32>,
      tpu.vector_store %arg21[%swap3A_436, %swap3A_437], %mul3A_435 {strides = array<i32>} : memref<128x128xf32, #tpu.memory_space<vmem>>, vector<16xf32>,
      %get3A_439 = arith.index_cast %add3A_410 : i32 to index
      %get3A_440 = arith.constant 64 : index
      %get3A_441 = tpu.vector_load %arg21[%get3A_439, %get3A_440] {strides = array<i32>} : memref<128x128xf32, #tpu.memory_space<vmem>>, vector<16xf32>,
      %mul3A_442 = arith.mulf %get3A_441, %gather3A : vector<16xf32>
      %swap3A_443 = arith.index_cast %add3A_410 : i32 to index
      %swap3A_444 = arith.constant 64 : index
      %swap3A_445 = tpu.vector_load %arg21[%swap3A_443, %swap3A_444] {strides = array<i32>} : memref<128x128xf32, #tpu.memory_space<vmem>>, vector<16xf32>,
      tpu.vector_store %arg21[%swap3A_443, %swap3A_444], %mul3A_442 {strides = array<i32>} : memref<128x128xf32, #tpu.memory_space<vmem>>, vector<16xf32>,
      %get3A_446 = arith.index_cast %add3A_410 : i32 to index
      %get3A_447 = arith.constant 80 : index
      %get3A_448 = tpu.vector_load %arg21[%get3A_446, %get3A_447] {strides = array<i32>} : memref<128x128xf32, #tpu.memory_space<vmem>>, vector<16xf32>,
      %mul3A_449 = arith.mulf %get3A_448, %gather3A : vector<16xf32>
      %swap3A_450 = arith.index_cast %add3A_410 : i32 to index
      %swap3A_451 = arith.constant 80 : index
      %swap3A_452 = tpu.vector_load %arg21[%swap3A_450, %swap3A_451] {strides = array<i32>} : memref<128x128xf32, #tpu.memory_space<vmem>>, vector<16xf32>,
      tpu.vector_store %arg21[%swap3A_450, %swap3A_451], %mul3A_449 {strides = array<i32>} : memref<128x128xf32, #tpu.memory_space<vmem>>, vector<16xf32>,
      %get3A_453 = arith.index_cast %add3A_410 : i32 to index
      %get3A_454 = arith.constant 96 : index
      %get3A_455 = tpu.vector_load %arg21[%get3A_453, %get3A_454] {strides = array<i32>} : memref<128x128xf32, #tpu.memory_space<vmem>>, vector<16xf32>,
      %mul3A_456 = arith.mulf %get3A_455, %gather3A : vector<16xf32>
      %swap3A_457 = arith.index_cast %add3A_410 : i32 to index
      %swap3A_458 = arith.constant 96 : index
      %swap3A_459 = tpu.vector_load %arg21[%swap3A_457, %swap3A_458] {strides = array<i32>} : memref<128x128xf32, #tpu.memory_space<vmem>>, vector<16xf32>,
      tpu.vector_store %arg21[%swap3A_457, %swap3A_458], %mul3A_456 {strides = array<i32>} : memref<128x128xf32, #tpu.memory_space<vmem>>, vector<16xf32>,
      %get3A_460 = arith.index_cast %add3A_410 : i32 to index
      %get3A_461 = arith.constant 112 : index
      %get3A_462 = tpu.vector_load %arg21[%get3A_460, %get3A_461] {strides = array<i32>} : memref<128x128xf32, #tpu.memory_space<vmem>>, vector<16xf32>,
      %mul3A_463 = arith.mulf %get3A_462, %gather3A : vector<16xf32>
      %swap3A_464 = arith.index_cast %add3A_410 : i32 to index
      %swap3A_465 = arith.constant 112 : index
      %swap3A_466 = tpu.vector_load %arg21[%swap3A_464, %swap3A_465] {strides = array<i32>} : memref<128x128xf32, #tpu.memory_space<vmem>>, vector<16xf32>,
      tpu.vector_store %arg21[%swap3A_464, %swap3A_465], %mul3A_463 {strides = array<i32>} : memref<128x128xf32, #tpu.memory_space<vmem>>, vector<16xf32>,
      %mul3A_467 = arith.constant 4 : i32
      %mul3A_468 = arith.muli %scan3A_406, %mul3A_467 : i32
      %add3A_469 = arith.constant 1 : i32
      %add3A_470 = arith.addi %mul3A_468, %add3A_469 : i32
      %broadcast_in_dim3A_471 = vector.broadcast %add3A_470 : i32 to vector<16xi32>
      %gather3A_472 = tpu.vector_load_idx %arg19[%broadcast_in_dim3A_471] : memref<128xf32, #tpu.memory_space<vmem>>[vector<16xi32>], vector<16xf32>,
      %get3A_473 = arith.index_cast %add3A_470 : i32 to index
      %get3A_474 = arith.constant 0 : index
      %get3A_475 = tpu.vector_load %arg21[%get3A_473, %get3A_474] {strides = array<i32>} : memref<128x128xf32, #tpu.memory_space<vmem>>, vector<16xf32>,
      %mul3A_476 = arith.mulf %get3A_475, %gather3A_472 : vector<16xf32>
      %swap3A_477 = arith.index_cast %add3A_470 : i32 to index
      %swap3A_478 = arith.constant 0 : index
      %swap3A_479 = tpu.vector_load %arg21[%swap3A_477, %swap3A_478] {strides = array<i32>} : memref<128x128xf32, #tpu.memory_space<vmem>>, vector<16xf32>,
      tpu.vector_store %arg21[%swap3A_477, %swap3A_478], %mul3A_476 {strides = array<i32>} : memref<128x128xf32, #tpu.memory_space<vmem>>, vector<16xf32>,
      %get3A_480 = arith.index_cast %add3A_470 : i32 to index
      %get3A_481 = arith.constant 16 : index
      %get3A_482 = tpu.vector_load %arg21[%get3A_480, %get3A_481] {strides = array<i32>} : memref<128x128xf32, #tpu.memory_space<vmem>>, vector<16xf32>,
      %mul3A_483 = arith.mulf %get3A_482, %gather3A_472 : vector<16xf32>
      %swap3A_484 = arith.index_cast %add3A_470 : i32 to index
      %swap3A_485 = arith.constant 16 : index
      %swap3A_486 = tpu.vector_load %arg21[%swap3A_484, %swap3A_485] {strides = array<i32>} : memref<128x128xf32, #tpu.memory_space<vmem>>, vector<16xf32>,
      tpu.vector_store %arg21[%swap3A_484, %swap3A_485], %mul3A_483 {strides = array<i32>} : memref<128x128xf32, #tpu.memory_space<vmem>>, vector<16xf32>,
      %get3A_487 = arith.index_cast %add3A_470 : i32 to index
      %get3A_488 = arith.constant 32 : index
      %get3A_489 = tpu.vector_load %arg21[%get3A_487, %get3A_488] {strides = array<i32>} : memref<128x128xf32, #tpu.memory_space<vmem>>, vector<16xf32>,
      %mul3A_490 = arith.mulf %get3A_489, %gather3A_472 : vector<16xf32>
      %swap3A_491 = arith.index_cast %add3A_470 : i32 to index
      %swap3A_492 = arith.constant 32 : index
      %swap3A_493 = tpu.vector_load %arg21[%swap3A_491, %swap3A_492] {strides = array<i32>} : memref<128x128xf32, #tpu.memory_space<vmem>>, vector<16xf32>,
      tpu.vector_store %arg21[%swap3A_491, %swap3A_492], %mul3A_490 {strides = array<i32>} : memref<128x128xf32, #tpu.memory_space<vmem>>, vector<16xf32>,
      %get3A_494 = arith.index_cast %add3A_470 : i32 to index
      %get3A_495 = arith.constant 48 : index
      %get3A_496 = tpu.vector_load %arg21[%get3A_494, %get3A_495] {strides = array<i32>} : memref<128x128xf32, #tpu.memory_space<vmem>>, vector<16xf32>,
      %mul3A_497 = arith.mulf %get3A_496, %gather3A_472 : vector<16xf32>
      %swap3A_498 = arith.index_cast %add3A_470 : i32 to index
      %swap3A_499 = arith.constant 48 : index
      %swap3A_500 = tpu.vector_load %arg21[%swap3A_498, %swap3A_499] {strides = array<i32>} : memref<128x128xf32, #tpu.memory_space<vmem>>, vector<16xf32>,
      tpu.vector_store %arg21[%swap3A_498, %swap3A_499], %mul3A_497 {strides = array<i32>} : memref<128x128xf32, #tpu.memory_space<vmem>>, vector<16xf32>,
      %get3A_501 = arith.index_cast %add3A_470 : i32 to index
      %get3A_502 = arith.constant 64 : index
      %get3A_503 = tpu.vector_load %arg21[%get3A_501, %get3A_502] {strides = array<i32>} : memref<128x128xf32, #tpu.memory_space<vmem>>, vector<16xf32>,
      %mul3A_504 = arith.mulf %get3A_503, %gather3A_472 : vector<16xf32>
      %swap3A_505 = arith.index_cast %add3A_470 : i32 to index
      %swap3A_506 = arith.constant 64 : index
      %swap3A_507 = tpu.vector_load %arg21[%swap3A_505, %swap3A_506] {strides = array<i32>} : memref<128x128xf32, #tpu.memory_space<vmem>>, vector<16xf32>,
      tpu.vector_store %arg21[%swap3A_505, %swap3A_506], %mul3A_504 {strides = array<i32>} : memref<128x128xf32, #tpu.memory_space<vmem>>, vector<16xf32>,
      %get3A_508 = arith.index_cast %add3A_470 : i32 to index
      %get3A_509 = arith.constant 80 : index
      %get3A_510 = tpu.vector_load %arg21[%get3A_508, %get3A_509] {strides = array<i32>} : memref<128x128xf32, #tpu.memory_space<vmem>>, vector<16xf32>,
      %mul3A_511 = arith.mulf %get3A_510, %gather3A_472 : vector<16xf32>
      %swap3A_512 = arith.index_cast %add3A_470 : i32 to index
      %swap3A_513 = arith.constant 80 : index
      %swap3A_514 = tpu.vector_load %arg21[%swap3A_512, %swap3A_513] {strides = array<i32>} : memref<128x128xf32, #tpu.memory_space<vmem>>, vector<16xf32>,
      tpu.vector_store %arg21[%swap3A_512, %swap3A_513], %mul3A_511 {strides = array<i32>} : memref<128x128xf32, #tpu.memory_space<vmem>>, vector<16xf32>,
      %get3A_515 = arith.index_cast %add3A_470 : i32 to index
      %get3A_516 = arith.constant 96 : index
      %get3A_517 = tpu.vector_load %arg21[%get3A_515, %get3A_516] {strides = array<i32>} : memref<128x128xf32, #tpu.memory_space<vmem>>, vector<16xf32>,
      %mul3A_518 = arith.mulf %get3A_517, %gather3A_472 : vector<16xf32>
      %swap3A_519 = arith.index_cast %add3A_470 : i32 to index
      %swap3A_520 = arith.constant 96 : index
      %swap3A_521 = tpu.vector_load %arg21[%swap3A_519, %swap3A_520] {strides = array<i32>} : memref<128x128xf32, #tpu.memory_space<vmem>>, vector<16xf32>,
      tpu.vector_store %arg21[%swap3A_519, %swap3A_520], %mul3A_518 {strides = array<i32>} : memref<128x128xf32, #tpu.memory_space<vmem>>, vector<16xf32>,
      %get3A_522 = arith.index_cast %add3A_470 : i32 to index
      %get3A_523 = arith.constant 112 : index
      %get3A_524 = tpu.vector_load %arg21[%get3A_522, %get3A_523] {strides = array<i32>} : memref<128x128xf32, #tpu.memory_space<vmem>>, vector<16xf32>,
      %mul3A_525 = arith.mulf %get3A_524, %gather3A_472 : vector<16xf32>
      %swap3A_526 = arith.index_cast %add3A_470 : i32 to index
      %swap3A_527 = arith.constant 112 : index
      %swap3A_528 = tpu.vector_load %arg21[%swap3A_526, %swap3A_527] {strides = array<i32>} : memref<128x128xf32, #tpu.memory_space<vmem>>, vector<16xf32>,
      tpu.vector_store %arg21[%swap3A_526, %swap3A_527], %mul3A_525 {strides = array<i32>} : memref<128x128xf32, #tpu.memory_space<vmem>>, vector<16xf32>,
      %mul3A_529 = arith.constant 4 : i32
      %mul3A_530 = arith.muli %scan3A_406, %mul3A_529 : i32
      %add3A_531 = arith.constant 2 : i32
      %add3A_532 = arith.addi %mul3A_530, %add3A_531 : i32
      %broadcast_in_dim3A_533 = vector.broadcast %add3A_532 : i32 to vector<16xi32>
      %gather3A_534 = tpu.vector_load_idx %arg19[%broadcast_in_dim3A_533] : memref<128xf32, #tpu.memory_space<vmem>>[vector<16xi32>], vector<16xf32>,
      %get3A_535 = arith.index_cast %add3A_532 : i32 to index
      %get3A_536 = arith.constant 0 : index
      %get3A_537 = tpu.vector_load %arg21[%get3A_535, %get3A_536] {strides = array<i32>} : memref<128x128xf32, #tpu.memory_space<vmem>>, vector<16xf32>,
      %mul3A_538 = arith.mulf %get3A_537, %gather3A_534 : vector<16xf32>
      %swap3A_539 = arith.index_cast %add3A_532 : i32 to index
      %swap3A_540 = arith.constant 0 : index
      %swap3A_541 = tpu.vector_load %arg21[%swap3A_539, %swap3A_540] {strides = array<i32>} : memref<128x128xf32, #tpu.memory_space<vmem>>, vector<16xf32>,
      tpu.vector_store %arg21[%swap3A_539, %swap3A_540], %mul3A_538 {strides = array<i32>} : memref<128x128xf32, #tpu.memory_space<vmem>>, vector<16xf32>,
      %get3A_542 = arith.index_cast %add3A_532 : i32 to index
      %get3A_543 = arith.constant 16 : index
      %get3A_544 = tpu.vector_load %arg21[%get3A_542, %get3A_543] {strides = array<i32>} : memref<128x128xf32, #tpu.memory_space<vmem>>, vector<16xf32>,
      %mul3A_545 = arith.mulf %get3A_544, %gather3A_534 : vector<16xf32>
      %swap3A_546 = arith.index_cast %add3A_532 : i32 to index
      %swap3A_547 = arith.constant 16 : index
      %swap3A_548 = tpu.vector_load %arg21[%swap3A_546, %swap3A_547] {strides = array<i32>} : memref<128x128xf32, #tpu.memory_space<vmem>>, vector<16xf32>,
      tpu.vector_store %arg21[%swap3A_546, %swap3A_547], %mul3A_545 {strides = array<i32>} : memref<128x128xf32, #tpu.memory_space<vmem>>, vector<16xf32>,
      %get3A_549 = arith.index_cast %add3A_532 : i32 to index
      %get3A_550 = arith.constant 32 : index
      %get3A_551 = tpu.vector_load %arg21[%get3A_549, %get3A_550] {strides = array<i32>} : memref<128x128xf32, #tpu.memory_space<vmem>>, vector<16xf32>,
      %mul3A_552 = arith.mulf %get3A_551, %gather3A_534 : vector<16xf32>
      %swap3A_553 = arith.index_cast %add3A_532 : i32 to index
      %swap3A_554 = arith.constant 32 : index
      %swap3A_555 = tpu.vector_load %arg21[%swap3A_553, %swap3A_554] {strides = array<i32>} : memref<128x128xf32, #tpu.memory_space<vmem>>, vector<16xf32>,
      tpu.vector_store %arg21[%swap3A_553, %swap3A_554], %mul3A_552 {strides = array<i32>} : memref<128x128xf32, #tpu.memory_space<vmem>>, vector<16xf32>,
      %get3A_556 = arith.index_cast %add3A_532 : i32 to index
      %get3A_557 = arith.constant 48 : index
      %get3A_558 = tpu.vector_load %arg21[%get3A_556, %get3A_557] {strides = array<i32>} : memref<128x128xf32, #tpu.memory_space<vmem>>, vector<16xf32>,
      %mul3A_559 = arith.mulf %get3A_558, %gather3A_534 : vector<16xf32>
      %swap3A_560 = arith.index_cast %add3A_532 : i32 to index
      %swap3A_561 = arith.constant 48 : index
      %swap3A_562 = tpu.vector_load %arg21[%swap3A_560, %swap3A_561] {strides = array<i32>} : memref<128x128xf32, #tpu.memory_space<vmem>>, vector<16xf32>,
      tpu.vector_store %arg21[%swap3A_560, %swap3A_561], %mul3A_559 {strides = array<i32>} : memref<128x128xf32, #tpu.memory_space<vmem>>, vector<16xf32>,
      %get3A_563 = arith.index_cast %add3A_532 : i32 to index
      %get3A_564 = arith.constant 64 : index
      %get3A_565 = tpu.vector_load %arg21[%get3A_563, %get3A_564] {strides = array<i32>} : memref<128x128xf32, #tpu.memory_space<vmem>>, vector<16xf32>,
      %mul3A_566 = arith.mulf %get3A_565, %gather3A_534 : vector<16xf32>
      %swap3A_567 = arith.index_cast %add3A_532 : i32 to index
      %swap3A_568 = arith.constant 64 : index
      %swap3A_569 = tpu.vector_load %arg21[%swap3A_567, %swap3A_568] {strides = array<i32>} : memref<128x128xf32, #tpu.memory_space<vmem>>, vector<16xf32>,
      tpu.vector_store %arg21[%swap3A_567, %swap3A_568], %mul3A_566 {strides = array<i32>} : memref<128x128xf32, #tpu.memory_space<vmem>>, vector<16xf32>,
      %get3A_570 = arith.index_cast %add3A_532 : i32 to index
      %get3A_571 = arith.constant 80 : index
      %get3A_572 = tpu.vector_load %arg21[%get3A_570, %get3A_571] {strides = array<i32>} : memref<128x128xf32, #tpu.memory_space<vmem>>, vector<16xf32>,
      %mul3A_573 = arith.mulf %get3A_572, %gather3A_534 : vector<16xf32>
      %swap3A_574 = arith.index_cast %add3A_532 : i32 to index
      %swap3A_575 = arith.constant 80 : index
      %swap3A_576 = tpu.vector_load %arg21[%swap3A_574, %swap3A_575] {strides = array<i32>} : memref<128x128xf32, #tpu.memory_space<vmem>>, vector<16xf32>,
      tpu.vector_store %arg21[%swap3A_574, %swap3A_575], %mul3A_573 {strides = array<i32>} : memref<128x128xf32, #tpu.memory_space<vmem>>, vector<16xf32>,
      %get3A_577 = arith.index_cast %add3A_532 : i32 to index
      %get3A_578 = arith.constant 96 : index
      %get3A_579 = tpu.vector_load %arg21[%get3A_577, %get3A_578] {strides = array<i32>} : memref<128x128xf32, #tpu.memory_space<vmem>>, vector<16xf32>,
      %mul3A_580 = arith.mulf %get3A_579, %gather3A_534 : vector<16xf32>
      %swap3A_581 = arith.index_cast %add3A_532 : i32 to index
      %swap3A_582 = arith.constant 96 : index
      %swap3A_583 = tpu.vector_load %arg21[%swap3A_581, %swap3A_582] {strides = array<i32>} : memref<128x128xf32, #tpu.memory_space<vmem>>, vector<16xf32>,
      tpu.vector_store %arg21[%swap3A_581, %swap3A_582], %mul3A_580 {strides = array<i32>} : memref<128x128xf32, #tpu.memory_space<vmem>>, vector<16xf32>,
      %get3A_584 = arith.index_cast %add3A_532 : i32 to index
      %get3A_585 = arith.constant 112 : index
      %get3A_586 = tpu.vector_load %arg21[%get3A_584, %get3A_585] {strides = array<i32>} : memref<128x128xf32, #tpu.memory_space<vmem>>, vector<16xf32>,
      %mul3A_587 = arith.mulf %get3A_586, %gather3A_534 : vector<16xf32>
      %swap3A_588 = arith.index_cast %add3A_532 : i32 to index
      %swap3A_589 = arith.constant 112 : index
      %swap3A_590 = tpu.vector_load %arg21[%swap3A_588, %swap3A_589] {strides = array<i32>} : memref<128x128xf32, #tpu.memory_space<vmem>>, vector<16xf32>,
      tpu.vector_store %arg21[%swap3A_588, %swap3A_589], %mul3A_587 {strides = array<i32>} : memref<128x128xf32, #tpu.memory_space<vmem>>, vector<16xf32>,
      %mul3A_591 = arith.constant 4 : i32
      %mul3A_592 = arith.muli %scan3A_406, %mul3A_591 : i32
      %add3A_593 = arith.constant 3 : i32
      %add3A_594 = arith.addi %mul3A_592, %add3A_593 : i32
      %broadcast_in_dim3A_595 = vector.broadcast %add3A_594 : i32 to vector<16xi32>
      %gather3A_596 = tpu.vector_load_idx %arg19[%broadcast_in_dim3A_595] : memref<128xf32, #tpu.memory_space<vmem>>[vector<16xi32>], vector<16xf32>,
      %get3A_597 = arith.index_cast %add3A_594 : i32 to index
      %get3A_598 = arith.constant 0 : index
      %get3A_599 = tpu.vector_load %arg21[%get3A_597, %get3A_598] {strides = array<i32>} : memref<128x128xf32, #tpu.memory_space<vmem>>, vector<16xf32>,
      %mul3A_600 = arith.mulf %get3A_599, %gather3A_596 : vector<16xf32>
      %swap3A_601 = arith.index_cast %add3A_594 : i32 to index
      %swap3A_602 = arith.constant 0 : index
      %swap3A_603 = tpu.vector_load %arg21[%swap3A_601, %swap3A_602] {strides = array<i32>} : memref<128x128xf32, #tpu.memory_space<vmem>>, vector<16xf32>,
      tpu.vector_store %arg21[%swap3A_601, %swap3A_602], %mul3A_600 {strides = array<i32>} : memref<128x128xf32, #tpu.memory_space<vmem>>, vector<16xf32>,
      %get3A_604 = arith.index_cast %add3A_594 : i32 to index
      %get3A_605 = arith.constant 16 : index
      %get3A_606 = tpu.vector_load %arg21[%get3A_604, %get3A_605] {strides = array<i32>} : memref<128x128xf32, #tpu.memory_space<vmem>>, vector<16xf32>,
      %mul3A_607 = arith.mulf %get3A_606, %gather3A_596 : vector<16xf32>
      %swap3A_608 = arith.index_cast %add3A_594 : i32 to index
      %swap3A_609 = arith.constant 16 : index
      %swap3A_610 = tpu.vector_load %arg21[%swap3A_608, %swap3A_609] {strides = array<i32>} : memref<128x128xf32, #tpu.memory_space<vmem>>, vector<16xf32>,
      tpu.vector_store %arg21[%swap3A_608, %swap3A_609], %mul3A_607 {strides = array<i32>} : memref<128x128xf32, #tpu.memory_space<vmem>>, vector<16xf32>,
      %get3A_611 = arith.index_cast %add3A_594 : i32 to index
      %get3A_612 = arith.constant 32 : index
      %get3A_613 = tpu.vector_load %arg21[%get3A_611, %get3A_612] {strides = array<i32>} : memref<128x128xf32, #tpu.memory_space<vmem>>, vector<16xf32>,
      %mul3A_614 = arith.mulf %get3A_613, %gather3A_596 : vector<16xf32>
      %swap3A_615 = arith.index_cast %add3A_594 : i32 to index
      %swap3A_616 = arith.constant 32 : index
      %swap3A_617 = tpu.vector_load %arg21[%swap3A_615, %swap3A_616] {strides = array<i32>} : memref<128x128xf32, #tpu.memory_space<vmem>>, vector<16xf32>,
      tpu.vector_store %arg21[%swap3A_615, %swap3A_616], %mul3A_614 {strides = array<i32>} : memref<128x128xf32, #tpu.memory_space<vmem>>, vector<16xf32>,
      %get3A_618 = arith.index_cast %add3A_594 : i32 to index
      %get3A_619 = arith.constant 48 : index
      %get3A_620 = tpu.vector_load %arg21[%get3A_618, %get3A_619] {strides = array<i32>} : memref<128x128xf32, #tpu.memory_space<vmem>>, vector<16xf32>,
      %mul3A_621 = arith.mulf %get3A_620, %gather3A_596 : vector<16xf32>
      %swap3A_622 = arith.index_cast %add3A_594 : i32 to index
      %swap3A_623 = arith.constant 48 : index
      %swap3A_624 = tpu.vector_load %arg21[%swap3A_622, %swap3A_623] {strides = array<i32>} : memref<128x128xf32, #tpu.memory_space<vmem>>, vector<16xf32>,
      tpu.vector_store %arg21[%swap3A_622, %swap3A_623], %mul3A_621 {strides = array<i32>} : memref<128x128xf32, #tpu.memory_space<vmem>>, vector<16xf32>,
      %get3A_625 = arith.index_cast %add3A_594 : i32 to index
      %get3A_626 = arith.constant 64 : index
      %get3A_627 = tpu.vector_load %arg21[%get3A_625, %get3A_626] {strides = array<i32>} : memref<128x128xf32, #tpu.memory_space<vmem>>, vector<16xf32>,
      %mul3A_628 = arith.mulf %get3A_627, %gather3A_596 : vector<16xf32>
      %swap3A_629 = arith.index_cast %add3A_594 : i32 to index
      %swap3A_630 = arith.constant 64 : index
      %swap3A_631 = tpu.vector_load %arg21[%swap3A_629, %swap3A_630] {strides = array<i32>} : memref<128x128xf32, #tpu.memory_space<vmem>>, vector<16xf32>,
      tpu.vector_store %arg21[%swap3A_629, %swap3A_630], %mul3A_628 {strides = array<i32>} : memref<128x128xf32, #tpu.memory_space<vmem>>, vector<16xf32>,
      %get3A_632 = arith.index_cast %add3A_594 : i32 to index
      %get3A_633 = arith.constant 80 : index
      %get3A_634 = tpu.vector_load %arg21[%get3A_632, %get3A_633] {strides = array<i32>} : memref<128x128xf32, #tpu.memory_space<vmem>>, vector<16xf32>,
      %mul3A_635 = arith.mulf %get3A_634, %gather3A_596 : vector<16xf32>
      %swap3A_636 = arith.index_cast %add3A_594 : i32 to index
      %swap3A_637 = arith.constant 80 : index
      %swap3A_638 = tpu.vector_load %arg21[%swap3A_636, %swap3A_637] {strides = array<i32>} : memref<128x128xf32, #tpu.memory_space<vmem>>, vector<16xf32>,
      tpu.vector_store %arg21[%swap3A_636, %swap3A_637], %mul3A_635 {strides = array<i32>} : memref<128x128xf32, #tpu.memory_space<vmem>>, vector<16xf32>,
      %get3A_639 = arith.index_cast %add3A_594 : i32 to index
      %get3A_640 = arith.constant 96 : index
      %get3A_641 = tpu.vector_load %arg21[%get3A_639, %get3A_640] {strides = array<i32>} : memref<128x128xf32, #tpu.memory_space<vmem>>, vector<16xf32>,
      %mul3A_642 = arith.mulf %get3A_641, %gather3A_596 : vector<16xf32>
      %swap3A_643 = arith.index_cast %add3A_594 : i32 to index
      %swap3A_644 = arith.constant 96 : index
      %swap3A_645 = tpu.vector_load %arg21[%swap3A_643, %swap3A_644] {strides = array<i32>} : memref<128x128xf32, #tpu.memory_space<vmem>>, vector<16xf32>,
      tpu.vector_store %arg21[%swap3A_643, %swap3A_644], %mul3A_642 {strides = array<i32>} : memref<128x128xf32, #tpu.memory_space<vmem>>, vector<16xf32>,
      %get3A_646 = arith.index_cast %add3A_594 : i32 to index
      %get3A_647 = arith.constant 112 : index
      %get3A_648 = tpu.vector_load %arg21[%get3A_646, %get3A_647] {strides = array<i32>} : memref<128x128xf32, #tpu.memory_space<vmem>>, vector<16xf32>,
      %mul3A_649 = arith.mulf %get3A_648, %gather3A_596 : vector<16xf32>
      %swap3A_650 = arith.index_cast %add3A_594 : i32 to index
      %swap3A_651 = arith.constant 112 : index
      %swap3A_652 = tpu.vector_load %arg21[%swap3A_650, %swap3A_651] {strides = array<i32>} : memref<128x128xf32, #tpu.memory_space<vmem>>, vector<16xf32>,
      tpu.vector_store %arg21[%swap3A_650, %swap3A_651], %mul3A_649 {strides = array<i32>} : memref<128x128xf32, #tpu.memory_space<vmem>>, vector<16xf32>,
    }
    %scan3A_400 = arith.constant 4 : i32
    %run_scoped3A = arith.constant 0 : i32
    "tpu.region"() ({
      %run_scoped3A_406 = tpu.sem_alloc : memref<!tpu.dma_semaphore, #tpu.memory_space<semaphore_mem>>
      %dma_start3A_407 = arith.constant 0 : i32
      %dma_start3A_408 = arith.constant 0 : i32
      %dma_start3A_409 = tpu.memref_slice %arg21[%dma_start3A_407, %dma_start3A_408] : memref<128x128xf32, #tpu.memory_space<vmem>> -> memref<16x128xf32, #tpu.memory_space<vmem>>
      %dma_start3A_410 = arith.constant 0 : i32
      %dma_start3A_411 = tpu.memref_slice %arg18[%run_scoped3A, %dma_start3A_410] : memref<1x16xi32, #tpu.memory_space<vmem>> -> memref<1x16xi32, #tpu.memory_space<vmem>>
      %dma_start3A_412 = tpu.memref_squeeze %dma_start3A_411 : memref<1x16xi32, #tpu.memory_space<vmem>> -> memref<16xi32, #tpu.memory_space<vmem>>
      %dma_start3A_413 = arith.constant 0 : i32
      %dma_start3A_414 = arith.constant 0 : i32
      %dma_start3A_415 = tpu.memref_slice %arg24[%dma_start3A_413, %dma_start3A_414] : memref<10240x128xf32, #tpu.memory_space<vmem_shared>> -> memref<10240x128xf32, #tpu.memory_space<vmem_shared>>
      tpu.enqueue_indirect_dma source(%dma_start3A_409 : memref<16x128xf32, #tpu.memory_space<vmem>>) target(%dma_start3A_415 : memref<10240x128xf32, #tpu.memory_space<vmem_shared>>) offsets(%dma_start3A_412 : memref<16xi32, #tpu.memory_space<vmem>>) semaphore(%run_scoped3A_406 : memref<!tpu.dma_semaphore, #tpu.memory_space<semaphore_mem>>) {add = true}
      %dma_wait3A_416 = arith.constant 0 : i32
      %dma_wait3A_417 = arith.constant 0 : i32
      %dma_wait3A_418 = tpu.memref_slice %arg21[%dma_wait3A_416, %dma_wait3A_417] : memref<128x128xf32, #tpu.memory_space<vmem>> -> memref<16x128xf32, #tpu.memory_space<vmem>>
      %dma_wait3A_419 = arith.constant 0 : i32
      %dma_wait3A_420 = tpu.memref_slice %arg18[%run_scoped3A, %dma_wait3A_419] : memref<1x16xi32, #tpu.memory_space<vmem>> -> memref<1x16xi32, #tpu.memory_space<vmem>>
      %dma_wait3A_421 = tpu.memref_squeeze %dma_wait3A_420 : memref<1x16xi32, #tpu.memory_space<vmem>> -> memref<16xi32, #tpu.memory_space<vmem>>
      %dma_wait3A_422 = arith.constant 0 : i32
      %dma_wait3A_423 = arith.constant 0 : i32
      %dma_wait3A_424 = tpu.memref_slice %arg24[%dma_wait3A_422, %dma_wait3A_423] : memref<10240x128xf32, #tpu.memory_space<vmem_shared>> -> memref<10240x128xf32, #tpu.memory_space<vmem_shared>>
      tpu.wait_indirect_dma semaphore(%run_scoped3A_406 : memref<!tpu.dma_semaphore, #tpu.memory_space<semaphore_mem>>) src(%dma_wait3A_418 : memref<16x128xf32, #tpu.memory_space<vmem>>) dst(%dma_wait3A_424 : memref<10240x128xf32, #tpu.memory_space<vmem_shared>>)
      tpu.yield
    }) : () -> ()
    %barrier3A_401 = arith.constant 0 : index
    tpu.barrier barrier_id(%barrier3A_401)
    %mul3A_402 = arith.constant 640 : i32
    %mul3A_403 = arith.muli %arg1, %mul3A_402 : i32
    %mul3A_404 = arith.constant 640 : i32
    %mul3A_405 = arith.muli %arg1, %mul3A_404 : i32
    "tpu.region"() ({
      %run_scoped3A_406 = tpu.sem_alloc : memref<!tpu.dma_semaphore, #tpu.memory_space<semaphore_mem>>
      %dma_start3A_407 = arith.constant 0 : i32
      %dma_start3A_408 = tpu.memref_slice %arg7[%arg0, %mul3A_405, %dma_start3A_407] : memref<2x10240x128xf32, #tpu.memory_space<hbm>> -> memref<1x640x128xf32, #tpu.memory_space<hbm>>
      %dma_start3A_409 = tpu.memref_squeeze %dma_start3A_408 : memref<1x640x128xf32, #tpu.memory_space<hbm>> -> memref<640x128xf32, #tpu.memory_space<hbm>>
      %dma_start3A_410 = arith.constant 0 : i32
      %dma_start3A_411 = tpu.memref_slice %arg24[%mul3A_403, %dma_start3A_410] : memref<10240x128xf32, #tpu.memory_space<vmem_shared>> -> memref<640x128xf32, #tpu.memory_space<vmem_shared>>
      tpu.enqueue_dma source(%dma_start3A_411 : memref<640x128xf32, #tpu.memory_space<vmem_shared>>) target(%dma_start3A_409 : memref<640x128xf32, #tpu.memory_space<hbm>>) target_semaphore(%run_scoped3A_406 : memref<!tpu.dma_semaphore, #tpu.memory_space<semaphore_mem>>)
      %dma_wait3A_412 = arith.constant 0 : i32
      %dma_wait3A_413 = tpu.memref_slice %arg7[%arg0, %mul3A_405, %dma_wait3A_412] : memref<2x10240x128xf32, #tpu.memory_space<hbm>> -> memref<1x640x128xf32, #tpu.memory_space<hbm>>
      %dma_wait3A_414 = tpu.memref_squeeze %dma_wait3A_413 : memref<1x640x128xf32, #tpu.memory_space<hbm>> -> memref<640x128xf32, #tpu.memory_space<hbm>>
      %dma_wait3A_415 = arith.constant 0 : i32
      %dma_wait3A_416 = tpu.memref_slice %arg24[%mul3A_403, %dma_wait3A_415] : memref<10240x128xf32, #tpu.memory_space<vmem_shared>> -> memref<640x128xf32, #tpu.memory_space<vmem_shared>>
      tpu.wait_dma2 semaphore(%run_scoped3A_406 : memref<!tpu.dma_semaphore, #tpu.memory_space<semaphore_mem>>) src(%dma_wait3A_416 : memref<640x128xf32, #tpu.memory_space<vmem_shared>>) dst(%dma_wait3A_414 : memref<640x128xf32, #tpu.memory_space<hbm>>)
      tpu.yield
    }) : () -> ()
    return
  }
}

module attributes {stable_mosaic.version = 14 : i64} {
  func.func @_inv_body(%arg0: memref<2x640x128xf32, #tpu.memory_space<vmem>>, %arg1: memref<640x128xf32, #tpu.memory_space<vmem>>) attributes {dimension_semantics = [], scalar_prefetch = 0 : i64, scratch_operands = 0 : i64, tpu.core_type = #tpu.core_type<tc>} {
    %get3A = arith.constant 0 : index
    %get3A_0 = arith.constant 0 : index
    %get3A_1 = arith.constant 0 : index
    %get3A_2 = vector.load %arg0[%get3A, %get3A_0, %get3A_1] : memref<2x640x128xf32, #tpu.memory_space<vmem>>, vector<1x640x128xf32>
    %get3A_3 = vector.shape_cast %get3A_2 : vector<1x640x128xf32> to vector<640x128xf32>
    %get3A_4 = arith.constant 1 : index
    %get3A_5 = arith.constant 0 : index
    %get3A_6 = arith.constant 0 : index
    %get3A_7 = vector.load %arg0[%get3A_4, %get3A_5, %get3A_6] : memref<2x640x128xf32, #tpu.memory_space<vmem>>, vector<1x640x128xf32>
    %get3A_8 = vector.shape_cast %get3A_7 : vector<1x640x128xf32> to vector<640x128xf32>
    %add3A = arith.addf %get3A_3, %get3A_8 : vector<640x128xf32>
    %iota3A = tpu.iota {dimensions = array<i32: 0>} : vector<640x128xi32>
    %mul3A = arith.constant 128 : i32
    %mul3A_9 = vector.broadcast %mul3A : i32 to vector<640x128xi32>
    %mul3A_10 = arith.muli %iota3A, %mul3A_9 : vector<640x128xi32>
    %iota3A_11 = tpu.iota {dimensions = array<i32: 1>} : vector<640x128xi32>
    %add3A_12 = arith.addi %mul3A_10, %iota3A_11 : vector<640x128xi32>
    %lt3A = arith.constant 80000 : i32
    %lt3A_13 = vector.broadcast %lt3A : i32 to vector<640x128xi32>
    %lt3A_14 = arith.cmpi slt, %add3A_12, %lt3A_13 : vector<640x128xi32>
    %max3A = arith.constant 1.000000e+00 : f32
    %max3A_15 = vector.broadcast %max3A : f32 to vector<640x128xf32>
    %max3A_16 = arith.maximumf %add3A, %max3A_15 : vector<640x128xf32>
    %div3A = arith.constant 1.000000e+00 : f32
    %div3A_17 = vector.broadcast %div3A : f32 to vector<640x128xf32>
    %div3A_18 = arith.divf %div3A_17, %max3A_16 : vector<640x128xf32>
    %jit3A = arith.constant 0.000000e+00 : f32
    %broadcast_in_dim3A = vector.broadcast %jit3A : f32 to vector<640x128xf32>
    %select_n3A = arith.select %lt3A_14, %div3A_18, %broadcast_in_dim3A : vector<640x128xi1>, vector<640x128xf32>
    %swap3A = arith.constant 0 : index
    %swap3A_19 = arith.constant 0 : index
    %swap3A_20 = vector.load %arg1[%swap3A, %swap3A_19] : memref<640x128xf32, #tpu.memory_space<vmem>>, vector<640x128xf32>
    tpu.vector_store %arg1[%swap3A, %swap3A_19], %select_n3A {strides = array<i32>} : memref<640x128xf32, #tpu.memory_space<vmem>>, vector<640x128xf32>,
    return
  }
}

module attributes {stable_mosaic.version = 14 : i64} {
  func.func @_xw_body(%arg0: i32, %arg1: i32, %arg2: memref<1000x128xf32, #tpu.memory_space<vmem>>, %arg3: memref<1x128x128xf32, #tpu.memory_space<vmem>>, %arg4: memref<1000x128xf32, #tpu.memory_space<vmem>>) attributes {dimension_semantics = [#tpu.dimension_semantics<arbitrary>, #tpu.dimension_semantics<arbitrary>], iteration_bounds = array<i64: 10, 8>, scalar_prefetch = 0 : i64, scratch_operands = 0 : i64, tpu.core_type = #tpu.core_type<tc>, window_params = [{transform_indices = @transform_0, window_bounds = array<i64: 1000, 128>}, {transform_indices = @transform_1, window_bounds = array<i64: 1, 128, 128>}, {transform_indices = @transform_2, window_bounds = array<i64: 1000, 128>}]} {
    %get3A = arith.constant 0 : index
    %get3A_0 = arith.constant 0 : index
    %get3A_1 = vector.load %arg2[%get3A, %get3A_0] : memref<1000x128xf32, #tpu.memory_space<vmem>>, vector<1000x128xf32>
    %get3A_2 = arith.constant 0 : index
    %get3A_3 = arith.constant 0 : index
    %get3A_4 = arith.constant 0 : index
    %get3A_5 = vector.load %arg3[%get3A_2, %get3A_3, %get3A_4] : memref<1x128x128xf32, #tpu.memory_space<vmem>>, vector<1x128x128xf32>
    %get3A_6 = vector.shape_cast %get3A_5 : vector<1x128x128xf32> to vector<128x128xf32>
    %dot_general3A = arith.constant dense<0.000000e+00> : vector<1000x128xf32>
    %dot_general3A_7 = tpu.matmul %get3A_1, %get3A_6, %dot_general3A {dimension_numbers = #tpu.dot_dimension_numbers<[1], [0], [0], [1], [0, 0, 1, 1], [], []>, transpose_lhs_hint = false} : vector<1000x128xf32>, vector<128x128xf32>, vector<1000x128xf32> -> vector<1000x128xf32>
    %swap3A = arith.constant 0 : index
    %swap3A_8 = arith.constant 0 : index
    %swap3A_9 = vector.load %arg4[%swap3A, %swap3A_8] : memref<1000x128xf32, #tpu.memory_space<vmem>>, vector<1000x128xf32>
    tpu.vector_store %arg4[%swap3A, %swap3A_8], %dot_general3A_7 {strides = array<i32>} : memref<1000x128xf32, #tpu.memory_space<vmem>>, vector<1000x128xf32>,
    return
  }
  func.func @transform_0(%arg0: i32, %arg1: i32) -> (i32, i32) {
    %c0_i32 = arith.constant 0 : i32
    %c0_i32_0 = arith.constant 0 : i32
    return %arg0, %c0_i32 : i32, i32
  }
  func.func @transform_1(%arg0: i32, %arg1: i32) -> (i32, i32, i32) {
    %c0_i32 = arith.constant 0 : i32
    %c0_i32_0 = arith.constant 0 : i32
    %c0_i32_1 = arith.constant 0 : i32
    return %arg1, %c0_i32, %c0_i32_0 : i32, i32, i32
  }
  func.func @transform_2(%arg0: i32, %arg1: i32) -> (i32, i32) {
    %mul3A = arith.constant 10 : i32
    %mul3A_0 = arith.muli %arg1, %mul3A : i32
    %add3A = arith.addi %mul3A_0, %arg0 : i32
    %c0_i32 = arith.constant 0 : i32
    %c0_i32_1 = arith.constant 0 : i32
    return %add3A, %c0_i32 : i32, i32
  }
}

module attributes {stable_mosaic.version = 14 : i64} {
  func.func @_final_body(%arg0: i32, %arg1: memref<1000x128xf32, #tpu.memory_space<vmem>>, %arg2: memref<128x128xf32, #tpu.memory_space<vmem>>, %arg3: memref<1x128xf32, #tpu.memory_space<vmem>>, %arg4: memref<1x1000x128xf32, #tpu.memory_space<vmem>>, %arg5: memref<1x1000x128xf32, #tpu.memory_space<vmem>>, %arg6: memref<1000x128xf32, #tpu.memory_space<vmem>>) attributes {dimension_semantics = [#tpu.dimension_semantics<arbitrary>], iteration_bounds = array<i64: 10>, scalar_prefetch = 0 : i64, scratch_operands = 0 : i64, tpu.core_type = #tpu.core_type<tc>, window_params = [{transform_indices = @transform_0, window_bounds = array<i64: 1000, 128>}, {pipeline_mode = #tpu.pipeline_mode<synchronous>, transform_indices = @transform_1, window_bounds = array<i64: 128, 128>}, {pipeline_mode = #tpu.pipeline_mode<synchronous>, transform_indices = @transform_2, window_bounds = array<i64: 1, 128>}, {transform_indices = @transform_3, window_bounds = array<i64: 1, 1000, 128>}, {transform_indices = @transform_4, window_bounds = array<i64: 1, 1000, 128>}, {transform_indices = @transform_5, window_bounds = array<i64: 1000, 128>}]} {
    %get3A = arith.constant 0 : index
    %get3A_0 = arith.constant 0 : index
    %get3A_1 = vector.load %arg1[%get3A, %get3A_0] : memref<1000x128xf32, #tpu.memory_space<vmem>>, vector<1000x128xf32>
    %get3A_2 = arith.constant 0 : index
    %get3A_3 = arith.constant 0 : index
    %get3A_4 = vector.load %arg2[%get3A_2, %get3A_3] : memref<128x128xf32, #tpu.memory_space<vmem>>, vector<128x128xf32>
    %dot_general3A = arith.constant dense<0.000000e+00> : vector<1000x128xf32>
    %dot_general3A_5 = tpu.matmul %get3A_1, %get3A_4, %dot_general3A {dimension_numbers = #tpu.dot_dimension_numbers<[1], [0], [0], [1], [0, 0, 1, 1], [], []>, transpose_lhs_hint = false} : vector<1000x128xf32>, vector<128x128xf32>, vector<1000x128xf32> -> vector<1000x128xf32>
    %get3A_6 = arith.constant 0 : index
    %get3A_7 = arith.constant 0 : index
    %get3A_8 = vector.load %arg3[%get3A_6, %get3A_7] : memref<1x128xf32, #tpu.memory_space<vmem>>, vector<1x128xf32>
    %add3A = vector.broadcast %get3A_8 : vector<1x128xf32> to vector<1000x128xf32>
    %add3A_9 = arith.addf %dot_general3A_5, %add3A : vector<1000x128xf32>
    %get3A_10 = arith.constant 0 : index
    %get3A_11 = arith.constant 0 : index
    %get3A_12 = arith.constant 0 : index
    %get3A_13 = vector.load %arg4[%get3A_10, %get3A_11, %get3A_12] : memref<1x1000x128xf32, #tpu.memory_space<vmem>>, vector<1x1000x128xf32>
    %get3A_14 = vector.shape_cast %get3A_13 : vector<1x1000x128xf32> to vector<1000x128xf32>
    %add3A_15 = arith.addf %add3A_9, %get3A_14 : vector<1000x128xf32>
    %get3A_16 = arith.constant 0 : index
    %get3A_17 = arith.constant 0 : index
    %get3A_18 = arith.constant 0 : index
    %get3A_19 = vector.load %arg5[%get3A_16, %get3A_17, %get3A_18] : memref<1x1000x128xf32, #tpu.memory_space<vmem>>, vector<1x1000x128xf32>
    %get3A_20 = vector.shape_cast %get3A_19 : vector<1x1000x128xf32> to vector<1000x128xf32>
    %add3A_21 = arith.addf %add3A_15, %get3A_20 : vector<1000x128xf32>
    %swap3A = arith.constant 0 : index
    %swap3A_22 = arith.constant 0 : index
    %swap3A_23 = vector.load %arg6[%swap3A, %swap3A_22] : memref<1000x128xf32, #tpu.memory_space<vmem>>, vector<1000x128xf32>
    tpu.vector_store %arg6[%swap3A, %swap3A_22], %add3A_21 {strides = array<i32>} : memref<1000x128xf32, #tpu.memory_space<vmem>>, vector<1000x128xf32>,
    return
  }
  func.func @transform_0(%arg0: i32) -> (i32, i32) {
    %c0_i32 = arith.constant 0 : i32
    %c0_i32_0 = arith.constant 0 : i32
    return %arg0, %c0_i32 : i32, i32
  }
  func.func @transform_1(%arg0: i32) -> (i32, i32) {
    %c0_i32 = arith.constant 0 : i32
    %c0_i32_0 = arith.constant 0 : i32
    %c0_i32_1 = arith.constant 0 : i32
    return %c0_i32, %c0_i32_0 : i32, i32
  }
  func.func @transform_2(%arg0: i32) -> (i32, i32) {
    %c0_i32 = arith.constant 0 : i32
    %c0_i32_0 = arith.constant 0 : i32
    %c0_i32_1 = arith.constant 0 : i32
    return %c0_i32, %c0_i32_0 : i32, i32
  }
  func.func @transform_3(%arg0: i32) -> (i32, i32, i32) {
    %c0_i32 = arith.constant 0 : i32
    %c0_i32_0 = arith.constant 0 : i32
    %c0_i32_1 = arith.constant 0 : i32
    return %c0_i32, %arg0, %c0_i32_0 : i32, i32, i32
  }
  func.func @transform_4(%arg0: i32) -> (i32, i32, i32) {
    %c1_i32 = arith.constant 1 : i32
    %c0_i32 = arith.constant 0 : i32
    %c0_i32_0 = arith.constant 0 : i32
    return %c1_i32, %arg0, %c0_i32 : i32, i32, i32
  }
  func.func @transform_5(%arg0: i32) -> (i32, i32) {
    %c0_i32 = arith.constant 0 : i32
    %c0_i32_0 = arith.constant 0 : i32
    return %arg0, %c0_i32 : i32, i32
  }
}

</mosaic_0001>

<sc_bundles>
// kernel: kernel.10.cloned.1.call-start
scs
__scs_entry_jumppad:
0x0: {  	(pc) =	sbr.rel $0x88, $3  }
0x1: {  	(tag) =	ssettag $0x0;
	lr =	simm.s32 $0x1  }
0x2: {  	[smem:$0x3F9B] =	sst lr;
	_ =	strace $0xD0000000  }
0x3: {  	_ = 	snop  }
0x4: {  	_ = 	snop  }
0x5: {  	_ = 	snop  }
0x6: {  	_ = 	snop  }
0x7: {  	_ = 	snop  }
__scs_overlays_trampoline_lowered:
0x8: {  	[smem:$0x3FAA] =	sst s0  }
0x9: {  	[smem:$0x3FAB] =	sst s1  }
0xa: {  	[smem:$0x3FAC] =	sst s2  }
0xb: {  	[smem:$0x3FAD] =	sst s3  }
0xc: {  	[smem:$0x3FAE] =	sst s4  }
0xd: {  	[smem:$0x3FAF] =	sst s5  }
0xe: {  	[smem:$0x3FB0] =	sst s6  }
0xf: {  	[smem:$0x3FB1] =	sst s7  }
0x10: {  	[smem:$0x3FB2] =	sst s8  }
0x11: {  	[smem:$0x3FB3] =	sst s9;
	s0 =	simm.s32 @!p0 $0x0  }
0x12: {  	s1 =	sld [smem:$0x3F99];
	s0 =	simm.s32 @p0 $0x1  }
0x13: {  	[smem:$0x3FB4] =	sst s0;
	s0 =	simm.s32 @!p1 $0x0  }
0x14: {  	s2 =	sld [smem:$0x3F98];
	s0 =	simm.s32 @p1 $0x1  }
0x15: {  	[smem:$0x3FB5] =	sst s0;
	s0 =	simm.s32 @!p2 $0x0  }
0x16: {  	s3 =	sld [smem:$0x3FDB];
	s0 =	simm.s32 @p2 $0x1  }
0x17: {  	s4 =	simm.s32 $0x1BF5;
	[smem:$0x3FB7] =	sst s0  }
0x18: {  	s0 =	sld [smem:$0x3F9A];
	_ =	swait.ge [sflag:s4], $0x0  }
0x19: {  	s7 =	sld [smem:$0x3F9B]  }
0x1a: {  	s8 =	sadd.s32 $0xFFFFE003, lr  }
0x1b: {  	s9 =	sadd.s32 $0xFFFFFEF7, lr;
	s5 =	simm.s32 $0xFFFFFFFF;
	p2 =	slt.u32 s8, $0xFFFFF086  }
0x1c: {  	p1 =	slt.u32 s9, $0xF7A;
	s5 =	simm.s32 @!p2 $0x0  }
0x1d: {  	s5 =	simm.s32 @p1 $0x1;
	p0 =	seq.s32 s7, s2  }
0x1e: {  	s7 =	smul.u32 @!p0 $0xF7A, s2;
	p2 =	seq.s32 @!p0 s5, $0x0  }
0x1f: {  	s9 =	smul.u32 $0xF7A, s1;
	s8 =	simm.s32 @!p0 $0x1BF5;
	p2 =	por !p2, p0  }
0x20: {  	[sflag:s8] =	ssyncset.s32 @!p0 $0xFFFFF086;
	s6 =	sadd.s32 @!p0 s3, s7;
	s7 =	simm.s32 @!p0 $0x108  }
0x21: {  	s3 =	sadd.s32 s3, s9;
	s6 =	sadd.s32 @!p0 $0x88, s6;
	s7 =	simm.s32 @p2 $0x1082  }
0x22: {  	[simem:s7], [sflag:s8] =	dma.local @!p0 [hbm:s6], $0xF7A  }
0x23: {  	s9 =	sor.u32 $0xD0000000, s2;
	s6 =	simm.s32 $0x108;
	_ =	swait.ge @!p0 [sflag:s8], $0x0  }
0x24: {  	s3 =	sadd.s32 $0x88, s3;
	s6 =	simm.s32 @!p1 $0x1082;
	[sflag:s4] =	ssyncset.s32 $0xFFFFF086  }
0x25: {  	[simem:s6], [sflag:s4] =	dma.local [hbm:s3], $0xF7A  }
0x26: {  	[smem:$0x3F9B] =	sst s1;
	(tag) =	ssettag s2;
	_ =	strace s9  }
0x27: {  	s1 =	sld [smem:$0x3FAB]  }
0x28: {  	s2 =	sld [smem:$0x3FAC]  }
0x29: {  	s4 =	sld [smem:$0x3FAE]  }
0x2a: {  	p0 =	seq.s32 s5, $0x0;
	s5 =	sld [smem:$0x3FAF]  }
0x2b: {  	s6 =	sld [smem:$0x3FB0]  }
0x2c: {  	s7 =	sld [smem:$0x3FB1]  }
0x2d: {  	s3 =	simm.s32 $0x108;
	s8 =	sld [smem:$0x3FB2]  }
0x2e: {  	s3 =	simm.s32 @!p0 $0x1082;
	s9 =	sld [smem:$0x3FB3]  }
0x2f: {  	lr =	sadd.s32 s0, s3;
	s0 =	sld [smem:$0x3FAA]  }
0x30: {  	s3 =	sld [smem:$0x3FAD]  }
0x31: {  	[smem:$0x3FB6] =	sst s10  }
0x32: {  	s10 =	sld [smem:$0x3FB4];
	_ =	sdelay $0x3  }
0x33: {  	p0 =	seq.s32 s10, $0x1;
	s10 =	sld [smem:$0x3FB6];
	_ =	sdelay $0x3  }
0x34: {  	[smem:$0x3FB6] =	sst s10  }
0x35: {  	s10 =	sld [smem:$0x3FB5];
	_ =	sdelay $0x3  }
0x36: {  	p1 =	seq.s32 s10, $0x1;
	s10 =	sld [smem:$0x3FB6];
	_ =	sdelay $0x3  }
0x37: {  	[smem:$0x3FB6] =	sst s10  }
0x38: {  	s10 =	sld [smem:$0x3FB7]  }
0x39: {  	_ = 	snop;
	(pc) =	sbr.ind lr, $3  }
0x3a: {  	_ = 	snop  }
0x3b: {  	_ = 	snop  }
0x3c: {  	p2 =	seq.s32 s10, $0x1;
	s10 =	sld [smem:$0x3FB6]  }
0x3d: {  	_ =	shalt  }
0x3e: {  	_ =	shalt  }
0x3f: {  	_ =	shalt  }
0x40: {  	_ =	shalt  }
0x41: {  	_ =	shalt  }
0x42: {  	_ =	shalt  }
0x43: {  	_ =	shalt  }
0x44: {  	_ =	shalt  }
0x45: {  	_ =	shalt  }
0x46: {  	_ =	shalt  }
0x47: {  	_ =	shalt  }
0x48: {  	_ =	shalt  }
0x49: {  	_ =	shalt  }
0x4a: {  	_ =	shalt  }
0x4b: {  	_ =	shalt  }
0x4c: {  	_ =	shalt  }
0x4d: {  	_ =	shalt  }
0x4e: {  	_ =	shalt  }
0x4f: {  	_ =	shalt  }
0x50: {  	_ =	shalt  }
0x51: {  	_ =	shalt  }
0x52: {  	_ =	shalt  }
0x53: {  	_ =	shalt  }
0x54: {  	_ =	shalt  }
0x55: {  	_ =	shalt  }
0x56: {  	_ =	shalt  }
0x57: {  	_ =	shalt  }
0x58: {  	_ =	shalt  }
0x59: {  	_ =	shalt  }
0x5a: {  	_ =	shalt  }
0x5b: {  	_ =	shalt  }
0x5c: {  	_ =	shalt  }
0x5d: {  	_ =	shalt  }
0x5e: {  	_ =	shalt  }
0x5f: {  	_ =	shalt  }
0x60: {  	_ =	shalt  }
0x61: {  	_ =	shalt  }
0x62: {  	_ =	shalt  }
0x63: {  	_ =	shalt  }
0x64: {  	_ =	shalt  }
0x65: {  	_ =	shalt  }
0x66: {  	_ =	shalt  }
0x67: {  	_ =	shalt  }
0x68: {  	_ =	shalt  }
0x69: {  	_ =	shalt  }
0x6a: {  	_ =	shalt  }
0x6b: {  	_ =	shalt  }
0x6c: {  	_ =	shalt  }
0x6d: {  	_ =	shalt  }
0x6e: {  	_ =	shalt  }
0x6f: {  	_ =	shalt  }
0x70: {  	_ =	shalt  }
0x71: {  	_ =	shalt  }
0x72: {  	_ =	shalt  }
0x73: {  	_ =	shalt  }
0x74: {  	_ =	shalt  }
0x75: {  	_ =	shalt  }
0x76: {  	_ =	shalt  }
0x77: {  	_ =	shalt  }
0x78: {  	_ =	shalt  }
0x79: {  	_ =	shalt  }
0x7a: {  	_ =	shalt  }
0x7b: {  	_ =	shalt  }
0x7c: {  	_ =	shalt  }
0x7d: {  	_ =	shalt  }
0x7e: {  	_ =	shalt  }
0x7f: {  	_ =	shalt  }
0x80: {  	_ =	shalt  }
0x81: {  	_ =	shalt  }
0x82: {  	_ =	shalt  }
0x83: {  	_ =	shalt  }
0x84: {  	_ =	shalt  }
0x85: {  	_ =	shalt  }
0x86: {  	_ =	shalt  }
0x87: {  	_ =	shalt  }
.Lfunc_end0:
.L_simem_size_0:
called_computation.1_lowered:
.L_overlay_start_0:
0x88: {  	s2 =	sld [smem:$0x3FD9]  }
0x89: {  	s3 =	sld [smem:$0x3FFE];
	_ =	sdelay $0x1  }
0x8a: {  	s1 =	srdreg.scid  }
0x8b: {  	s0 =	sand.u32 $0x1, s1  }
0x8c: {  	s17 =	sshll.u32 s0, $0xA;
	s2 =	sadd.s32 s3, s2  }
0x8d: {  	s2 =	sadd.s32 s2, s17  }
0x8e: {  	[smem:$0x3FC2] =	sst s2  }
0x8f: {  	_ = 	snop  }
0x90: {  	s2 =	sld [smem:$0x3FC7]  }
0x91: {  	s18 =	sld [smem:$0x3FD0];
	(tm) =	ssettm $0x1  }
0x92: {  	s4 =	sld [smem:$0x3FFB];
	_ =	sdelay $0x3  }
0x93: {  	_ =	strace s4  }
0x94: {  	s4 =	sld [smem:$0x3FFC];
	_ =	sdelay $0x3  }
0x95: {  	_ =	strace s4  }
0x96: {  	s4 =	sld [smem:$0x3FFD];
	_ =	sdelay $0x3  }
0x97: {  	_ =	strace s4  }
0x98: {  	_ =	strace $0x8FFFFFFF  }
0x99: {  	s19 =	sld [smem:$0x3FDB];
	_ =	sdelay $0x1  }
0x9a: {  	s5 =	simm.s32 $_scs_section_size  }
0x9b: {  	s6 =	simm.s32 $_size__tile_overlayer_lowered;
	s7 =	simm.s32 $_tile_overlayer_lowered  }
0x9c: {  	s22 =	simm.s32 $0x1BFF;
	s21 =	sshll.u32 s7, $0x1;
	s4 =	sadd.s32 s5, s19  }
0x9d: {  	s8 =	simm.s32 $0x0;
	s20 =	sshll.u32 s6, $0x1;
	s6 =	sadd.s32 s21, s4  }
0x9e: {  	[timem:s8], [sflag:s22] =	dma.local [hbm:s6], s20  }
0x9f: {  	_ =	swait.ge [sflag:s22], s20  }
0xa0: {  	s5 =	ssub.s32 $0x0, s20;
	[sflag:s22] =	ssyncset.done $0x0  }
0xa1: {  	[sflag:s22] =	ssyncadd.s32 s5;
	_ =	sdelay $0x1  }
0xa2: {  	s23 =	simm.s32 $0x1B8B  }
0xa3: {  	_ =	swait.ge [sflag:s23], $0x1  }
0xa4: {  	[sflag:s23] =	ssyncset.done $0x0  }
0xa5: {  	s25 =	simm.s32 $0x1B8E;
	s24 =	sld [smem:$0x3FFE];
	[sflag:s23] =	ssyncadd.s32 $0xFFFFFFFF  }
0xa6: {  	s26 =	simm.s32 $execute0_lowered;
	[smem:$0x3FD2] =	sst s25  }
0xa7: {  	s6 =	sshll.u32 s26, $0x1;
	_ =	strace $0x80000049;
	[dreg:$0x1] =	wrdreg $0xFFFFFFFF  }
0xa8: {  	s28 =	simm.s32 $_size_execute0_lowered;
	s4 =	sadd.s32 s4, s6;
	[dreg:$0x0] =	wrdreg $0x0  }
0xa9: {  	s6 =	sshll.u32 s28, $0x1;
	[dreg:$0x2] =	wrdreg s4  }
0xaa: {  	[dreg:$0x3] =	wrdreg s6  }
0xab: {  	[dreg:$0x4] =	wrdreg $0xC0  }
0xac: {  	_ =	task [dreg:s8], $0x5FFFF  }
0xad: {  	[dreg:$0x1] =	wrdreg $0xFFFFFFFF  }
0xae: {  	[dreg:$0x0] =	wrdreg $0x60  }
0xaf: {  	[dreg:$0x2] =	wrdreg s24  }
0xb0: {  	[dreg:$0x3] =	wrdreg s18  }
0xb1: {  	[dreg:$0x4] =	wrdreg s2  }
0xb2: {  	[dreg:$0x5] =	wrdreg $0x90800  }
0xb3: {  	[dreg:$0x6] =	wrdreg $0x9  }
0xb4: {  	_ =	task.clear_ibuf [dreg:s8], $0x7FFFF;
	_ =	strace $0x90000049  }
0xb5: {  	s29 =	simm.s32 $0x9;
	_ =	strace $0x8000004B  }
0xb6: {  	_ =	swait.ge [sflag:s29], $0x1  }
0xb7: {  	[sflag:s29] =	ssyncadd.s32 $0xFFFFFFFF  }
0xb8: {  	_ =	strace $0x9000004B  }
0xb9: {  	_ =	sfence  }
0xba: {  	s30 =	sld [smem:$0x0];
	_ =	sdelay $0x2  }
0xbb: {  	s31 =	sshll.u32 s1, $0xD;
	s1 =	sshrl.u32 s1, $0x2  }
0xbc: {  	s3 =	sand.u32 $0x4000, s31;
	s1 =	sadd.s32 s1, s30  }
0xbd: {  	s0 =	sor.u32 s3, s0;
	s1 =	sshll.u32 s1, $0x11  }
0xbe: {  	s0 =	sor.u32 s1, s0  }
0xbf: {  	s0 =	sadd.s32 $0x8F2B, s0  }
0xc0: {  	[sflag:s0] =	ssyncadd.remote.s32 $0x1  }
0xc1: {  	_ =	sfence.sel $0xFFFF  }
0xc2: {  	[dreg:$0x0] =	wrdreg $0xFFFFFFFF;
	(pc) =	sbr.abs _section_cstart, $3  }
0xc3: {  	[dreg:$0x1] =	wrdreg $0xFFFFFFFF  }
0xc4: {  	_ =	task.clear_ibuf [dreg:s8], $0x2FFFF;
	_ =	strace $0x9FFFFFFF  }
0xc5: {  	(tm) =	ssettm $0x7FFFFFFF  }
tec
execute0_lowered:
.L_overlay_start_1:
0x0: {  	(tag) =	ssettag $0x1  }
0x1: {  	s0 =	rddreg [dreg:$0x0]  }
0x2: {  	s1 =	rddreg [dreg:$0x1]  }
0x3: {  	s2 =	rddreg [dreg:$0x2]  }
0x4: {  	s3 =	rddreg [dreg:$0x3];
	s4 =	srdreg.scid  }
0x5: {  	s13 =	simm.s32 $0x0;
	s9 =	stileid.u32;
	s28 =	simm.s32 $0x7  }
0x6: {  	s29 =	simm.s32 $0x80;
	s14 =	simm.s32 $0x4880;
	s4 =	sand.u32 $0x1, s4  }
0x7: {  	[smem:$0x7FF] =	sst s13;
	s7 =	smul.u32 $0x14000, s9;
	s6 =	sadd.s32 $0x1200, s0  }
0x8: {  	s5 =	smul.u32 $0x140000, s4;
	_ =	strace $0x8000004A;
	s8 =	sshll.u32 s4, $0x4  }
0x9: {  	s4 =	ssub.s32 $0x2, s4;
	s8 =	sor.u32 s9, s8;
	s9 =	smul.u32 $0x50000, s9  }
0xa: {  	s15 =	sshrl.u32 s4, $0x1;
	s5 =	sadd.s32 s7, s5;
	s10 =	smul.u32 $0x2710, s8  }
0xb: {  	s7 =	sadd.s32 $0x10000, s0;
	s8 =	sadd.s32 $0xB000, s0;
	s4 =	ssub.s32 s4, s15  }
0xc: {  	s5 =	sshrl.u32 s5, $0x3;
	s31 =	smax.u32 s4, $0x1;
	s11 =	sshrl.u32 s10, $0x3  }
0xd: {  	s9 =	sshrl.u32 s9, $0x2;
	[dreg:$0x14] =	wrdreg s31;
	s16 =	sadd.s32 s6, s11  }
0xe: {  	s4 =	simm.s32 $0x880;
	s17 =	sadd.s32 s1, s11;
	[dreg:$0x6] =	wrdreg s16  }
0xf: {  	s0 =	sadd.s32 s5, s0;
	s18 =	sadd.s32 s2, s11;
	[dreg:$0x7] =	wrdreg s17  }
0x10: {  	s19 =	sadd.s32 $0x10, s11;
	s0 =	sadd.s32 $0x148800, s0;
	[dreg:$0x8] =	wrdreg s18  }
0x11: {  	s9 =	sadd.s32 s9, s3;
	s12 =	sadd.s32 s6, s19;
	[dreg:$0x13] =	wrdreg s0  }
0x12: {  	s21 =	sadd.s32 $0x20, s11;
	s20 =	sadd.s32 s1, s19;
	[dreg:$0x9] =	wrdreg s12  }
0x13: {  	s25 =	sadd.s32 $0x4E0, s11;
	s5 =	sadd.s32 s2, s19;
	[dreg:$0xa] =	wrdreg s20  }
0x14: {  	s11 =	simm.s32 $0x780;
	s22 =	sadd.s32 s6, s21;
	[dreg:$0xb] =	wrdreg s5  }
0x15: {  	s23 =	sadd.s32 s1, s21;
	s24 =	sadd.s32 s2, s21;
	[dreg:$0xc] =	wrdreg s22  }
0x16: {  	s19 =	sadd.s32 $0x180, s10;
	s10 =	sadd.s32 $0x200, s10;
	[dreg:$0xd] =	wrdreg s23  }
0x17: {  	s26 =	sadd.s32 s6, s25;
	s30 =	sadd.s32 s1, s25;
	[dreg:$0xe] =	wrdreg s24  }
0x18: {  	s0 =	simm.s32 $0x1;
	s16 =	simm.s32 $0x800;
	[dreg:$0xf] =	wrdreg s10  }
0x19: {  	s17 =	simm.s32 $0x3;
	s18 =	simm.s32 $0x500;
	[dreg:$0x10] =	wrdreg s26  }
0x1a: {  	s21 =	simm.s32 $0x4;
	[dreg:$0x11] =	wrdreg s30;
	s5 =	sadd.s32 s2, s25  }
0x1b: {  	s26 =	simm.s32 $0x8880;
	s25 =	simm.s32 $0x100;
	s12 =	simm.s32 $0x2  }
0x1c: {  	v0 =	vimm.f32 $0.0e+00;
	s22 =	simm.s32 $0x580;
	s23 =	simm.s32 $0x5;
	[dreg:$0x12] =	wrdreg s5  }
.LBB2_1:
0x1d: {  	s5 =	simm.s32 $0x0;
	s10 =	simm.s32 $0x200  }
.LBB2_2:
0x1e: {  	p0 =	sne.s32 s10, $0x1E00;
	[tilespmem:s5+$0x88F0] =	vst v0  }
0x1f: {  	[tilespmem:s5+$0x8880] =	vst v0  }
0x20: {  	[tilespmem:s5+$0x8890] =	vst v0  }
.Ltmp0:
0x21: {  	[tilespmem:s5+$0x88A0] =	vst v0;
	(pc) =	sbr.rel @p0 .LBB2_2-.Ltmp0, $4  }
0x22: {  	[tilespmem:s5+$0x88B0] =	vst v0  }
0x23: {  	[tilespmem:s5+$0x88C0] =	vst v0  }
0x24: {  	[tilespmem:s5+$0x88D0] =	vst v0  }
0x25: {  	[tilespmem:s5+$0x88E0] =	vst v0;
	s5 =	sshra.s32 s10, $0x2;
	s10 =	sadd.s32 $0x200, s10  }
0x26: {  	[tilespmem:s5+$0x88F0] =	vst v0  }
0x27: {  	[tilespmem:s5+$0x8880] =	vst v0  }
0x28: {  	[tilespmem:s5+$0x8890] =	vst v0  }
0x29: {  	[tilespmem:s5+$0x88A0] =	vst v0  }
0x2a: {  	[tilespmem:s5+$0x88B0] =	vst v0  }
0x2b: {  	[tilespmem:s5+$0x88C0] =	vst v0  }
0x2c: {  	[tilespmem:s5+$0x88D0] =	vst v0  }
0x2d: {  	[dreg:$0x5] =	wrdreg s13;
	[tilespmem:s5+$0x88E0] =	vst v0;
	s31 =	sadd.s32 $0x0, s9  }
0x2e: {  	[spmem:s31] =	stream.linear.scatter [tilespmem:s26], [sflag:$0x7], $0x800, $0x38;
	[tilespmem:$0x1D080] =	vst v63  }
0x2f: {  	s5 =	simm.s32 $0x2000;
	_ =	swait.ge [sflag:s28], $0x800  }
.LBB2_4:
0x30: {  	s10 =	sshra.s32 s5, $0x2;
	[sflag:s28] =	ssyncset.done $0x0;
	p0 =	sne.s32 s5, $0x4E000  }
.Ltmp1:
0x31: {  	s10 =	sadd.s32 s10, s9;
	[sflag:s28] =	ssyncadd.s32 $0xFFFFF800;
	(pc) =	sbr.rel @p0 .LBB2_4-.Ltmp1, $3  }
0x32: {  	[spmem:s10] =	stream.linear.scatter [tilespmem:s26], [sflag:$0x7], $0x800, $0x38;
	[tilespmem:$0x1D080] =	vst v63  }
0x33: {  	s5 =	sadd.s32 $0x2000, s5;
	_ =	sdelay $0x1  }
0x34: {  	_ =	swait.ge [sflag:s28], $0x800  }
0x35: {  	[sflag:s28] =	ssyncset.done $0x0  }
0x36: {  	[sflag:s28] =	ssyncadd.s32 $0xFFFFF800  }
0x37: {  	[bflag:$0x0] =	sbarrier.arrive $0xFFFF  }
0x38: {  	s30 =	simm.s32 $0x0;
	s5 =	rddreg [dreg:$0x6]  }
0x39: {  	[tilespmem:s30], [sflag:$0x1] =	stream.linear.gather [hbm4b:s5+s30], $0x80, $0x38;
	[tilespmem:$0x1D080] =	vst v63  }
0x3a: {  	s31 =	rddreg [dreg:$0x7]  }
0x3b: {  	[tilespmem:s29], [sflag:$0x1] =	stream.linear.gather [hbm4b:s31+s30], $0x80, $0x38;
	[tilespmem:$0x1D080] =	vst v63  }
0x3c: {  	s10 =	rddreg [dreg:$0x8]  }
0x3d: {  	[tilespmem:s25], [sflag:$0x1] =	stream.linear.gather [hbm4b:s10+s30], $0x80, $0x38;
	[tilespmem:$0x1D080] =	vst v63  }
0x3e: {  	s13 =	rddreg [dreg:$0x9];
	s10 =	simm.s32 $0x180  }
0x3f: {  	[tilespmem:s10], [sflag:$0x2] =	stream.linear.gather [hbm4b:s13+s30], $0x80, $0x38;
	[tilespmem:$0x1D080] =	vst v63  }
0x40: {  	s20 =	simm.s32 $0x200;
	s15 =	rddreg [dreg:$0xa]  }
0x41: {  	[tilespmem:s20], [sflag:$0x2] =	stream.linear.gather [hbm4b:s15+s30], $0x80, $0x38;
	[tilespmem:$0x1D080] =	vst v63  }
0x42: {  	s24 =	rddreg [dreg:$0xb];
	s31 =	simm.s32 $0x280  }
0x43: {  	[tilespmem:s31], [sflag:$0x2] =	stream.linear.gather [hbm4b:s24+s30], $0x80, $0x38;
	[tilespmem:$0x1D080] =	vst v63  }
0x44: {  	_ =	swait.ge [sflag:s0], $0x80  }
0x45: {  	[sflag:s0] =	ssyncset.done $0x0  }
0x46: {  	[sflag:s0] =	ssyncadd.s32 $0xFFFFFF80  }
0x47: {  	_ =	swait.ge [sflag:s0], $0x80  }
0x48: {  	[sflag:s0] =	ssyncset.done $0x0  }
0x49: {  	[sflag:s0] =	ssyncadd.s32 $0xFFFFFF80  }
0x4a: {  	_ =	swait.ge [sflag:s0], $0x80  }
0x4b: {  	[sflag:s0] =	ssyncset.done $0x0  }
0x4c: {  	[sflag:s0] =	ssyncadd.s32 $0xFFFFFF80  }
0x4d: {  	v1 =	vld [tilespmem:$0x100]  }
0x4e: {  	v2 =	vld [tilespmem:$0x0]  }
0x4f: {  	v3 =	vld [tilespmem:$0x80]  }
0x50: {  	v7 =	vld [tilespmem:$0x90]  }
0x51: {  	v43 =	vld [tilespmem:$0xA0]  }
0x52: {  	v4 =	vld [tilespmem:$0x110]  }
0x53: {  	v5 =	vld [tilespmem:$0x10]  }
0x54: {  	v45 =	vld [tilespmem:$0xB0];
	[tilespmem:$0x500] =	vst v3  }
0x55: {  	v49 =	vld [tilespmem:$0xC0];
	v6 =	vmul.u32 $0x2710, v1;
	v42 =	vshll.u32 v3, $0x3;
	[tilespmem:$0x510] =	vst v7  }
0x56: {  	v8 =	vld [tilespmem:$0x120];
	[tilespmem:$0x520] =	vst v43;
	v1 =	vadd.s32 v1, v42  }
0x57: {  	v53 =	vld [tilespmem:$0xD0];
	v2 =	vadd.s32 v2, v6;
	[tilespmem:$0x400] =	vst v1  }
0x58: {  	v1 =	vld [tilespmem:$0x130];
	[tilespmem:$0x300] =	vst v2;
	v2 =	vmul.u32 $0x2710, v4  }
0x59: {  	v9 =	vld [tilespmem:$0x20];
	[tilespmem:$0x530] =	vst v45  }
0x5a: {  	v44 =	vld [tilespmem:$0x30];
	v3 =	vshll.u32 v7, $0x3;
	[tilespmem:$0x540] =	vst v49;
	v2 =	vadd.s32 v5, v2  }
0x5b: {  	v58 =	vld [tilespmem:$0xE0];
	[tilespmem:$0x310] =	vst v2;
	v2 =	vadd.s32 v4, v3  }
0x5c: {  	v50 =	vshll.u32 v45, $0x3;
	v3 =	vmul.u32 $0x2710, v8;
	[tilespmem:$0x410] =	vst v2;
	v2 =	vld [tilespmem:$0x140]  }
0x5d: {  	v47 =	vld [tilespmem:$0x40];
	[tilespmem:$0x550] =	vst v53;
	v48 =	vmul.u32 $0x2710, v1;
	v1 =	vadd.s32 v1, v50  }
0x5e: {  	v62 =	vld [tilespmem:$0xF0];
	v46 =	vshll.u32 v43, $0x3;
	v3 =	vadd.s32 v9, v3;
	[tilespmem:$0x430] =	vst v1  }
0x5f: {  	v1 =	vld [tilespmem:$0x160];
	[tilespmem:$0x320] =	vst v3;
	v3 =	vadd.s32 v8, v46  }
0x60: {  	v55 =	vshll.u32 v49, $0x3;
	[tilespmem:$0x420] =	vst v3;
	v3 =	vld [tilespmem:$0x150]  }
0x61: {  	v56 =	vld [tilespmem:$0x60];
	[tilespmem:$0x560] =	vst v58;
	v52 =	vmul.u32 $0x2710, v2;
	v2 =	vadd.s32 v2, v55  }
0x62: {  	[tilespmem:$0x440] =	vst v2;
	v2 =	vld [tilespmem:$0x170]  }
0x63: {  	v51 =	vld [tilespmem:$0x50];
	v63 =	vshll.u32 v58, $0x3;
	[tilespmem:$0x570] =	vst v62;
	v5 =	vadd.s32 v44, v48  }
0x64: {  	v60 =	vld [tilespmem:$0x70];
	v59 =	vshll.u32 v53, $0x3;
	[tilespmem:$0x330] =	vst v5;
	v61 =	vmul.u32 $0x2710, v1;
	v1 =	vadd.s32 v1, v63  }
0x65: {  	[tilespmem:$0x460] =	vst v1;
	v57 =	vmul.u32 $0x2710, v3;
	v3 =	vadd.s32 v3, v59  }
0x66: {  	[tilespmem:$0x450] =	vst v3;
	v3 =	vadd.s32 v56, v61  }
0x67: {  	v54 =	vadd.s32 v47, v52;
	[tilespmem:$0x360] =	vst v3;
	v3 =	vmul.u32 $0x2710, v2  }
0x68: {  	[tilespmem:$0x340] =	vst v54;
	v4 =	vadd.s32 v51, v57  }
0x69: {  	[tilespmem:$0x350] =	vst v4;
	v1 =	vadd.s32 v60, v3;
	v3 =	vshll.u32 v62, $0x3  }
0x6a: {  	[tilespmem:$0x370] =	vst v1;
	v1 =	vadd.s32 v2, v3  }
0x6b: {  	s13 =	simm.s32 $0x300;
	[tilespmem:$0x470] =	vst v1  }
0x6c: {  	[tilespmem:s4], [sflag:$0x3] =	stream.indirect.gather [hbm4b:s7+s29], $0x80, s13, s29, $0xb8;
	[tilespmem:$0x1D080] =	vst v63  }
0x6d: {  	s15 =	simm.s32 $0x400  }
0x6e: {  	[tilespmem:s11], [sflag:$0x3] =	stream.indirect.gather [hbm4b:s8+s29], $0x1, s15, s29, $0xb8;
	[tilespmem:$0x1D080] =	vst v63  }
0x6f: {  	s20 =	rddreg [dreg:$0xc]  }
0x70: {  	[tilespmem:s30], [sflag:$0x1] =	stream.linear.gather [hbm4b:s20+s30], $0x80, $0x38;
	[tilespmem:$0x1D080] =	vst v63  }
0x71: {  	s24 =	rddreg [dreg:$0xd]  }
0x72: {  	[tilespmem:s29], [sflag:$0x1] =	stream.linear.gather [hbm4b:s24+s30], $0x80, $0x38;
	[tilespmem:$0x1D080] =	vst v63  }
0x73: {  	s31 =	rddreg [dreg:$0xe];
	s24 =	simm.s32 $0x0  }
0x74: {  	[tilespmem:s25], [sflag:$0x1] =	stream.linear.gather [hbm4b:s31+s30], $0x80, $0x38;
	[tilespmem:$0x1D080] =	vst v63  }
.LBB2_6:
0x75: {  	_ =	swait.ge [sflag:s12], $0x80  }
0x76: {  	[sflag:s12] =	ssyncset.done $0x0  }
0x77: {  	[sflag:s12] =	ssyncadd.s32 $0xFFFFFF80  }
0x78: {  	_ =	swait.ge [sflag:s12], $0x80  }
0x79: {  	[sflag:s12] =	ssyncset.done $0x0  }
0x7a: {  	[sflag:s12] =	ssyncadd.s32 $0xFFFFFF80  }
0x7b: {  	_ =	swait.ge [sflag:s12], $0x80  }
0x7c: {  	p0 =	seq.s32 s24, $0x0;
	[sflag:s12] =	ssyncset.done $0x0  }
0x7d: {  	s5 =	simm.s32 @!p0 $0x6;
	[sflag:s12] =	ssyncadd.s32 $0xFFFFFF80  }
0x7e: {  	_ =	swait.ge @!p0 [sflag:s5], $0x4000  }
0x7f: {  	[sflag:s5] =	ssyncset.done @!p0 $0x0  }
0x80: {  	[sflag:s5] =	ssyncadd.s32 @!p0 $0xFFFFC000  }
0x81: {  	v1 =	vld [tilespmem:$0x280]  }
0x82: {  	v2 =	vld [tilespmem:$0x180]  }
0x83: {  	v3 =	vld [tilespmem:$0x200]  }
0x84: {  	v4 =	vld [tilespmem:$0x290]  }
0x85: {  	v5 =	vld [tilespmem:$0x190]  }
0x86: {  	v7 =	vld [tilespmem:$0x210];
	v6 =	vmul.u32 $0x2710, v1  }
0x87: {  	v8 =	vld [tilespmem:$0x2A0]  }
0x88: {  	v9 =	vld [tilespmem:$0x1A0];
	[tilespmem:$0x580] =	vst v3;
	v2 =	vadd.s32 v2, v6;
	v6 =	vshll.u32 v3, $0x3  }
0x89: {  	[tilespmem:$0x380] =	vst v2;
	v1 =	vadd.s32 v1, v6;
	v2 =	vmul.u32 $0x2710, v4;
	v6 =	vld [tilespmem:$0x220]  }
0x8a: {  	[tilespmem:$0x480] =	vst v1;
	v1 =	vld [tilespmem:$0x2B0]  }
0x8b: {  	[tilespmem:$0x590] =	vst v7;
	v3 =	vshll.u32 v7, $0x3;
	v2 =	vadd.s32 v5, v2;
	v5 =	vld [tilespmem:$0x1B0]  }
0x8c: {  	[tilespmem:$0x390] =	vst v2;
	v2 =	vadd.s32 v4, v3;
	v3 =	vmul.u32 $0x2710, v8;
	v4 =	vld [tilespmem:$0x230]  }
0x8d: {  	[tilespmem:$0x490] =	vst v2;
	v2 =	vld [tilespmem:$0x2C0]  }
0x8e: {  	v60 =	vld [tilespmem:$0x1C0];
	v3 =	vadd.s32 v9, v3;
	v7 =	vshll.u32 v6, $0x3;
	[tilespmem:$0x5A0] =	vst v6  }
0x8f: {  	[tilespmem:$0x3A0] =	vst v3;
	v3 =	vadd.s32 v8, v7;
	v7 =	vmul.u32 $0x2710, v1;
	v8 =	vld [tilespmem:$0x240]  }
0x90: {  	[tilespmem:$0x4A0] =	vst v3;
	v3 =	vld [tilespmem:$0x2D0]  }
0x91: {  	v5 =	vadd.s32 v5, v7;
	v6 =	vshll.u32 v4, $0x3;
	v7 =	vld [tilespmem:$0x1D0];
	[tilespmem:$0x5B0] =	vst v4  }
0x92: {  	[tilespmem:$0x3B0] =	vst v5;
	v1 =	vadd.s32 v1, v6;
	v5 =	vmul.u32 $0x2710, v2;
	v6 =	vld [tilespmem:$0x250]  }
0x93: {  	[tilespmem:$0x4B0] =	vst v1;
	v1 =	vld [tilespmem:$0x2E0]  }
0x94: {  	v61 =	vld [tilespmem:$0x1E0];
	v4 =	vadd.s32 v60, v5;
	v5 =	vshll.u32 v8, $0x3;
	[tilespmem:$0x5C0] =	vst v8  }
0x95: {  	[tilespmem:$0x3C0] =	vst v4;
	v2 =	vadd.s32 v2, v5;
	v4 =	vmul.u32 $0x2710, v3;
	v5 =	vld [tilespmem:$0x260]  }
0x96: {  	[tilespmem:$0x4C0] =	vst v2;
	v2 =	vld [tilespmem:$0x2F0]  }
0x97: {  	v8 =	vld [tilespmem:$0x1F0];
	v4 =	vadd.s32 v7, v4;
	v7 =	vshll.u32 v6, $0x3;
	[tilespmem:$0x5D0] =	vst v6  }
0x98: {  	[tilespmem:$0x3D0] =	vst v4;
	v3 =	vadd.s32 v3, v7;
	v4 =	vmul.u32 $0x2710, v1;
	v7 =	vld [tilespmem:$0x270]  }
0x99: {  	[tilespmem:$0x4D0] =	vst v3  }
0x9a: {  	v3 =	vadd.s32 v61, v4;
	v4 =	vshll.u32 v5, $0x3;
	[tilespmem:$0x5E0] =	vst v5  }
0x9b: {  	[tilespmem:$0x3E0] =	vst v3;
	v1 =	vadd.s32 v1, v4;
	v3 =	vmul.u32 $0x2710, v2  }
0x9c: {  	[tilespmem:$0x4E0] =	vst v1  }
0x9d: {  	v1 =	vadd.s32 v8, v3;
	v3 =	vshll.u32 v7, $0x3;
	[tilespmem:$0x5F0] =	vst v7  }
0x9e: {  	s25 =	sshll.u32 s24, $0x8;
	p0 =	seq.s32 s24, $0x26;
	[tilespmem:$0x3F0] =	vst v1;
	v1 =	vadd.s32 v2, v3  }
0x9f: {  	s10 =	simm.s32 $0x380;
	s5 =	sadd.s32 @!p0 s25, s19;
	[tilespmem:$0x4F0] =	vst v1  }
0xa0: {  	[tilespmem:s14], [sflag:$0x4] =	stream.indirect.gather [hbm4b:s7+s29], $0x80, s10, s29, $0xb8;
	[tilespmem:$0x1D080] =	vst v63  }
0xa1: {  	s13 =	simm.s32 $0x480;
	s5 =	sshrl.u32 @!p0 s5, $0x3  }
0xa2: {  	[tilespmem:s16], [sflag:$0x4] =	stream.indirect.gather [hbm4b:s8+s29], $0x1, s13, s29, $0xb8;
	[tilespmem:$0x1D080] =	vst v63  }
0xa3: {  	s20 =	simm.s32 @!p0 $0x0;
	s31 =	simm.s32 @!p0 $0x180;
	s10 =	sadd.s32 @!p0 s6, s5  }
0xa4: {  	[tilespmem:s31], [sflag:$0x2] =	stream.linear.gather @!p0 [hbm4b:s10+s20], $0x80, $0x38;
	[tilespmem:$0x1D080] =	vst v63  }
0xa5: {  	s10 =	sadd.s32 @!p0 s1, s5;
	s31 =	simm.s32 @!p0 $0x200  }
0xa6: {  	[tilespmem:s31], [sflag:$0x2] =	stream.linear.gather @!p0 [hbm4b:s10+s20], $0x80, $0x38;
	[tilespmem:$0x1D080] =	vst v63  }
0xa7: {  	s5 =	sadd.s32 @!p0 s2, s5;
	s10 =	simm.s32 @!p0 $0x280  }
0xa8: {  	v1 =	vmov s30;
	[tilespmem:s10], [sflag:$0x2] =	stream.linear.gather @!p0 [hbm4b:s5+s20], $0x80, $0x38;
	[tilespmem:$0x1D080] =	vst v63  }
0xa9: {  	v1 =	vand.u32 $0xFFFFFFFC, v1;
	_ =	swait.ge [sflag:s17], $0x4000  }
0xaa: {  	v1 =	vbroadcast v1, $0x0;
	[sflag:s17] =	ssyncset.done $0x0  }
0xab: {  	[sflag:s17] =	ssyncadd.s32 $0xFFFFC000  }
0xac: {  	_ =	swait.ge [sflag:s17], $0x80  }
0xad: {  	[sflag:s17] =	ssyncset.done $0x0  }
0xae: {  	s5 =	simm.s32 $0x980;
	[sflag:s17] =	ssyncadd.s32 $0xFFFFFF80  }
0xaf: {  	v2 =	vld [tilespmem:s5+$0xFFFFFF70]  }
0xb0: {  	v1 =	vld.idx.msk [tilespmem:v1+s11+$0x0], $0xffff  }
0xb1: {  	v3 =	vld [tilespmem:s5+$0xFFFFFF00]  }
0xb2: {  	v4 =	vld [tilespmem:s5+$0xFFFFFF20]  }
0xb3: {  	v5 =	vld [tilespmem:s5+$0xFFFFFF50]  }
0xb4: {  	v6 =	vld [tilespmem:s5+$0xFFFFFF40]  }
0xb5: {  	v7 =	vld [tilespmem:s5+$0xFFFFFF60];
	v2 =	vmul.f32 v2, v1  }
0xb6: {  	s15 =	simm.s32 $0x1;
	v8 =	vld [tilespmem:s5+$0xFFFFFF30];
	v3 =	vmul.f32 v3, v1  }
0xb7: {  	v62 =	vld [tilespmem:s5+$0xFFFFFF10];
	v4 =	vmul.f32 v4, v1;
	[tilespmem:s5+$0xFFFFFF70] =	vst v2;
	v2 =	vmov s15  }
0xb8: {  	v5 =	vmul.f32 v5, v1;
	[tilespmem:s5+$0xFFFFFF00] =	vst v3;
	v2 =	vand.u32 $0xFFFFFFFD, v2  }
0xb9: {  	v3 =	vmul.f32 v6, v1;
	[tilespmem:s5+$0xFFFFFF20] =	vst v4;
	v2 =	vbroadcast v2, $0x0  }
0xba: {  	v4 =	vmul.f32 v7, v1;
	[tilespmem:s5+$0xFFFFFF50] =	vst v5  }
0xbb: {  	v5 =	vmul.f32 v8, v1;
	[tilespmem:s5+$0xFFFFFF40] =	vst v3  }
0xbc: {  	v1 =	vmul.f32 v62, v1;
	[tilespmem:s5+$0xFFFFFF60] =	vst v4  }
0xbd: {  	[tilespmem:s5+$0xFFFFFF30] =	vst v5  }
0xbe: {  	[tilespmem:s5+$0xFFFFFF10] =	vst v1;
	v1 =	vld [tilespmem:s5+$0xFFFFFF90]  }
0xbf: {  	v3 =	vld.idx.msk [tilespmem:v2+s11+$0x0], $0xffff  }
0xc0: {  	v2 =	vld [tilespmem:s5+$0xFFFFFFA0]  }
0xc1: {  	v4 =	vld [tilespmem:s5+$0xFFFFFF80]  }
0xc2: {  	v5 =	vld [tilespmem:s5+$0xFFFFFFB0]  }
0xc3: {  	v6 =	vld [tilespmem:s5+$0xFFFFFFC0]  }
0xc4: {  	v7 =	vld [tilespmem:s5+$0xFFFFFFD0];
	v1 =	vmul.f32 v1, v3  }
0xc5: {  	s20 =	simm.s32 $0x2;
	v8 =	vld [tilespmem:s5+$0xFFFFFFF0];
	v2 =	vmul.f32 v2, v3  }
0xc6: {  	v63 =	vld [tilespmem:s5+$0xFFFFFFE0];
	v4 =	vmul.f32 v4, v3;
	[tilespmem:s5+$0xFFFFFF90] =	vst v1;
	v1 =	vmov s20  }
0xc7: {  	v5 =	vmul.f32 v5, v3;
	[tilespmem:s5+$0xFFFFFFA0] =	vst v2;
	v1 =	vand.u32 $0xFFFFFFFE, v1  }
0xc8: {  	v2 =	vmul.f32 v6, v3;
	[tilespmem:s5+$0xFFFFFF80] =	vst v4;
	v6 =	vld [tilespmem:s5+$0x60];
	v10 =	vbroadcast v1, $0x0  }
0xc9: {  	v4 =	vmul.f32 v7, v3;
	[tilespmem:s5+$0xFFFFFFB0] =	vst v5;
	v7 =	vld [tilespmem:s5+$0x0]  }
0xca: {  	v5 =	vmul.f32 v8, v3;
	v1 =	vld [tilespmem:s5+$0x20];
	[tilespmem:s5+$0xFFFFFFC0] =	vst v2  }
0xcb: {  	v3 =	vmul.f32 v63, v3;
	v2 =	vld [tilespmem:s5+$0x30];
	[tilespmem:s5+$0xFFFFFFD0] =	vst v4  }
0xcc: {  	[tilespmem:s5+$0xFFFFFFF0] =	vst v5;
	v4 =	vld [tilespmem:s5+$0x40]  }
0xcd: {  	[tilespmem:s5+$0xFFFFFFE0] =	vst v3;
	v5 =	vld [tilespmem:s5+$0x10]  }
0xce: {  	s31 =	simm.s32 $0x0;
	s10 =	simm.s32 $0x4;
	s20 =	simm.s32 $0x980;
	v3 =	vld.idx.msk [tilespmem:v10+s11+$0x0], $0xffff  }
.LBB2_7:
0xcf: {  	p1 =	sne.s32 s10, $0x7C  }
0xd0: {  	v8 =	vld [tilespmem:s5+$0x50];
	s20 =	sadd.s32 $0x200, s20;
	s13 =	smov.u32 s10;
	s10 =	sadd.s32 $0x4, s10  }
0xd1: {  	v9 =	vld [tilespmem:s5+$0x70];
	_ =	sdelay $0x1  }
0xd2: {  	v6 =	vmul.f32 v6, v3;
	v7 =	vmul.f32 v7, v3  }
0xd3: {  	v4 =	vmul.f32 v4, v3;
	v5 =	vmul.f32 v5, v3  }
0xd4: {  	v1 =	vmul.f32 v1, v3;
	v2 =	vmul.f32 v2, v3;
	[tilespmem:s5+$0x60] =	vst v6  }
0xd5: {  	[tilespmem:s5+$0x40] =	vst v4;
	v4 =	vmul.f32 v8, v3;
	v3 =	vmul.f32 v9, v3  }
0xd6: {  	s15 =	sadd.s32 $0x3, s31;
	s31 =	smov.u32 s13;
	[tilespmem:s5+$0x20] =	vst v1;
	v6 =	vld [tilespmem:s5+$0x80]  }
0xd7: {  	v1 =	vld [tilespmem:s20+$0x20];
	[tilespmem:s5+$0x0] =	vst v7;
	v7 =	vmov s15  }
0xd8: {  	[tilespmem:s5+$0x50] =	vst v4;
	v4 =	vld [tilespmem:s5+$0xE0]  }
0xd9: {  	[tilespmem:s5+$0x30] =	vst v2;
	v8 =	vld [tilespmem:s5+$0xC0]  }
0xda: {  	v2 =	vld [tilespmem:s20+$0x30];
	[tilespmem:s5+$0x10] =	vst v5  }
0xdb: {  	[tilespmem:s5+$0x70] =	vst v3;
	v3 =	vld [tilespmem:s5+$0xA0]  }
0xdc: {  	v5 =	vld.idx.msk [tilespmem:v7+s11+$0x0], $0xffff  }
0xdd: {  	v7 =	vld [tilespmem:s5+$0x90]  }
0xde: {  	v9 =	vld [tilespmem:s5+$0xB0]  }
0xdf: {  	v10 =	vld [tilespmem:s5+$0xD0]  }
0xe0: {  	v11 =	vld [tilespmem:s5+$0xF0];
	_ =	sdelay $0x1  }
0xe1: {  	v6 =	vmul.f32 v6, v5;
	v7 =	vmul.f32 v7, v5  }
0xe2: {  	v3 =	vmul.f32 v3, v5;
	v9 =	vmul.f32 v9, v5  }
0xe3: {  	v12 =	vmov s31;
	[tilespmem:s5+$0x80] =	vst v6;
	v6 =	vmul.f32 v8, v5;
	v8 =	vmul.f32 v10, v5  }
0xe4: {  	v10 =	vand.u32 $0xFFFFFFFC, v12;
	[tilespmem:s5+$0xA0] =	vst v3;
	v3 =	vmul.f32 v4, v5;
	v4 =	vmul.f32 v11, v5  }
0xe5: {  	v5 =	vbroadcast v10, $0x0;
	[tilespmem:s5+$0xC0] =	vst v6  }
0xe6: {  	[tilespmem:s5+$0xF0] =	vst v4  }
0xe7: {  	v4 =	vld [tilespmem:s20+$0xFFFFFF40];
	[tilespmem:s5+$0xE0] =	vst v3  }
0xe8: {  	v3 =	vld [tilespmem:s20+$0xFFFFFF50];
	[tilespmem:s5+$0x90] =	vst v7  }
0xe9: {  	v6 =	vld [tilespmem:s20+$0xFFFFFF60];
	[tilespmem:s5+$0xB0] =	vst v9  }
0xea: {  	v7 =	vld [tilespmem:s20+$0xFFFFFF70];
	[tilespmem:s5+$0xD0] =	vst v8;
	s5 =	smov.u32 s20  }
0xeb: {  	v5 =	vld.idx.msk [tilespmem:v5+s11+$0x0], $0xffff  }
0xec: {  	v8 =	vld [tilespmem:s20+$0xFFFFFF00]  }
0xed: {  	v9 =	vld [tilespmem:s20+$0xFFFFFF20]  }
0xee: {  	v10 =	vld [tilespmem:s20+$0xFFFFFF10]  }
0xef: {  	v11 =	vld [tilespmem:s20+$0xFFFFFF30];
	_ =	sdelay $0x1  }
0xf0: {  	v7 =	vmul.f32 v7, v5;
	v8 =	vmul.f32 v8, v5  }
0xf1: {  	s13 =	sadd.s32 $0x1, s31;
	v6 =	vmul.f32 v6, v5;
	v9 =	vmul.f32 v9, v5  }
0xf2: {  	v3 =	vmul.f32 v3, v5;
	v10 =	vmul.f32 v10, v5;
	[tilespmem:s20+$0xFFFFFF70] =	vst v7;
	v7 =	vmov s13  }
0xf3: {  	v4 =	vmul.f32 v4, v5;
	[tilespmem:s20+$0xFFFFFF00] =	vst v8;
	v8 =	vmul.f32 v11, v5;
	v5 =	vand.u32 $0xFFFFFFFD, v7  }
0xf4: {  	[tilespmem:s20+$0xFFFFFF20] =	vst v9;
	v5 =	vbroadcast v5, $0x0  }
0xf5: {  	[tilespmem:s20+$0xFFFFFF50] =	vst v3  }
0xf6: {  	[tilespmem:s20+$0xFFFFFF40] =	vst v4;
	v3 =	vld [tilespmem:s20+$0xFFFFFFF0]  }
0xf7: {  	[tilespmem:s20+$0xFFFFFF60] =	vst v6;
	v4 =	vld [tilespmem:s20+$0xFFFFFFC0]  }
0xf8: {  	[tilespmem:s20+$0xFFFFFF30] =	vst v8;
	v6 =	vld [tilespmem:s20+$0xFFFFFFD0]  }
0xf9: {  	[tilespmem:s20+$0xFFFFFF10] =	vst v10;
	v7 =	vld [tilespmem:s20+$0xFFFFFF90]  }
0xfa: {  	v5 =	vld.idx.msk [tilespmem:v5+s11+$0x0], $0xffff  }
0xfb: {  	v8 =	vld [tilespmem:s20+$0xFFFFFF80]  }
0xfc: {  	v9 =	vld [tilespmem:s20+$0xFFFFFFA0]  }
0xfd: {  	v10 =	vld [tilespmem:s20+$0xFFFFFFB0]  }
0xfe: {  	v11 =	vld [tilespmem:s20+$0xFFFFFFE0];
	_ =	sdelay $0x1  }
0xff: {  	v7 =	vmul.f32 v7, v5;
	v8 =	vmul.f32 v8, v5  }
0x100: {  	s13 =	sadd.s32 $0x2, s31;
	v6 =	vmul.f32 v6, v5;
	v9 =	vmul.f32 v9, v5  }
0x101: {  	v4 =	vmul.f32 v4, v5;
	[tilespmem:s20+$0xFFFFFF90] =	vst v7;
	v7 =	vmul.f32 v10, v5;
	v10 =	vmov s13  }
0x102: {  	v3 =	vmul.f32 v3, v5;
	[tilespmem:s20+$0xFFFFFFA0] =	vst v9;
	v9 =	vmul.f32 v11, v5;
	v5 =	vand.u32 $0xFFFFFFFE, v10  }
0x103: {  	[tilespmem:s20+$0xFFFFFF80] =	vst v8;
	v5 =	vbroadcast v5, $0x0  }
0x104: {  	[tilespmem:s20+$0xFFFFFFB0] =	vst v7  }
0x105: {  	[tilespmem:s20+$0xFFFFFFC0] =	vst v4  }
0x106: {  	[tilespmem:s20+$0xFFFFFFD0] =	vst v6  }
.Ltmp2:
0x107: {  	[tilespmem:s20+$0xFFFFFFF0] =	vst v3;
	v4 =	vld [tilespmem:s20+$0x40];
	(pc) =	sbr.rel @p1 .LBB2_7-.Ltmp2, $4  }
0x108: {  	[tilespmem:s20+$0xFFFFFFE0] =	vst v9;
	v6 =	vld [tilespmem:s20+$0x60]  }
0x109: {  	v3 =	vld.idx.msk [tilespmem:v5+s11+$0x0], $0xffff  }
0x10a: {  	v7 =	vld [tilespmem:s20+$0x0]  }
0x10b: {  	v5 =	vld [tilespmem:s20+$0x10]  }
0x10c: {  	_ =	sdelay $0x1  }
0x10d: {  	v6 =	vmul.f32 v6, v3  }
0x10e: {  	v8 =	vld [tilespmem:s5+$0x50];
	v4 =	vmul.f32 v4, v3  }
0x10f: {  	v9 =	vld [tilespmem:s5+$0x70];
	v1 =	vmul.f32 v1, v3;
	[tilespmem:s5+$0x60] =	vst v6  }
0x110: {  	v54 =	vmul.f32 v7, v3;
	[tilespmem:s5+$0x40] =	vst v4  }
0x111: {  	s10 =	sadd.s32 $0x3, s31;
	[tilespmem:s5+$0x20] =	vst v1;
	v1 =	vmul.f32 v2, v3  }
0x112: {  	v56 =	vmov s10;
	v5 =	vmul.f32 v5, v3;
	[tilespmem:s5+$0x0] =	vst v54  }
0x113: {  	v55 =	vmul.f32 v8, v3;
	[tilespmem:s5+$0x30] =	vst v1  }
0x114: {  	v3 =	vmul.f32 v9, v3;
	[tilespmem:s5+$0x10] =	vst v5  }
0x115: {  	[tilespmem:s5+$0x50] =	vst v55  }
0x116: {  	v2 =	vld [tilespmem:s5+$0x80];
	[tilespmem:s5+$0x70] =	vst v3  }
0x117: {  	v1 =	vld.idx.msk [tilespmem:v56+s11+$0x0], $0xffff  }
0x118: {  	v3 =	vld [tilespmem:s5+$0xA0]  }
0x119: {  	v59 =	vld [tilespmem:s5+$0xE0]  }
0x11a: {  	v57 =	vld [tilespmem:s5+$0xC0]  }
0x11b: {  	v58 =	vld [tilespmem:s5+$0xF0]  }
0x11c: {  	v60 =	vld [tilespmem:s5+$0x90];
	v2 =	vmul.f32 v2, v1  }
0x11d: {  	v61 =	vld [tilespmem:s5+$0xB0];
	v3 =	vmul.f32 v3, v1  }
0x11e: {  	v62 =	vld [tilespmem:s5+$0xD0];
	v63 =	vmul.f32 v59, v1;
	[tilespmem:s5+$0x80] =	vst v2  }
0x11f: {  	v2 =	vmul.f32 v57, v1;
	[tilespmem:s5+$0xA0] =	vst v3  }
0x120: {  	v3 =	vmul.f32 v58, v1;
	[tilespmem:s5+$0xE0] =	vst v63  }
0x121: {  	[tilespmem:s5+$0xC0] =	vst v2;
	v2 =	vmul.f32 v60, v1  }
.Ltmp3:
0x122: {  	[tilespmem:s5+$0xF0] =	vst v3;
	v3 =	vmul.f32 v61, v1;
	(pc) =	sbr.rel @p0 .LBB2_10-.Ltmp3, $4  }
0x123: {  	v1 =	vmul.f32 v62, v1;
	[tilespmem:s5+$0x90] =	vst v2  }
0x124: {  	[tilespmem:s5+$0xB0] =	vst v3  }
0x125: {  	[tilespmem:s5+$0xD0] =	vst v1  }
0x126: {  	[spmem:s3] =	stream.indirect.scatter.add.f32 [tilespmem:s4], [sflag:$0x5], $0x80, s18, s29, $0xb8;
	[tilespmem:$0x1D080] =	vst v63  }
0x127: {  	_ =	swait.ge [sflag:s0], $0x80  }
0x128: {  	[sflag:s0] =	ssyncset.done $0x0  }
0x129: {  	[sflag:s0] =	ssyncadd.s32 $0xFFFFFF80  }
0x12a: {  	_ =	swait.ge [sflag:s0], $0x80  }
0x12b: {  	[sflag:s0] =	ssyncset.done $0x0  }
0x12c: {  	[sflag:s0] =	ssyncadd.s32 $0xFFFFFF80  }
0x12d: {  	_ =	swait.ge [sflag:s0], $0x80  }
0x12e: {  	[sflag:s0] =	ssyncset.done $0x0  }
0x12f: {  	[sflag:s0] =	ssyncadd.s32 $0xFFFFFF80  }
0x130: {  	_ =	swait.ge [sflag:s23], $0x4000  }
0x131: {  	[sflag:s23] =	ssyncset.done $0x0  }
0x132: {  	[sflag:s23] =	ssyncadd.s32 $0xFFFFC000  }
0x133: {  	v1 =	vld [tilespmem:$0x100]  }
0x134: {  	v2 =	vld [tilespmem:$0x0]  }
0x135: {  	v3 =	vld [tilespmem:$0x80]  }
0x136: {  	v7 =	vld [tilespmem:$0x90]  }
0x137: {  	v43 =	vld [tilespmem:$0xA0]  }
0x138: {  	v4 =	vld [tilespmem:$0x110]  }
0x139: {  	v5 =	vld [tilespmem:$0x10]  }
0x13a: {  	v45 =	vld [tilespmem:$0xB0];
	[tilespmem:$0x500] =	vst v3  }
0x13b: {  	v49 =	vld [tilespmem:$0xC0];
	v6 =	vmul.u32 $0x2710, v1;
	v42 =	vshll.u32 v3, $0x3;
	[tilespmem:$0x510] =	vst v7  }
0x13c: {  	v8 =	vld [tilespmem:$0x120];
	[tilespmem:$0x520] =	vst v43;
	v1 =	vadd.s32 v1, v42  }
0x13d: {  	v53 =	vld [tilespmem:$0xD0];
	v2 =	vadd.s32 v2, v6;
	[tilespmem:$0x400] =	vst v1  }
0x13e: {  	v1 =	vld [tilespmem:$0x130];
	[tilespmem:$0x300] =	vst v2;
	v2 =	vmul.u32 $0x2710, v4  }
0x13f: {  	v9 =	vld [tilespmem:$0x20];
	[tilespmem:$0x530] =	vst v45  }
0x140: {  	v44 =	vld [tilespmem:$0x30];
	v3 =	vshll.u32 v7, $0x3;
	[tilespmem:$0x540] =	vst v49;
	v2 =	vadd.s32 v5, v2  }
0x141: {  	v58 =	vld [tilespmem:$0xE0];
	[tilespmem:$0x310] =	vst v2;
	v2 =	vadd.s32 v4, v3  }
0x142: {  	v50 =	vshll.u32 v45, $0x3;
	v3 =	vmul.u32 $0x2710, v8;
	[tilespmem:$0x410] =	vst v2;
	v2 =	vld [tilespmem:$0x140]  }
0x143: {  	v47 =	vld [tilespmem:$0x40];
	[tilespmem:$0x550] =	vst v53;
	v48 =	vmul.u32 $0x2710, v1;
	v1 =	vadd.s32 v1, v50  }
0x144: {  	v62 =	vld [tilespmem:$0xF0];
	v46 =	vshll.u32 v43, $0x3;
	v3 =	vadd.s32 v9, v3;
	[tilespmem:$0x430] =	vst v1  }
0x145: {  	v1 =	vld [tilespmem:$0x160];
	[tilespmem:$0x320] =	vst v3;
	v3 =	vadd.s32 v8, v46  }
0x146: {  	v55 =	vshll.u32 v49, $0x3;
	[tilespmem:$0x420] =	vst v3;
	v3 =	vld [tilespmem:$0x150]  }
0x147: {  	v56 =	vld [tilespmem:$0x60];
	[tilespmem:$0x560] =	vst v58;
	v52 =	vmul.u32 $0x2710, v2;
	v2 =	vadd.s32 v2, v55  }
0x148: {  	[tilespmem:$0x440] =	vst v2;
	v2 =	vld [tilespmem:$0x170]  }
0x149: {  	v51 =	vld [tilespmem:$0x50];
	v63 =	vshll.u32 v58, $0x3;
	[tilespmem:$0x570] =	vst v62;
	v5 =	vadd.s32 v44, v48  }
0x14a: {  	v60 =	vld [tilespmem:$0x70];
	v59 =	vshll.u32 v53, $0x3;
	[tilespmem:$0x330] =	vst v5;
	v61 =	vmul.u32 $0x2710, v1;
	v1 =	vadd.s32 v1, v63  }
0x14b: {  	[tilespmem:$0x460] =	vst v1;
	v57 =	vmul.u32 $0x2710, v3;
	v3 =	vadd.s32 v3, v59  }
0x14c: {  	[tilespmem:$0x450] =	vst v3;
	v3 =	vadd.s32 v56, v61  }
0x14d: {  	v54 =	vadd.s32 v47, v52;
	[tilespmem:$0x360] =	vst v3;
	v3 =	vmul.u32 $0x2710, v2  }
0x14e: {  	[tilespmem:$0x340] =	vst v54;
	v4 =	vadd.s32 v51, v57  }
0x14f: {  	[tilespmem:$0x350] =	vst v4;
	v1 =	vadd.s32 v60, v3;
	v3 =	vshll.u32 v62, $0x3  }
0x150: {  	[tilespmem:$0x370] =	vst v1;
	v1 =	vadd.s32 v2, v3  }
0x151: {  	s5 =	simm.s32 $0x300;
	[tilespmem:$0x470] =	vst v1  }
0x152: {  	[tilespmem:s4], [sflag:$0x3] =	stream.indirect.gather [hbm4b:s7+s29], $0x80, s5, s29, $0xb8;
	[tilespmem:$0x1D080] =	vst v63  }
0x153: {  	p0 =	sgt.u32 s24, $0x24;
	s5 =	rddreg [dreg:$0xf]  }
0x154: {  	s31 =	simm.s32 $0x400;
	s5 =	sadd.s32 @!p0 s25, s5  }
0x155: {  	[tilespmem:s11], [sflag:$0x3] =	stream.indirect.gather [hbm4b:s8+s29], $0x1, s31, s29, $0xb8;
	[tilespmem:$0x1D080] =	vst v63  }
0x156: {  	s5 =	sshrl.u32 @!p0 s5, $0x3  }
0x157: {  	s13 =	simm.s32 @!p0 $0x0;
	s10 =	sadd.s32 @!p0 s6, s5  }
0x158: {  	[tilespmem:s13], [sflag:$0x1] =	stream.linear.gather @!p0 [hbm4b:s10+s13], $0x80, $0x38;
	[tilespmem:$0x1D080] =	vst v63  }
0x159: {  	s15 =	simm.s32 @!p0 $0x80;
	s10 =	sadd.s32 @!p0 s1, s5  }
0x15a: {  	[tilespmem:s15], [sflag:$0x1] =	stream.linear.gather @!p0 [hbm4b:s10+s13], $0x80, $0x38;
	[tilespmem:$0x1D080] =	vst v63  }
0x15b: {  	s5 =	sadd.s32 @!p0 s2, s5;
	s10 =	simm.s32 @!p0 $0x100  }
0x15c: {  	[tilespmem:s10], [sflag:$0x1] =	stream.linear.gather @!p0 [hbm4b:s5+s13], $0x80, $0x38;
	[tilespmem:$0x1D080] =	vst v63  }
.LBB2_10:
0x15d: {  	s25 =	simm.s32 $0x0  }
0x15e: {  	v1 =	vmov s25  }
0x15f: {  	_ =	swait.ge [sflag:s21], $0x4000;
	v1 =	vand.u32 $0xFFFFFFFC, v1  }
0x160: {  	[sflag:s21] =	ssyncset.done $0x0;
	v1 =	vbroadcast v1, $0x0  }
0x161: {  	[sflag:s21] =	ssyncadd.s32 $0xFFFFC000  }
0x162: {  	_ =	swait.ge [sflag:s21], $0x80  }
0x163: {  	[sflag:s21] =	ssyncset.done $0x0  }
0x164: {  	s5 =	simm.s32 $0x4980;
	[sflag:s21] =	ssyncadd.s32 $0xFFFFFF80  }
0x165: {  	v2 =	vld [tilespmem:s5+$0xFFFFFF70]  }
0x166: {  	v1 =	vld.idx.msk [tilespmem:v1+s16+$0x0], $0xffff  }
0x167: {  	v3 =	vld [tilespmem:s5+$0xFFFFFF00]  }
0x168: {  	v4 =	vld [tilespmem:s5+$0xFFFFFF20]  }
0x169: {  	v5 =	vld [tilespmem:s5+$0xFFFFFF50]  }
0x16a: {  	v6 =	vld [tilespmem:s5+$0xFFFFFF40]  }
0x16b: {  	v7 =	vld [tilespmem:s5+$0xFFFFFF60];
	v2 =	vmul.f32 v2, v1  }
0x16c: {  	s10 =	simm.s32 $0x1;
	v8 =	vld [tilespmem:s5+$0xFFFFFF30];
	v3 =	vmul.f32 v3, v1  }
0x16d: {  	v9 =	vld [tilespmem:s5+$0xFFFFFF10];
	v4 =	vmul.f32 v4, v1;
	[tilespmem:s5+$0xFFFFFF70] =	vst v2;
	v2 =	vmov s10  }
0x16e: {  	v5 =	vmul.f32 v5, v1;
	[tilespmem:s5+$0xFFFFFF00] =	vst v3;
	v2 =	vand.u32 $0xFFFFFFFD, v2  }
0x16f: {  	v3 =	vmul.f32 v6, v1;
	[tilespmem:s5+$0xFFFFFF20] =	vst v4;
	v2 =	vbroadcast v2, $0x0  }
0x170: {  	v4 =	vmul.f32 v7, v1;
	[tilespmem:s5+$0xFFFFFF50] =	vst v5  }
0x171: {  	v5 =	vmul.f32 v8, v1;
	[tilespmem:s5+$0xFFFFFF40] =	vst v3  }
0x172: {  	v1 =	vmul.f32 v9, v1;
	[tilespmem:s5+$0xFFFFFF60] =	vst v4  }
0x173: {  	[tilespmem:s5+$0xFFFFFF30] =	vst v5  }
0x174: {  	[tilespmem:s5+$0xFFFFFF10] =	vst v1;
	v1 =	vld [tilespmem:s5+$0xFFFFFF90]  }
0x175: {  	v3 =	vld.idx.msk [tilespmem:v2+s16+$0x0], $0xffff  }
0x176: {  	v2 =	vld [tilespmem:s5+$0xFFFFFFA0]  }
0x177: {  	v4 =	vld [tilespmem:s5+$0xFFFFFF80]  }
0x178: {  	v5 =	vld [tilespmem:s5+$0xFFFFFFB0]  }
0x179: {  	v6 =	vld [tilespmem:s5+$0xFFFFFFC0]  }
0x17a: {  	v7 =	vld [tilespmem:s5+$0xFFFFFFD0];
	v1 =	vmul.f32 v1, v3  }
0x17b: {  	s31 =	simm.s32 $0x2;
	v8 =	vld [tilespmem:s5+$0xFFFFFFF0];
	v2 =	vmul.f32 v2, v3  }
0x17c: {  	v63 =	vld [tilespmem:s5+$0xFFFFFFE0];
	v4 =	vmul.f32 v4, v3;
	[tilespmem:s5+$0xFFFFFF90] =	vst v1;
	v1 =	vmov s31  }
0x17d: {  	v5 =	vmul.f32 v5, v3;
	[tilespmem:s5+$0xFFFFFFA0] =	vst v2;
	v1 =	vand.u32 $0xFFFFFFFE, v1  }
0x17e: {  	v2 =	vmul.f32 v6, v3;
	[tilespmem:s5+$0xFFFFFF80] =	vst v4;
	v6 =	vld [tilespmem:s5+$0x60];
	v10 =	vbroadcast v1, $0x0  }
0x17f: {  	v4 =	vmul.f32 v7, v3;
	[tilespmem:s5+$0xFFFFFFB0] =	vst v5;
	v7 =	vld [tilespmem:s5+$0x0]  }
0x180: {  	v5 =	vmul.f32 v8, v3;
	v1 =	vld [tilespmem:s5+$0x20];
	[tilespmem:s5+$0xFFFFFFC0] =	vst v2  }
0x181: {  	v3 =	vmul.f32 v63, v3;
	v2 =	vld [tilespmem:s5+$0x30];
	[tilespmem:s5+$0xFFFFFFD0] =	vst v4  }
0x182: {  	[tilespmem:s5+$0xFFFFFFF0] =	vst v5;
	v4 =	vld [tilespmem:s5+$0x40]  }
0x183: {  	[tilespmem:s5+$0xFFFFFFE0] =	vst v3;
	v5 =	vld [tilespmem:s5+$0x10]  }
0x184: {  	s20 =	simm.s32 $0x4980;
	s10 =	simm.s32 $0x4;
	v3 =	vld.idx.msk [tilespmem:v10+s16+$0x0], $0xffff  }
.LBB2_11:
0x185: {  	p0 =	sne.s32 s10, $0x7C  }
0x186: {  	v8 =	vld [tilespmem:s5+$0x50];
	s20 =	sadd.s32 $0x200, s20;
	s13 =	smov.u32 s10;
	s10 =	sadd.s32 $0x4, s10  }
0x187: {  	v9 =	vld [tilespmem:s5+$0x70];
	_ =	sdelay $0x1  }
0x188: {  	v6 =	vmul.f32 v6, v3;
	v7 =	vmul.f32 v7, v3  }
0x189: {  	v4 =	vmul.f32 v4, v3;
	v5 =	vmul.f32 v5, v3  }
0x18a: {  	v1 =	vmul.f32 v1, v3;
	v2 =	vmul.f32 v2, v3;
	[tilespmem:s5+$0x60] =	vst v6  }
0x18b: {  	[tilespmem:s5+$0x40] =	vst v4;
	v4 =	vmul.f32 v8, v3;
	v3 =	vmul.f32 v9, v3  }
0x18c: {  	s15 =	sadd.s32 $0x3, s25;
	s25 =	smov.u32 s13;
	[tilespmem:s5+$0x20] =	vst v1;
	v6 =	vld [tilespmem:s5+$0x80]  }
0x18d: {  	v1 =	vld [tilespmem:s20+$0x20];
	[tilespmem:s5+$0x0] =	vst v7;
	v7 =	vmov s15  }
0x18e: {  	[tilespmem:s5+$0x50] =	vst v4;
	v4 =	vld [tilespmem:s5+$0xE0]  }
0x18f: {  	[tilespmem:s5+$0x30] =	vst v2;
	v8 =	vld [tilespmem:s5+$0xC0]  }
0x190: {  	v2 =	vld [tilespmem:s20+$0x30];
	[tilespmem:s5+$0x10] =	vst v5  }
0x191: {  	[tilespmem:s5+$0x70] =	vst v3;
	v3 =	vld [tilespmem:s5+$0xA0]  }
0x192: {  	v5 =	vld.idx.msk [tilespmem:v7+s16+$0x0], $0xffff  }
0x193: {  	v7 =	vld [tilespmem:s5+$0x90]  }
0x194: {  	v9 =	vld [tilespmem:s5+$0xB0]  }
0x195: {  	v10 =	vld [tilespmem:s5+$0xD0]  }
0x196: {  	v11 =	vld [tilespmem:s5+$0xF0];
	_ =	sdelay $0x1  }
0x197: {  	v6 =	vmul.f32 v6, v5;
	v7 =	vmul.f32 v7, v5  }
0x198: {  	v3 =	vmul.f32 v3, v5;
	v9 =	vmul.f32 v9, v5  }
0x199: {  	v12 =	vmov s25;
	[tilespmem:s5+$0x80] =	vst v6;
	v6 =	vmul.f32 v8, v5;
	v8 =	vmul.f32 v10, v5  }
0x19a: {  	v10 =	vand.u32 $0xFFFFFFFC, v12;
	[tilespmem:s5+$0xA0] =	vst v3;
	v3 =	vmul.f32 v4, v5;
	v4 =	vmul.f32 v11, v5  }
0x19b: {  	v5 =	vbroadcast v10, $0x0;
	[tilespmem:s5+$0xC0] =	vst v6  }
0x19c: {  	[tilespmem:s5+$0xF0] =	vst v4  }
0x19d: {  	v4 =	vld [tilespmem:s20+$0xFFFFFF40];
	[tilespmem:s5+$0xE0] =	vst v3  }
0x19e: {  	v3 =	vld [tilespmem:s20+$0xFFFFFF50];
	[tilespmem:s5+$0x90] =	vst v7  }
0x19f: {  	v6 =	vld [tilespmem:s20+$0xFFFFFF60];
	[tilespmem:s5+$0xB0] =	vst v9  }
0x1a0: {  	v7 =	vld [tilespmem:s20+$0xFFFFFF70];
	[tilespmem:s5+$0xD0] =	vst v8;
	s5 =	smov.u32 s20  }
0x1a1: {  	v5 =	vld.idx.msk [tilespmem:v5+s16+$0x0], $0xffff  }
0x1a2: {  	v8 =	vld [tilespmem:s20+$0xFFFFFF00]  }
0x1a3: {  	v9 =	vld [tilespmem:s20+$0xFFFFFF20]  }
0x1a4: {  	v10 =	vld [tilespmem:s20+$0xFFFFFF10]  }
0x1a5: {  	v11 =	vld [tilespmem:s20+$0xFFFFFF30];
	_ =	sdelay $0x1  }
0x1a6: {  	v7 =	vmul.f32 v7, v5;
	v8 =	vmul.f32 v8, v5  }
0x1a7: {  	s13 =	sadd.s32 $0x1, s25;
	v6 =	vmul.f32 v6, v5;
	v9 =	vmul.f32 v9, v5  }
0x1a8: {  	v3 =	vmul.f32 v3, v5;
	v10 =	vmul.f32 v10, v5;
	[tilespmem:s20+$0xFFFFFF70] =	vst v7;
	v7 =	vmov s13  }
0x1a9: {  	v4 =	vmul.f32 v4, v5;
	[tilespmem:s20+$0xFFFFFF00] =	vst v8;
	v8 =	vmul.f32 v11, v5;
	v5 =	vand.u32 $0xFFFFFFFD, v7  }
0x1aa: {  	[tilespmem:s20+$0xFFFFFF20] =	vst v9;
	v5 =	vbroadcast v5, $0x0  }
0x1ab: {  	[tilespmem:s20+$0xFFFFFF50] =	vst v3  }
0x1ac: {  	[tilespmem:s20+$0xFFFFFF40] =	vst v4;
	v3 =	vld [tilespmem:s20+$0xFFFFFFF0]  }
0x1ad: {  	[tilespmem:s20+$0xFFFFFF60] =	vst v6;
	v4 =	vld [tilespmem:s20+$0xFFFFFFC0]  }
0x1ae: {  	[tilespmem:s20+$0xFFFFFF30] =	vst v8;
	v6 =	vld [tilespmem:s20+$0xFFFFFFD0]  }
0x1af: {  	[tilespmem:s20+$0xFFFFFF10] =	vst v10;
	v7 =	vld [tilespmem:s20+$0xFFFFFF90]  }
0x1b0: {  	v5 =	vld.idx.msk [tilespmem:v5+s16+$0x0], $0xffff  }
0x1b1: {  	v8 =	vld [tilespmem:s20+$0xFFFFFF80]  }
0x1b2: {  	v9 =	vld [tilespmem:s20+$0xFFFFFFA0]  }
0x1b3: {  	v10 =	vld [tilespmem:s20+$0xFFFFFFB0]  }
0x1b4: {  	v11 =	vld [tilespmem:s20+$0xFFFFFFE0];
	_ =	sdelay $0x1  }
0x1b5: {  	v7 =	vmul.f32 v7, v5;
	v8 =	vmul.f32 v8, v5  }
0x1b6: {  	s13 =	sadd.s32 $0x2, s25;
	v6 =	vmul.f32 v6, v5;
	v9 =	vmul.f32 v9, v5  }
0x1b7: {  	v4 =	vmul.f32 v4, v5;
	[tilespmem:s20+$0xFFFFFF90] =	vst v7;
	v7 =	vmul.f32 v10, v5;
	v10 =	vmov s13  }
0x1b8: {  	v3 =	vmul.f32 v3, v5;
	[tilespmem:s20+$0xFFFFFFA0] =	vst v9;
	v9 =	vmul.f32 v11, v5;
	v5 =	vand.u32 $0xFFFFFFFE, v10  }
0x1b9: {  	[tilespmem:s20+$0xFFFFFF80] =	vst v8;
	v5 =	vbroadcast v5, $0x0  }
0x1ba: {  	[tilespmem:s20+$0xFFFFFFB0] =	vst v7  }
0x1bb: {  	[tilespmem:s20+$0xFFFFFFC0] =	vst v4  }
0x1bc: {  	[tilespmem:s20+$0xFFFFFFD0] =	vst v6  }
.Ltmp4:
0x1bd: {  	[tilespmem:s20+$0xFFFFFFF0] =	vst v3;
	v4 =	vld [tilespmem:s20+$0x40];
	(pc) =	sbr.rel @p0 .LBB2_11-.Ltmp4, $4  }
0x1be: {  	[tilespmem:s20+$0xFFFFFFE0] =	vst v9;
	v6 =	vld [tilespmem:s20+$0x60]  }
0x1bf: {  	v3 =	vld.idx.msk [tilespmem:v5+s16+$0x0], $0xffff  }
0x1c0: {  	v7 =	vld [tilespmem:s20+$0x0]  }
0x1c1: {  	v5 =	vld [tilespmem:s20+$0x10]  }
0x1c2: {  	_ =	sdelay $0x1  }
0x1c3: {  	v6 =	vmul.f32 v6, v3  }
0x1c4: {  	v8 =	vld [tilespmem:s5+$0x50];
	v4 =	vmul.f32 v4, v3  }
0x1c5: {  	v9 =	vld [tilespmem:s5+$0x70];
	v1 =	vmul.f32 v1, v3;
	[tilespmem:s5+$0x60] =	vst v6  }
0x1c6: {  	v54 =	vmul.f32 v7, v3;
	[tilespmem:s5+$0x40] =	vst v4  }
0x1c7: {  	s10 =	sadd.s32 $0x3, s25;
	[tilespmem:s5+$0x20] =	vst v1;
	v1 =	vmul.f32 v2, v3  }
0x1c8: {  	v56 =	vmov s10;
	v5 =	vmul.f32 v5, v3;
	[tilespmem:s5+$0x0] =	vst v54  }
0x1c9: {  	v55 =	vmul.f32 v8, v3;
	[tilespmem:s5+$0x30] =	vst v1  }
0x1ca: {  	v3 =	vmul.f32 v9, v3;
	[tilespmem:s5+$0x10] =	vst v5  }
0x1cb: {  	[tilespmem:s5+$0x50] =	vst v55  }
0x1cc: {  	v2 =	vld [tilespmem:s5+$0x80];
	[tilespmem:s5+$0x70] =	vst v3  }
0x1cd: {  	v1 =	vld.idx.msk [tilespmem:v56+s16+$0x0], $0xffff  }
0x1ce: {  	v3 =	vld [tilespmem:s5+$0xA0]  }
0x1cf: {  	v59 =	vld [tilespmem:s5+$0xE0]  }
0x1d0: {  	v57 =	vld [tilespmem:s5+$0xC0]  }
0x1d1: {  	v58 =	vld [tilespmem:s5+$0xF0]  }
0x1d2: {  	v60 =	vld [tilespmem:s5+$0x90];
	v2 =	vmul.f32 v2, v1  }
0x1d3: {  	v61 =	vld [tilespmem:s5+$0xB0];
	v3 =	vmul.f32 v3, v1  }
0x1d4: {  	v62 =	vld [tilespmem:s5+$0xD0];
	v63 =	vmul.f32 v59, v1;
	[tilespmem:s5+$0x80] =	vst v2  }
0x1d5: {  	v2 =	vmul.f32 v57, v1;
	[tilespmem:s5+$0xA0] =	vst v3  }
0x1d6: {  	s24 =	sadd.s32 $0x1, s24;
	v3 =	vmul.f32 v58, v1;
	[tilespmem:s5+$0xE0] =	vst v63  }
0x1d7: {  	p0 =	sne.s32 s24, $0x27;
	[tilespmem:s5+$0xC0] =	vst v2;
	v2 =	vmul.f32 v60, v1  }
.Ltmp5:
0x1d8: {  	[tilespmem:s5+$0xF0] =	vst v3;
	v3 =	vmul.f32 v61, v1;
	(pc) =	sbr.rel @p0 .LBB2_6-.Ltmp5, $4  }
0x1d9: {  	v1 =	vmul.f32 v62, v1;
	[tilespmem:s5+$0x90] =	vst v2  }
0x1da: {  	[tilespmem:s5+$0xB0] =	vst v3  }
0x1db: {  	[tilespmem:s5+$0xD0] =	vst v1  }
0x1dc: {  	[spmem:s3] =	stream.indirect.scatter.add.f32 [tilespmem:s14], [sflag:$0x6], $0x80, s22, s29, $0xb8;
	[tilespmem:$0x1D080] =	vst v63  }
0x1dd: {  	_ =	swait.ge [sflag:s23], $0x4000  }
0x1de: {  	[sflag:s23] =	ssyncset.done $0x0  }
0x1df: {  	s5 =	simm.s32 $0x6;
	[sflag:s23] =	ssyncadd.s32 $0xFFFFC000  }
0x1e0: {  	_ =	swait.ge [sflag:s5], $0x4000  }
0x1e1: {  	[sflag:s5] =	ssyncset.done $0x0  }
0x1e2: {  	s24 =	simm.s32 $0x0;
	s31 =	rddreg [dreg:$0x10];
	[sflag:s5] =	ssyncadd.s32 $0xFFFFC000  }
0x1e3: {  	[tilespmem:s24], [sflag:$0x7] =	stream.linear.gather [hbm4b:s31+s24], $0x10, $0x38;
	[tilespmem:$0x1D080] =	vst v63  }
0x1e4: {  	_ =	swait.ge [sflag:s28], $0x10  }
0x1e5: {  	[sflag:s28] =	ssyncset.done $0x0  }
0x1e6: {  	s10 =	rddreg [dreg:$0x11];
	[sflag:s28] =	ssyncadd.s32 $0xFFFFFFF0  }
0x1e7: {  	[tilespmem:s29], [sflag:$0x7] =	stream.linear.gather [hbm4b:s10+s24], $0x10, $0x38;
	[tilespmem:$0x1D080] =	vst v63  }
0x1e8: {  	_ =	swait.ge [sflag:s28], $0x10  }
0x1e9: {  	[sflag:s28] =	ssyncset.done $0x0  }
0x1ea: {  	s25 =	simm.s32 $0x100;
	s13 =	rddreg [dreg:$0x12];
	[sflag:s28] =	ssyncadd.s32 $0xFFFFFFF0  }
0x1eb: {  	[tilespmem:s25], [sflag:$0x7] =	stream.linear.gather [hbm4b:s13+s24], $0x10, $0x38;
	[tilespmem:$0x1D080] =	vst v63  }
0x1ec: {  	_ =	swait.ge [sflag:s28], $0x10  }
0x1ed: {  	[sflag:s28] =	ssyncset.done $0x0  }
0x1ee: {  	[sflag:s28] =	ssyncadd.s32 $0xFFFFFFF0  }
0x1ef: {  	v1 =	vld [tilespmem:$0x100]  }
0x1f0: {  	v2 =	vld [tilespmem:$0x0]  }
0x1f1: {  	v3 =	vld [tilespmem:$0x80];
	_ =	sdelay $0x2  }
0x1f2: {  	v4 =	vmul.u32 $0x2710, v1;
	_ =	sdelay $0x1  }
0x1f3: {  	[tilespmem:$0x700] =	vst v3;
	v2 =	vadd.s32 v2, v4;
	v4 =	vshll.u32 v3, $0x3  }
0x1f4: {  	[tilespmem:$0x600] =	vst v2;
	v1 =	vadd.s32 v1, v4  }
0x1f5: {  	s30 =	simm.s32 $0x10;
	s15 =	simm.s32 $0x600;
	[tilespmem:$0x680] =	vst v1  }
0x1f6: {  	[tilespmem:s4], [sflag:$0x3] =	stream.indirect.gather [hbm4b:s7+s30], $0x80, s15, s30, $0xb8;
	[tilespmem:$0x1D080] =	vst v63  }
0x1f7: {  	v1 =	vmov s24;
	_ =	swait.ge [sflag:s17], $0x800  }
0x1f8: {  	v1 =	vand.u32 $0xFFFFFFFC, v1;
	[sflag:s17] =	ssyncset.done $0x0  }
0x1f9: {  	s20 =	simm.s32 $0x680;
	v1 =	vbroadcast v1, $0x0;
	[sflag:s17] =	ssyncadd.s32 $0xFFFFF800  }
0x1fa: {  	[tilespmem:s11], [sflag:$0x3] =	stream.indirect.gather [hbm4b:s8+s30], $0x1, s20, s30, $0xb8;
	[tilespmem:$0x1D080] =	vst v63  }
0x1fb: {  	_ =	swait.ge [sflag:s17], $0x10  }
0x1fc: {  	[sflag:s17] =	ssyncset.done $0x0  }
0x1fd: {  	s5 =	simm.s32 $0x980;
	[sflag:s17] =	ssyncadd.s32 $0xFFFFFFF0  }
0x1fe: {  	v2 =	vld [tilespmem:s5+$0xFFFFFF70]  }
0x1ff: {  	v1 =	vld.idx.msk [tilespmem:v1+s11+$0x0], $0xffff  }
0x200: {  	v3 =	vld [tilespmem:s5+$0xFFFFFF00]  }
0x201: {  	v4 =	vld [tilespmem:s5+$0xFFFFFF20]  }
0x202: {  	v5 =	vld [tilespmem:s5+$0xFFFFFF50]  }
0x203: {  	v6 =	vld [tilespmem:s5+$0xFFFFFF40]  }
0x204: {  	v7 =	vld [tilespmem:s5+$0xFFFFFF60];
	v2 =	vmul.f32 v2, v1  }
0x205: {  	s10 =	simm.s32 $0x1;
	v8 =	vld [tilespmem:s5+$0xFFFFFF30];
	v3 =	vmul.f32 v3, v1  }
0x206: {  	v9 =	vld [tilespmem:s5+$0xFFFFFF10];
	v4 =	vmul.f32 v4, v1;
	[tilespmem:s5+$0xFFFFFF70] =	vst v2;
	v2 =	vmov s10  }
0x207: {  	v5 =	vmul.f32 v5, v1;
	[tilespmem:s5+$0xFFFFFF00] =	vst v3;
	v2 =	vand.u32 $0xFFFFFFFD, v2  }
0x208: {  	v3 =	vmul.f32 v6, v1;
	[tilespmem:s5+$0xFFFFFF20] =	vst v4;
	v2 =	vbroadcast v2, $0x0  }
0x209: {  	v4 =	vmul.f32 v7, v1;
	[tilespmem:s5+$0xFFFFFF50] =	vst v5  }
0x20a: {  	v5 =	vmul.f32 v8, v1;
	[tilespmem:s5+$0xFFFFFF40] =	vst v3  }
0x20b: {  	v1 =	vmul.f32 v9, v1;
	[tilespmem:s5+$0xFFFFFF60] =	vst v4  }
0x20c: {  	[tilespmem:s5+$0xFFFFFF30] =	vst v5  }
0x20d: {  	[tilespmem:s5+$0xFFFFFF10] =	vst v1;
	v1 =	vld [tilespmem:s5+$0xFFFFFF90]  }
0x20e: {  	v3 =	vld.idx.msk [tilespmem:v2+s11+$0x0], $0xffff  }
0x20f: {  	v2 =	vld [tilespmem:s5+$0xFFFFFFA0]  }
0x210: {  	v4 =	vld [tilespmem:s5+$0xFFFFFF80]  }
0x211: {  	v5 =	vld [tilespmem:s5+$0xFFFFFFB0]  }
0x212: {  	v6 =	vld [tilespmem:s5+$0xFFFFFFC0]  }
0x213: {  	v7 =	vld [tilespmem:s5+$0xFFFFFFD0];
	v1 =	vmul.f32 v1, v3  }
0x214: {  	s31 =	simm.s32 $0x2;
	v8 =	vld [tilespmem:s5+$0xFFFFFFF0];
	v2 =	vmul.f32 v2, v3  }
0x215: {  	v63 =	vld [tilespmem:s5+$0xFFFFFFE0];
	v4 =	vmul.f32 v4, v3;
	[tilespmem:s5+$0xFFFFFF90] =	vst v1;
	v1 =	vmov s31  }
0x216: {  	v5 =	vmul.f32 v5, v3;
	[tilespmem:s5+$0xFFFFFFA0] =	vst v2;
	v1 =	vand.u32 $0xFFFFFFFE, v1  }
0x217: {  	v2 =	vmul.f32 v6, v3;
	[tilespmem:s5+$0xFFFFFF80] =	vst v4;
	v6 =	vld [tilespmem:s5+$0x60];
	v10 =	vbroadcast v1, $0x0  }
0x218: {  	v4 =	vmul.f32 v7, v3;
	[tilespmem:s5+$0xFFFFFFB0] =	vst v5;
	v7 =	vld [tilespmem:s5+$0x0]  }
0x219: {  	v5 =	vmul.f32 v8, v3;
	v1 =	vld [tilespmem:s5+$0x20];
	[tilespmem:s5+$0xFFFFFFC0] =	vst v2  }
0x21a: {  	v3 =	vmul.f32 v63, v3;
	v2 =	vld [tilespmem:s5+$0x30];
	[tilespmem:s5+$0xFFFFFFD0] =	vst v4  }
0x21b: {  	[tilespmem:s5+$0xFFFFFFF0] =	vst v5;
	v4 =	vld [tilespmem:s5+$0x40]  }
0x21c: {  	[tilespmem:s5+$0xFFFFFFE0] =	vst v3;
	v5 =	vld [tilespmem:s5+$0x10]  }
0x21d: {  	s20 =	simm.s32 $0x980;
	s10 =	simm.s32 $0x4;
	v3 =	vld.idx.msk [tilespmem:v10+s11+$0x0], $0xffff  }
.LBB2_14:
0x21e: {  	p0 =	sne.s32 s10, $0xC  }
0x21f: {  	v8 =	vld [tilespmem:s5+$0x50];
	s20 =	sadd.s32 $0x200, s20;
	s13 =	smov.u32 s10;
	s10 =	sadd.s32 $0x4, s10  }
0x220: {  	v9 =	vld [tilespmem:s5+$0x70];
	_ =	sdelay $0x1  }
0x221: {  	v6 =	vmul.f32 v6, v3;
	v7 =	vmul.f32 v7, v3  }
0x222: {  	v4 =	vmul.f32 v4, v3;
	v5 =	vmul.f32 v5, v3  }
0x223: {  	v1 =	vmul.f32 v1, v3;
	v2 =	vmul.f32 v2, v3;
	[tilespmem:s5+$0x60] =	vst v6  }
0x224: {  	[tilespmem:s5+$0x40] =	vst v4;
	v4 =	vmul.f32 v8, v3;
	v3 =	vmul.f32 v9, v3  }
0x225: {  	s15 =	sadd.s32 $0x3, s24;
	s24 =	smov.u32 s13;
	[tilespmem:s5+$0x20] =	vst v1;
	v6 =	vld [tilespmem:s5+$0x80]  }
0x226: {  	v1 =	vld [tilespmem:s20+$0x20];
	[tilespmem:s5+$0x0] =	vst v7;
	v7 =	vmov s15  }
0x227: {  	[tilespmem:s5+$0x50] =	vst v4;
	v4 =	vld [tilespmem:s5+$0xE0]  }
0x228: {  	[tilespmem:s5+$0x30] =	vst v2;
	v8 =	vld [tilespmem:s5+$0xC0]  }
0x229: {  	v2 =	vld [tilespmem:s20+$0x30];
	[tilespmem:s5+$0x10] =	vst v5  }
0x22a: {  	[tilespmem:s5+$0x70] =	vst v3;
	v3 =	vld [tilespmem:s5+$0xA0]  }
0x22b: {  	v5 =	vld.idx.msk [tilespmem:v7+s11+$0x0], $0xffff  }
0x22c: {  	v7 =	vld [tilespmem:s5+$0x90]  }
0x22d: {  	v9 =	vld [tilespmem:s5+$0xB0]  }
0x22e: {  	v10 =	vld [tilespmem:s5+$0xD0]  }
0x22f: {  	v11 =	vld [tilespmem:s5+$0xF0];
	_ =	sdelay $0x1  }
0x230: {  	v6 =	vmul.f32 v6, v5;
	v7 =	vmul.f32 v7, v5  }
0x231: {  	v3 =	vmul.f32 v3, v5;
	v9 =	vmul.f32 v9, v5  }
0x232: {  	v12 =	vmov s24;
	[tilespmem:s5+$0x80] =	vst v6;
	v6 =	vmul.f32 v8, v5;
	v8 =	vmul.f32 v10, v5  }
0x233: {  	v10 =	vand.u32 $0xFFFFFFFC, v12;
	[tilespmem:s5+$0xA0] =	vst v3;
	v3 =	vmul.f32 v4, v5;
	v4 =	vmul.f32 v11, v5  }
0x234: {  	v5 =	vbroadcast v10, $0x0;
	[tilespmem:s5+$0xC0] =	vst v6  }
0x235: {  	[tilespmem:s5+$0xF0] =	vst v4  }
0x236: {  	v4 =	vld [tilespmem:s20+$0xFFFFFF40];
	[tilespmem:s5+$0xE0] =	vst v3  }
0x237: {  	v3 =	vld [tilespmem:s20+$0xFFFFFF50];
	[tilespmem:s5+$0x90] =	vst v7  }
0x238: {  	v6 =	vld [tilespmem:s20+$0xFFFFFF60];
	[tilespmem:s5+$0xB0] =	vst v9  }
0x239: {  	v7 =	vld [tilespmem:s20+$0xFFFFFF70];
	[tilespmem:s5+$0xD0] =	vst v8;
	s5 =	smov.u32 s20  }
0x23a: {  	v5 =	vld.idx.msk [tilespmem:v5+s11+$0x0], $0xffff  }
0x23b: {  	v8 =	vld [tilespmem:s20+$0xFFFFFF00]  }
0x23c: {  	v9 =	vld [tilespmem:s20+$0xFFFFFF20]  }
0x23d: {  	v10 =	vld [tilespmem:s20+$0xFFFFFF10]  }
0x23e: {  	v11 =	vld [tilespmem:s20+$0xFFFFFF30];
	_ =	sdelay $0x1  }
0x23f: {  	v7 =	vmul.f32 v7, v5;
	v8 =	vmul.f32 v8, v5  }
0x240: {  	s13 =	sadd.s32 $0x1, s24;
	v6 =	vmul.f32 v6, v5;
	v9 =	vmul.f32 v9, v5  }
0x241: {  	v3 =	vmul.f32 v3, v5;
	v10 =	vmul.f32 v10, v5;
	[tilespmem:s20+$0xFFFFFF70] =	vst v7;
	v7 =	vmov s13  }
0x242: {  	v4 =	vmul.f32 v4, v5;
	[tilespmem:s20+$0xFFFFFF00] =	vst v8;
	v8 =	vmul.f32 v11, v5;
	v5 =	vand.u32 $0xFFFFFFFD, v7  }
0x243: {  	[tilespmem:s20+$0xFFFFFF20] =	vst v9;
	v5 =	vbroadcast v5, $0x0  }
0x244: {  	[tilespmem:s20+$0xFFFFFF50] =	vst v3  }
0x245: {  	[tilespmem:s20+$0xFFFFFF40] =	vst v4;
	v3 =	vld [tilespmem:s20+$0xFFFFFFF0]  }
0x246: {  	[tilespmem:s20+$0xFFFFFF60] =	vst v6;
	v4 =	vld [tilespmem:s20+$0xFFFFFFC0]  }
0x247: {  	[tilespmem:s20+$0xFFFFFF30] =	vst v8;
	v6 =	vld [tilespmem:s20+$0xFFFFFFD0]  }
0x248: {  	[tilespmem:s20+$0xFFFFFF10] =	vst v10;
	v7 =	vld [tilespmem:s20+$0xFFFFFF90]  }
0x249: {  	v5 =	vld.idx.msk [tilespmem:v5+s11+$0x0], $0xffff  }
0x24a: {  	v8 =	vld [tilespmem:s20+$0xFFFFFF80]  }
0x24b: {  	v9 =	vld [tilespmem:s20+$0xFFFFFFA0]  }
0x24c: {  	v10 =	vld [tilespmem:s20+$0xFFFFFFB0]  }
0x24d: {  	v11 =	vld [tilespmem:s20+$0xFFFFFFE0];
	_ =	sdelay $0x1  }
0x24e: {  	v7 =	vmul.f32 v7, v5;
	v8 =	vmul.f32 v8, v5  }
0x24f: {  	s13 =	sadd.s32 $0x2, s24;
	v6 =	vmul.f32 v6, v5;
	v9 =	vmul.f32 v9, v5  }
0x250: {  	v4 =	vmul.f32 v4, v5;
	[tilespmem:s20+$0xFFFFFF90] =	vst v7;
	v7 =	vmul.f32 v10, v5;
	v10 =	vmov s13  }
0x251: {  	v3 =	vmul.f32 v3, v5;
	[tilespmem:s20+$0xFFFFFFA0] =	vst v9;
	v9 =	vmul.f32 v11, v5;
	v5 =	vand.u32 $0xFFFFFFFE, v10  }
0x252: {  	[tilespmem:s20+$0xFFFFFF80] =	vst v8;
	v5 =	vbroadcast v5, $0x0  }
0x253: {  	[tilespmem:s20+$0xFFFFFFB0] =	vst v7  }
0x254: {  	[tilespmem:s20+$0xFFFFFFC0] =	vst v4  }
0x255: {  	[tilespmem:s20+$0xFFFFFFD0] =	vst v6  }
.Ltmp6:
0x256: {  	[tilespmem:s20+$0xFFFFFFF0] =	vst v3;
	v4 =	vld [tilespmem:s20+$0x40];
	(pc) =	sbr.rel @p0 .LBB2_14-.Ltmp6, $4  }
0x257: {  	[tilespmem:s20+$0xFFFFFFE0] =	vst v9;
	v6 =	vld [tilespmem:s20+$0x60]  }
0x258: {  	v3 =	vld.idx.msk [tilespmem:v5+s11+$0x0], $0xffff  }
0x259: {  	v7 =	vld [tilespmem:s20+$0x0]  }
0x25a: {  	v5 =	vld [tilespmem:s20+$0x10]  }
0x25b: {  	_ =	sdelay $0x1  }
0x25c: {  	v6 =	vmul.f32 v6, v3  }
0x25d: {  	v8 =	vld [tilespmem:s5+$0x50];
	v4 =	vmul.f32 v4, v3  }
0x25e: {  	v9 =	vld [tilespmem:s5+$0x70];
	v1 =	vmul.f32 v1, v3;
	[tilespmem:s5+$0x60] =	vst v6  }
0x25f: {  	v54 =	vmul.f32 v7, v3;
	[tilespmem:s5+$0x40] =	vst v4  }
0x260: {  	s10 =	sadd.s32 $0x3, s24;
	[tilespmem:s5+$0x20] =	vst v1;
	v1 =	vmul.f32 v2, v3  }
0x261: {  	v56 =	vmov s10;
	v5 =	vmul.f32 v5, v3;
	[tilespmem:s5+$0x0] =	vst v54  }
0x262: {  	v55 =	vmul.f32 v8, v3;
	[tilespmem:s5+$0x30] =	vst v1  }
0x263: {  	v3 =	vmul.f32 v9, v3;
	[tilespmem:s5+$0x10] =	vst v5  }
0x264: {  	[tilespmem:s5+$0x50] =	vst v55  }
0x265: {  	v2 =	vld [tilespmem:s5+$0x80];
	[tilespmem:s5+$0x70] =	vst v3  }
0x266: {  	v1 =	vld.idx.msk [tilespmem:v56+s11+$0x0], $0xffff  }
0x267: {  	v3 =	vld [tilespmem:s5+$0xA0]  }
0x268: {  	v59 =	vld [tilespmem:s5+$0xE0]  }
0x269: {  	v57 =	vld [tilespmem:s5+$0xC0]  }
0x26a: {  	v58 =	vld [tilespmem:s5+$0xF0]  }
0x26b: {  	v60 =	vld [tilespmem:s5+$0x90];
	v2 =	vmul.f32 v2, v1  }
0x26c: {  	v61 =	vld [tilespmem:s5+$0xB0];
	v3 =	vmul.f32 v3, v1  }
0x26d: {  	v62 =	vld [tilespmem:s5+$0xD0];
	v63 =	vmul.f32 v59, v1;
	[tilespmem:s5+$0x80] =	vst v2  }
0x26e: {  	v2 =	vmul.f32 v57, v1;
	[tilespmem:s5+$0xA0] =	vst v3  }
0x26f: {  	v3 =	vmul.f32 v58, v1;
	[tilespmem:s5+$0xE0] =	vst v63  }
0x270: {  	[tilespmem:s5+$0xC0] =	vst v2;
	v2 =	vmul.f32 v60, v1  }
0x271: {  	[tilespmem:s5+$0xF0] =	vst v3;
	v3 =	vmul.f32 v61, v1  }
0x272: {  	v1 =	vmul.f32 v62, v1;
	[tilespmem:s5+$0x90] =	vst v2  }
0x273: {  	[tilespmem:s5+$0xB0] =	vst v3  }
0x274: {  	s15 =	simm.s32 $0x700;
	[tilespmem:s5+$0xD0] =	vst v1  }
0x275: {  	[spmem:s3] =	stream.indirect.scatter.add.f32 [tilespmem:s4], [sflag:$0x7], $0x80, s15, s30, $0xb8;
	[tilespmem:$0x1D080] =	vst v63  }
0x276: {  	_ =	swait.ge [sflag:s28], $0x800  }
0x277: {  	[sflag:s28] =	ssyncset.done $0x0  }
0x278: {  	s20 =	stileid.u32;
	[sflag:s28] =	ssyncadd.s32 $0xFFFFF800  }
0x279: {  	s5 =	sshll.u32 s20, $0x6;
	[bflag:$0x0] =	sbarrier.arrive $0xFFFF  }
0x27a: {  	s24 =	sshrl.u32 s9, $0x3;
	s5 =	sor.u32 $0x1C07, s5;
	s13 =	rddreg [dreg:$0x13]  }
0x27b: {  	[hbm:s13], [sflag:s5] =	dma.local [spmem:s24], $0x2800  }
0x27c: {  	_ =	swait.ge [sflag:s28], $0x2800  }
0x27d: {  	s30 =	rddreg [dreg:$0x5]  }
0x27e: {  	s31 =	rddreg [dreg:$0x14];
	s13 =	sadd.s32 $0x1, s30  }
0x27f: {  	p0 =	sne.s32 s13, s31  }
.Ltmp7:
0x280: {  	_ = 	snop;
	(pc) =	sbr.rel @p0 .LBB2_1-.Ltmp7, $3  }
0x281: {  	_ =	sdelay $0x1  }
0x282: {  	[sflag:s28] =	ssyncset.done $0x0  }
0x283: {  	[sflag:s28] =	ssyncadd.s32 $0xFFFFD800  }
0x284: {  	_ =	sfence.sel $0x180000  }
0x285: {  	[bflag:$0x0] =	sbarrier.arrive $0xFFFF  }
0x286: {  	_ =	strace $0x9000004A  }
0x287: {  	s0 =	stileid.u32;
	[bflag:$0x2] =	sbarrier.arrive $0xFFFF  }
0x288: {  	p0 =	sne.s32 s0, $0x0;
	s0 =	rddreg [dreg:$0x4]  }
0x289: {  	s0 =	sadd.s32 @!p0 $0x100000, s0  }
0x28a: {  	[sflag:s0] =	ssyncadd.tile.s32 @!p0 $0x1;
	_ =	shalt  }
.Lfunc_end2:
_tile_overlayer_lowered:
.L_overlay_start_2:
0x28b: {  	(tag) =	ssettag $0x2  }
0x28c: {  	s0 =	rddreg [dreg:$0x0];
	s2 =	stileid.u32  }
0x28d: {  	s1 =	rddreg [dreg:$0x1];
	p0 =	sne.s32 s2, $0x0  }
0x28e: {  	s3 =	rddreg [dreg:$0x2];
	[bflag:$0x3] =	sbarrier.arrive $0xFFFF;
	s2 =	simm.s32 @!p0 $0x1C07  }
0x28f: {  	[timem:s3], [sflag:s2] =	dma.local @!p0 [hbm:s0], s1  }
0x290: {  	s0 =	simm.s32 @!p0 $0x7  }
0x291: {  	_ =	swait.ge @!p0 [sflag:s0], s1  }
0x292: {  	s1 =	ssub.s32 @!p0 $0x0, s1;
	[sflag:s0] =	ssyncset.done @!p0 $0x0  }
0x293: {  	[sflag:s0] =	ssyncadd.s32 @!p0 s1  }
0x294: {  	[bflag:$0x3] =	sbarrier.arrive $0xFFFF  }
0x295: {  	_ =	shalt  }

// kernel: kernel.7.cloned.1.call-start
scs
__scs_entry_jumppad:
0x0: {  	(pc) =	sbr.rel $0x88, $3  }
0x1: {  	(tag) =	ssettag $0x0;
	lr =	simm.s32 $0x1  }
0x2: {  	[smem:$0x3F9B] =	sst lr;
	_ =	strace $0xD0000000  }
0x3: {  	_ = 	snop  }
0x4: {  	_ = 	snop  }
0x5: {  	_ = 	snop  }
0x6: {  	_ = 	snop  }
0x7: {  	_ = 	snop  }
__scs_overlays_trampoline_lowered:
0x8: {  	[smem:$0x3FAA] =	sst s0  }
0x9: {  	[smem:$0x3FAB] =	sst s1  }
0xa: {  	[smem:$0x3FAC] =	sst s2  }
0xb: {  	[smem:$0x3FAD] =	sst s3  }
0xc: {  	[smem:$0x3FAE] =	sst s4  }
0xd: {  	[smem:$0x3FAF] =	sst s5  }
0xe: {  	[smem:$0x3FB0] =	sst s6  }
0xf: {  	[smem:$0x3FB1] =	sst s7  }
0x10: {  	[smem:$0x3FB2] =	sst s8  }
0x11: {  	[smem:$0x3FB3] =	sst s9;
	s0 =	simm.s32 @!p0 $0x0  }
0x12: {  	s1 =	sld [smem:$0x3F99];
	s0 =	simm.s32 @p0 $0x1  }
0x13: {  	[smem:$0x3FB4] =	sst s0;
	s0 =	simm.s32 @!p1 $0x0  }
0x14: {  	s2 =	sld [smem:$0x3F98];
	s0 =	simm.s32 @p1 $0x1  }
0x15: {  	[smem:$0x3FB5] =	sst s0;
	s0 =	simm.s32 @!p2 $0x0  }
0x16: {  	s3 =	sld [smem:$0x3FDB];
	s0 =	simm.s32 @p2 $0x1  }
0x17: {  	s4 =	simm.s32 $0x1BF5;
	[smem:$0x3FB7] =	sst s0  }
0x18: {  	s0 =	sld [smem:$0x3F9A];
	_ =	swait.ge [sflag:s4], $0x0  }
0x19: {  	s7 =	sld [smem:$0x3F9B]  }
0x1a: {  	s8 =	sadd.s32 $0xFFFFE003, lr  }
0x1b: {  	s9 =	sadd.s32 $0xFFFFFEF7, lr;
	s5 =	simm.s32 $0xFFFFFFFF;
	p2 =	slt.u32 s8, $0xFFFFF086  }
0x1c: {  	p1 =	slt.u32 s9, $0xF7A;
	s5 =	simm.s32 @!p2 $0x0  }
0x1d: {  	s5 =	simm.s32 @p1 $0x1;
	p0 =	seq.s32 s7, s2  }
0x1e: {  	s7 =	smul.u32 @!p0 $0xF7A, s2;
	p2 =	seq.s32 @!p0 s5, $0x0  }
0x1f: {  	s9 =	smul.u32 $0xF7A, s1;
	s8 =	simm.s32 @!p0 $0x1BF5;
	p2 =	por !p2, p0  }
0x20: {  	[sflag:s8] =	ssyncset.s32 @!p0 $0xFFFFF086;
	s6 =	sadd.s32 @!p0 s3, s7;
	s7 =	simm.s32 @!p0 $0x108  }
0x21: {  	s3 =	sadd.s32 s3, s9;
	s6 =	sadd.s32 @!p0 $0x88, s6;
	s7 =	simm.s32 @p2 $0x1082  }
0x22: {  	[simem:s7], [sflag:s8] =	dma.local @!p0 [hbm:s6], $0xF7A  }
0x23: {  	s9 =	sor.u32 $0xD0000000, s2;
	s6 =	simm.s32 $0x108;
	_ =	swait.ge @!p0 [sflag:s8], $0x0  }
0x24: {  	s3 =	sadd.s32 $0x88, s3;
	s6 =	simm.s32 @!p1 $0x1082;
	[sflag:s4] =	ssyncset.s32 $0xFFFFF086  }
0x25: {  	[simem:s6], [sflag:s4] =	dma.local [hbm:s3], $0xF7A  }
0x26: {  	[smem:$0x3F9B] =	sst s1;
	(tag) =	ssettag s2;
	_ =	strace s9  }
0x27: {  	s1 =	sld [smem:$0x3FAB]  }
0x28: {  	s2 =	sld [smem:$0x3FAC]  }
0x29: {  	s4 =	sld [smem:$0x3FAE]  }
0x2a: {  	p0 =	seq.s32 s5, $0x0;
	s5 =	sld [smem:$0x3FAF]  }
0x2b: {  	s6 =	sld [smem:$0x3FB0]  }
0x2c: {  	s7 =	sld [smem:$0x3FB1]  }
0x2d: {  	s3 =	simm.s32 $0x108;
	s8 =	sld [smem:$0x3FB2]  }
0x2e: {  	s3 =	simm.s32 @!p0 $0x1082;
	s9 =	sld [smem:$0x3FB3]  }
0x2f: {  	lr =	sadd.s32 s0, s3;
	s0 =	sld [smem:$0x3FAA]  }
0x30: {  	s3 =	sld [smem:$0x3FAD]  }
0x31: {  	[smem:$0x3FB6] =	sst s10  }
0x32: {  	s10 =	sld [smem:$0x3FB4];
	_ =	sdelay $0x3  }
0x33: {  	p0 =	seq.s32 s10, $0x1;
	s10 =	sld [smem:$0x3FB6];
	_ =	sdelay $0x3  }
0x34: {  	[smem:$0x3FB6] =	sst s10  }
0x35: {  	s10 =	sld [smem:$0x3FB5];
	_ =	sdelay $0x3  }
0x36: {  	p1 =	seq.s32 s10, $0x1;
	s10 =	sld [smem:$0x3FB6];
	_ =	sdelay $0x3  }
0x37: {  	[smem:$0x3FB6] =	sst s10  }
0x38: {  	s10 =	sld [smem:$0x3FB7]  }
0x39: {  	_ = 	snop;
	(pc) =	sbr.ind lr, $3  }
0x3a: {  	_ = 	snop  }
0x3b: {  	_ = 	snop  }
0x3c: {  	p2 =	seq.s32 s10, $0x1;
	s10 =	sld [smem:$0x3FB6]  }
0x3d: {  	_ =	shalt  }
0x3e: {  	_ =	shalt  }
0x3f: {  	_ =	shalt  }
0x40: {  	_ =	shalt  }
0x41: {  	_ =	shalt  }
0x42: {  	_ =	shalt  }
0x43: {  	_ =	shalt  }
0x44: {  	_ =	shalt  }
0x45: {  	_ =	shalt  }
0x46: {  	_ =	shalt  }
0x47: {  	_ =	shalt  }
0x48: {  	_ =	shalt  }
0x49: {  	_ =	shalt  }
0x4a: {  	_ =	shalt  }
0x4b: {  	_ =	shalt  }
0x4c: {  	_ =	shalt  }
0x4d: {  	_ =	shalt  }
0x4e: {  	_ =	shalt  }
0x4f: {  	_ =	shalt  }
0x50: {  	_ =	shalt  }
0x51: {  	_ =	shalt  }
0x52: {  	_ =	shalt  }
0x53: {  	_ =	shalt  }
0x54: {  	_ =	shalt  }
0x55: {  	_ =	shalt  }
0x56: {  	_ =	shalt  }
0x57: {  	_ =	shalt  }
0x58: {  	_ =	shalt  }
0x59: {  	_ =	shalt  }
0x5a: {  	_ =	shalt  }
0x5b: {  	_ =	shalt  }
0x5c: {  	_ =	shalt  }
0x5d: {  	_ =	shalt  }
0x5e: {  	_ =	shalt  }
0x5f: {  	_ =	shalt  }
0x60: {  	_ =	shalt  }
0x61: {  	_ =	shalt  }
0x62: {  	_ =	shalt  }
0x63: {  	_ =	shalt  }
0x64: {  	_ =	shalt  }
0x65: {  	_ =	shalt  }
0x66: {  	_ =	shalt  }
0x67: {  	_ =	shalt  }
0x68: {  	_ =	shalt  }
0x69: {  	_ =	shalt  }
0x6a: {  	_ =	shalt  }
0x6b: {  	_ =	shalt  }
0x6c: {  	_ =	shalt  }
0x6d: {  	_ =	shalt  }
0x6e: {  	_ =	shalt  }
0x6f: {  	_ =	shalt  }
0x70: {  	_ =	shalt  }
0x71: {  	_ =	shalt  }
0x72: {  	_ =	shalt  }
0x73: {  	_ =	shalt  }
0x74: {  	_ =	shalt  }
0x75: {  	_ =	shalt  }
0x76: {  	_ =	shalt  }
0x77: {  	_ =	shalt  }
0x78: {  	_ =	shalt  }
0x79: {  	_ =	shalt  }
0x7a: {  	_ =	shalt  }
0x7b: {  	_ =	shalt  }
0x7c: {  	_ =	shalt  }
0x7d: {  	_ =	shalt  }
0x7e: {  	_ =	shalt  }
0x7f: {  	_ =	shalt  }
0x80: {  	_ =	shalt  }
0x81: {  	_ =	shalt  }
0x82: {  	_ =	shalt  }
0x83: {  	_ =	shalt  }
0x84: {  	_ =	shalt  }
0x85: {  	_ =	shalt  }
0x86: {  	_ =	shalt  }
0x87: {  	_ =	shalt  }
.Lfunc_end0:
.L_simem_size_0:
called_computation_lowered:
.L_overlay_start_0:
0x88: {  	s2 =	sld [smem:$0x3FD9]  }
0x89: {  	s3 =	sld [smem:$0x3FFE];
	_ =	sdelay $0x1  }
0x8a: {  	s1 =	srdreg.scid  }
0x8b: {  	s0 =	sand.u32 $0x1, s1  }
0x8c: {  	s17 =	sshll.u32 s0, $0xA;
	s2 =	sadd.s32 s3, s2  }
0x8d: {  	s2 =	sadd.s32 s2, s17  }
0x8e: {  	[smem:$0x3FC2] =	sst s2  }
0x8f: {  	_ = 	snop  }
0x90: {  	s2 =	sld [smem:$0x3FC7]  }
0x91: {  	s18 =	sld [smem:$0x3FD0];
	(tm) =	ssettm $0x1  }
0x92: {  	s4 =	sld [smem:$0x3FFB];
	_ =	sdelay $0x3  }
0x93: {  	_ =	strace s4  }
0x94: {  	s4 =	sld [smem:$0x3FFC];
	_ =	sdelay $0x3  }
0x95: {  	_ =	strace s4  }
0x96: {  	s4 =	sld [smem:$0x3FFD];
	_ =	sdelay $0x3  }
0x97: {  	_ =	strace s4  }
0x98: {  	_ =	strace $0x8FFFFFFF  }
0x99: {  	s19 =	sld [smem:$0x3FDB];
	_ =	sdelay $0x1  }
0x9a: {  	s5 =	simm.s32 $_scs_section_size  }
0x9b: {  	s6 =	simm.s32 $_size__tile_overlayer_lowered;
	s7 =	simm.s32 $_tile_overlayer_lowered  }
0x9c: {  	s22 =	simm.s32 $0x1BFF;
	s21 =	sshll.u32 s7, $0x1;
	s4 =	sadd.s32 s5, s19  }
0x9d: {  	s8 =	simm.s32 $0x0;
	s20 =	sshll.u32 s6, $0x1;
	s6 =	sadd.s32 s21, s4  }
0x9e: {  	[timem:s8], [sflag:s22] =	dma.local [hbm:s6], s20  }
0x9f: {  	_ =	swait.ge [sflag:s22], s20  }
0xa0: {  	s5 =	ssub.s32 $0x0, s20;
	[sflag:s22] =	ssyncset.done $0x0  }
0xa1: {  	[sflag:s22] =	ssyncadd.s32 s5;
	_ =	sdelay $0x1  }
0xa2: {  	s23 =	simm.s32 $0x1B8B  }
0xa3: {  	_ =	swait.ge [sflag:s23], $0x1  }
0xa4: {  	[sflag:s23] =	ssyncset.done $0x0  }
0xa5: {  	s25 =	simm.s32 $0x1B8E;
	s24 =	sld [smem:$0x3FFE];
	[sflag:s23] =	ssyncadd.s32 $0xFFFFFFFF  }
0xa6: {  	s26 =	simm.s32 $execute0_lowered;
	[smem:$0x3FD2] =	sst s25  }
0xa7: {  	s6 =	sshll.u32 s26, $0x1;
	_ =	strace $0x80000046;
	[dreg:$0x1] =	wrdreg $0xFFFFFFFF  }
0xa8: {  	s28 =	simm.s32 $_size_execute0_lowered;
	s4 =	sadd.s32 s4, s6;
	[dreg:$0x0] =	wrdreg $0x0  }
0xa9: {  	s6 =	sshll.u32 s28, $0x1;
	[dreg:$0x2] =	wrdreg s4  }
0xaa: {  	[dreg:$0x3] =	wrdreg s6  }
0xab: {  	[dreg:$0x4] =	wrdreg $0xC0  }
0xac: {  	_ =	task [dreg:s8], $0x5FFFF  }
0xad: {  	[dreg:$0x1] =	wrdreg $0xFFFFFFFF  }
0xae: {  	[dreg:$0x0] =	wrdreg $0x60  }
0xaf: {  	[dreg:$0x2] =	wrdreg s18  }
0xb0: {  	[dreg:$0x3] =	wrdreg s2  }
0xb1: {  	[dreg:$0x4] =	wrdreg s24  }
0xb2: {  	[dreg:$0x5] =	wrdreg $0x18000  }
0xb3: {  	[dreg:$0x6] =	wrdreg $0x9  }
0xb4: {  	_ =	task.clear_ibuf [dreg:s8], $0x7FFFF;
	_ =	strace $0x90000046  }
0xb5: {  	s29 =	simm.s32 $0x9;
	_ =	strace $0x80000048  }
0xb6: {  	_ =	swait.ge [sflag:s29], $0x1  }
0xb7: {  	[sflag:s29] =	ssyncadd.s32 $0xFFFFFFFF  }
0xb8: {  	_ =	strace $0x90000048  }
0xb9: {  	_ =	sfence  }
0xba: {  	s30 =	sld [smem:$0x0];
	_ =	sdelay $0x2  }
0xbb: {  	s31 =	sshll.u32 s1, $0xD;
	s1 =	sshrl.u32 s1, $0x2  }
0xbc: {  	s3 =	sand.u32 $0x4000, s31;
	s1 =	sadd.s32 s1, s30  }
0xbd: {  	s0 =	sor.u32 s3, s0;
	s1 =	sshll.u32 s1, $0x11  }
0xbe: {  	s0 =	sor.u32 s1, s0  }
0xbf: {  	s0 =	sadd.s32 $0x8F2B, s0  }
0xc0: {  	[sflag:s0] =	ssyncadd.remote.s32 $0x1  }
0xc1: {  	_ =	sfence.sel $0xFFFF  }
0xc2: {  	[dreg:$0x0] =	wrdreg $0xFFFFFFFF;
	(pc) =	sbr.abs _section_cstart, $3  }
0xc3: {  	[dreg:$0x1] =	wrdreg $0xFFFFFFFF  }
0xc4: {  	_ =	task.clear_ibuf [dreg:s8], $0x2FFFF;
	_ =	strace $0x9FFFFFFF  }
0xc5: {  	(tm) =	ssettm $0x7FFFFFFF  }
tec
execute0_lowered:
.L_overlay_start_1:
0x0: {  	(tag) =	ssettag $0x1  }
0x1: {  	s1 =	rddreg [dreg:$0x0]  }
0x2: {  	s2 =	rddreg [dreg:$0x1]  }
0x3: {  	s0 =	rddreg [dreg:$0x2]  }
0x4: {  	s4 =	rddreg [dreg:$0x3]  }
0x5: {  	s3 =	srdreg.scid;
	s12 =	stileid.u32  }
0x6: {  	s5 =	simm.s32 $0x0;
	s19 =	simm.s32 $0x5;
	s28 =	simm.s32 $0x280  }
0x7: {  	s29 =	simm.s32 $0x3;
	s30 =	simm.s32 $0x4;
	s6 =	smul.u32 $0x2800, s12  }
0x8: {  	s31 =	simm.s32 $0x10;
	s18 =	simm.s32 $0x0;
	s9 =	smul.u32 $0x5000, s12  }
0x9: {  	s3 =	sand.u32 $0x1, s3;
	[smem:$0x7FF] =	sst s5;
	s22 =	smul.u32 $0x2710, s12  }
0xa: {  	s7 =	sshll.u32 s3, $0x7;
	_ =	strace $0x80000047;
	s20 =	sshll.u32 s3, $0x4  }
0xb: {  	s8 =	ssub.s32 $0x2, s3;
	s3 =	smul.u32 $0x27100, s3;
	s6 =	sor.u32 s7, s6  }
0xc: {  	s7 =	sor.u32 s12, s20;
	s10 =	sshrl.u32 s8, $0x1;
	s21 =	sshrl.u32 s9, $0x2  }
0xd: {  	s20 =	simm.s32 $0x80;
	s6 =	sshrl.u32 s6, $0x3;
	s7 =	smul.u32 $0x2710, s7  }
0xe: {  	s14 =	ssub.s32 s8, s10;
	s3 =	sadd.s32 s22, s3;
	s22 =	simm.s32 $0x180  }
0xf: {  	s0 =	sadd.s32 s6, s0;
	s6 =	sadd.s32 s21, s4;
	s13 =	sadd.s32 $0x180, s3  }
0x10: {  	s14 =	smax.u32 s14, $0x1;
	s3 =	sadd.s32 $0x100, s3;
	s21 =	simm.s32 $0x100  }
0x11: {  	s11 =	sshrl.u32 s7, $0x3;
	s16 =	sshrl.u32 s13, $0x3;
	s13 =	sadd.s32 $0xB000, s0  }
0x12: {  	s7 =	sadd.s32 s1, s11;
	s23 =	sadd.s32 $0x10, s11;
	s24 =	sadd.s32 s2, s11  }
.Ltmp0:
0x13: {  	s26 =	sadd.s32 $0x4E0, s11;
	[dreg:$0x5] =	wrdreg s7;
	(pc) =	sbr.rel .LBB2_1-.Ltmp0, $4  }
0x14: {  	s15 =	sadd.s32 s16, s2;
	s16 =	sadd.s32 s16, s1;
	[dreg:$0x6] =	wrdreg s24  }
0x15: {  	s25 =	sadd.s32 s1, s23;
	s10 =	sadd.s32 s2, s23;
	s11 =	sadd.s32 s1, s26  }
0x16: {  	s12 =	sadd.s32 s2, s26;
	s23 =	simm.s32 $0x1;
	s24 =	simm.s32 $0x200  }
0x17: {  	v0 =	vimm.f32 $1.000000000e+00;
	v1 =	vimm.f32 $0.0e+00;
	s26 =	simm.s32 $0x2;
	[dreg:$0x7] =	wrdreg s25;
	s25 =	simm.s32 $0x380  }
.LBB2_6:
0x18: {  	[spmem:s4] =	stream.indirect.scatter.add.f32 [tilespmem:s25], [sflag:$0x4], $0x1, s28, s20, $0xb8;
	[tilespmem:$0x2C00] =	vst v63  }
0x19: {  	_ =	swait.ge [sflag:s29], $0x80  }
0x1a: {  	[sflag:s29] =	ssyncset.done $0x0  }
0x1b: {  	[sflag:s29] =	ssyncadd.s32 $0xFFFFFF80  }
0x1c: {  	_ =	swait.ge [sflag:s30], $0x80  }
0x1d: {  	[sflag:s30] =	ssyncset.done $0x0  }
0x1e: {  	[sflag:s30] =	ssyncadd.s32 $0xFFFFFF80  }
0x1f: {  	[tilespmem:s5], [sflag:$0x5] =	stream.linear.gather [hbm4b:s11+s5], $0x10, $0x38;
	[tilespmem:$0x2C00] =	vst v63  }
0x20: {  	_ =	swait.ge [sflag:s19], $0x10  }
0x21: {  	[sflag:s19] =	ssyncset.done $0x0  }
0x22: {  	[sflag:s19] =	ssyncadd.s32 $0xFFFFFFF0  }
0x23: {  	[tilespmem:s20], [sflag:$0x5] =	stream.linear.gather [hbm4b:s12+s5], $0x10, $0x38;
	[tilespmem:$0x2C00] =	vst v63  }
0x24: {  	_ =	swait.ge [sflag:s19], $0x10  }
0x25: {  	[sflag:s19] =	ssyncset.done $0x0  }
0x26: {  	[sflag:s19] =	ssyncadd.s32 $0xFFFFFFF0  }
0x27: {  	v2 =	vld [tilespmem:$0x0]  }
0x28: {  	v3 =	vld [tilespmem:$0x80];
	_ =	sdelay $0x3  }
0x29: {  	v2 =	vshll.u32 v2, $0x3  }
0x2a: {  	v2 =	vadd.s32 v3, v2  }
0x2b: {  	s0 =	simm.s32 $0x300;
	[tilespmem:$0x300] =	vst v2  }
0x2c: {  	[spmem:s4] =	stream.indirect.scatter.add.f32 [tilespmem:s25], [sflag:$0x5], $0x1, s0, s31, $0xb8;
	[tilespmem:$0x2C00] =	vst v63  }
0x2d: {  	s17 =	stileid.u32;
	s7 =	sshrl.u32 s6, $0x3;
	_ =	swait.ge [sflag:s19], $0x10  }
0x2e: {  	s8 =	simm.s32 $0x20;
	s18 =	sadd.s32 $0x1, s18;
	[sflag:s19] =	ssyncset.done $0x0  }
0x2f: {  	p0 =	sne.s32 s18, s14;
	s0 =	sshll.u32 s17, $0x6;
	[sflag:s19] =	ssyncadd.s32 $0xFFFFFFF0  }
.Ltmp1:
0x30: {  	s0 =	sor.u32 $0x1C05, s0;
	[bflag:$0x0] =	sbarrier.arrive $0xFFFF;
	(pc) =	sbr.rel @!p0 .LBB2_7-.Ltmp1, $4  }
0x31: {  	[hbm:s13@s8], [sflag:s0] =	dma.strided [spmem:s7@s31], $0x280, s23, $0x10   }
0x32: {  	_ =	swait.ge [sflag:s19], $0x280  }
0x33: {  	[sflag:s19] =	ssyncset.done $0x0  }
0x34: {  	[sflag:s19] =	ssyncadd.s32 $0xFFFFFD80  }
.LBB2_1:
0x35: {  	[tilespmem:$0x380] =	vst v0  }
0x36: {  	[tilespmem:$0x390] =	vst v0  }
0x37: {  	[tilespmem:$0x3A0] =	vst v0  }
0x38: {  	[tilespmem:$0x3B0] =	vst v0  }
0x39: {  	[tilespmem:$0x3C0] =	vst v0  }
0x3a: {  	[tilespmem:$0x3D0] =	vst v0  }
0x3b: {  	[tilespmem:$0x3E0] =	vst v0  }
0x3c: {  	[tilespmem:$0x3F0] =	vst v0;
	s0 =	simm.s32 $0x40;
	s17 =	simm.s32 $0x0  }
.LBB2_2:
0x3d: {  	p0 =	sne.s32 s0, $0x4FC0;
	[tilespmem:s17+$0x400] =	vst v1;
	s17 =	smov.u32 s0;
	s0 =	sadd.s32 $0x40, s0  }
.Ltmp2:
0x3e: {  	(pc) =	sbr.rel @p0 .LBB2_2-.Ltmp2, $2  }
0x3f: {  	_ =	sdelay $0x2  }
0x40: {  	s17 =	sshra.s32 s17, $0x2  }
0x41: {  	[tilespmem:s17+$0x400] =	vst v1;
	s0 =	simm.s32 $0x400  }
0x42: {  	[spmem:s6] =	stream.linear.scatter [tilespmem:s0], [sflag:$0x5], $0x1400, $0x38;
	[tilespmem:$0x2C00] =	vst v63  }
0x43: {  	_ =	swait.ge [sflag:s19], $0x1400  }
0x44: {  	[sflag:s19] =	ssyncset.done $0x0  }
0x45: {  	[sflag:s19] =	ssyncadd.s32 $0xFFFFEC00  }
0x46: {  	[bflag:$0x0] =	sbarrier.arrive $0xFFFF  }
0x47: {  	s0 =	simm.s32 $0x0;
	s7 =	rddreg [dreg:$0x5]  }
0x48: {  	[tilespmem:s0], [sflag:$0x1] =	stream.linear.gather [hbm4b:s7+s0], $0x80, $0x38;
	[tilespmem:$0x2C00] =	vst v63  }
0x49: {  	s9 =	rddreg [dreg:$0x6]  }
0x4a: {  	[tilespmem:s20], [sflag:$0x1] =	stream.linear.gather [hbm4b:s9+s0], $0x80, $0x38;
	[tilespmem:$0x2C00] =	vst v63  }
0x4b: {  	s17 =	rddreg [dreg:$0x7]  }
0x4c: {  	[tilespmem:s21], [sflag:$0x2] =	stream.linear.gather [hbm4b:s17+s0], $0x80, $0x38;
	[tilespmem:$0x2C00] =	vst v63  }
0x4d: {  	s17 =	smov.u32 s3  }
0x4e: {  	[tilespmem:s22], [sflag:$0x2] =	stream.linear.gather [hbm4b:s10+s0], $0x80, $0x38;
	[tilespmem:$0x2C00] =	vst v63  }
.LBB2_4:
0x4f: {  	_ =	swait.ge [sflag:s23], $0x80  }
0x50: {  	[sflag:s23] =	ssyncset.done $0x0  }
0x51: {  	[sflag:s23] =	ssyncadd.s32 $0xFFFFFF80  }
0x52: {  	_ =	swait.ge [sflag:s23], $0x80  }
0x53: {  	p0 =	seq.s32 s0, $0x0;
	[sflag:s23] =	ssyncset.done $0x0  }
0x54: {  	s7 =	simm.s32 @!p0 $0x3;
	[sflag:s23] =	ssyncadd.s32 $0xFFFFFF80  }
0x55: {  	_ =	swait.ge @!p0 [sflag:s7], $0x80  }
0x56: {  	[sflag:s7] =	ssyncset.done @!p0 $0x0  }
0x57: {  	[sflag:s7] =	ssyncadd.s32 @!p0 $0xFFFFFF80  }
0x58: {  	v2 =	vld [tilespmem:$0x0]  }
0x59: {  	v3 =	vld [tilespmem:$0x80]  }
0x5a: {  	v4 =	vld [tilespmem:$0x10]  }
0x5b: {  	v5 =	vld [tilespmem:$0x90]  }
0x5c: {  	v6 =	vld [tilespmem:$0x20]  }
0x5d: {  	v7 =	vld [tilespmem:$0xA0]  }
0x5e: {  	v8 =	vld [tilespmem:$0x30]  }
0x5f: {  	v9 =	vld [tilespmem:$0xB0]  }
0x60: {  	v10 =	vld [tilespmem:$0x40]  }
0x61: {  	v11 =	vld [tilespmem:$0xC0]  }
0x62: {  	v12 =	vld [tilespmem:$0x50]  }
0x63: {  	v13 =	vld [tilespmem:$0xD0]  }
0x64: {  	v14 =	vld [tilespmem:$0x60];
	v2 =	vshll.u32 v2, $0x3  }
0x65: {  	v47 =	vld [tilespmem:$0xE0];
	v2 =	vadd.s32 v3, v2;
	v3 =	vshll.u32 v4, $0x3  }
0x66: {  	v48 =	vld [tilespmem:$0x70];
	[tilespmem:$0x200] =	vst v2;
	v2 =	vadd.s32 v5, v3;
	v3 =	vshll.u32 v6, $0x3  }
0x67: {  	v49 =	vld [tilespmem:$0xF0];
	[tilespmem:$0x210] =	vst v2;
	v2 =	vadd.s32 v7, v3;
	v3 =	vshll.u32 v8, $0x3  }
0x68: {  	[tilespmem:$0x220] =	vst v2;
	v2 =	vadd.s32 v9, v3;
	v3 =	vshll.u32 v10, $0x3  }
0x69: {  	[tilespmem:$0x230] =	vst v2;
	v2 =	vadd.s32 v11, v3;
	v3 =	vshll.u32 v12, $0x3  }
0x6a: {  	[tilespmem:$0x240] =	vst v2;
	v2 =	vadd.s32 v13, v3;
	v3 =	vshll.u32 v14, $0x3  }
0x6b: {  	p1 =	seq.s32 s0, $0x4C0;
	[tilespmem:$0x250] =	vst v2;
	v2 =	vadd.s32 v47, v3;
	v3 =	vshll.u32 v48, $0x3  }
0x6c: {  	s7 =	sshrl.u32 @!p1 s17, $0x3;
	[tilespmem:$0x260] =	vst v2;
	v2 =	vadd.s32 v49, v3  }
0x6d: {  	s9 =	simm.s32 @!p1 $0x0;
	s8 =	sadd.s32 @!p1 s1, s7;
	[tilespmem:$0x270] =	vst v2  }
0x6e: {  	[tilespmem:s9], [sflag:$0x1] =	stream.linear.gather @!p1 [hbm4b:s8+s9], $0x80, $0x38;
	[tilespmem:$0x2C00] =	vst v63  }
0x6f: {  	s7 =	sadd.s32 @!p1 s2, s7;
	s8 =	simm.s32 @!p1 $0x80  }
0x70: {  	[tilespmem:s8], [sflag:$0x1] =	stream.linear.gather @!p1 [hbm4b:s7+s9], $0x80, $0x38;
	[tilespmem:$0x2C00] =	vst v63  }
0x71: {  	_ = 	snop  }
0x72: {  	[spmem:s4] =	stream.indirect.scatter.add.f32 [tilespmem:s25], [sflag:$0x3], $0x1, s24, s20, $0xb8;
	[tilespmem:$0x2C00] =	vst v63  }
0x73: {  	_ =	swait.ge [sflag:s26], $0x80  }
0x74: {  	[sflag:s26] =	ssyncset.done $0x0  }
0x75: {  	[sflag:s26] =	ssyncadd.s32 $0xFFFFFF80  }
0x76: {  	_ =	swait.ge [sflag:s26], $0x80  }
0x77: {  	[sflag:s26] =	ssyncset.done $0x0  }
0x78: {  	s7 =	simm.s32 @!p0 $0x4;
	[sflag:s26] =	ssyncadd.s32 $0xFFFFFF80  }
0x79: {  	_ =	swait.ge @!p0 [sflag:s7], $0x80  }
0x7a: {  	[sflag:s7] =	ssyncset.done @!p0 $0x0  }
0x7b: {  	[sflag:s7] =	ssyncadd.s32 @!p0 $0xFFFFFF80  }
0x7c: {  	v2 =	vld [tilespmem:$0x100]  }
0x7d: {  	v3 =	vld [tilespmem:$0x180]  }
0x7e: {  	v50 =	vld [tilespmem:$0x110]  }
0x7f: {  	v51 =	vld [tilespmem:$0x190]  }
0x80: {  	v52 =	vld [tilespmem:$0x120]  }
0x81: {  	v53 =	vld [tilespmem:$0x1A0]  }
0x82: {  	v54 =	vld [tilespmem:$0x130]  }
0x83: {  	v55 =	vld [tilespmem:$0x1B0]  }
0x84: {  	v56 =	vld [tilespmem:$0x140]  }
0x85: {  	v57 =	vld [tilespmem:$0x1C0]  }
0x86: {  	v58 =	vld [tilespmem:$0x150]  }
0x87: {  	v59 =	vld [tilespmem:$0x1D0]  }
0x88: {  	v60 =	vld [tilespmem:$0x160];
	v2 =	vshll.u32 v2, $0x3  }
0x89: {  	v61 =	vld [tilespmem:$0x1E0];
	v2 =	vadd.s32 v3, v2;
	v3 =	vshll.u32 v50, $0x3  }
0x8a: {  	v62 =	vld [tilespmem:$0x170];
	[tilespmem:$0x280] =	vst v2;
	v2 =	vadd.s32 v51, v3;
	v3 =	vshll.u32 v52, $0x3  }
0x8b: {  	v63 =	vld [tilespmem:$0x1F0];
	[tilespmem:$0x290] =	vst v2;
	v2 =	vadd.s32 v53, v3;
	v3 =	vshll.u32 v54, $0x3  }
0x8c: {  	[tilespmem:$0x2A0] =	vst v2;
	v2 =	vadd.s32 v55, v3;
	v3 =	vshll.u32 v56, $0x3  }
.Ltmp3:
0x8d: {  	[tilespmem:$0x2B0] =	vst v2;
	v2 =	vadd.s32 v57, v3;
	v3 =	vshll.u32 v58, $0x3;
	(pc) =	sbr.rel @p1 .LBB2_6-.Ltmp3, $4  }
0x8e: {  	[tilespmem:$0x2C0] =	vst v2;
	v2 =	vadd.s32 v59, v3;
	v3 =	vshll.u32 v60, $0x3  }
0x8f: {  	[tilespmem:$0x2D0] =	vst v2;
	v2 =	vadd.s32 v61, v3;
	v3 =	vshll.u32 v62, $0x3  }
0x90: {  	[tilespmem:$0x2E0] =	vst v2;
	v2 =	vadd.s32 v63, v3  }
0x91: {  	[tilespmem:$0x2F0] =	vst v2  }
0x92: {  	s7 =	sadd.s32 s0, s16  }
0x93: {  	[tilespmem:s21], [sflag:$0x2] =	stream.linear.gather [hbm4b:s7+s5], $0x80, $0x38;
	[tilespmem:$0x2C00] =	vst v63  }
.Ltmp4:
0x94: {  	_ = 	snop;
	(pc) =	sbr.rel .LBB2_4-.Ltmp4, $4  }
0x95: {  	s9 =	sadd.s32 s0, s15  }
0x96: {  	[tilespmem:s22], [sflag:$0x2] =	stream.linear.gather [hbm4b:s9+s5], $0x80, $0x38;
	[tilespmem:$0x2C00] =	vst v63  }
0x97: {  	s0 =	sadd.s32 $0x20, s0;
	s17 =	sadd.s32 $0x100, s17  }
0x98: {  	[spmem:s4] =	stream.indirect.scatter.add.f32 [tilespmem:s25], [sflag:$0x4], $0x1, s28, s20, $0xb8;
	[tilespmem:$0x2C00] =	vst v63  }
.LBB2_7:
0x99: {  	_ =	sfence.sel $0x180000  }
0x9a: {  	[bflag:$0x0] =	sbarrier.arrive $0xFFFF  }
0x9b: {  	_ =	strace $0x90000047  }
0x9c: {  	s0 =	stileid.u32;
	[bflag:$0x2] =	sbarrier.arrive $0xFFFF  }
0x9d: {  	p0 =	sne.s32 s0, $0x0;
	s0 =	rddreg [dreg:$0x4]  }
0x9e: {  	s0 =	sadd.s32 @!p0 $0x100000, s0  }
0x9f: {  	[sflag:s0] =	ssyncadd.tile.s32 @!p0 $0x1;
	_ =	shalt  }
.Lfunc_end2:
_tile_overlayer_lowered:
.L_overlay_start_2:
0xa0: {  	(tag) =	ssettag $0x2  }
0xa1: {  	s0 =	rddreg [dreg:$0x0];
	s2 =	stileid.u32  }
0xa2: {  	s1 =	rddreg [dreg:$0x1];
	p0 =	sne.s32 s2, $0x0  }
0xa3: {  	s3 =	rddreg [dreg:$0x2];
	[bflag:$0x3] =	sbarrier.arrive $0xFFFF;
	s2 =	simm.s32 @!p0 $0x1C05  }
0xa4: {  	[timem:s3], [sflag:s2] =	dma.local @!p0 [hbm:s0], s1  }
0xa5: {  	s0 =	simm.s32 @!p0 $0x5  }
0xa6: {  	_ =	swait.ge @!p0 [sflag:s0], s1  }
0xa7: {  	s1 =	ssub.s32 @!p0 $0x0, s1;
	[sflag:s0] =	ssyncset.done @!p0 $0x0  }
0xa8: {  	[sflag:s0] =	ssyncadd.s32 @!p0 s1  }
0xa9: {  	[bflag:$0x3] =	sbarrier.arrive $0xFFFF  }
0xaa: {  	_ =	shalt  }

</sc_bundles>
